<compile_context>
chip_gen: v7x
topology: tpu7x:2x2x1
jax: 0.10.2.dev20260603
libtpu: 0.0.44.dev20260713+nightly
codegen_flags: <defaults>
</compile_context>

<pallas_src>
import functools

import jax
import jax.numpy as jnp
from jax import lax
from jax.experimental import pallas as pl
from jax.experimental.pallas import tpu as pltpu
from jax.experimental.pallas import tpu_sc as plsc

N = 10000
E = 320000
H = 128
G = 128
L = 3

NC = 2
NS = 16
NW = NC * NS
LANES = 16

CH = 128
EPC = 80
NCHUNKS_P = NW * EPC
E_PAD = NCHUNKS_P * CH
SLAB = 40
NSPARE = 8
NA = N + NSPARE
DEGW = 128

CHP = 200
NPCHUNKS = N // CHP
G_PER_SUB = G // NS

def _fill_rows(buf, nrows, ngroups, val):
    v = jnp.full((LANES,), val, dtype=buf.dtype)

    @pl.loop(0, nrows)
    def _(r):
        @pl.loop(0, ngroups)
        def _(c):
            buf[r, pl.ds(c * LANES, LANES)] = v


@functools.lru_cache(maxsize=None)
def _sc_kernels():
    mesh = plsc.VectorSubcoreMesh(core_axis_name="c", subcore_axis_name="s")

    @functools.partial(
        pl.kernel,
        out_type=jax.ShapeDtypeStruct((NC, N, DEGW), jnp.float32),
        mesh=mesh,
        scratch_types=[
            pltpu.VMEM((SLAB, CH), jnp.int32),
            pltpu.VMEM((CH, DEGW), jnp.float32),
            pltpu.SemaphoreType.DMA,
            pltpu.SemaphoreType.DMA,
            pltpu.VMEM_SHARED((NA, DEGW), jnp.float32),
        ],
    )
    def sc_degree(e3_hbm, out_hbm, dst_v, ones_v, sem0, sem1, deg_sh):
        _sc_degree_body(e3_hbm, out_hbm, dst_v, ones_v, (sem0, sem1), deg_sh)

    @functools.partial(
        pl.kernel,
        out_type=jax.ShapeDtypeStruct((NC, N, H), jnp.float32),
        mesh=mesh,
        scratch_types=[
            pltpu.VMEM((2, SLAB, CH), jnp.int32),
            pltpu.VMEM((CH, H), jnp.float32),
            pltpu.VMEM((CH, H), jnp.float32),
            pltpu.SemaphoreType.DMA,
            pltpu.SemaphoreType.DMA,
            pltpu.VMEM_SHARED((NA, H), jnp.float32),
        ],
    )
    def sc_edge_agg(m2_hbm, e3_hbm, out_hbm, idx_v, rows0, rows1, sem0, sem1,
                    agg_sh):
        _sc_edge_agg_body(m2_hbm, e3_hbm, out_hbm, idx_v, (rows0, rows1),
                          (sem0, sem1), agg_sh)

    @functools.partial(
        pl.kernel,
        out_type=[
            jax.ShapeDtypeStruct((NC, G, H), jnp.float32),
            jax.ShapeDtypeStruct((NC, G, H), jnp.float32),
        ],
        mesh=mesh,
        scratch_types=[
            pltpu.VMEM((CHP,), jnp.int32),
            pltpu.VMEM((CHP, H), jnp.float32),
            pltpu.VMEM((CHP, H), jnp.float32),
            pltpu.VMEM_SHARED((G, H), jnp.float32),
            pltpu.VMEM_SHARED((G, H), jnp.float32),
        ],
    )
    def sc_pool(h_hbm, batch_hbm, sum_hbm, cnt_hbm, batch_v, rows_v, ones_v,
                sum_sh, cnt_sh):
        _sc_pool_body(h_hbm, batch_hbm, sum_hbm, cnt_hbm, batch_v, rows_v,
                      ones_v, sum_sh, cnt_sh)

    return sc_degree, sc_edge_agg, sc_pool


def _zero_accum(src_buf, acc_sh, sid, nrows):
    nfull = nrows // CH

    @pl.loop(0, -(-nfull // NS))
    def _(t):
        zc = sid + NS * t

        @pl.when(zc < nfull)
        def _():
            pltpu.sync_copy(src_buf, acc_sh.at[pl.ds(zc * CH, CH)])

    tail = nrows - nfull * CH
    if tail:
        @pl.when(sid == 0)
        def _():
            pltpu.sync_copy(src_buf.at[pl.ds(0, tail)],
                            acc_sh.at[pl.ds(nfull * CH, tail)])


def _writeout_accum(acc_sh, out_hbm, cid, sid, nrows):
    nfull = nrows // CH

    @pl.loop(0, -(-nfull // NS))
    def _(t):
        zc = sid + NS * t

        @pl.when(zc < nfull)
        def _():
            pltpu.sync_copy(acc_sh.at[pl.ds(zc * CH, CH)],
                            out_hbm.at[cid, pl.ds(zc * CH, CH)])

    tail = nrows - nfull * CH
    if tail:
        @pl.when(sid == 0)
        def _():
            pltpu.sync_copy(acc_sh.at[pl.ds(nfull * CH, tail)],
                            out_hbm.at[cid, pl.ds(nfull * CH, tail)])


def _sc_degree_body(e3_hbm, out_hbm, dst_v, ones_v, sems, deg_sh):
    cid = lax.axis_index("c")
    sid = lax.axis_index("s")
    wid = sid * NC + cid

    _fill_rows(ones_v, CH, DEGW // LANES, 0.0)
    _zero_accum(ones_v, deg_sh, sid, NA)
    plsc.subcore_barrier()
    _fill_rows(ones_v, CH, DEGW // LANES, 1.0)

    def scat_start(b, k):
        pltpu.async_copy(ones_v, deg_sh.at[dst_v.at[k]], sems[b], add=True)

    def scat_wait(b, k):
        pltpu.make_async_copy(ones_v, deg_sh.at[dst_v.at[k]], sems[b]).wait()

    base = wid * EPC
    for s in range(EPC // SLAB):
        pltpu.sync_copy(e3_hbm.at[1, pl.ds(base + s * SLAB, SLAB)], dst_v)
        scat_start(0, 0)
        scat_start(1, 1)

        @pl.loop(0, SLAB // 2 - 1)
        def _(j):
            k = 2 * j
            scat_wait(0, k)
            scat_start(0, k + 2)
            scat_wait(1, k + 1)
            scat_start(1, k + 3)

        scat_wait(0, SLAB - 2)
        scat_wait(1, SLAB - 1)

    plsc.subcore_barrier()
    _writeout_accum(deg_sh, out_hbm, cid, sid, N)


def _sc_edge_agg_body(m2_hbm, e3_hbm, out_hbm, idx_v, rows, sems, agg_sh):
    cid = lax.axis_index("c")
    sid = lax.axis_index("s")
    wid = sid * NC + cid

    _fill_rows(rows[0], CH, H // LANES, 0.0)
    _zero_accum(rows[0], agg_sh, sid, NA)
    plsc.subcore_barrier()

    def gat(b, k):
        return pltpu.make_async_copy(m2_hbm.at[idx_v.at[0, k]], rows[b],
                                     sems[b])

    def fin(b, k):
        gat(b, k).wait()
        pltpu.sync_copy(rows[b], agg_sh.at[idx_v.at[1, k]], add=True)

    base = wid * EPC
    for s in range(EPC // SLAB):
        pltpu.sync_copy(e3_hbm.at[:, pl.ds(base + s * SLAB, SLAB)], idx_v)
        gat(0, 0).start()
        gat(1, 1).start()

        @pl.loop(0, SLAB // 2 - 1)
        def _(j):
            k = 2 * j
            fin(0, k)
            gat(0, k + 2).start()
            fin(1, k + 1)
            gat(1, k + 3).start()

        fin(0, SLAB - 2)
        fin(1, SLAB - 1)

    plsc.subcore_barrier()
    _writeout_accum(agg_sh, out_hbm, cid, sid, N)


def _sc_pool_body(h_hbm, batch_hbm, sum_hbm, cnt_hbm, batch_v, rows_v, ones_v,
                  sum_sh, cnt_sh):
    cid = lax.axis_index("c")
    sid = lax.axis_index("s")
    wid = sid * NC + cid

    _fill_rows(rows_v, G_PER_SUB, H // LANES, 0.0)
    _fill_rows(ones_v, G_PER_SUB, H // LANES, 0.0)
    pltpu.sync_copy(rows_v.at[pl.ds(0, G_PER_SUB)],
                    sum_sh.at[pl.ds(sid * G_PER_SUB, G_PER_SUB)])
    pltpu.sync_copy(ones_v.at[pl.ds(0, G_PER_SUB)],
                    cnt_sh.at[pl.ds(sid * G_PER_SUB, G_PER_SUB)])
    plsc.subcore_barrier()
    _fill_rows(ones_v, CHP, H // LANES, 1.0)

    nper = NPCHUNKS // NW

    @pl.loop(0, nper + 1)
    def _(j):
        chunk = wid + NW * j

        @pl.when(chunk < NPCHUNKS)
        def _():
            base = chunk * CHP
            pltpu.sync_copy(h_hbm.at[pl.ds(base, CHP)], rows_v)
            pltpu.sync_copy(batch_hbm.at[pl.ds(base, CHP)], batch_v)
            pltpu.sync_copy(rows_v, sum_sh.at[batch_v], add=True)
            pltpu.sync_copy(ones_v, cnt_sh.at[batch_v], add=True)

    plsc.subcore_barrier()
    pltpu.sync_copy(sum_sh.at[pl.ds(sid * G_PER_SUB, G_PER_SUB)],
                    sum_hbm.at[cid, pl.ds(sid * G_PER_SUB, G_PER_SUB)])
    pltpu.sync_copy(cnt_sh.at[pl.ds(sid * G_PER_SUB, G_PER_SUB)],
                    cnt_hbm.at[cid, pl.ds(sid * G_PER_SUB, G_PER_SUB)])


_BN = 1000


def _dinv_body(d_ref, o_ref):
    deg = d_ref[0, :, 0:1] + d_ref[1, :, 0:1] + 1.0
    o_ref[...] = lax.rsqrt(deg)


def _tc_dinv(deg_parts):
    return pl.pallas_call(
        _dinv_body,
        grid=(N // _BN,),
        in_specs=[pl.BlockSpec((NC, _BN, DEGW), lambda i: (0, i, 0))],
        out_specs=pl.BlockSpec((_BN, 1), lambda i: (i, 0)),
        out_shape=jax.ShapeDtypeStruct((N, 1), jnp.float32),
    )(deg_parts)


def _projmm_body(x_ref, wi_ref, bi_ref, w_ref, s_ref, ho_ref, mo_ref):
    h = jnp.dot(x_ref[...], wi_ref[...],
                preferred_element_type=jnp.float32) + bi_ref[...]
    ho_ref[...] = h
    mo_ref[...] = jnp.dot(h, w_ref[...],
                          preferred_element_type=jnp.float32) * s_ref[...]


def _tc_projmm(x, w_in, b_in2, w0, dinv):
    return pl.pallas_call(
        _projmm_body,
        grid=(N // _BN,),
        in_specs=[
            pl.BlockSpec((_BN, H), lambda i: (i, 0)),
            pl.BlockSpec((H, H), lambda i: (0, 0)),
            pl.BlockSpec((1, H), lambda i: (0, 0)),
            pl.BlockSpec((H, H), lambda i: (0, 0)),
            pl.BlockSpec((_BN, 1), lambda i: (i, 0)),
        ],
        out_specs=[pl.BlockSpec((_BN, H), lambda i: (i, 0)),
                   pl.BlockSpec((_BN, H), lambda i: (i, 0))],
        out_shape=[jax.ShapeDtypeStruct((N, H), jnp.float32),
                   jax.ShapeDtypeStruct((N, H), jnp.float32)],
    )(x, w_in, b_in2, w0, dinv)


def _ln_relu_res(a_ref, m_ref, s_ref, cb_ref, g_ref, b_ref, hp_ref):
    t = (a_ref[0] + a_ref[1] + m_ref[...]) * s_ref[...] + cb_ref[...]
    mu = jnp.mean(t, axis=-1, keepdims=True)
    var = jnp.mean((t - mu) ** 2, axis=-1, keepdims=True)
    hn = (t - mu) * lax.rsqrt(var + 1e-5) * g_ref[...] + b_ref[...]
    return jnp.maximum(hn, 0.0) + hp_ref[...]


def _postmm_body(a_ref, m_ref, s_ref, cb_ref, g_ref, b_ref, hp_ref, w_ref,
                 ho_ref, mo_ref):
    h_new = _ln_relu_res(a_ref, m_ref, s_ref, cb_ref, g_ref, b_ref, hp_ref)
    ho_ref[...] = h_new
    mo_ref[...] = jnp.dot(h_new, w_ref[...],
                          preferred_element_type=jnp.float32) * s_ref[...]


def _tc_postmm(agg_parts, m2, dinv, conv_b_i, ln_g_i, ln_b_i, h_prev, w_next):
    return pl.pallas_call(
        _postmm_body,
        grid=(N // _BN,),
        in_specs=[
            pl.BlockSpec((NC, _BN, H), lambda i: (0, i, 0)),
            pl.BlockSpec((_BN, H), lambda i: (i, 0)),
            pl.BlockSpec((_BN, 1), lambda i: (i, 0)),
            pl.BlockSpec((1, H), lambda i: (0, 0)),
            pl.BlockSpec((1, H), lambda i: (0, 0)),
            pl.BlockSpec((1, H), lambda i: (0, 0)),
            pl.BlockSpec((_BN, H), lambda i: (i, 0)),
            pl.BlockSpec((H, H), lambda i: (0, 0)),
        ],
        out_specs=[pl.BlockSpec((_BN, H), lambda i: (i, 0)),
                   pl.BlockSpec((_BN, H), lambda i: (i, 0))],
        out_shape=[jax.ShapeDtypeStruct((N, H), jnp.float32),
                   jax.ShapeDtypeStruct((N, H), jnp.float32)],
    )(agg_parts, m2, dinv, conv_b_i, ln_g_i, ln_b_i, h_prev, w_next)


def _post_body(a_ref, m_ref, s_ref, cb_ref, g_ref, b_ref, hp_ref, o_ref):
    o_ref[...] = _ln_relu_res(a_ref, m_ref, s_ref, cb_ref, g_ref, b_ref,
                              hp_ref)


def _tc_post(agg_parts, m2, dinv, conv_b_i, ln_g_i, ln_b_i, h_prev):
    return pl.pallas_call(
        _post_body,
        grid=(N // _BN,),
        in_specs=[
            pl.BlockSpec((NC, _BN, H), lambda i: (0, i, 0)),
            pl.BlockSpec((_BN, H), lambda i: (i, 0)),
            pl.BlockSpec((_BN, 1), lambda i: (i, 0)),
            pl.BlockSpec((1, H), lambda i: (0, 0)),
            pl.BlockSpec((1, H), lambda i: (0, 0)),
            pl.BlockSpec((1, H), lambda i: (0, 0)),
            pl.BlockSpec((_BN, H), lambda i: (i, 0)),
        ],
        out_specs=pl.BlockSpec((_BN, H), lambda i: (i, 0)),
        out_shape=jax.ShapeDtypeStruct((N, H), jnp.float32),
    )(agg_parts, m2, dinv, conv_b_i, ln_g_i, ln_b_i, h_prev)


def _mlp_body(pp_ref, cp_ref, w1_ref, b1_ref, w2_ref, b2_ref, o_ref):
    sums = pp_ref[0] + pp_ref[1]
    cnts = cp_ref[0, :, 0:1] + cp_ref[1, :, 0:1]
    pooled = sums / jnp.maximum(cnts, 1.0)
    z = jnp.dot(pooled, w1_ref[...], preferred_element_type=jnp.float32)
    z = jnp.maximum(z + b1_ref[...], 0.0)
    o_ref[...] = jnp.dot(z, w2_ref[...],
                         preferred_element_type=jnp.float32) + b2_ref[...]


def _tc_mlp(pool_parts, cnt_parts, w1, b1, w2, b2):
    h2 = w1.shape[1]
    return pl.pallas_call(
        _mlp_body,
        grid=(1,),
        in_specs=[
            pl.BlockSpec((NC, G, H), lambda i: (0, 0, 0)),
            pl.BlockSpec((NC, G, H), lambda i: (0, 0, 0)),
            pl.BlockSpec((H, h2), lambda i: (0, 0)),
            pl.BlockSpec((1, h2), lambda i: (0, 0)),
            pl.BlockSpec((h2, 1), lambda i: (0, 0)),
            pl.BlockSpec((1, 1), lambda i: (0, 0)),
        ],
        out_specs=pl.BlockSpec((G, 1), lambda i: (0, 0)),
        out_shape=jax.ShapeDtypeStruct((G, 1), jnp.float32),
    )(pool_parts, cnt_parts, w1, b1, w2, b2)


def kernel(x, edge_index, batch, W_in, b_in, conv_W, conv_b, ln_g, ln_b,
           W1, b1, W2, b2):
    _sc_degree, _sc_edge_agg, _sc_pool = _sc_kernels()

    k = jnp.arange(E_PAD - E, dtype=jnp.int32)
    pad = jnp.stack([k % 1024, N + (k % NSPARE)])
    e3 = (jnp.concatenate([edge_index, pad], axis=1)
          .reshape(2, EPC, NW, CH).swapaxes(1, 2)
          .reshape(2, NCHUNKS_P, CH))

    deg_parts = _sc_degree(e3)
    dinv = _tc_dinv(deg_parts)

    h, m2 = _tc_projmm(x, W_in, b_in.reshape(1, H), conv_W[0], dinv)
    for i in range(L):
        agg_parts = _sc_edge_agg(m2, e3)
        args = (agg_parts, m2, dinv, conv_b[i].reshape(1, H),
                ln_g[i].reshape(1, H), ln_b[i].reshape(1, H), h)
        if i < L - 1:
            h, m2 = _tc_postmm(*args, conv_W[i + 1])
        else:
            h = _tc_post(*args)

    pool_parts, cnt_parts = _sc_pool(h, batch)
    out = _tc_mlp(pool_parts, cnt_parts, W1, b1.reshape(1, -1), W2,
                  b2.reshape(1, 1))
    return out

# --- scband reference (transcript-rebuilt; emitter-appended) ---
"""Pipeline reference for scband-gcnmodel-22256520528145 (READ-ONLY COPY).

The authoritative reference and input builder live on the scoring server;
editing this copy changes nothing except your own understanding.
"""

import jax, jax.numpy as jnp
import numpy as np

N = 10000
E = 320000
D = 128
H = 128
G = 128
L = 3


def setup_inputs(seed: int = 0) -> dict:
    key = jax.random.key(seed)
    ks = jax.random.split(key, 16)
    x = jax.random.normal(ks[0], (N, D), dtype=jnp.float32)
    edge_index = jax.random.randint(ks[1], (2, E), 0, N, dtype=jnp.int32)
    batch = jnp.sort(jax.random.randint(ks[2], (N,), 0, G, dtype=jnp.int32))
    W_in = jax.random.normal(ks[3], (D, H), dtype=jnp.float32) * 0.05
    b_in = jnp.zeros((H,), dtype=jnp.float32)
    conv_W = jax.random.normal(ks[4], (L, H, H), dtype=jnp.float32) * 0.05
    conv_b = jnp.zeros((L, H), dtype=jnp.float32)
    ln_g = jnp.ones((L, H), dtype=jnp.float32)
    ln_b = jnp.zeros((L, H), dtype=jnp.float32)
    W1 = jax.random.normal(ks[5], (H, H // 2), dtype=jnp.float32) * 0.05
    b1 = jnp.zeros((H // 2,), dtype=jnp.float32)
    W2 = jax.random.normal(ks[6], (H // 2, 1), dtype=jnp.float32) * 0.05
    b2 = jnp.zeros((1,), dtype=jnp.float32)
    return {"x": x, "edge_index": edge_index, "batch": batch, "W_in": W_in, "b_in": b_in,
            "conv_W": conv_W, "conv_b": conv_b, "ln_g": ln_g, "ln_b": ln_b,
            "W1": W1, "b1": b1, "W2": W2, "b2": b2}


def _layer_norm(h, g, b, eps=1e-5):
    mu = jnp.mean(h, axis=-1, keepdims=True)
    var = jnp.mean((h - mu) ** 2, axis=-1, keepdims=True)
    return (h - mu) / jnp.sqrt(var + eps) * g + b


def reference(x, edge_index, batch, W_in, b_in, conv_W, conv_b, ln_g, ln_b, W1, b1, W2, b2):
    # input projection
    h = x @ W_in + b_in
    # GCN normalization with self-loops (PyG GCNConv semantics)
    loop = jnp.arange(N, dtype=edge_index.dtype)
    src = jnp.concatenate([edge_index[0], loop])
    dst = jnp.concatenate([edge_index[1], loop])
    deg = jnp.zeros((N,), dtype=jnp.float32).at[dst].add(1.0)
    dinv = jnp.where(deg > 0, jax.lax.rsqrt(deg), 0.0)
    norm = dinv[src] * dinv[dst]
    for i in range(L):
        residual = h
        m = h @ conv_W[i]
        msg = m[src] * norm[:, None]
        agg = jnp.zeros((N, H), dtype=jnp.float32).at[dst].add(msg) + conv_b[i]
        hn = _layer_norm(agg, ln_g[i], ln_b[i])
        h = jax.nn.relu(hn) + residual  # dropout is identity in eval mode
    # global mean pool over graphs
    sums = jax.ops.segment_sum(h, batch, num_segments=G)
    cnts = jax.ops.segment_sum(jnp.ones((N, 1), dtype=jnp.float32), batch, num_segments=G)
    pooled = sums / jnp.maximum(cnts, 1.0)
    # output MLP
    out = jax.nn.relu(pooled @ W1 + b1) @ W2 + b2
    return out

if __name__ == "__main__":
    import jax
    _d = setup_inputs()
    print(jax.jit(kernel)(*tuple(_d.values())))

</pallas_src>

<mosaic_0001>
#map = affine_map<(d0, d1) -> (0, 0)>
#map1 = affine_map<(d0, d1) -> (0, 0, 0)>
module attributes {stable_mosaic.version = 14 : i64} {
  func.func @sc_edge_agg(%arg0: i32, %arg1: i32, %arg2: memref<10000x128xf32, #tpu.memory_space<hbm>>, %arg3: memref<2x2560x128xi32, #tpu.memory_space<hbm>>, %arg4: memref<2x10000x128xf32, #tpu.memory_space<hbm>>, %arg5: memref<2x40x128xi32, #tpu.memory_space<vmem>>, %arg6: memref<128x128xf32, #tpu.memory_space<vmem>>, %arg7: memref<128x128xf32, #tpu.memory_space<vmem>>, %arg8: memref<!tpu.dma_semaphore, #tpu.memory_space<semaphore_mem>>, %arg9: memref<!tpu.dma_semaphore, #tpu.memory_space<semaphore_mem>>, %arg10: memref<10008x128xf32, #tpu.memory_space<vmem_shared>>) attributes {dimension_semantics = [#tpu.dimension_semantics<core_parallel>, #tpu.dimension_semantics<subcore_parallel>], iteration_bounds = array<i64: 2, 16>, scalar_prefetch = 0 : i64, scratch_operands = 6 : i64, tpu.core_type = #tpu.core_type<sc_vector_subcore>, window_params = [{transform_indices = #map}, {transform_indices = #map1}, {transform_indices = #map1}]} {
    %mul3A = arith.constant 2 : i32
    %mul3A_0 = arith.muli %arg1, %mul3A : i32
    %add3A = arith.addi %mul3A_0, %arg0 : i32
    %broadcast_in_dim3A = arith.constant 0.000000e+00 : f32
    %broadcast_in_dim3A_1 = vector.broadcast %broadcast_in_dim3A : f32 to vector<16xf32>
    %scan3A = arith.constant 0 : i32
    %scan3A_2 = arith.constant 128 : i32
    %scan3A_3 = arith.addi %scan3A, %scan3A_2 : i32
    %scan3A_4 = arith.constant 1 : i32
    scf.for %scan3A_109 = %scan3A to %scan3A_3 step %scan3A_4  : i32 {
      %mul3A_110 = arith.constant 1 : i32
      %mul3A_111 = arith.muli %scan3A_109, %mul3A_110 : i32
      %add3A_112 = arith.constant 0 : i32
      %add3A_113 = arith.addi %add3A_112, %mul3A_111 : i32
      %scan3A_114 = arith.constant 0 : i32
      %scan3A_115 = arith.constant 8 : i32
      %scan3A_116 = arith.addi %scan3A_114, %scan3A_115 : i32
      %scan3A_117 = arith.constant 1 : i32
      scf.for %scan3A_119 = %scan3A_114 to %scan3A_116 step %scan3A_117  : i32 {
        %mul3A_120 = arith.constant 1 : i32
        %mul3A_121 = arith.muli %scan3A_119, %mul3A_120 : i32
        %add3A_122 = arith.constant 0 : i32
        %add3A_123 = arith.addi %add3A_122, %mul3A_121 : i32
        %mul3A_124 = arith.constant 16 : i32
        %mul3A_125 = arith.muli %add3A_123, %mul3A_124 : i32
        %swap3A = arith.index_cast %add3A_113 : i32 to index
        %swap3A_126 = arith.index_cast %mul3A_125 : i32 to index
        %swap3A_127 = tpu.vector_load %arg6[%swap3A, %swap3A_126] {strides = array<i32>} : memref<128x128xf32, #tpu.memory_space<vmem>>, vector<1x16xf32>,
        %swap3A_128 = vector.shape_cast %swap3A_127 : vector<1x16xf32> to vector<16xf32>
        %swap3A_129 = vector.shape_cast %broadcast_in_dim3A_1 : vector<16xf32> to vector<1x16xf32>
        tpu.vector_store %arg6[%swap3A, %swap3A_126], %swap3A_129 {strides = array<i32>} : memref<128x128xf32, #tpu.memory_space<vmem>>, vector<1x16xf32>,
      }
      %scan3A_118 = arith.constant 8 : i32
    }
    %scan3A_5 = arith.constant 128 : i32
    %scan3A_6 = arith.constant 0 : i32
    %scan3A_7 = arith.constant 5 : i32
    %scan3A_8 = arith.addi %scan3A_6, %scan3A_7 : i32
    %scan3A_9 = arith.constant 1 : i32
    scf.for %scan3A_109 = %scan3A_6 to %scan3A_8 step %scan3A_9  : i32 {
      %mul3A_110 = arith.constant 1 : i32
      %mul3A_111 = arith.muli %scan3A_109, %mul3A_110 : i32
      %add3A_112 = arith.constant 0 : i32
      %add3A_113 = arith.addi %add3A_112, %mul3A_111 : i32
      %mul3A_114 = arith.constant 16 : i32
      %mul3A_115 = arith.muli %mul3A_114, %add3A_113 : i32
      %add3A_116 = arith.addi %arg1, %mul3A_115 : i32
      %lt3A = arith.constant 78 : i32
      %lt3A_117 = arith.cmpi slt, %add3A_116, %lt3A : i32
      %convert_element_type3A_118 = arith.extui %lt3A_117 : i1 to i32
      %cond3A_119 = arith.constant 0 : i32
      %cond3A_120 = arith.cmpi ne, %convert_element_type3A_118, %cond3A_119 : i32
      scf.if %cond3A_120 {
        %mul3A_121 = arith.constant 128 : i32
        %mul3A_122 = arith.muli %add3A_116, %mul3A_121 : i32
        "tpu.region"() ({
          %run_scoped3A_123 = tpu.sem_alloc : memref<!tpu.dma_semaphore, #tpu.memory_space<semaphore_mem>>
          %dma_start3A_124 = arith.constant 0 : i32
          %dma_start3A_125 = tpu.memref_slice %arg10[%mul3A_122, %dma_start3A_124] : memref<10008x128xf32, #tpu.memory_space<vmem_shared>> -> memref<128x128xf32, #tpu.memory_space<vmem_shared>>
          %dma_start3A_126 = arith.constant 0 : i32
          %dma_start3A_127 = tpu.memref_slice %arg10[%mul3A_122, %dma_start3A_126] : memref<10008x128xf32, #tpu.memory_space<vmem_shared>> -> memref<128x128xf32, #tpu.memory_space<vmem_shared>>
          tpu.enqueue_dma source(%arg6 : memref<128x128xf32, #tpu.memory_space<vmem>>) target(%dma_start3A_127 : memref<128x128xf32, #tpu.memory_space<vmem_shared>>) target_semaphore(%run_scoped3A_123 : memref<!tpu.dma_semaphore, #tpu.memory_space<semaphore_mem>>)
          %dma_wait3A_128 = arith.constant 0 : i32
          %dma_wait3A_129 = tpu.memref_slice %arg10[%mul3A_122, %dma_wait3A_128] : memref<10008x128xf32, #tpu.memory_space<vmem_shared>> -> memref<128x128xf32, #tpu.memory_space<vmem_shared>>
          %dma_wait3A_130 = arith.constant 0 : i32
          %dma_wait3A_131 = tpu.memref_slice %arg10[%mul3A_122, %dma_wait3A_130] : memref<10008x128xf32, #tpu.memory_space<vmem_shared>> -> memref<128x128xf32, #tpu.memory_space<vmem_shared>>
          tpu.wait_dma2 semaphore(%run_scoped3A_123 : memref<!tpu.dma_semaphore, #tpu.memory_space<semaphore_mem>>) src(%arg6 : memref<128x128xf32, #tpu.memory_space<vmem>>) dst(%dma_wait3A_131 : memref<128x128xf32, #tpu.memory_space<vmem_shared>>)
          tpu.yield
        }) : () -> ()
      } else {
      }
    }
    %scan3A_10 = arith.constant 5 : i32
    %eq3A = arith.constant 0 : i32
    %eq3A_11 = arith.cmpi eq, %arg1, %eq3A : i32
    %convert_element_type3A = arith.extui %eq3A_11 : i1 to i32
    %cond3A = arith.constant 0 : i32
    %cond3A_12 = arith.cmpi ne, %convert_element_type3A, %cond3A : i32
    scf.if %cond3A_12 {
      "tpu.region"() ({
        %run_scoped3A_109 = tpu.sem_alloc : memref<!tpu.dma_semaphore, #tpu.memory_space<semaphore_mem>>
        %dma_start3A_110 = arith.constant 0 : i32
        %dma_start3A_111 = arith.constant 0 : i32
        %dma_start3A_112 = tpu.memref_slice %arg6[%dma_start3A_110, %dma_start3A_111] : memref<128x128xf32, #tpu.memory_space<vmem>> -> memref<24x128xf32, #tpu.memory_space<vmem>>
        %dma_start3A_113 = arith.constant 9984 : i32
        %dma_start3A_114 = arith.constant 0 : i32
        %dma_start3A_115 = tpu.memref_slice %arg10[%dma_start3A_113, %dma_start3A_114] : memref<10008x128xf32, #tpu.memory_space<vmem_shared>> -> memref<24x128xf32, #tpu.memory_space<vmem_shared>>
        %dma_start3A_116 = arith.constant 9984 : i32
        %dma_start3A_117 = arith.constant 0 : i32
        %dma_start3A_118 = tpu.memref_slice %arg10[%dma_start3A_116, %dma_start3A_117] : memref<10008x128xf32, #tpu.memory_space<vmem_shared>> -> memref<24x128xf32, #tpu.memory_space<vmem_shared>>
        %dma_start3A_119 = arith.constant 0 : i32
        %dma_start3A_120 = arith.constant 0 : i32
        %dma_start3A_121 = tpu.memref_slice %arg6[%dma_start3A_119, %dma_start3A_120] : memref<128x128xf32, #tpu.memory_space<vmem>> -> memref<24x128xf32, #tpu.memory_space<vmem>>
        tpu.enqueue_dma source(%dma_start3A_121 : memref<24x128xf32, #tpu.memory_space<vmem>>) target(%dma_start3A_118 : memref<24x128xf32, #tpu.memory_space<vmem_shared>>) target_semaphore(%run_scoped3A_109 : memref<!tpu.dma_semaphore, #tpu.memory_space<semaphore_mem>>)
        %dma_wait3A_122 = arith.constant 0 : i32
        %dma_wait3A_123 = arith.constant 0 : i32
        %dma_wait3A_124 = tpu.memref_slice %arg6[%dma_wait3A_122, %dma_wait3A_123] : memref<128x128xf32, #tpu.memory_space<vmem>> -> memref<24x128xf32, #tpu.memory_space<vmem>>
        %dma_wait3A_125 = arith.constant 9984 : i32
        %dma_wait3A_126 = arith.constant 0 : i32
        %dma_wait3A_127 = tpu.memref_slice %arg10[%dma_wait3A_125, %dma_wait3A_126] : memref<10008x128xf32, #tpu.memory_space<vmem_shared>> -> memref<24x128xf32, #tpu.memory_space<vmem_shared>>
        %dma_wait3A_128 = arith.constant 9984 : i32
        %dma_wait3A_129 = arith.constant 0 : i32
        %dma_wait3A_130 = tpu.memref_slice %arg10[%dma_wait3A_128, %dma_wait3A_129] : memref<10008x128xf32, #tpu.memory_space<vmem_shared>> -> memref<24x128xf32, #tpu.memory_space<vmem_shared>>
        %dma_wait3A_131 = arith.constant 0 : i32
        %dma_wait3A_132 = arith.constant 0 : i32
        %dma_wait3A_133 = tpu.memref_slice %arg6[%dma_wait3A_131, %dma_wait3A_132] : memref<128x128xf32, #tpu.memory_space<vmem>> -> memref<24x128xf32, #tpu.memory_space<vmem>>
        tpu.wait_dma2 semaphore(%run_scoped3A_109 : memref<!tpu.dma_semaphore, #tpu.memory_space<semaphore_mem>>) src(%dma_wait3A_133 : memref<24x128xf32, #tpu.memory_space<vmem>>) dst(%dma_wait3A_130 : memref<24x128xf32, #tpu.memory_space<vmem_shared>>)
        tpu.yield
      }) : () -> ()
    } else {
    }
    %barrier3A = arith.constant 0 : index
    tpu.barrier barrier_id(%barrier3A)
    %mul3A_13 = arith.constant 80 : i32
    %mul3A_14 = arith.muli %add3A, %mul3A_13 : i32
    %add3A_15 = arith.constant 0 : i32
    %add3A_16 = arith.addi %mul3A_14, %add3A_15 : i32
    "tpu.region"() ({
      %run_scoped3A_109 = tpu.sem_alloc : memref<!tpu.dma_semaphore, #tpu.memory_space<semaphore_mem>>
      %dma_start3A_110 = arith.constant 0 : i32
      %dma_start3A_111 = arith.constant 0 : i32
      %dma_start3A_112 = tpu.memref_slice %arg3[%dma_start3A_110, %add3A_16, %dma_start3A_111] : memref<2x2560x128xi32, #tpu.memory_space<hbm>> -> memref<2x40x128xi32, #tpu.memory_space<hbm>>
      %dma_start3A_113 = arith.constant 0 : i32
      %dma_start3A_114 = arith.constant 0 : i32
      %dma_start3A_115 = tpu.memref_slice %arg3[%dma_start3A_113, %add3A_16, %dma_start3A_114] : memref<2x2560x128xi32, #tpu.memory_space<hbm>> -> memref<2x40x128xi32, #tpu.memory_space<hbm>>
      tpu.enqueue_dma source(%dma_start3A_115 : memref<2x40x128xi32, #tpu.memory_space<hbm>>) target(%arg5 : memref<2x40x128xi32, #tpu.memory_space<vmem>>) target_semaphore(%run_scoped3A_109 : memref<!tpu.dma_semaphore, #tpu.memory_space<semaphore_mem>>)
      %dma_wait3A_116 = arith.constant 0 : i32
      %dma_wait3A_117 = arith.constant 0 : i32
      %dma_wait3A_118 = tpu.memref_slice %arg3[%dma_wait3A_116, %add3A_16, %dma_wait3A_117] : memref<2x2560x128xi32, #tpu.memory_space<hbm>> -> memref<2x40x128xi32, #tpu.memory_space<hbm>>
      %dma_wait3A_119 = arith.constant 0 : i32
      %dma_wait3A_120 = arith.constant 0 : i32
      %dma_wait3A_121 = tpu.memref_slice %arg3[%dma_wait3A_119, %add3A_16, %dma_wait3A_120] : memref<2x2560x128xi32, #tpu.memory_space<hbm>> -> memref<2x40x128xi32, #tpu.memory_space<hbm>>
      tpu.wait_dma2 semaphore(%run_scoped3A_109 : memref<!tpu.dma_semaphore, #tpu.memory_space<semaphore_mem>>) src(%dma_wait3A_121 : memref<2x40x128xi32, #tpu.memory_space<hbm>>) dst(%arg5 : memref<2x40x128xi32, #tpu.memory_space<vmem>>)
      tpu.yield
    }) : () -> ()
    %dma_start3A = arith.constant 0 : i32
    %dma_start3A_17 = arith.constant 0 : i32
    %dma_start3A_18 = arith.constant 0 : i32
    %dma_start3A_19 = tpu.memref_slice %arg5[%dma_start3A, %dma_start3A_17, %dma_start3A_18] : memref<2x40x128xi32, #tpu.memory_space<vmem>> -> memref<1x1x128xi32, #tpu.memory_space<vmem>>
    %dma_start3A_20 = tpu.memref_squeeze %dma_start3A_19 : memref<1x1x128xi32, #tpu.memory_space<vmem>> -> memref<128xi32, #tpu.memory_space<vmem>>
    %dma_start3A_21 = arith.constant 0 : i32
    %dma_start3A_22 = arith.constant 0 : i32
    %dma_start3A_23 = tpu.memref_slice %arg2[%dma_start3A_21, %dma_start3A_22] : memref<10000x128xf32, #tpu.memory_space<hbm>> -> memref<10000x128xf32, #tpu.memory_space<hbm>>
    tpu.enqueue_indirect_dma source(%dma_start3A_23 : memref<10000x128xf32, #tpu.memory_space<hbm>>) target(%arg6 : memref<128x128xf32, #tpu.memory_space<vmem>>) offsets(%dma_start3A_20 : memref<128xi32, #tpu.memory_space<vmem>>) semaphore(%arg8 : memref<!tpu.dma_semaphore, #tpu.memory_space<semaphore_mem>>)
    %dma_start3A_24 = arith.constant 0 : i32
    %dma_start3A_25 = arith.constant 1 : i32
    %dma_start3A_26 = arith.constant 0 : i32
    %dma_start3A_27 = tpu.memref_slice %arg5[%dma_start3A_24, %dma_start3A_25, %dma_start3A_26] : memref<2x40x128xi32, #tpu.memory_space<vmem>> -> memref<1x1x128xi32, #tpu.memory_space<vmem>>
    %dma_start3A_28 = tpu.memref_squeeze %dma_start3A_27 : memref<1x1x128xi32, #tpu.memory_space<vmem>> -> memref<128xi32, #tpu.memory_space<vmem>>
    %dma_start3A_29 = arith.constant 0 : i32
    %dma_start3A_30 = arith.constant 0 : i32
    %dma_start3A_31 = tpu.memref_slice %arg2[%dma_start3A_29, %dma_start3A_30] : memref<10000x128xf32, #tpu.memory_space<hbm>> -> memref<10000x128xf32, #tpu.memory_space<hbm>>
    tpu.enqueue_indirect_dma source(%dma_start3A_31 : memref<10000x128xf32, #tpu.memory_space<hbm>>) target(%arg7 : memref<128x128xf32, #tpu.memory_space<vmem>>) offsets(%dma_start3A_28 : memref<128xi32, #tpu.memory_space<vmem>>) semaphore(%arg9 : memref<!tpu.dma_semaphore, #tpu.memory_space<semaphore_mem>>)
    %scan3A_32 = arith.constant 0 : i32
    %scan3A_33 = arith.constant 19 : i32
    %scan3A_34 = arith.addi %scan3A_32, %scan3A_33 : i32
    %scan3A_35 = arith.constant 1 : i32
    scf.for %scan3A_109 = %scan3A_32 to %scan3A_34 step %scan3A_35  : i32 {
      %mul3A_110 = arith.constant 1 : i32
      %mul3A_111 = arith.muli %scan3A_109, %mul3A_110 : i32
      %add3A_112 = arith.constant 0 : i32
      %add3A_113 = arith.addi %add3A_112, %mul3A_111 : i32
      %mul3A_114 = arith.constant 2 : i32
      %mul3A_115 = arith.muli %mul3A_114, %add3A_113 : i32
      %dma_wait3A_116 = arith.constant 0 : i32
      %dma_wait3A_117 = arith.constant 0 : i32
      %dma_wait3A_118 = tpu.memref_slice %arg5[%dma_wait3A_116, %mul3A_115, %dma_wait3A_117] : memref<2x40x128xi32, #tpu.memory_space<vmem>> -> memref<1x1x128xi32, #tpu.memory_space<vmem>>
      %dma_wait3A_119 = tpu.memref_squeeze %dma_wait3A_118 : memref<1x1x128xi32, #tpu.memory_space<vmem>> -> memref<128xi32, #tpu.memory_space<vmem>>
      %dma_wait3A_120 = arith.constant 0 : i32
      %dma_wait3A_121 = arith.constant 0 : i32
      %dma_wait3A_122 = tpu.memref_slice %arg2[%dma_wait3A_120, %dma_wait3A_121] : memref<10000x128xf32, #tpu.memory_space<hbm>> -> memref<10000x128xf32, #tpu.memory_space<hbm>>
      tpu.wait_indirect_dma semaphore(%arg8 : memref<!tpu.dma_semaphore, #tpu.memory_space<semaphore_mem>>) src(%dma_wait3A_122 : memref<10000x128xf32, #tpu.memory_space<hbm>>) dst(%arg6 : memref<128x128xf32, #tpu.memory_space<vmem>>)
      %run_scoped3A_123 = arith.constant 1 : i32
      "tpu.region"() ({
        %run_scoped3A_152 = tpu.sem_alloc : memref<!tpu.dma_semaphore, #tpu.memory_space<semaphore_mem>>
        %dma_start3A_153 = arith.constant 0 : i32
        %dma_start3A_154 = tpu.memref_slice %arg5[%run_scoped3A_123, %mul3A_115, %dma_start3A_153] : memref<2x40x128xi32, #tpu.memory_space<vmem>> -> memref<1x1x128xi32, #tpu.memory_space<vmem>>
        %dma_start3A_155 = tpu.memref_squeeze %dma_start3A_154 : memref<1x1x128xi32, #tpu.memory_space<vmem>> -> memref<128xi32, #tpu.memory_space<vmem>>
        %dma_start3A_156 = arith.constant 0 : i32
        %dma_start3A_157 = arith.constant 0 : i32
        %dma_start3A_158 = tpu.memref_slice %arg10[%dma_start3A_156, %dma_start3A_157] : memref<10008x128xf32, #tpu.memory_space<vmem_shared>> -> memref<10008x128xf32, #tpu.memory_space<vmem_shared>>
        tpu.enqueue_indirect_dma source(%arg6 : memref<128x128xf32, #tpu.memory_space<vmem>>) target(%dma_start3A_158 : memref<10008x128xf32, #tpu.memory_space<vmem_shared>>) offsets(%dma_start3A_155 : memref<128xi32, #tpu.memory_space<vmem>>) semaphore(%run_scoped3A_152 : memref<!tpu.dma_semaphore, #tpu.memory_space<semaphore_mem>>) {add = true}
        %dma_wait3A_159 = arith.constant 0 : i32
        %dma_wait3A_160 = tpu.memref_slice %arg5[%run_scoped3A_123, %mul3A_115, %dma_wait3A_159] : memref<2x40x128xi32, #tpu.memory_space<vmem>> -> memref<1x1x128xi32, #tpu.memory_space<vmem>>
        %dma_wait3A_161 = tpu.memref_squeeze %dma_wait3A_160 : memref<1x1x128xi32, #tpu.memory_space<vmem>> -> memref<128xi32, #tpu.memory_space<vmem>>
        %dma_wait3A_162 = arith.constant 0 : i32
        %dma_wait3A_163 = arith.constant 0 : i32
        %dma_wait3A_164 = tpu.memref_slice %arg10[%dma_wait3A_162, %dma_wait3A_163] : memref<10008x128xf32, #tpu.memory_space<vmem_shared>> -> memref<10008x128xf32, #tpu.memory_space<vmem_shared>>
        tpu.wait_indirect_dma semaphore(%run_scoped3A_152 : memref<!tpu.dma_semaphore, #tpu.memory_space<semaphore_mem>>) src(%arg6 : memref<128x128xf32, #tpu.memory_space<vmem>>) dst(%dma_wait3A_164 : memref<10008x128xf32, #tpu.memory_space<vmem_shared>>)
        tpu.yield
      }) : () -> ()
      %add3A_124 = arith.constant 2 : i32
      %add3A_125 = arith.addi %mul3A_115, %add3A_124 : i32
      %dma_start3A_126 = arith.constant 0 : i32
      %dma_start3A_127 = arith.constant 0 : i32
      %dma_start3A_128 = tpu.memref_slice %arg5[%dma_start3A_126, %add3A_125, %dma_start3A_127] : memref<2x40x128xi32, #tpu.memory_space<vmem>> -> memref<1x1x128xi32, #tpu.memory_space<vmem>>
      %dma_start3A_129 = tpu.memref_squeeze %dma_start3A_128 : memref<1x1x128xi32, #tpu.memory_space<vmem>> -> memref<128xi32, #tpu.memory_space<vmem>>
      %dma_start3A_130 = arith.constant 0 : i32
      %dma_start3A_131 = arith.constant 0 : i32
      %dma_start3A_132 = tpu.memref_slice %arg2[%dma_start3A_130, %dma_start3A_131] : memref<10000x128xf32, #tpu.memory_space<hbm>> -> memref<10000x128xf32, #tpu.memory_space<hbm>>
      tpu.enqueue_indirect_dma source(%dma_start3A_132 : memref<10000x128xf32, #tpu.memory_space<hbm>>) target(%arg6 : memref<128x128xf32, #tpu.memory_space<vmem>>) offsets(%dma_start3A_129 : memref<128xi32, #tpu.memory_space<vmem>>) semaphore(%arg8 : memref<!tpu.dma_semaphore, #tpu.memory_space<semaphore_mem>>)
      %add3A_133 = arith.constant 1 : i32
      %add3A_134 = arith.addi %mul3A_115, %add3A_133 : i32
      %dma_wait3A_135 = arith.constant 0 : i32
      %dma_wait3A_136 = arith.constant 0 : i32
      %dma_wait3A_137 = tpu.memref_slice %arg5[%dma_wait3A_135, %add3A_134, %dma_wait3A_136] : memref<2x40x128xi32, #tpu.memory_space<vmem>> -> memref<1x1x128xi32, #tpu.memory_space<vmem>>
      %dma_wait3A_138 = tpu.memref_squeeze %dma_wait3A_137 : memref<1x1x128xi32, #tpu.memory_space<vmem>> -> memref<128xi32, #tpu.memory_space<vmem>>
      %dma_wait3A_139 = arith.constant 0 : i32
      %dma_wait3A_140 = arith.constant 0 : i32
      %dma_wait3A_141 = tpu.memref_slice %arg2[%dma_wait3A_139, %dma_wait3A_140] : memref<10000x128xf32, #tpu.memory_space<hbm>> -> memref<10000x128xf32, #tpu.memory_space<hbm>>
      tpu.wait_indirect_dma semaphore(%arg9 : memref<!tpu.dma_semaphore, #tpu.memory_space<semaphore_mem>>) src(%dma_wait3A_141 : memref<10000x128xf32, #tpu.memory_space<hbm>>) dst(%arg7 : memref<128x128xf32, #tpu.memory_space<vmem>>)
      %run_scoped3A_142 = arith.constant 1 : i32
      "tpu.region"() ({
        %run_scoped3A_152 = tpu.sem_alloc : memref<!tpu.dma_semaphore, #tpu.memory_space<semaphore_mem>>
        %dma_start3A_153 = arith.constant 0 : i32
        %dma_start3A_154 = tpu.memref_slice %arg5[%run_scoped3A_142, %add3A_134, %dma_start3A_153] : memref<2x40x128xi32, #tpu.memory_space<vmem>> -> memref<1x1x128xi32, #tpu.memory_space<vmem>>
        %dma_start3A_155 = tpu.memref_squeeze %dma_start3A_154 : memref<1x1x128xi32, #tpu.memory_space<vmem>> -> memref<128xi32, #tpu.memory_space<vmem>>
        %dma_start3A_156 = arith.constant 0 : i32
        %dma_start3A_157 = arith.constant 0 : i32
        %dma_start3A_158 = tpu.memref_slice %arg10[%dma_start3A_156, %dma_start3A_157] : memref<10008x128xf32, #tpu.memory_space<vmem_shared>> -> memref<10008x128xf32, #tpu.memory_space<vmem_shared>>
        tpu.enqueue_indirect_dma source(%arg7 : memref<128x128xf32, #tpu.memory_space<vmem>>) target(%dma_start3A_158 : memref<10008x128xf32, #tpu.memory_space<vmem_shared>>) offsets(%dma_start3A_155 : memref<128xi32, #tpu.memory_space<vmem>>) semaphore(%run_scoped3A_152 : memref<!tpu.dma_semaphore, #tpu.memory_space<semaphore_mem>>) {add = true}
        %dma_wait3A_159 = arith.constant 0 : i32
        %dma_wait3A_160 = tpu.memref_slice %arg5[%run_scoped3A_142, %add3A_134, %dma_wait3A_159] : memref<2x40x128xi32, #tpu.memory_space<vmem>> -> memref<1x1x128xi32, #tpu.memory_space<vmem>>
        %dma_wait3A_161 = tpu.memref_squeeze %dma_wait3A_160 : memref<1x1x128xi32, #tpu.memory_space<vmem>> -> memref<128xi32, #tpu.memory_space<vmem>>
        %dma_wait3A_162 = arith.constant 0 : i32
        %dma_wait3A_163 = arith.constant 0 : i32
        %dma_wait3A_164 = tpu.memref_slice %arg10[%dma_wait3A_162, %dma_wait3A_163] : memref<10008x128xf32, #tpu.memory_space<vmem_shared>> -> memref<10008x128xf32, #tpu.memory_space<vmem_shared>>
        tpu.wait_indirect_dma semaphore(%run_scoped3A_152 : memref<!tpu.dma_semaphore, #tpu.memory_space<semaphore_mem>>) src(%arg7 : memref<128x128xf32, #tpu.memory_space<vmem>>) dst(%dma_wait3A_164 : memref<10008x128xf32, #tpu.memory_space<vmem_shared>>)
        tpu.yield
      }) : () -> ()
      %add3A_143 = arith.constant 3 : i32
      %add3A_144 = arith.addi %mul3A_115, %add3A_143 : i32
      %dma_start3A_145 = arith.constant 0 : i32
      %dma_start3A_146 = arith.constant 0 : i32
      %dma_start3A_147 = tpu.memref_slice %arg5[%dma_start3A_145, %add3A_144, %dma_start3A_146] : memref<2x40x128xi32, #tpu.memory_space<vmem>> -> memref<1x1x128xi32, #tpu.memory_space<vmem>>
      %dma_start3A_148 = tpu.memref_squeeze %dma_start3A_147 : memref<1x1x128xi32, #tpu.memory_space<vmem>> -> memref<128xi32, #tpu.memory_space<vmem>>
      %dma_start3A_149 = arith.constant 0 : i32
      %dma_start3A_150 = arith.constant 0 : i32
      %dma_start3A_151 = tpu.memref_slice %arg2[%dma_start3A_149, %dma_start3A_150] : memref<10000x128xf32, #tpu.memory_space<hbm>> -> memref<10000x128xf32, #tpu.memory_space<hbm>>
      tpu.enqueue_indirect_dma source(%dma_start3A_151 : memref<10000x128xf32, #tpu.memory_space<hbm>>) target(%arg7 : memref<128x128xf32, #tpu.memory_space<vmem>>) offsets(%dma_start3A_148 : memref<128xi32, #tpu.memory_space<vmem>>) semaphore(%arg9 : memref<!tpu.dma_semaphore, #tpu.memory_space<semaphore_mem>>)
    }
    %scan3A_36 = arith.constant 19 : i32
    %dma_wait3A = arith.constant 0 : i32
    %dma_wait3A_37 = arith.constant 38 : i32
    %dma_wait3A_38 = arith.constant 0 : i32
    %dma_wait3A_39 = tpu.memref_slice %arg5[%dma_wait3A, %dma_wait3A_37, %dma_wait3A_38] : memref<2x40x128xi32, #tpu.memory_space<vmem>> -> memref<1x1x128xi32, #tpu.memory_space<vmem>>
    %dma_wait3A_40 = tpu.memref_squeeze %dma_wait3A_39 : memref<1x1x128xi32, #tpu.memory_space<vmem>> -> memref<128xi32, #tpu.memory_space<vmem>>
    %dma_wait3A_41 = arith.constant 0 : i32
    %dma_wait3A_42 = arith.constant 0 : i32
    %dma_wait3A_43 = tpu.memref_slice %arg2[%dma_wait3A_41, %dma_wait3A_42] : memref<10000x128xf32, #tpu.memory_space<hbm>> -> memref<10000x128xf32, #tpu.memory_space<hbm>>
    tpu.wait_indirect_dma semaphore(%arg8 : memref<!tpu.dma_semaphore, #tpu.memory_space<semaphore_mem>>) src(%dma_wait3A_43 : memref<10000x128xf32, #tpu.memory_space<hbm>>) dst(%arg6 : memref<128x128xf32, #tpu.memory_space<vmem>>)
    %run_scoped3A = arith.constant 1 : i32
    %run_scoped3A_44 = arith.constant 38 : i32
    "tpu.region"() ({
      %run_scoped3A_109 = tpu.sem_alloc : memref<!tpu.dma_semaphore, #tpu.memory_space<semaphore_mem>>
      %dma_start3A_110 = arith.constant 0 : i32
      %dma_start3A_111 = tpu.memref_slice %arg5[%run_scoped3A, %run_scoped3A_44, %dma_start3A_110] : memref<2x40x128xi32, #tpu.memory_space<vmem>> -> memref<1x1x128xi32, #tpu.memory_space<vmem>>
      %dma_start3A_112 = tpu.memref_squeeze %dma_start3A_111 : memref<1x1x128xi32, #tpu.memory_space<vmem>> -> memref<128xi32, #tpu.memory_space<vmem>>
      %dma_start3A_113 = arith.constant 0 : i32
      %dma_start3A_114 = arith.constant 0 : i32
      %dma_start3A_115 = tpu.memref_slice %arg10[%dma_start3A_113, %dma_start3A_114] : memref<10008x128xf32, #tpu.memory_space<vmem_shared>> -> memref<10008x128xf32, #tpu.memory_space<vmem_shared>>
      tpu.enqueue_indirect_dma source(%arg6 : memref<128x128xf32, #tpu.memory_space<vmem>>) target(%dma_start3A_115 : memref<10008x128xf32, #tpu.memory_space<vmem_shared>>) offsets(%dma_start3A_112 : memref<128xi32, #tpu.memory_space<vmem>>) semaphore(%run_scoped3A_109 : memref<!tpu.dma_semaphore, #tpu.memory_space<semaphore_mem>>) {add = true}
      %dma_wait3A_116 = arith.constant 0 : i32
      %dma_wait3A_117 = tpu.memref_slice %arg5[%run_scoped3A, %run_scoped3A_44, %dma_wait3A_116] : memref<2x40x128xi32, #tpu.memory_space<vmem>> -> memref<1x1x128xi32, #tpu.memory_space<vmem>>
      %dma_wait3A_118 = tpu.memref_squeeze %dma_wait3A_117 : memref<1x1x128xi32, #tpu.memory_space<vmem>> -> memref<128xi32, #tpu.memory_space<vmem>>
      %dma_wait3A_119 = arith.constant 0 : i32
      %dma_wait3A_120 = arith.constant 0 : i32
      %dma_wait3A_121 = tpu.memref_slice %arg10[%dma_wait3A_119, %dma_wait3A_120] : memref<10008x128xf32, #tpu.memory_space<vmem_shared>> -> memref<10008x128xf32, #tpu.memory_space<vmem_shared>>
      tpu.wait_indirect_dma semaphore(%run_scoped3A_109 : memref<!tpu.dma_semaphore, #tpu.memory_space<semaphore_mem>>) src(%arg6 : memref<128x128xf32, #tpu.memory_space<vmem>>) dst(%dma_wait3A_121 : memref<10008x128xf32, #tpu.memory_space<vmem_shared>>)
      tpu.yield
    }) : () -> ()
    %dma_wait3A_45 = arith.constant 0 : i32
    %dma_wait3A_46 = arith.constant 39 : i32
    %dma_wait3A_47 = arith.constant 0 : i32
    %dma_wait3A_48 = tpu.memref_slice %arg5[%dma_wait3A_45, %dma_wait3A_46, %dma_wait3A_47] : memref<2x40x128xi32, #tpu.memory_space<vmem>> -> memref<1x1x128xi32, #tpu.memory_space<vmem>>
    %dma_wait3A_49 = tpu.memref_squeeze %dma_wait3A_48 : memref<1x1x128xi32, #tpu.memory_space<vmem>> -> memref<128xi32, #tpu.memory_space<vmem>>
    %dma_wait3A_50 = arith.constant 0 : i32
    %dma_wait3A_51 = arith.constant 0 : i32
    %dma_wait3A_52 = tpu.memref_slice %arg2[%dma_wait3A_50, %dma_wait3A_51] : memref<10000x128xf32, #tpu.memory_space<hbm>> -> memref<10000x128xf32, #tpu.memory_space<hbm>>
    tpu.wait_indirect_dma semaphore(%arg9 : memref<!tpu.dma_semaphore, #tpu.memory_space<semaphore_mem>>) src(%dma_wait3A_52 : memref<10000x128xf32, #tpu.memory_space<hbm>>) dst(%arg7 : memref<128x128xf32, #tpu.memory_space<vmem>>)
    %run_scoped3A_53 = arith.constant 1 : i32
    %run_scoped3A_54 = arith.constant 39 : i32
    "tpu.region"() ({
      %run_scoped3A_109 = tpu.sem_alloc : memref<!tpu.dma_semaphore, #tpu.memory_space<semaphore_mem>>
      %dma_start3A_110 = arith.constant 0 : i32
      %dma_start3A_111 = tpu.memref_slice %arg5[%run_scoped3A_53, %run_scoped3A_54, %dma_start3A_110] : memref<2x40x128xi32, #tpu.memory_space<vmem>> -> memref<1x1x128xi32, #tpu.memory_space<vmem>>
      %dma_start3A_112 = tpu.memref_squeeze %dma_start3A_111 : memref<1x1x128xi32, #tpu.memory_space<vmem>> -> memref<128xi32, #tpu.memory_space<vmem>>
      %dma_start3A_113 = arith.constant 0 : i32
      %dma_start3A_114 = arith.constant 0 : i32
      %dma_start3A_115 = tpu.memref_slice %arg10[%dma_start3A_113, %dma_start3A_114] : memref<10008x128xf32, #tpu.memory_space<vmem_shared>> -> memref<10008x128xf32, #tpu.memory_space<vmem_shared>>
      tpu.enqueue_indirect_dma source(%arg7 : memref<128x128xf32, #tpu.memory_space<vmem>>) target(%dma_start3A_115 : memref<10008x128xf32, #tpu.memory_space<vmem_shared>>) offsets(%dma_start3A_112 : memref<128xi32, #tpu.memory_space<vmem>>) semaphore(%run_scoped3A_109 : memref<!tpu.dma_semaphore, #tpu.memory_space<semaphore_mem>>) {add = true}
      %dma_wait3A_116 = arith.constant 0 : i32
      %dma_wait3A_117 = tpu.memref_slice %arg5[%run_scoped3A_53, %run_scoped3A_54, %dma_wait3A_116] : memref<2x40x128xi32, #tpu.memory_space<vmem>> -> memref<1x1x128xi32, #tpu.memory_space<vmem>>
      %dma_wait3A_118 = tpu.memref_squeeze %dma_wait3A_117 : memref<1x1x128xi32, #tpu.memory_space<vmem>> -> memref<128xi32, #tpu.memory_space<vmem>>
      %dma_wait3A_119 = arith.constant 0 : i32
      %dma_wait3A_120 = arith.constant 0 : i32
      %dma_wait3A_121 = tpu.memref_slice %arg10[%dma_wait3A_119, %dma_wait3A_120] : memref<10008x128xf32, #tpu.memory_space<vmem_shared>> -> memref<10008x128xf32, #tpu.memory_space<vmem_shared>>
      tpu.wait_indirect_dma semaphore(%run_scoped3A_109 : memref<!tpu.dma_semaphore, #tpu.memory_space<semaphore_mem>>) src(%arg7 : memref<128x128xf32, #tpu.memory_space<vmem>>) dst(%dma_wait3A_121 : memref<10008x128xf32, #tpu.memory_space<vmem_shared>>)
      tpu.yield
    }) : () -> ()
    %add3A_55 = arith.constant 40 : i32
    %add3A_56 = arith.addi %mul3A_14, %add3A_55 : i32
    "tpu.region"() ({
      %run_scoped3A_109 = tpu.sem_alloc : memref<!tpu.dma_semaphore, #tpu.memory_space<semaphore_mem>>
      %dma_start3A_110 = arith.constant 0 : i32
      %dma_start3A_111 = arith.constant 0 : i32
      %dma_start3A_112 = tpu.memref_slice %arg3[%dma_start3A_110, %add3A_56, %dma_start3A_111] : memref<2x2560x128xi32, #tpu.memory_space<hbm>> -> memref<2x40x128xi32, #tpu.memory_space<hbm>>
      %dma_start3A_113 = arith.constant 0 : i32
      %dma_start3A_114 = arith.constant 0 : i32
      %dma_start3A_115 = tpu.memref_slice %arg3[%dma_start3A_113, %add3A_56, %dma_start3A_114] : memref<2x2560x128xi32, #tpu.memory_space<hbm>> -> memref<2x40x128xi32, #tpu.memory_space<hbm>>
      tpu.enqueue_dma source(%dma_start3A_115 : memref<2x40x128xi32, #tpu.memory_space<hbm>>) target(%arg5 : memref<2x40x128xi32, #tpu.memory_space<vmem>>) target_semaphore(%run_scoped3A_109 : memref<!tpu.dma_semaphore, #tpu.memory_space<semaphore_mem>>)
      %dma_wait3A_116 = arith.constant 0 : i32
      %dma_wait3A_117 = arith.constant 0 : i32
      %dma_wait3A_118 = tpu.memref_slice %arg3[%dma_wait3A_116, %add3A_56, %dma_wait3A_117] : memref<2x2560x128xi32, #tpu.memory_space<hbm>> -> memref<2x40x128xi32, #tpu.memory_space<hbm>>
      %dma_wait3A_119 = arith.constant 0 : i32
      %dma_wait3A_120 = arith.constant 0 : i32
      %dma_wait3A_121 = tpu.memref_slice %arg3[%dma_wait3A_119, %add3A_56, %dma_wait3A_120] : memref<2x2560x128xi32, #tpu.memory_space<hbm>> -> memref<2x40x128xi32, #tpu.memory_space<hbm>>
      tpu.wait_dma2 semaphore(%run_scoped3A_109 : memref<!tpu.dma_semaphore, #tpu.memory_space<semaphore_mem>>) src(%dma_wait3A_121 : memref<2x40x128xi32, #tpu.memory_space<hbm>>) dst(%arg5 : memref<2x40x128xi32, #tpu.memory_space<vmem>>)
      tpu.yield
    }) : () -> ()
    %dma_start3A_57 = arith.constant 0 : i32
    %dma_start3A_58 = arith.constant 0 : i32
    %dma_start3A_59 = arith.constant 0 : i32
    %dma_start3A_60 = tpu.memref_slice %arg5[%dma_start3A_57, %dma_start3A_58, %dma_start3A_59] : memref<2x40x128xi32, #tpu.memory_space<vmem>> -> memref<1x1x128xi32, #tpu.memory_space<vmem>>
    %dma_start3A_61 = tpu.memref_squeeze %dma_start3A_60 : memref<1x1x128xi32, #tpu.memory_space<vmem>> -> memref<128xi32, #tpu.memory_space<vmem>>
    %dma_start3A_62 = arith.constant 0 : i32
    %dma_start3A_63 = arith.constant 0 : i32
    %dma_start3A_64 = tpu.memref_slice %arg2[%dma_start3A_62, %dma_start3A_63] : memref<10000x128xf32, #tpu.memory_space<hbm>> -> memref<10000x128xf32, #tpu.memory_space<hbm>>
    tpu.enqueue_indirect_dma source(%dma_start3A_64 : memref<10000x128xf32, #tpu.memory_space<hbm>>) target(%arg6 : memref<128x128xf32, #tpu.memory_space<vmem>>) offsets(%dma_start3A_61 : memref<128xi32, #tpu.memory_space<vmem>>) semaphore(%arg8 : memref<!tpu.dma_semaphore, #tpu.memory_space<semaphore_mem>>)
    %dma_start3A_65 = arith.constant 0 : i32
    %dma_start3A_66 = arith.constant 1 : i32
    %dma_start3A_67 = arith.constant 0 : i32
    %dma_start3A_68 = tpu.memref_slice %arg5[%dma_start3A_65, %dma_start3A_66, %dma_start3A_67] : memref<2x40x128xi32, #tpu.memory_space<vmem>> -> memref<1x1x128xi32, #tpu.memory_space<vmem>>
    %dma_start3A_69 = tpu.memref_squeeze %dma_start3A_68 : memref<1x1x128xi32, #tpu.memory_space<vmem>> -> memref<128xi32, #tpu.memory_space<vmem>>
    %dma_start3A_70 = arith.constant 0 : i32
    %dma_start3A_71 = arith.constant 0 : i32
    %dma_start3A_72 = tpu.memref_slice %arg2[%dma_start3A_70, %dma_start3A_71] : memref<10000x128xf32, #tpu.memory_space<hbm>> -> memref<10000x128xf32, #tpu.memory_space<hbm>>
    tpu.enqueue_indirect_dma source(%dma_start3A_72 : memref<10000x128xf32, #tpu.memory_space<hbm>>) target(%arg7 : memref<128x128xf32, #tpu.memory_space<vmem>>) offsets(%dma_start3A_69 : memref<128xi32, #tpu.memory_space<vmem>>) semaphore(%arg9 : memref<!tpu.dma_semaphore, #tpu.memory_space<semaphore_mem>>)
    %scan3A_73 = arith.constant 0 : i32
    %scan3A_74 = arith.constant 19 : i32
    %scan3A_75 = arith.addi %scan3A_73, %scan3A_74 : i32
    %scan3A_76 = arith.constant 1 : i32
    scf.for %scan3A_109 = %scan3A_73 to %scan3A_75 step %scan3A_76  : i32 {
      %mul3A_110 = arith.constant 1 : i32
      %mul3A_111 = arith.muli %scan3A_109, %mul3A_110 : i32
      %add3A_112 = arith.constant 0 : i32
      %add3A_113 = arith.addi %add3A_112, %mul3A_111 : i32
      %mul3A_114 = arith.constant 2 : i32
      %mul3A_115 = arith.muli %mul3A_114, %add3A_113 : i32
      %dma_wait3A_116 = arith.constant 0 : i32
      %dma_wait3A_117 = arith.constant 0 : i32
      %dma_wait3A_118 = tpu.memref_slice %arg5[%dma_wait3A_116, %mul3A_115, %dma_wait3A_117] : memref<2x40x128xi32, #tpu.memory_space<vmem>> -> memref<1x1x128xi32, #tpu.memory_space<vmem>>
      %dma_wait3A_119 = tpu.memref_squeeze %dma_wait3A_118 : memref<1x1x128xi32, #tpu.memory_space<vmem>> -> memref<128xi32, #tpu.memory_space<vmem>>
      %dma_wait3A_120 = arith.constant 0 : i32
      %dma_wait3A_121 = arith.constant 0 : i32
      %dma_wait3A_122 = tpu.memref_slice %arg2[%dma_wait3A_120, %dma_wait3A_121] : memref<10000x128xf32, #tpu.memory_space<hbm>> -> memref<10000x128xf32, #tpu.memory_space<hbm>>
      tpu.wait_indirect_dma semaphore(%arg8 : memref<!tpu.dma_semaphore, #tpu.memory_space<semaphore_mem>>) src(%dma_wait3A_122 : memref<10000x128xf32, #tpu.memory_space<hbm>>) dst(%arg6 : memref<128x128xf32, #tpu.memory_space<vmem>>)
      %run_scoped3A_123 = arith.constant 1 : i32
      "tpu.region"() ({
        %run_scoped3A_152 = tpu.sem_alloc : memref<!tpu.dma_semaphore, #tpu.memory_space<semaphore_mem>>
        %dma_start3A_153 = arith.constant 0 : i32
        %dma_start3A_154 = tpu.memref_slice %arg5[%run_scoped3A_123, %mul3A_115, %dma_start3A_153] : memref<2x40x128xi32, #tpu.memory_space<vmem>> -> memref<1x1x128xi32, #tpu.memory_space<vmem>>
        %dma_start3A_155 = tpu.memref_squeeze %dma_start3A_154 : memref<1x1x128xi32, #tpu.memory_space<vmem>> -> memref<128xi32, #tpu.memory_space<vmem>>
        %dma_start3A_156 = arith.constant 0 : i32
        %dma_start3A_157 = arith.constant 0 : i32
        %dma_start3A_158 = tpu.memref_slice %arg10[%dma_start3A_156, %dma_start3A_157] : memref<10008x128xf32, #tpu.memory_space<vmem_shared>> -> memref<10008x128xf32, #tpu.memory_space<vmem_shared>>
        tpu.enqueue_indirect_dma source(%arg6 : memref<128x128xf32, #tpu.memory_space<vmem>>) target(%dma_start3A_158 : memref<10008x128xf32, #tpu.memory_space<vmem_shared>>) offsets(%dma_start3A_155 : memref<128xi32, #tpu.memory_space<vmem>>) semaphore(%run_scoped3A_152 : memref<!tpu.dma_semaphore, #tpu.memory_space<semaphore_mem>>) {add = true}
        %dma_wait3A_159 = arith.constant 0 : i32
        %dma_wait3A_160 = tpu.memref_slice %arg5[%run_scoped3A_123, %mul3A_115, %dma_wait3A_159] : memref<2x40x128xi32, #tpu.memory_space<vmem>> -> memref<1x1x128xi32, #tpu.memory_space<vmem>>
        %dma_wait3A_161 = tpu.memref_squeeze %dma_wait3A_160 : memref<1x1x128xi32, #tpu.memory_space<vmem>> -> memref<128xi32, #tpu.memory_space<vmem>>
        %dma_wait3A_162 = arith.constant 0 : i32
        %dma_wait3A_163 = arith.constant 0 : i32
        %dma_wait3A_164 = tpu.memref_slice %arg10[%dma_wait3A_162, %dma_wait3A_163] : memref<10008x128xf32, #tpu.memory_space<vmem_shared>> -> memref<10008x128xf32, #tpu.memory_space<vmem_shared>>
        tpu.wait_indirect_dma semaphore(%run_scoped3A_152 : memref<!tpu.dma_semaphore, #tpu.memory_space<semaphore_mem>>) src(%arg6 : memref<128x128xf32, #tpu.memory_space<vmem>>) dst(%dma_wait3A_164 : memref<10008x128xf32, #tpu.memory_space<vmem_shared>>)
        tpu.yield
      }) : () -> ()
      %add3A_124 = arith.constant 2 : i32
      %add3A_125 = arith.addi %mul3A_115, %add3A_124 : i32
      %dma_start3A_126 = arith.constant 0 : i32
      %dma_start3A_127 = arith.constant 0 : i32
      %dma_start3A_128 = tpu.memref_slice %arg5[%dma_start3A_126, %add3A_125, %dma_start3A_127] : memref<2x40x128xi32, #tpu.memory_space<vmem>> -> memref<1x1x128xi32, #tpu.memory_space<vmem>>
      %dma_start3A_129 = tpu.memref_squeeze %dma_start3A_128 : memref<1x1x128xi32, #tpu.memory_space<vmem>> -> memref<128xi32, #tpu.memory_space<vmem>>
      %dma_start3A_130 = arith.constant 0 : i32
      %dma_start3A_131 = arith.constant 0 : i32
      %dma_start3A_132 = tpu.memref_slice %arg2[%dma_start3A_130, %dma_start3A_131] : memref<10000x128xf32, #tpu.memory_space<hbm>> -> memref<10000x128xf32, #tpu.memory_space<hbm>>
      tpu.enqueue_indirect_dma source(%dma_start3A_132 : memref<10000x128xf32, #tpu.memory_space<hbm>>) target(%arg6 : memref<128x128xf32, #tpu.memory_space<vmem>>) offsets(%dma_start3A_129 : memref<128xi32, #tpu.memory_space<vmem>>) semaphore(%arg8 : memref<!tpu.dma_semaphore, #tpu.memory_space<semaphore_mem>>)
      %add3A_133 = arith.constant 1 : i32
      %add3A_134 = arith.addi %mul3A_115, %add3A_133 : i32
      %dma_wait3A_135 = arith.constant 0 : i32
      %dma_wait3A_136 = arith.constant 0 : i32
      %dma_wait3A_137 = tpu.memref_slice %arg5[%dma_wait3A_135, %add3A_134, %dma_wait3A_136] : memref<2x40x128xi32, #tpu.memory_space<vmem>> -> memref<1x1x128xi32, #tpu.memory_space<vmem>>
      %dma_wait3A_138 = tpu.memref_squeeze %dma_wait3A_137 : memref<1x1x128xi32, #tpu.memory_space<vmem>> -> memref<128xi32, #tpu.memory_space<vmem>>
      %dma_wait3A_139 = arith.constant 0 : i32
      %dma_wait3A_140 = arith.constant 0 : i32
      %dma_wait3A_141 = tpu.memref_slice %arg2[%dma_wait3A_139, %dma_wait3A_140] : memref<10000x128xf32, #tpu.memory_space<hbm>> -> memref<10000x128xf32, #tpu.memory_space<hbm>>
      tpu.wait_indirect_dma semaphore(%arg9 : memref<!tpu.dma_semaphore, #tpu.memory_space<semaphore_mem>>) src(%dma_wait3A_141 : memref<10000x128xf32, #tpu.memory_space<hbm>>) dst(%arg7 : memref<128x128xf32, #tpu.memory_space<vmem>>)
      %run_scoped3A_142 = arith.constant 1 : i32
      "tpu.region"() ({
        %run_scoped3A_152 = tpu.sem_alloc : memref<!tpu.dma_semaphore, #tpu.memory_space<semaphore_mem>>
        %dma_start3A_153 = arith.constant 0 : i32
        %dma_start3A_154 = tpu.memref_slice %arg5[%run_scoped3A_142, %add3A_134, %dma_start3A_153] : memref<2x40x128xi32, #tpu.memory_space<vmem>> -> memref<1x1x128xi32, #tpu.memory_space<vmem>>
        %dma_start3A_155 = tpu.memref_squeeze %dma_start3A_154 : memref<1x1x128xi32, #tpu.memory_space<vmem>> -> memref<128xi32, #tpu.memory_space<vmem>>
        %dma_start3A_156 = arith.constant 0 : i32
        %dma_start3A_157 = arith.constant 0 : i32
        %dma_start3A_158 = tpu.memref_slice %arg10[%dma_start3A_156, %dma_start3A_157] : memref<10008x128xf32, #tpu.memory_space<vmem_shared>> -> memref<10008x128xf32, #tpu.memory_space<vmem_shared>>
        tpu.enqueue_indirect_dma source(%arg7 : memref<128x128xf32, #tpu.memory_space<vmem>>) target(%dma_start3A_158 : memref<10008x128xf32, #tpu.memory_space<vmem_shared>>) offsets(%dma_start3A_155 : memref<128xi32, #tpu.memory_space<vmem>>) semaphore(%run_scoped3A_152 : memref<!tpu.dma_semaphore, #tpu.memory_space<semaphore_mem>>) {add = true}
        %dma_wait3A_159 = arith.constant 0 : i32
        %dma_wait3A_160 = tpu.memref_slice %arg5[%run_scoped3A_142, %add3A_134, %dma_wait3A_159] : memref<2x40x128xi32, #tpu.memory_space<vmem>> -> memref<1x1x128xi32, #tpu.memory_space<vmem>>
        %dma_wait3A_161 = tpu.memref_squeeze %dma_wait3A_160 : memref<1x1x128xi32, #tpu.memory_space<vmem>> -> memref<128xi32, #tpu.memory_space<vmem>>
        %dma_wait3A_162 = arith.constant 0 : i32
        %dma_wait3A_163 = arith.constant 0 : i32
        %dma_wait3A_164 = tpu.memref_slice %arg10[%dma_wait3A_162, %dma_wait3A_163] : memref<10008x128xf32, #tpu.memory_space<vmem_shared>> -> memref<10008x128xf32, #tpu.memory_space<vmem_shared>>
        tpu.wait_indirect_dma semaphore(%run_scoped3A_152 : memref<!tpu.dma_semaphore, #tpu.memory_space<semaphore_mem>>) src(%arg7 : memref<128x128xf32, #tpu.memory_space<vmem>>) dst(%dma_wait3A_164 : memref<10008x128xf32, #tpu.memory_space<vmem_shared>>)
        tpu.yield
      }) : () -> ()
      %add3A_143 = arith.constant 3 : i32
      %add3A_144 = arith.addi %mul3A_115, %add3A_143 : i32
      %dma_start3A_145 = arith.constant 0 : i32
      %dma_start3A_146 = arith.constant 0 : i32
      %dma_start3A_147 = tpu.memref_slice %arg5[%dma_start3A_145, %add3A_144, %dma_start3A_146] : memref<2x40x128xi32, #tpu.memory_space<vmem>> -> memref<1x1x128xi32, #tpu.memory_space<vmem>>
      %dma_start3A_148 = tpu.memref_squeeze %dma_start3A_147 : memref<1x1x128xi32, #tpu.memory_space<vmem>> -> memref<128xi32, #tpu.memory_space<vmem>>
      %dma_start3A_149 = arith.constant 0 : i32
      %dma_start3A_150 = arith.constant 0 : i32
      %dma_start3A_151 = tpu.memref_slice %arg2[%dma_start3A_149, %dma_start3A_150] : memref<10000x128xf32, #tpu.memory_space<hbm>> -> memref<10000x128xf32, #tpu.memory_space<hbm>>
      tpu.enqueue_indirect_dma source(%dma_start3A_151 : memref<10000x128xf32, #tpu.memory_space<hbm>>) target(%arg7 : memref<128x128xf32, #tpu.memory_space<vmem>>) offsets(%dma_start3A_148 : memref<128xi32, #tpu.memory_space<vmem>>) semaphore(%arg9 : memref<!tpu.dma_semaphore, #tpu.memory_space<semaphore_mem>>)
    }
    %scan3A_77 = arith.constant 19 : i32
    %dma_wait3A_78 = arith.constant 0 : i32
    %dma_wait3A_79 = arith.constant 38 : i32
    %dma_wait3A_80 = arith.constant 0 : i32
    %dma_wait3A_81 = tpu.memref_slice %arg5[%dma_wait3A_78, %dma_wait3A_79, %dma_wait3A_80] : memref<2x40x128xi32, #tpu.memory_space<vmem>> -> memref<1x1x128xi32, #tpu.memory_space<vmem>>
    %dma_wait3A_82 = tpu.memref_squeeze %dma_wait3A_81 : memref<1x1x128xi32, #tpu.memory_space<vmem>> -> memref<128xi32, #tpu.memory_space<vmem>>
    %dma_wait3A_83 = arith.constant 0 : i32
    %dma_wait3A_84 = arith.constant 0 : i32
    %dma_wait3A_85 = tpu.memref_slice %arg2[%dma_wait3A_83, %dma_wait3A_84] : memref<10000x128xf32, #tpu.memory_space<hbm>> -> memref<10000x128xf32, #tpu.memory_space<hbm>>
    tpu.wait_indirect_dma semaphore(%arg8 : memref<!tpu.dma_semaphore, #tpu.memory_space<semaphore_mem>>) src(%dma_wait3A_85 : memref<10000x128xf32, #tpu.memory_space<hbm>>) dst(%arg6 : memref<128x128xf32, #tpu.memory_space<vmem>>)
    %run_scoped3A_86 = arith.constant 1 : i32
    %run_scoped3A_87 = arith.constant 38 : i32
    "tpu.region"() ({
      %run_scoped3A_109 = tpu.sem_alloc : memref<!tpu.dma_semaphore, #tpu.memory_space<semaphore_mem>>
      %dma_start3A_110 = arith.constant 0 : i32
      %dma_start3A_111 = tpu.memref_slice %arg5[%run_scoped3A_86, %run_scoped3A_87, %dma_start3A_110] : memref<2x40x128xi32, #tpu.memory_space<vmem>> -> memref<1x1x128xi32, #tpu.memory_space<vmem>>
      %dma_start3A_112 = tpu.memref_squeeze %dma_start3A_111 : memref<1x1x128xi32, #tpu.memory_space<vmem>> -> memref<128xi32, #tpu.memory_space<vmem>>
      %dma_start3A_113 = arith.constant 0 : i32
      %dma_start3A_114 = arith.constant 0 : i32
      %dma_start3A_115 = tpu.memref_slice %arg10[%dma_start3A_113, %dma_start3A_114] : memref<10008x128xf32, #tpu.memory_space<vmem_shared>> -> memref<10008x128xf32, #tpu.memory_space<vmem_shared>>
      tpu.enqueue_indirect_dma source(%arg6 : memref<128x128xf32, #tpu.memory_space<vmem>>) target(%dma_start3A_115 : memref<10008x128xf32, #tpu.memory_space<vmem_shared>>) offsets(%dma_start3A_112 : memref<128xi32, #tpu.memory_space<vmem>>) semaphore(%run_scoped3A_109 : memref<!tpu.dma_semaphore, #tpu.memory_space<semaphore_mem>>) {add = true}
      %dma_wait3A_116 = arith.constant 0 : i32
      %dma_wait3A_117 = tpu.memref_slice %arg5[%run_scoped3A_86, %run_scoped3A_87, %dma_wait3A_116] : memref<2x40x128xi32, #tpu.memory_space<vmem>> -> memref<1x1x128xi32, #tpu.memory_space<vmem>>
      %dma_wait3A_118 = tpu.memref_squeeze %dma_wait3A_117 : memref<1x1x128xi32, #tpu.memory_space<vmem>> -> memref<128xi32, #tpu.memory_space<vmem>>
      %dma_wait3A_119 = arith.constant 0 : i32
      %dma_wait3A_120 = arith.constant 0 : i32
      %dma_wait3A_121 = tpu.memref_slice %arg10[%dma_wait3A_119, %dma_wait3A_120] : memref<10008x128xf32, #tpu.memory_space<vmem_shared>> -> memref<10008x128xf32, #tpu.memory_space<vmem_shared>>
      tpu.wait_indirect_dma semaphore(%run_scoped3A_109 : memref<!tpu.dma_semaphore, #tpu.memory_space<semaphore_mem>>) src(%arg6 : memref<128x128xf32, #tpu.memory_space<vmem>>) dst(%dma_wait3A_121 : memref<10008x128xf32, #tpu.memory_space<vmem_shared>>)
      tpu.yield
    }) : () -> ()
    %dma_wait3A_88 = arith.constant 0 : i32
    %dma_wait3A_89 = arith.constant 39 : i32
    %dma_wait3A_90 = arith.constant 0 : i32
    %dma_wait3A_91 = tpu.memref_slice %arg5[%dma_wait3A_88, %dma_wait3A_89, %dma_wait3A_90] : memref<2x40x128xi32, #tpu.memory_space<vmem>> -> memref<1x1x128xi32, #tpu.memory_space<vmem>>
    %dma_wait3A_92 = tpu.memref_squeeze %dma_wait3A_91 : memref<1x1x128xi32, #tpu.memory_space<vmem>> -> memref<128xi32, #tpu.memory_space<vmem>>
    %dma_wait3A_93 = arith.constant 0 : i32
    %dma_wait3A_94 = arith.constant 0 : i32
    %dma_wait3A_95 = tpu.memref_slice %arg2[%dma_wait3A_93, %dma_wait3A_94] : memref<10000x128xf32, #tpu.memory_space<hbm>> -> memref<10000x128xf32, #tpu.memory_space<hbm>>
    tpu.wait_indirect_dma semaphore(%arg9 : memref<!tpu.dma_semaphore, #tpu.memory_space<semaphore_mem>>) src(%dma_wait3A_95 : memref<10000x128xf32, #tpu.memory_space<hbm>>) dst(%arg7 : memref<128x128xf32, #tpu.memory_space<vmem>>)
    %run_scoped3A_96 = arith.constant 1 : i32
    %run_scoped3A_97 = arith.constant 39 : i32
    "tpu.region"() ({
      %run_scoped3A_109 = tpu.sem_alloc : memref<!tpu.dma_semaphore, #tpu.memory_space<semaphore_mem>>
      %dma_start3A_110 = arith.constant 0 : i32
      %dma_start3A_111 = tpu.memref_slice %arg5[%run_scoped3A_96, %run_scoped3A_97, %dma_start3A_110] : memref<2x40x128xi32, #tpu.memory_space<vmem>> -> memref<1x1x128xi32, #tpu.memory_space<vmem>>
      %dma_start3A_112 = tpu.memref_squeeze %dma_start3A_111 : memref<1x1x128xi32, #tpu.memory_space<vmem>> -> memref<128xi32, #tpu.memory_space<vmem>>
      %dma_start3A_113 = arith.constant 0 : i32
      %dma_start3A_114 = arith.constant 0 : i32
      %dma_start3A_115 = tpu.memref_slice %arg10[%dma_start3A_113, %dma_start3A_114] : memref<10008x128xf32, #tpu.memory_space<vmem_shared>> -> memref<10008x128xf32, #tpu.memory_space<vmem_shared>>
      tpu.enqueue_indirect_dma source(%arg7 : memref<128x128xf32, #tpu.memory_space<vmem>>) target(%dma_start3A_115 : memref<10008x128xf32, #tpu.memory_space<vmem_shared>>) offsets(%dma_start3A_112 : memref<128xi32, #tpu.memory_space<vmem>>) semaphore(%run_scoped3A_109 : memref<!tpu.dma_semaphore, #tpu.memory_space<semaphore_mem>>) {add = true}
      %dma_wait3A_116 = arith.constant 0 : i32
      %dma_wait3A_117 = tpu.memref_slice %arg5[%run_scoped3A_96, %run_scoped3A_97, %dma_wait3A_116] : memref<2x40x128xi32, #tpu.memory_space<vmem>> -> memref<1x1x128xi32, #tpu.memory_space<vmem>>
      %dma_wait3A_118 = tpu.memref_squeeze %dma_wait3A_117 : memref<1x1x128xi32, #tpu.memory_space<vmem>> -> memref<128xi32, #tpu.memory_space<vmem>>
      %dma_wait3A_119 = arith.constant 0 : i32
      %dma_wait3A_120 = arith.constant 0 : i32
      %dma_wait3A_121 = tpu.memref_slice %arg10[%dma_wait3A_119, %dma_wait3A_120] : memref<10008x128xf32, #tpu.memory_space<vmem_shared>> -> memref<10008x128xf32, #tpu.memory_space<vmem_shared>>
      tpu.wait_indirect_dma semaphore(%run_scoped3A_109 : memref<!tpu.dma_semaphore, #tpu.memory_space<semaphore_mem>>) src(%arg7 : memref<128x128xf32, #tpu.memory_space<vmem>>) dst(%dma_wait3A_121 : memref<10008x128xf32, #tpu.memory_space<vmem_shared>>)
      tpu.yield
    }) : () -> ()
    %barrier3A_98 = arith.constant 0 : index
    tpu.barrier barrier_id(%barrier3A_98)
    %scan3A_99 = arith.constant 0 : i32
    %scan3A_100 = arith.constant 5 : i32
    %scan3A_101 = arith.addi %scan3A_99, %scan3A_100 : i32
    %scan3A_102 = arith.constant 1 : i32
    scf.for %scan3A_109 = %scan3A_99 to %scan3A_101 step %scan3A_102  : i32 {
      %mul3A_110 = arith.constant 1 : i32
      %mul3A_111 = arith.muli %scan3A_109, %mul3A_110 : i32
      %add3A_112 = arith.constant 0 : i32
      %add3A_113 = arith.addi %add3A_112, %mul3A_111 : i32
      %mul3A_114 = arith.constant 16 : i32
      %mul3A_115 = arith.muli %mul3A_114, %add3A_113 : i32
      %add3A_116 = arith.addi %arg1, %mul3A_115 : i32
      %lt3A = arith.constant 78 : i32
      %lt3A_117 = arith.cmpi slt, %add3A_116, %lt3A : i32
      %convert_element_type3A_118 = arith.extui %lt3A_117 : i1 to i32
      %cond3A_119 = arith.constant 0 : i32
      %cond3A_120 = arith.cmpi ne, %convert_element_type3A_118, %cond3A_119 : i32
      scf.if %cond3A_120 {
        %mul3A_121 = arith.constant 128 : i32
        %mul3A_122 = arith.muli %add3A_116, %mul3A_121 : i32
        %mul3A_123 = arith.constant 128 : i32
        %mul3A_124 = arith.muli %add3A_116, %mul3A_123 : i32
        "tpu.region"() ({
          %run_scoped3A_125 = tpu.sem_alloc : memref<!tpu.dma_semaphore, #tpu.memory_space<semaphore_mem>>
          %dma_start3A_126 = arith.constant 0 : i32
          %dma_start3A_127 = tpu.memref_slice %arg4[%arg0, %mul3A_124, %dma_start3A_126] : memref<2x10000x128xf32, #tpu.memory_space<hbm>> -> memref<1x128x128xf32, #tpu.memory_space<hbm>>
          %dma_start3A_128 = tpu.memref_squeeze %dma_start3A_127 : memref<1x128x128xf32, #tpu.memory_space<hbm>> -> memref<128x128xf32, #tpu.memory_space<hbm>>
          %dma_start3A_129 = arith.constant 0 : i32
          %dma_start3A_130 = tpu.memref_slice %arg10[%mul3A_122, %dma_start3A_129] : memref<10008x128xf32, #tpu.memory_space<vmem_shared>> -> memref<128x128xf32, #tpu.memory_space<vmem_shared>>
          tpu.enqueue_dma source(%dma_start3A_130 : memref<128x128xf32, #tpu.memory_space<vmem_shared>>) target(%dma_start3A_128 : memref<128x128xf32, #tpu.memory_space<hbm>>) target_semaphore(%run_scoped3A_125 : memref<!tpu.dma_semaphore, #tpu.memory_space<semaphore_mem>>)
          %dma_wait3A_131 = arith.constant 0 : i32
          %dma_wait3A_132 = tpu.memref_slice %arg4[%arg0, %mul3A_124, %dma_wait3A_131] : memref<2x10000x128xf32, #tpu.memory_space<hbm>> -> memref<1x128x128xf32, #tpu.memory_space<hbm>>
          %dma_wait3A_133 = tpu.memref_squeeze %dma_wait3A_132 : memref<1x128x128xf32, #tpu.memory_space<hbm>> -> memref<128x128xf32, #tpu.memory_space<hbm>>
          %dma_wait3A_134 = arith.constant 0 : i32
          %dma_wait3A_135 = tpu.memref_slice %arg10[%mul3A_122, %dma_wait3A_134] : memref<10008x128xf32, #tpu.memory_space<vmem_shared>> -> memref<128x128xf32, #tpu.memory_space<vmem_shared>>
          tpu.wait_dma2 semaphore(%run_scoped3A_125 : memref<!tpu.dma_semaphore, #tpu.memory_space<semaphore_mem>>) src(%dma_wait3A_135 : memref<128x128xf32, #tpu.memory_space<vmem_shared>>) dst(%dma_wait3A_133 : memref<128x128xf32, #tpu.memory_space<hbm>>)
          tpu.yield
        }) : () -> ()
      } else {
      }
    }
    %scan3A_103 = arith.constant 5 : i32
    %eq3A_104 = arith.constant 0 : i32
    %eq3A_105 = arith.cmpi eq, %arg1, %eq3A_104 : i32
    %convert_element_type3A_106 = arith.extui %eq3A_105 : i1 to i32
    %cond3A_107 = arith.constant 0 : i32
    %cond3A_108 = arith.cmpi ne, %convert_element_type3A_106, %cond3A_107 : i32
    scf.if %cond3A_108 {
      "tpu.region"() ({
        %run_scoped3A_109 = tpu.sem_alloc : memref<!tpu.dma_semaphore, #tpu.memory_space<semaphore_mem>>
        %dma_start3A_110 = arith.constant 9984 : i32
        %dma_start3A_111 = arith.constant 0 : i32
        %dma_start3A_112 = tpu.memref_slice %arg4[%arg0, %dma_start3A_110, %dma_start3A_111] : memref<2x10000x128xf32, #tpu.memory_space<hbm>> -> memref<1x16x128xf32, #tpu.memory_space<hbm>>
        %dma_start3A_113 = tpu.memref_squeeze %dma_start3A_112 : memref<1x16x128xf32, #tpu.memory_space<hbm>> -> memref<16x128xf32, #tpu.memory_space<hbm>>
        %dma_start3A_114 = arith.constant 9984 : i32
        %dma_start3A_115 = arith.constant 0 : i32
        %dma_start3A_116 = tpu.memref_slice %arg10[%dma_start3A_114, %dma_start3A_115] : memref<10008x128xf32, #tpu.memory_space<vmem_shared>> -> memref<16x128xf32, #tpu.memory_space<vmem_shared>>
        tpu.enqueue_dma source(%dma_start3A_116 : memref<16x128xf32, #tpu.memory_space<vmem_shared>>) target(%dma_start3A_113 : memref<16x128xf32, #tpu.memory_space<hbm>>) target_semaphore(%run_scoped3A_109 : memref<!tpu.dma_semaphore, #tpu.memory_space<semaphore_mem>>)
        %dma_wait3A_117 = arith.constant 9984 : i32
        %dma_wait3A_118 = arith.constant 0 : i32
        %dma_wait3A_119 = tpu.memref_slice %arg4[%arg0, %dma_wait3A_117, %dma_wait3A_118] : memref<2x10000x128xf32, #tpu.memory_space<hbm>> -> memref<1x16x128xf32, #tpu.memory_space<hbm>>
        %dma_wait3A_120 = tpu.memref_squeeze %dma_wait3A_119 : memref<1x16x128xf32, #tpu.memory_space<hbm>> -> memref<16x128xf32, #tpu.memory_space<hbm>>
        %dma_wait3A_121 = arith.constant 9984 : i32
        %dma_wait3A_122 = arith.constant 0 : i32
        %dma_wait3A_123 = tpu.memref_slice %arg10[%dma_wait3A_121, %dma_wait3A_122] : memref<10008x128xf32, #tpu.memory_space<vmem_shared>> -> memref<16x128xf32, #tpu.memory_space<vmem_shared>>
        tpu.wait_dma2 semaphore(%run_scoped3A_109 : memref<!tpu.dma_semaphore, #tpu.memory_space<semaphore_mem>>) src(%dma_wait3A_123 : memref<16x128xf32, #tpu.memory_space<vmem_shared>>) dst(%dma_wait3A_120 : memref<16x128xf32, #tpu.memory_space<hbm>>)
        tpu.yield
      }) : () -> ()
    } else {
    }
    return
  }
}

#map = affine_map<(d0, d1) -> (0, 0, 0)>
module attributes {stable_mosaic.version = 14 : i64} {
  func.func @sc_degree(%arg0: i32, %arg1: i32, %arg2: memref<2x2560x128xi32, #tpu.memory_space<hbm>>, %arg3: memref<2x10000x128xf32, #tpu.memory_space<hbm>>, %arg4: memref<40x128xi32, #tpu.memory_space<vmem>>, %arg5: memref<128x128xf32, #tpu.memory_space<vmem>>, %arg6: memref<!tpu.dma_semaphore, #tpu.memory_space<semaphore_mem>>, %arg7: memref<!tpu.dma_semaphore, #tpu.memory_space<semaphore_mem>>, %arg8: memref<10008x128xf32, #tpu.memory_space<vmem_shared>>) attributes {dimension_semantics = [#tpu.dimension_semantics<core_parallel>, #tpu.dimension_semantics<subcore_parallel>], iteration_bounds = array<i64: 2, 16>, scalar_prefetch = 0 : i64, scratch_operands = 5 : i64, tpu.core_type = #tpu.core_type<sc_vector_subcore>, window_params = [{transform_indices = #map}, {transform_indices = #map}]} {
    %mul3A = arith.constant 2 : i32
    %mul3A_0 = arith.muli %arg1, %mul3A : i32
    %add3A = arith.addi %mul3A_0, %arg0 : i32
    %broadcast_in_dim3A = arith.constant 0.000000e+00 : f32
    %broadcast_in_dim3A_1 = vector.broadcast %broadcast_in_dim3A : f32 to vector<16xf32>
    %scan3A = arith.constant 0 : i32
    %scan3A_2 = arith.constant 128 : i32
    %scan3A_3 = arith.addi %scan3A, %scan3A_2 : i32
    %scan3A_4 = arith.constant 1 : i32
    scf.for %scan3A_102 = %scan3A to %scan3A_3 step %scan3A_4  : i32 {
      %mul3A_103 = arith.constant 1 : i32
      %mul3A_104 = arith.muli %scan3A_102, %mul3A_103 : i32
      %add3A_105 = arith.constant 0 : i32
      %add3A_106 = arith.addi %add3A_105, %mul3A_104 : i32
      %scan3A_107 = arith.constant 0 : i32
      %scan3A_108 = arith.constant 8 : i32
      %scan3A_109 = arith.addi %scan3A_107, %scan3A_108 : i32
      %scan3A_110 = arith.constant 1 : i32
      scf.for %scan3A_112 = %scan3A_107 to %scan3A_109 step %scan3A_110  : i32 {
        %mul3A_113 = arith.constant 1 : i32
        %mul3A_114 = arith.muli %scan3A_112, %mul3A_113 : i32
        %add3A_115 = arith.constant 0 : i32
        %add3A_116 = arith.addi %add3A_115, %mul3A_114 : i32
        %mul3A_117 = arith.constant 16 : i32
        %mul3A_118 = arith.muli %add3A_116, %mul3A_117 : i32
        %swap3A = arith.index_cast %add3A_106 : i32 to index
        %swap3A_119 = arith.index_cast %mul3A_118 : i32 to index
        %swap3A_120 = tpu.vector_load %arg5[%swap3A, %swap3A_119] {strides = array<i32>} : memref<128x128xf32, #tpu.memory_space<vmem>>, vector<1x16xf32>,
        %swap3A_121 = vector.shape_cast %swap3A_120 : vector<1x16xf32> to vector<16xf32>
        %swap3A_122 = vector.shape_cast %broadcast_in_dim3A_1 : vector<16xf32> to vector<1x16xf32>
        tpu.vector_store %arg5[%swap3A, %swap3A_119], %swap3A_122 {strides = array<i32>} : memref<128x128xf32, #tpu.memory_space<vmem>>, vector<1x16xf32>,
      }
      %scan3A_111 = arith.constant 8 : i32
    }
    %scan3A_5 = arith.constant 128 : i32
    %scan3A_6 = arith.constant 0 : i32
    %scan3A_7 = arith.constant 5 : i32
    %scan3A_8 = arith.addi %scan3A_6, %scan3A_7 : i32
    %scan3A_9 = arith.constant 1 : i32
    scf.for %scan3A_102 = %scan3A_6 to %scan3A_8 step %scan3A_9  : i32 {
      %mul3A_103 = arith.constant 1 : i32
      %mul3A_104 = arith.muli %scan3A_102, %mul3A_103 : i32
      %add3A_105 = arith.constant 0 : i32
      %add3A_106 = arith.addi %add3A_105, %mul3A_104 : i32
      %mul3A_107 = arith.constant 16 : i32
      %mul3A_108 = arith.muli %mul3A_107, %add3A_106 : i32
      %add3A_109 = arith.addi %arg1, %mul3A_108 : i32
      %lt3A = arith.constant 78 : i32
      %lt3A_110 = arith.cmpi slt, %add3A_109, %lt3A : i32
      %convert_element_type3A_111 = arith.extui %lt3A_110 : i1 to i32
      %cond3A_112 = arith.constant 0 : i32
      %cond3A_113 = arith.cmpi ne, %convert_element_type3A_111, %cond3A_112 : i32
      scf.if %cond3A_113 {
        %mul3A_114 = arith.constant 128 : i32
        %mul3A_115 = arith.muli %add3A_109, %mul3A_114 : i32
        "tpu.region"() ({
          %run_scoped3A_116 = tpu.sem_alloc : memref<!tpu.dma_semaphore, #tpu.memory_space<semaphore_mem>>
          %dma_start3A_117 = arith.constant 0 : i32
          %dma_start3A_118 = tpu.memref_slice %arg8[%mul3A_115, %dma_start3A_117] : memref<10008x128xf32, #tpu.memory_space<vmem_shared>> -> memref<128x128xf32, #tpu.memory_space<vmem_shared>>
          %dma_start3A_119 = arith.constant 0 : i32
          %dma_start3A_120 = tpu.memref_slice %arg8[%mul3A_115, %dma_start3A_119] : memref<10008x128xf32, #tpu.memory_space<vmem_shared>> -> memref<128x128xf32, #tpu.memory_space<vmem_shared>>
          tpu.enqueue_dma source(%arg5 : memref<128x128xf32, #tpu.memory_space<vmem>>) target(%dma_start3A_120 : memref<128x128xf32, #tpu.memory_space<vmem_shared>>) target_semaphore(%run_scoped3A_116 : memref<!tpu.dma_semaphore, #tpu.memory_space<semaphore_mem>>)
          %dma_wait3A_121 = arith.constant 0 : i32
          %dma_wait3A_122 = tpu.memref_slice %arg8[%mul3A_115, %dma_wait3A_121] : memref<10008x128xf32, #tpu.memory_space<vmem_shared>> -> memref<128x128xf32, #tpu.memory_space<vmem_shared>>
          %dma_wait3A_123 = arith.constant 0 : i32
          %dma_wait3A_124 = tpu.memref_slice %arg8[%mul3A_115, %dma_wait3A_123] : memref<10008x128xf32, #tpu.memory_space<vmem_shared>> -> memref<128x128xf32, #tpu.memory_space<vmem_shared>>
          tpu.wait_dma2 semaphore(%run_scoped3A_116 : memref<!tpu.dma_semaphore, #tpu.memory_space<semaphore_mem>>) src(%arg5 : memref<128x128xf32, #tpu.memory_space<vmem>>) dst(%dma_wait3A_124 : memref<128x128xf32, #tpu.memory_space<vmem_shared>>)
          tpu.yield
        }) : () -> ()
      } else {
      }
    }
    %scan3A_10 = arith.constant 5 : i32
    %eq3A = arith.constant 0 : i32
    %eq3A_11 = arith.cmpi eq, %arg1, %eq3A : i32
    %convert_element_type3A = arith.extui %eq3A_11 : i1 to i32
    %cond3A = arith.constant 0 : i32
    %cond3A_12 = arith.cmpi ne, %convert_element_type3A, %cond3A : i32
    scf.if %cond3A_12 {
      "tpu.region"() ({
        %run_scoped3A_102 = tpu.sem_alloc : memref<!tpu.dma_semaphore, #tpu.memory_space<semaphore_mem>>
        %dma_start3A_103 = arith.constant 0 : i32
        %dma_start3A_104 = arith.constant 0 : i32
        %dma_start3A_105 = tpu.memref_slice %arg5[%dma_start3A_103, %dma_start3A_104] : memref<128x128xf32, #tpu.memory_space<vmem>> -> memref<24x128xf32, #tpu.memory_space<vmem>>
        %dma_start3A_106 = arith.constant 9984 : i32
        %dma_start3A_107 = arith.constant 0 : i32
        %dma_start3A_108 = tpu.memref_slice %arg8[%dma_start3A_106, %dma_start3A_107] : memref<10008x128xf32, #tpu.memory_space<vmem_shared>> -> memref<24x128xf32, #tpu.memory_space<vmem_shared>>
        %dma_start3A_109 = arith.constant 9984 : i32
        %dma_start3A_110 = arith.constant 0 : i32
        %dma_start3A_111 = tpu.memref_slice %arg8[%dma_start3A_109, %dma_start3A_110] : memref<10008x128xf32, #tpu.memory_space<vmem_shared>> -> memref<24x128xf32, #tpu.memory_space<vmem_shared>>
        %dma_start3A_112 = arith.constant 0 : i32
        %dma_start3A_113 = arith.constant 0 : i32
        %dma_start3A_114 = tpu.memref_slice %arg5[%dma_start3A_112, %dma_start3A_113] : memref<128x128xf32, #tpu.memory_space<vmem>> -> memref<24x128xf32, #tpu.memory_space<vmem>>
        tpu.enqueue_dma source(%dma_start3A_114 : memref<24x128xf32, #tpu.memory_space<vmem>>) target(%dma_start3A_111 : memref<24x128xf32, #tpu.memory_space<vmem_shared>>) target_semaphore(%run_scoped3A_102 : memref<!tpu.dma_semaphore, #tpu.memory_space<semaphore_mem>>)
        %dma_wait3A_115 = arith.constant 0 : i32
        %dma_wait3A_116 = arith.constant 0 : i32
        %dma_wait3A_117 = tpu.memref_slice %arg5[%dma_wait3A_115, %dma_wait3A_116] : memref<128x128xf32, #tpu.memory_space<vmem>> -> memref<24x128xf32, #tpu.memory_space<vmem>>
        %dma_wait3A_118 = arith.constant 9984 : i32
        %dma_wait3A_119 = arith.constant 0 : i32
        %dma_wait3A_120 = tpu.memref_slice %arg8[%dma_wait3A_118, %dma_wait3A_119] : memref<10008x128xf32, #tpu.memory_space<vmem_shared>> -> memref<24x128xf32, #tpu.memory_space<vmem_shared>>
        %dma_wait3A_121 = arith.constant 9984 : i32
        %dma_wait3A_122 = arith.constant 0 : i32
        %dma_wait3A_123 = tpu.memref_slice %arg8[%dma_wait3A_121, %dma_wait3A_122] : memref<10008x128xf32, #tpu.memory_space<vmem_shared>> -> memref<24x128xf32, #tpu.memory_space<vmem_shared>>
        %dma_wait3A_124 = arith.constant 0 : i32
        %dma_wait3A_125 = arith.constant 0 : i32
        %dma_wait3A_126 = tpu.memref_slice %arg5[%dma_wait3A_124, %dma_wait3A_125] : memref<128x128xf32, #tpu.memory_space<vmem>> -> memref<24x128xf32, #tpu.memory_space<vmem>>
        tpu.wait_dma2 semaphore(%run_scoped3A_102 : memref<!tpu.dma_semaphore, #tpu.memory_space<semaphore_mem>>) src(%dma_wait3A_126 : memref<24x128xf32, #tpu.memory_space<vmem>>) dst(%dma_wait3A_123 : memref<24x128xf32, #tpu.memory_space<vmem_shared>>)
        tpu.yield
      }) : () -> ()
    } else {
    }
    %barrier3A = arith.constant 0 : index
    tpu.barrier barrier_id(%barrier3A)
    %broadcast_in_dim3A_13 = arith.constant 1.000000e+00 : f32
    %broadcast_in_dim3A_14 = vector.broadcast %broadcast_in_dim3A_13 : f32 to vector<16xf32>
    %scan3A_15 = arith.constant 0 : i32
    %scan3A_16 = arith.constant 128 : i32
    %scan3A_17 = arith.addi %scan3A_15, %scan3A_16 : i32
    %scan3A_18 = arith.constant 1 : i32
    scf.for %scan3A_102 = %scan3A_15 to %scan3A_17 step %scan3A_18  : i32 {
      %mul3A_103 = arith.constant 1 : i32
      %mul3A_104 = arith.muli %scan3A_102, %mul3A_103 : i32
      %add3A_105 = arith.constant 0 : i32
      %add3A_106 = arith.addi %add3A_105, %mul3A_104 : i32
      %scan3A_107 = arith.constant 0 : i32
      %scan3A_108 = arith.constant 8 : i32
      %scan3A_109 = arith.addi %scan3A_107, %scan3A_108 : i32
      %scan3A_110 = arith.constant 1 : i32
      scf.for %scan3A_112 = %scan3A_107 to %scan3A_109 step %scan3A_110  : i32 {
        %mul3A_113 = arith.constant 1 : i32
        %mul3A_114 = arith.muli %scan3A_112, %mul3A_113 : i32
        %add3A_115 = arith.constant 0 : i32
        %add3A_116 = arith.addi %add3A_115, %mul3A_114 : i32
        %mul3A_117 = arith.constant 16 : i32
        %mul3A_118 = arith.muli %add3A_116, %mul3A_117 : i32
        %swap3A = arith.index_cast %add3A_106 : i32 to index
        %swap3A_119 = arith.index_cast %mul3A_118 : i32 to index
        %swap3A_120 = tpu.vector_load %arg5[%swap3A, %swap3A_119] {strides = array<i32>} : memref<128x128xf32, #tpu.memory_space<vmem>>, vector<1x16xf32>,
        %swap3A_121 = vector.shape_cast %swap3A_120 : vector<1x16xf32> to vector<16xf32>
        %swap3A_122 = vector.shape_cast %broadcast_in_dim3A_14 : vector<16xf32> to vector<1x16xf32>
        tpu.vector_store %arg5[%swap3A, %swap3A_119], %swap3A_122 {strides = array<i32>} : memref<128x128xf32, #tpu.memory_space<vmem>>, vector<1x16xf32>,
      }
      %scan3A_111 = arith.constant 8 : i32
    }
    %scan3A_19 = arith.constant 128 : i32
    %mul3A_20 = arith.constant 80 : i32
    %mul3A_21 = arith.muli %add3A, %mul3A_20 : i32
    %add3A_22 = arith.constant 0 : i32
    %add3A_23 = arith.addi %mul3A_21, %add3A_22 : i32
    %run_scoped3A = arith.constant 1 : i32
    "tpu.region"() ({
      %run_scoped3A_102 = tpu.sem_alloc : memref<!tpu.dma_semaphore, #tpu.memory_space<semaphore_mem>>
      %dma_start3A_103 = arith.constant 0 : i32
      %dma_start3A_104 = tpu.memref_slice %arg2[%run_scoped3A, %add3A_23, %dma_start3A_103] : memref<2x2560x128xi32, #tpu.memory_space<hbm>> -> memref<1x40x128xi32, #tpu.memory_space<hbm>>
      %dma_start3A_105 = tpu.memref_squeeze %dma_start3A_104 : memref<1x40x128xi32, #tpu.memory_space<hbm>> -> memref<40x128xi32, #tpu.memory_space<hbm>>
      %dma_start3A_106 = arith.constant 0 : i32
      %dma_start3A_107 = tpu.memref_slice %arg2[%run_scoped3A, %add3A_23, %dma_start3A_106] : memref<2x2560x128xi32, #tpu.memory_space<hbm>> -> memref<1x40x128xi32, #tpu.memory_space<hbm>>
      %dma_start3A_108 = tpu.memref_squeeze %dma_start3A_107 : memref<1x40x128xi32, #tpu.memory_space<hbm>> -> memref<40x128xi32, #tpu.memory_space<hbm>>
      tpu.enqueue_dma source(%dma_start3A_108 : memref<40x128xi32, #tpu.memory_space<hbm>>) target(%arg4 : memref<40x128xi32, #tpu.memory_space<vmem>>) target_semaphore(%run_scoped3A_102 : memref<!tpu.dma_semaphore, #tpu.memory_space<semaphore_mem>>)
      %dma_wait3A_109 = arith.constant 0 : i32
      %dma_wait3A_110 = tpu.memref_slice %arg2[%run_scoped3A, %add3A_23, %dma_wait3A_109] : memref<2x2560x128xi32, #tpu.memory_space<hbm>> -> memref<1x40x128xi32, #tpu.memory_space<hbm>>
      %dma_wait3A_111 = tpu.memref_squeeze %dma_wait3A_110 : memref<1x40x128xi32, #tpu.memory_space<hbm>> -> memref<40x128xi32, #tpu.memory_space<hbm>>
      %dma_wait3A_112 = arith.constant 0 : i32
      %dma_wait3A_113 = tpu.memref_slice %arg2[%run_scoped3A, %add3A_23, %dma_wait3A_112] : memref<2x2560x128xi32, #tpu.memory_space<hbm>> -> memref<1x40x128xi32, #tpu.memory_space<hbm>>
      %dma_wait3A_114 = tpu.memref_squeeze %dma_wait3A_113 : memref<1x40x128xi32, #tpu.memory_space<hbm>> -> memref<40x128xi32, #tpu.memory_space<hbm>>
      tpu.wait_dma2 semaphore(%run_scoped3A_102 : memref<!tpu.dma_semaphore, #tpu.memory_space<semaphore_mem>>) src(%dma_wait3A_114 : memref<40x128xi32, #tpu.memory_space<hbm>>) dst(%arg4 : memref<40x128xi32, #tpu.memory_space<vmem>>)
      tpu.yield
    }) : () -> ()
    %dma_start3A = arith.constant 0 : i32
    %dma_start3A_24 = arith.constant 0 : i32
    %dma_start3A_25 = tpu.memref_slice %arg4[%dma_start3A, %dma_start3A_24] : memref<40x128xi32, #tpu.memory_space<vmem>> -> memref<1x128xi32, #tpu.memory_space<vmem>>
    %dma_start3A_26 = tpu.memref_squeeze %dma_start3A_25 : memref<1x128xi32, #tpu.memory_space<vmem>> -> memref<128xi32, #tpu.memory_space<vmem>>
    %dma_start3A_27 = arith.constant 0 : i32
    %dma_start3A_28 = arith.constant 0 : i32
    %dma_start3A_29 = tpu.memref_slice %arg8[%dma_start3A_27, %dma_start3A_28] : memref<10008x128xf32, #tpu.memory_space<vmem_shared>> -> memref<10008x128xf32, #tpu.memory_space<vmem_shared>>
    tpu.enqueue_indirect_dma source(%arg5 : memref<128x128xf32, #tpu.memory_space<vmem>>) target(%dma_start3A_29 : memref<10008x128xf32, #tpu.memory_space<vmem_shared>>) offsets(%dma_start3A_26 : memref<128xi32, #tpu.memory_space<vmem>>) semaphore(%arg6 : memref<!tpu.dma_semaphore, #tpu.memory_space<semaphore_mem>>) {add = true}
    %dma_start3A_30 = arith.constant 1 : i32
    %dma_start3A_31 = arith.constant 0 : i32
    %dma_start3A_32 = tpu.memref_slice %arg4[%dma_start3A_30, %dma_start3A_31] : memref<40x128xi32, #tpu.memory_space<vmem>> -> memref<1x128xi32, #tpu.memory_space<vmem>>
    %dma_start3A_33 = tpu.memref_squeeze %dma_start3A_32 : memref<1x128xi32, #tpu.memory_space<vmem>> -> memref<128xi32, #tpu.memory_space<vmem>>
    %dma_start3A_34 = arith.constant 0 : i32
    %dma_start3A_35 = arith.constant 0 : i32
    %dma_start3A_36 = tpu.memref_slice %arg8[%dma_start3A_34, %dma_start3A_35] : memref<10008x128xf32, #tpu.memory_space<vmem_shared>> -> memref<10008x128xf32, #tpu.memory_space<vmem_shared>>
    tpu.enqueue_indirect_dma source(%arg5 : memref<128x128xf32, #tpu.memory_space<vmem>>) target(%dma_start3A_36 : memref<10008x128xf32, #tpu.memory_space<vmem_shared>>) offsets(%dma_start3A_33 : memref<128xi32, #tpu.memory_space<vmem>>) semaphore(%arg7 : memref<!tpu.dma_semaphore, #tpu.memory_space<semaphore_mem>>) {add = true}
    %scan3A_37 = arith.constant 0 : i32
    %scan3A_38 = arith.constant 19 : i32
    %scan3A_39 = arith.addi %scan3A_37, %scan3A_38 : i32
    %scan3A_40 = arith.constant 1 : i32
    scf.for %scan3A_102 = %scan3A_37 to %scan3A_39 step %scan3A_40  : i32 {
      %mul3A_103 = arith.constant 1 : i32
      %mul3A_104 = arith.muli %scan3A_102, %mul3A_103 : i32
      %add3A_105 = arith.constant 0 : i32
      %add3A_106 = arith.addi %add3A_105, %mul3A_104 : i32
      %mul3A_107 = arith.constant 2 : i32
      %mul3A_108 = arith.muli %mul3A_107, %add3A_106 : i32
      %dma_wait3A_109 = arith.constant 0 : i32
      %dma_wait3A_110 = tpu.memref_slice %arg4[%mul3A_108, %dma_wait3A_109] : memref<40x128xi32, #tpu.memory_space<vmem>> -> memref<1x128xi32, #tpu.memory_space<vmem>>
      %dma_wait3A_111 = tpu.memref_squeeze %dma_wait3A_110 : memref<1x128xi32, #tpu.memory_space<vmem>> -> memref<128xi32, #tpu.memory_space<vmem>>
      %dma_wait3A_112 = arith.constant 0 : i32
      %dma_wait3A_113 = arith.constant 0 : i32
      %dma_wait3A_114 = tpu.memref_slice %arg8[%dma_wait3A_112, %dma_wait3A_113] : memref<10008x128xf32, #tpu.memory_space<vmem_shared>> -> memref<10008x128xf32, #tpu.memory_space<vmem_shared>>
      tpu.wait_indirect_dma semaphore(%arg6 : memref<!tpu.dma_semaphore, #tpu.memory_space<semaphore_mem>>) src(%arg5 : memref<128x128xf32, #tpu.memory_space<vmem>>) dst(%dma_wait3A_114 : memref<10008x128xf32, #tpu.memory_space<vmem_shared>>)
      %add3A_115 = arith.constant 2 : i32
      %add3A_116 = arith.addi %mul3A_108, %add3A_115 : i32
      %dma_start3A_117 = arith.constant 0 : i32
      %dma_start3A_118 = tpu.memref_slice %arg4[%add3A_116, %dma_start3A_117] : memref<40x128xi32, #tpu.memory_space<vmem>> -> memref<1x128xi32, #tpu.memory_space<vmem>>
      %dma_start3A_119 = tpu.memref_squeeze %dma_start3A_118 : memref<1x128xi32, #tpu.memory_space<vmem>> -> memref<128xi32, #tpu.memory_space<vmem>>
      %dma_start3A_120 = arith.constant 0 : i32
      %dma_start3A_121 = arith.constant 0 : i32
      %dma_start3A_122 = tpu.memref_slice %arg8[%dma_start3A_120, %dma_start3A_121] : memref<10008x128xf32, #tpu.memory_space<vmem_shared>> -> memref<10008x128xf32, #tpu.memory_space<vmem_shared>>
      tpu.enqueue_indirect_dma source(%arg5 : memref<128x128xf32, #tpu.memory_space<vmem>>) target(%dma_start3A_122 : memref<10008x128xf32, #tpu.memory_space<vmem_shared>>) offsets(%dma_start3A_119 : memref<128xi32, #tpu.memory_space<vmem>>) semaphore(%arg6 : memref<!tpu.dma_semaphore, #tpu.memory_space<semaphore_mem>>) {add = true}
      %add3A_123 = arith.constant 1 : i32
      %add3A_124 = arith.addi %mul3A_108, %add3A_123 : i32
      %dma_wait3A_125 = arith.constant 0 : i32
      %dma_wait3A_126 = tpu.memref_slice %arg4[%add3A_124, %dma_wait3A_125] : memref<40x128xi32, #tpu.memory_space<vmem>> -> memref<1x128xi32, #tpu.memory_space<vmem>>
      %dma_wait3A_127 = tpu.memref_squeeze %dma_wait3A_126 : memref<1x128xi32, #tpu.memory_space<vmem>> -> memref<128xi32, #tpu.memory_space<vmem>>
      %dma_wait3A_128 = arith.constant 0 : i32
      %dma_wait3A_129 = arith.constant 0 : i32
      %dma_wait3A_130 = tpu.memref_slice %arg8[%dma_wait3A_128, %dma_wait3A_129] : memref<10008x128xf32, #tpu.memory_space<vmem_shared>> -> memref<10008x128xf32, #tpu.memory_space<vmem_shared>>
      tpu.wait_indirect_dma semaphore(%arg7 : memref<!tpu.dma_semaphore, #tpu.memory_space<semaphore_mem>>) src(%arg5 : memref<128x128xf32, #tpu.memory_space<vmem>>) dst(%dma_wait3A_130 : memref<10008x128xf32, #tpu.memory_space<vmem_shared>>)
      %add3A_131 = arith.constant 3 : i32
      %add3A_132 = arith.addi %mul3A_108, %add3A_131 : i32
      %dma_start3A_133 = arith.constant 0 : i32
      %dma_start3A_134 = tpu.memref_slice %arg4[%add3A_132, %dma_start3A_133] : memref<40x128xi32, #tpu.memory_space<vmem>> -> memref<1x128xi32, #tpu.memory_space<vmem>>
      %dma_start3A_135 = tpu.memref_squeeze %dma_start3A_134 : memref<1x128xi32, #tpu.memory_space<vmem>> -> memref<128xi32, #tpu.memory_space<vmem>>
      %dma_start3A_136 = arith.constant 0 : i32
      %dma_start3A_137 = arith.constant 0 : i32
      %dma_start3A_138 = tpu.memref_slice %arg8[%dma_start3A_136, %dma_start3A_137] : memref<10008x128xf32, #tpu.memory_space<vmem_shared>> -> memref<10008x128xf32, #tpu.memory_space<vmem_shared>>
      tpu.enqueue_indirect_dma source(%arg5 : memref<128x128xf32, #tpu.memory_space<vmem>>) target(%dma_start3A_138 : memref<10008x128xf32, #tpu.memory_space<vmem_shared>>) offsets(%dma_start3A_135 : memref<128xi32, #tpu.memory_space<vmem>>) semaphore(%arg7 : memref<!tpu.dma_semaphore, #tpu.memory_space<semaphore_mem>>) {add = true}
    }
    %scan3A_41 = arith.constant 19 : i32
    %dma_wait3A = arith.constant 38 : i32
    %dma_wait3A_42 = arith.constant 0 : i32
    %dma_wait3A_43 = tpu.memref_slice %arg4[%dma_wait3A, %dma_wait3A_42] : memref<40x128xi32, #tpu.memory_space<vmem>> -> memref<1x128xi32, #tpu.memory_space<vmem>>
    %dma_wait3A_44 = tpu.memref_squeeze %dma_wait3A_43 : memref<1x128xi32, #tpu.memory_space<vmem>> -> memref<128xi32, #tpu.memory_space<vmem>>
    %dma_wait3A_45 = arith.constant 0 : i32
    %dma_wait3A_46 = arith.constant 0 : i32
    %dma_wait3A_47 = tpu.memref_slice %arg8[%dma_wait3A_45, %dma_wait3A_46] : memref<10008x128xf32, #tpu.memory_space<vmem_shared>> -> memref<10008x128xf32, #tpu.memory_space<vmem_shared>>
    tpu.wait_indirect_dma semaphore(%arg6 : memref<!tpu.dma_semaphore, #tpu.memory_space<semaphore_mem>>) src(%arg5 : memref<128x128xf32, #tpu.memory_space<vmem>>) dst(%dma_wait3A_47 : memref<10008x128xf32, #tpu.memory_space<vmem_shared>>)
    %dma_wait3A_48 = arith.constant 39 : i32
    %dma_wait3A_49 = arith.constant 0 : i32
    %dma_wait3A_50 = tpu.memref_slice %arg4[%dma_wait3A_48, %dma_wait3A_49] : memref<40x128xi32, #tpu.memory_space<vmem>> -> memref<1x128xi32, #tpu.memory_space<vmem>>
    %dma_wait3A_51 = tpu.memref_squeeze %dma_wait3A_50 : memref<1x128xi32, #tpu.memory_space<vmem>> -> memref<128xi32, #tpu.memory_space<vmem>>
    %dma_wait3A_52 = arith.constant 0 : i32
    %dma_wait3A_53 = arith.constant 0 : i32
    %dma_wait3A_54 = tpu.memref_slice %arg8[%dma_wait3A_52, %dma_wait3A_53] : memref<10008x128xf32, #tpu.memory_space<vmem_shared>> -> memref<10008x128xf32, #tpu.memory_space<vmem_shared>>
    tpu.wait_indirect_dma semaphore(%arg7 : memref<!tpu.dma_semaphore, #tpu.memory_space<semaphore_mem>>) src(%arg5 : memref<128x128xf32, #tpu.memory_space<vmem>>) dst(%dma_wait3A_54 : memref<10008x128xf32, #tpu.memory_space<vmem_shared>>)
    %add3A_55 = arith.constant 40 : i32
    %add3A_56 = arith.addi %mul3A_21, %add3A_55 : i32
    %run_scoped3A_57 = arith.constant 1 : i32
    "tpu.region"() ({
      %run_scoped3A_102 = tpu.sem_alloc : memref<!tpu.dma_semaphore, #tpu.memory_space<semaphore_mem>>
      %dma_start3A_103 = arith.constant 0 : i32
      %dma_start3A_104 = tpu.memref_slice %arg2[%run_scoped3A_57, %add3A_56, %dma_start3A_103] : memref<2x2560x128xi32, #tpu.memory_space<hbm>> -> memref<1x40x128xi32, #tpu.memory_space<hbm>>
      %dma_start3A_105 = tpu.memref_squeeze %dma_start3A_104 : memref<1x40x128xi32, #tpu.memory_space<hbm>> -> memref<40x128xi32, #tpu.memory_space<hbm>>
      %dma_start3A_106 = arith.constant 0 : i32
      %dma_start3A_107 = tpu.memref_slice %arg2[%run_scoped3A_57, %add3A_56, %dma_start3A_106] : memref<2x2560x128xi32, #tpu.memory_space<hbm>> -> memref<1x40x128xi32, #tpu.memory_space<hbm>>
      %dma_start3A_108 = tpu.memref_squeeze %dma_start3A_107 : memref<1x40x128xi32, #tpu.memory_space<hbm>> -> memref<40x128xi32, #tpu.memory_space<hbm>>
      tpu.enqueue_dma source(%dma_start3A_108 : memref<40x128xi32, #tpu.memory_space<hbm>>) target(%arg4 : memref<40x128xi32, #tpu.memory_space<vmem>>) target_semaphore(%run_scoped3A_102 : memref<!tpu.dma_semaphore, #tpu.memory_space<semaphore_mem>>)
      %dma_wait3A_109 = arith.constant 0 : i32
      %dma_wait3A_110 = tpu.memref_slice %arg2[%run_scoped3A_57, %add3A_56, %dma_wait3A_109] : memref<2x2560x128xi32, #tpu.memory_space<hbm>> -> memref<1x40x128xi32, #tpu.memory_space<hbm>>
      %dma_wait3A_111 = tpu.memref_squeeze %dma_wait3A_110 : memref<1x40x128xi32, #tpu.memory_space<hbm>> -> memref<40x128xi32, #tpu.memory_space<hbm>>
      %dma_wait3A_112 = arith.constant 0 : i32
      %dma_wait3A_113 = tpu.memref_slice %arg2[%run_scoped3A_57, %add3A_56, %dma_wait3A_112] : memref<2x2560x128xi32, #tpu.memory_space<hbm>> -> memref<1x40x128xi32, #tpu.memory_space<hbm>>
      %dma_wait3A_114 = tpu.memref_squeeze %dma_wait3A_113 : memref<1x40x128xi32, #tpu.memory_space<hbm>> -> memref<40x128xi32, #tpu.memory_space<hbm>>
      tpu.wait_dma2 semaphore(%run_scoped3A_102 : memref<!tpu.dma_semaphore, #tpu.memory_space<semaphore_mem>>) src(%dma_wait3A_114 : memref<40x128xi32, #tpu.memory_space<hbm>>) dst(%arg4 : memref<40x128xi32, #tpu.memory_space<vmem>>)
      tpu.yield
    }) : () -> ()
    %dma_start3A_58 = arith.constant 0 : i32
    %dma_start3A_59 = arith.constant 0 : i32
    %dma_start3A_60 = tpu.memref_slice %arg4[%dma_start3A_58, %dma_start3A_59] : memref<40x128xi32, #tpu.memory_space<vmem>> -> memref<1x128xi32, #tpu.memory_space<vmem>>
    %dma_start3A_61 = tpu.memref_squeeze %dma_start3A_60 : memref<1x128xi32, #tpu.memory_space<vmem>> -> memref<128xi32, #tpu.memory_space<vmem>>
    %dma_start3A_62 = arith.constant 0 : i32
    %dma_start3A_63 = arith.constant 0 : i32
    %dma_start3A_64 = tpu.memref_slice %arg8[%dma_start3A_62, %dma_start3A_63] : memref<10008x128xf32, #tpu.memory_space<vmem_shared>> -> memref<10008x128xf32, #tpu.memory_space<vmem_shared>>
    tpu.enqueue_indirect_dma source(%arg5 : memref<128x128xf32, #tpu.memory_space<vmem>>) target(%dma_start3A_64 : memref<10008x128xf32, #tpu.memory_space<vmem_shared>>) offsets(%dma_start3A_61 : memref<128xi32, #tpu.memory_space<vmem>>) semaphore(%arg6 : memref<!tpu.dma_semaphore, #tpu.memory_space<semaphore_mem>>) {add = true}
    %dma_start3A_65 = arith.constant 1 : i32
    %dma_start3A_66 = arith.constant 0 : i32
    %dma_start3A_67 = tpu.memref_slice %arg4[%dma_start3A_65, %dma_start3A_66] : memref<40x128xi32, #tpu.memory_space<vmem>> -> memref<1x128xi32, #tpu.memory_space<vmem>>
    %dma_start3A_68 = tpu.memref_squeeze %dma_start3A_67 : memref<1x128xi32, #tpu.memory_space<vmem>> -> memref<128xi32, #tpu.memory_space<vmem>>
    %dma_start3A_69 = arith.constant 0 : i32
    %dma_start3A_70 = arith.constant 0 : i32
    %dma_start3A_71 = tpu.memref_slice %arg8[%dma_start3A_69, %dma_start3A_70] : memref<10008x128xf32, #tpu.memory_space<vmem_shared>> -> memref<10008x128xf32, #tpu.memory_space<vmem_shared>>
    tpu.enqueue_indirect_dma source(%arg5 : memref<128x128xf32, #tpu.memory_space<vmem>>) target(%dma_start3A_71 : memref<10008x128xf32, #tpu.memory_space<vmem_shared>>) offsets(%dma_start3A_68 : memref<128xi32, #tpu.memory_space<vmem>>) semaphore(%arg7 : memref<!tpu.dma_semaphore, #tpu.memory_space<semaphore_mem>>) {add = true}
    %scan3A_72 = arith.constant 0 : i32
    %scan3A_73 = arith.constant 19 : i32
    %scan3A_74 = arith.addi %scan3A_72, %scan3A_73 : i32
    %scan3A_75 = arith.constant 1 : i32
    scf.for %scan3A_102 = %scan3A_72 to %scan3A_74 step %scan3A_75  : i32 {
      %mul3A_103 = arith.constant 1 : i32
      %mul3A_104 = arith.muli %scan3A_102, %mul3A_103 : i32
      %add3A_105 = arith.constant 0 : i32
      %add3A_106 = arith.addi %add3A_105, %mul3A_104 : i32
      %mul3A_107 = arith.constant 2 : i32
      %mul3A_108 = arith.muli %mul3A_107, %add3A_106 : i32
      %dma_wait3A_109 = arith.constant 0 : i32
      %dma_wait3A_110 = tpu.memref_slice %arg4[%mul3A_108, %dma_wait3A_109] : memref<40x128xi32, #tpu.memory_space<vmem>> -> memref<1x128xi32, #tpu.memory_space<vmem>>
      %dma_wait3A_111 = tpu.memref_squeeze %dma_wait3A_110 : memref<1x128xi32, #tpu.memory_space<vmem>> -> memref<128xi32, #tpu.memory_space<vmem>>
      %dma_wait3A_112 = arith.constant 0 : i32
      %dma_wait3A_113 = arith.constant 0 : i32
      %dma_wait3A_114 = tpu.memref_slice %arg8[%dma_wait3A_112, %dma_wait3A_113] : memref<10008x128xf32, #tpu.memory_space<vmem_shared>> -> memref<10008x128xf32, #tpu.memory_space<vmem_shared>>
      tpu.wait_indirect_dma semaphore(%arg6 : memref<!tpu.dma_semaphore, #tpu.memory_space<semaphore_mem>>) src(%arg5 : memref<128x128xf32, #tpu.memory_space<vmem>>) dst(%dma_wait3A_114 : memref<10008x128xf32, #tpu.memory_space<vmem_shared>>)
      %add3A_115 = arith.constant 2 : i32
      %add3A_116 = arith.addi %mul3A_108, %add3A_115 : i32
      %dma_start3A_117 = arith.constant 0 : i32
      %dma_start3A_118 = tpu.memref_slice %arg4[%add3A_116, %dma_start3A_117] : memref<40x128xi32, #tpu.memory_space<vmem>> -> memref<1x128xi32, #tpu.memory_space<vmem>>
      %dma_start3A_119 = tpu.memref_squeeze %dma_start3A_118 : memref<1x128xi32, #tpu.memory_space<vmem>> -> memref<128xi32, #tpu.memory_space<vmem>>
      %dma_start3A_120 = arith.constant 0 : i32
      %dma_start3A_121 = arith.constant 0 : i32
      %dma_start3A_122 = tpu.memref_slice %arg8[%dma_start3A_120, %dma_start3A_121] : memref<10008x128xf32, #tpu.memory_space<vmem_shared>> -> memref<10008x128xf32, #tpu.memory_space<vmem_shared>>
      tpu.enqueue_indirect_dma source(%arg5 : memref<128x128xf32, #tpu.memory_space<vmem>>) target(%dma_start3A_122 : memref<10008x128xf32, #tpu.memory_space<vmem_shared>>) offsets(%dma_start3A_119 : memref<128xi32, #tpu.memory_space<vmem>>) semaphore(%arg6 : memref<!tpu.dma_semaphore, #tpu.memory_space<semaphore_mem>>) {add = true}
      %add3A_123 = arith.constant 1 : i32
      %add3A_124 = arith.addi %mul3A_108, %add3A_123 : i32
      %dma_wait3A_125 = arith.constant 0 : i32
      %dma_wait3A_126 = tpu.memref_slice %arg4[%add3A_124, %dma_wait3A_125] : memref<40x128xi32, #tpu.memory_space<vmem>> -> memref<1x128xi32, #tpu.memory_space<vmem>>
      %dma_wait3A_127 = tpu.memref_squeeze %dma_wait3A_126 : memref<1x128xi32, #tpu.memory_space<vmem>> -> memref<128xi32, #tpu.memory_space<vmem>>
      %dma_wait3A_128 = arith.constant 0 : i32
      %dma_wait3A_129 = arith.constant 0 : i32
      %dma_wait3A_130 = tpu.memref_slice %arg8[%dma_wait3A_128, %dma_wait3A_129] : memref<10008x128xf32, #tpu.memory_space<vmem_shared>> -> memref<10008x128xf32, #tpu.memory_space<vmem_shared>>
      tpu.wait_indirect_dma semaphore(%arg7 : memref<!tpu.dma_semaphore, #tpu.memory_space<semaphore_mem>>) src(%arg5 : memref<128x128xf32, #tpu.memory_space<vmem>>) dst(%dma_wait3A_130 : memref<10008x128xf32, #tpu.memory_space<vmem_shared>>)
      %add3A_131 = arith.constant 3 : i32
      %add3A_132 = arith.addi %mul3A_108, %add3A_131 : i32
      %dma_start3A_133 = arith.constant 0 : i32
      %dma_start3A_134 = tpu.memref_slice %arg4[%add3A_132, %dma_start3A_133] : memref<40x128xi32, #tpu.memory_space<vmem>> -> memref<1x128xi32, #tpu.memory_space<vmem>>
      %dma_start3A_135 = tpu.memref_squeeze %dma_start3A_134 : memref<1x128xi32, #tpu.memory_space<vmem>> -> memref<128xi32, #tpu.memory_space<vmem>>
      %dma_start3A_136 = arith.constant 0 : i32
      %dma_start3A_137 = arith.constant 0 : i32
      %dma_start3A_138 = tpu.memref_slice %arg8[%dma_start3A_136, %dma_start3A_137] : memref<10008x128xf32, #tpu.memory_space<vmem_shared>> -> memref<10008x128xf32, #tpu.memory_space<vmem_shared>>
      tpu.enqueue_indirect_dma source(%arg5 : memref<128x128xf32, #tpu.memory_space<vmem>>) target(%dma_start3A_138 : memref<10008x128xf32, #tpu.memory_space<vmem_shared>>) offsets(%dma_start3A_135 : memref<128xi32, #tpu.memory_space<vmem>>) semaphore(%arg7 : memref<!tpu.dma_semaphore, #tpu.memory_space<semaphore_mem>>) {add = true}
    }
    %scan3A_76 = arith.constant 19 : i32
    %dma_wait3A_77 = arith.constant 38 : i32
    %dma_wait3A_78 = arith.constant 0 : i32
    %dma_wait3A_79 = tpu.memref_slice %arg4[%dma_wait3A_77, %dma_wait3A_78] : memref<40x128xi32, #tpu.memory_space<vmem>> -> memref<1x128xi32, #tpu.memory_space<vmem>>
    %dma_wait3A_80 = tpu.memref_squeeze %dma_wait3A_79 : memref<1x128xi32, #tpu.memory_space<vmem>> -> memref<128xi32, #tpu.memory_space<vmem>>
    %dma_wait3A_81 = arith.constant 0 : i32
    %dma_wait3A_82 = arith.constant 0 : i32
    %dma_wait3A_83 = tpu.memref_slice %arg8[%dma_wait3A_81, %dma_wait3A_82] : memref<10008x128xf32, #tpu.memory_space<vmem_shared>> -> memref<10008x128xf32, #tpu.memory_space<vmem_shared>>
    tpu.wait_indirect_dma semaphore(%arg6 : memref<!tpu.dma_semaphore, #tpu.memory_space<semaphore_mem>>) src(%arg5 : memref<128x128xf32, #tpu.memory_space<vmem>>) dst(%dma_wait3A_83 : memref<10008x128xf32, #tpu.memory_space<vmem_shared>>)
    %dma_wait3A_84 = arith.constant 39 : i32
    %dma_wait3A_85 = arith.constant 0 : i32
    %dma_wait3A_86 = tpu.memref_slice %arg4[%dma_wait3A_84, %dma_wait3A_85] : memref<40x128xi32, #tpu.memory_space<vmem>> -> memref<1x128xi32, #tpu.memory_space<vmem>>
    %dma_wait3A_87 = tpu.memref_squeeze %dma_wait3A_86 : memref<1x128xi32, #tpu.memory_space<vmem>> -> memref<128xi32, #tpu.memory_space<vmem>>
    %dma_wait3A_88 = arith.constant 0 : i32
    %dma_wait3A_89 = arith.constant 0 : i32
    %dma_wait3A_90 = tpu.memref_slice %arg8[%dma_wait3A_88, %dma_wait3A_89] : memref<10008x128xf32, #tpu.memory_space<vmem_shared>> -> memref<10008x128xf32, #tpu.memory_space<vmem_shared>>
    tpu.wait_indirect_dma semaphore(%arg7 : memref<!tpu.dma_semaphore, #tpu.memory_space<semaphore_mem>>) src(%arg5 : memref<128x128xf32, #tpu.memory_space<vmem>>) dst(%dma_wait3A_90 : memref<10008x128xf32, #tpu.memory_space<vmem_shared>>)
    %barrier3A_91 = arith.constant 0 : index
    tpu.barrier barrier_id(%barrier3A_91)
    %scan3A_92 = arith.constant 0 : i32
    %scan3A_93 = arith.constant 5 : i32
    %scan3A_94 = arith.addi %scan3A_92, %scan3A_93 : i32
    %scan3A_95 = arith.constant 1 : i32
    scf.for %scan3A_102 = %scan3A_92 to %scan3A_94 step %scan3A_95  : i32 {
      %mul3A_103 = arith.constant 1 : i32
      %mul3A_104 = arith.muli %scan3A_102, %mul3A_103 : i32
      %add3A_105 = arith.constant 0 : i32
      %add3A_106 = arith.addi %add3A_105, %mul3A_104 : i32
      %mul3A_107 = arith.constant 16 : i32
      %mul3A_108 = arith.muli %mul3A_107, %add3A_106 : i32
      %add3A_109 = arith.addi %arg1, %mul3A_108 : i32
      %lt3A = arith.constant 78 : i32
      %lt3A_110 = arith.cmpi slt, %add3A_109, %lt3A : i32
      %convert_element_type3A_111 = arith.extui %lt3A_110 : i1 to i32
      %cond3A_112 = arith.constant 0 : i32
      %cond3A_113 = arith.cmpi ne, %convert_element_type3A_111, %cond3A_112 : i32
      scf.if %cond3A_113 {
        %mul3A_114 = arith.constant 128 : i32
        %mul3A_115 = arith.muli %add3A_109, %mul3A_114 : i32
        %mul3A_116 = arith.constant 128 : i32
        %mul3A_117 = arith.muli %add3A_109, %mul3A_116 : i32
        "tpu.region"() ({
          %run_scoped3A_118 = tpu.sem_alloc : memref<!tpu.dma_semaphore, #tpu.memory_space<semaphore_mem>>
          %dma_start3A_119 = arith.constant 0 : i32
          %dma_start3A_120 = tpu.memref_slice %arg3[%arg0, %mul3A_117, %dma_start3A_119] : memref<2x10000x128xf32, #tpu.memory_space<hbm>> -> memref<1x128x128xf32, #tpu.memory_space<hbm>>
          %dma_start3A_121 = tpu.memref_squeeze %dma_start3A_120 : memref<1x128x128xf32, #tpu.memory_space<hbm>> -> memref<128x128xf32, #tpu.memory_space<hbm>>
          %dma_start3A_122 = arith.constant 0 : i32
          %dma_start3A_123 = tpu.memref_slice %arg8[%mul3A_115, %dma_start3A_122] : memref<10008x128xf32, #tpu.memory_space<vmem_shared>> -> memref<128x128xf32, #tpu.memory_space<vmem_shared>>
          tpu.enqueue_dma source(%dma_start3A_123 : memref<128x128xf32, #tpu.memory_space<vmem_shared>>) target(%dma_start3A_121 : memref<128x128xf32, #tpu.memory_space<hbm>>) target_semaphore(%run_scoped3A_118 : memref<!tpu.dma_semaphore, #tpu.memory_space<semaphore_mem>>)
          %dma_wait3A_124 = arith.constant 0 : i32
          %dma_wait3A_125 = tpu.memref_slice %arg3[%arg0, %mul3A_117, %dma_wait3A_124] : memref<2x10000x128xf32, #tpu.memory_space<hbm>> -> memref<1x128x128xf32, #tpu.memory_space<hbm>>
          %dma_wait3A_126 = tpu.memref_squeeze %dma_wait3A_125 : memref<1x128x128xf32, #tpu.memory_space<hbm>> -> memref<128x128xf32, #tpu.memory_space<hbm>>
          %dma_wait3A_127 = arith.constant 0 : i32
          %dma_wait3A_128 = tpu.memref_slice %arg8[%mul3A_115, %dma_wait3A_127] : memref<10008x128xf32, #tpu.memory_space<vmem_shared>> -> memref<128x128xf32, #tpu.memory_space<vmem_shared>>
          tpu.wait_dma2 semaphore(%run_scoped3A_118 : memref<!tpu.dma_semaphore, #tpu.memory_space<semaphore_mem>>) src(%dma_wait3A_128 : memref<128x128xf32, #tpu.memory_space<vmem_shared>>) dst(%dma_wait3A_126 : memref<128x128xf32, #tpu.memory_space<hbm>>)
          tpu.yield
        }) : () -> ()
      } else {
      }
    }
    %scan3A_96 = arith.constant 5 : i32
    %eq3A_97 = arith.constant 0 : i32
    %eq3A_98 = arith.cmpi eq, %arg1, %eq3A_97 : i32
    %convert_element_type3A_99 = arith.extui %eq3A_98 : i1 to i32
    %cond3A_100 = arith.constant 0 : i32
    %cond3A_101 = arith.cmpi ne, %convert_element_type3A_99, %cond3A_100 : i32
    scf.if %cond3A_101 {
      "tpu.region"() ({
        %run_scoped3A_102 = tpu.sem_alloc : memref<!tpu.dma_semaphore, #tpu.memory_space<semaphore_mem>>
        %dma_start3A_103 = arith.constant 9984 : i32
        %dma_start3A_104 = arith.constant 0 : i32
        %dma_start3A_105 = tpu.memref_slice %arg3[%arg0, %dma_start3A_103, %dma_start3A_104] : memref<2x10000x128xf32, #tpu.memory_space<hbm>> -> memref<1x16x128xf32, #tpu.memory_space<hbm>>
        %dma_start3A_106 = tpu.memref_squeeze %dma_start3A_105 : memref<1x16x128xf32, #tpu.memory_space<hbm>> -> memref<16x128xf32, #tpu.memory_space<hbm>>
        %dma_start3A_107 = arith.constant 9984 : i32
        %dma_start3A_108 = arith.constant 0 : i32
        %dma_start3A_109 = tpu.memref_slice %arg8[%dma_start3A_107, %dma_start3A_108] : memref<10008x128xf32, #tpu.memory_space<vmem_shared>> -> memref<16x128xf32, #tpu.memory_space<vmem_shared>>
        tpu.enqueue_dma source(%dma_start3A_109 : memref<16x128xf32, #tpu.memory_space<vmem_shared>>) target(%dma_start3A_106 : memref<16x128xf32, #tpu.memory_space<hbm>>) target_semaphore(%run_scoped3A_102 : memref<!tpu.dma_semaphore, #tpu.memory_space<semaphore_mem>>)
        %dma_wait3A_110 = arith.constant 9984 : i32
        %dma_wait3A_111 = arith.constant 0 : i32
        %dma_wait3A_112 = tpu.memref_slice %arg3[%arg0, %dma_wait3A_110, %dma_wait3A_111] : memref<2x10000x128xf32, #tpu.memory_space<hbm>> -> memref<1x16x128xf32, #tpu.memory_space<hbm>>
        %dma_wait3A_113 = tpu.memref_squeeze %dma_wait3A_112 : memref<1x16x128xf32, #tpu.memory_space<hbm>> -> memref<16x128xf32, #tpu.memory_space<hbm>>
        %dma_wait3A_114 = arith.constant 9984 : i32
        %dma_wait3A_115 = arith.constant 0 : i32
        %dma_wait3A_116 = tpu.memref_slice %arg8[%dma_wait3A_114, %dma_wait3A_115] : memref<10008x128xf32, #tpu.memory_space<vmem_shared>> -> memref<16x128xf32, #tpu.memory_space<vmem_shared>>
        tpu.wait_dma2 semaphore(%run_scoped3A_102 : memref<!tpu.dma_semaphore, #tpu.memory_space<semaphore_mem>>) src(%dma_wait3A_116 : memref<16x128xf32, #tpu.memory_space<vmem_shared>>) dst(%dma_wait3A_113 : memref<16x128xf32, #tpu.memory_space<hbm>>)
        tpu.yield
      }) : () -> ()
    } else {
    }
    return
  }
}

#map = affine_map<(d0, d1) -> (0, 0)>
#map1 = affine_map<(d0, d1) -> (0, 0, 0)>
module attributes {stable_mosaic.version = 14 : i64} {
  func.func @sc_edge_agg(%arg0: i32, %arg1: i32, %arg2: memref<10000x128xf32, #tpu.memory_space<hbm>>, %arg3: memref<2x2560x128xi32, #tpu.memory_space<hbm>>, %arg4: memref<2x10000x128xf32, #tpu.memory_space<hbm>>, %arg5: memref<2x40x128xi32, #tpu.memory_space<vmem>>, %arg6: memref<128x128xf32, #tpu.memory_space<vmem>>, %arg7: memref<128x128xf32, #tpu.memory_space<vmem>>, %arg8: memref<!tpu.dma_semaphore, #tpu.memory_space<semaphore_mem>>, %arg9: memref<!tpu.dma_semaphore, #tpu.memory_space<semaphore_mem>>, %arg10: memref<10008x128xf32, #tpu.memory_space<vmem_shared>>) attributes {dimension_semantics = [#tpu.dimension_semantics<core_parallel>, #tpu.dimension_semantics<subcore_parallel>], iteration_bounds = array<i64: 2, 16>, scalar_prefetch = 0 : i64, scratch_operands = 6 : i64, tpu.core_type = #tpu.core_type<sc_vector_subcore>, window_params = [{transform_indices = #map}, {transform_indices = #map1}, {transform_indices = #map1}]} {
    %mul3A = arith.constant 2 : i32
    %mul3A_0 = arith.muli %arg1, %mul3A : i32
    %add3A = arith.addi %mul3A_0, %arg0 : i32
    %broadcast_in_dim3A = arith.constant 0.000000e+00 : f32
    %broadcast_in_dim3A_1 = vector.broadcast %broadcast_in_dim3A : f32 to vector<16xf32>
    %scan3A = arith.constant 0 : i32
    %scan3A_2 = arith.constant 128 : i32
    %scan3A_3 = arith.addi %scan3A, %scan3A_2 : i32
    %scan3A_4 = arith.constant 1 : i32
    scf.for %scan3A_109 = %scan3A to %scan3A_3 step %scan3A_4  : i32 {
      %mul3A_110 = arith.constant 1 : i32
      %mul3A_111 = arith.muli %scan3A_109, %mul3A_110 : i32
      %add3A_112 = arith.constant 0 : i32
      %add3A_113 = arith.addi %add3A_112, %mul3A_111 : i32
      %scan3A_114 = arith.constant 0 : i32
      %scan3A_115 = arith.constant 8 : i32
      %scan3A_116 = arith.addi %scan3A_114, %scan3A_115 : i32
      %scan3A_117 = arith.constant 1 : i32
      scf.for %scan3A_119 = %scan3A_114 to %scan3A_116 step %scan3A_117  : i32 {
        %mul3A_120 = arith.constant 1 : i32
        %mul3A_121 = arith.muli %scan3A_119, %mul3A_120 : i32
        %add3A_122 = arith.constant 0 : i32
        %add3A_123 = arith.addi %add3A_122, %mul3A_121 : i32
        %mul3A_124 = arith.constant 16 : i32
        %mul3A_125 = arith.muli %add3A_123, %mul3A_124 : i32
        %swap3A = arith.index_cast %add3A_113 : i32 to index
        %swap3A_126 = arith.index_cast %mul3A_125 : i32 to index
        %swap3A_127 = tpu.vector_load %arg6[%swap3A, %swap3A_126] {strides = array<i32>} : memref<128x128xf32, #tpu.memory_space<vmem>>, vector<1x16xf32>,
        %swap3A_128 = vector.shape_cast %swap3A_127 : vector<1x16xf32> to vector<16xf32>
        %swap3A_129 = vector.shape_cast %broadcast_in_dim3A_1 : vector<16xf32> to vector<1x16xf32>
        tpu.vector_store %arg6[%swap3A, %swap3A_126], %swap3A_129 {strides = array<i32>} : memref<128x128xf32, #tpu.memory_space<vmem>>, vector<1x16xf32>,
      }
      %scan3A_118 = arith.constant 8 : i32
    }
    %scan3A_5 = arith.constant 128 : i32
    %scan3A_6 = arith.constant 0 : i32
    %scan3A_7 = arith.constant 5 : i32
    %scan3A_8 = arith.addi %scan3A_6, %scan3A_7 : i32
    %scan3A_9 = arith.constant 1 : i32
    scf.for %scan3A_109 = %scan3A_6 to %scan3A_8 step %scan3A_9  : i32 {
      %mul3A_110 = arith.constant 1 : i32
      %mul3A_111 = arith.muli %scan3A_109, %mul3A_110 : i32
      %add3A_112 = arith.constant 0 : i32
      %add3A_113 = arith.addi %add3A_112, %mul3A_111 : i32
      %mul3A_114 = arith.constant 16 : i32
      %mul3A_115 = arith.muli %mul3A_114, %add3A_113 : i32
      %add3A_116 = arith.addi %arg1, %mul3A_115 : i32
      %lt3A = arith.constant 78 : i32
      %lt3A_117 = arith.cmpi slt, %add3A_116, %lt3A : i32
      %convert_element_type3A_118 = arith.extui %lt3A_117 : i1 to i32
      %cond3A_119 = arith.constant 0 : i32
      %cond3A_120 = arith.cmpi ne, %convert_element_type3A_118, %cond3A_119 : i32
      scf.if %cond3A_120 {
        %mul3A_121 = arith.constant 128 : i32
        %mul3A_122 = arith.muli %add3A_116, %mul3A_121 : i32
        "tpu.region"() ({
          %run_scoped3A_123 = tpu.sem_alloc : memref<!tpu.dma_semaphore, #tpu.memory_space<semaphore_mem>>
          %dma_start3A_124 = arith.constant 0 : i32
          %dma_start3A_125 = tpu.memref_slice %arg10[%mul3A_122, %dma_start3A_124] : memref<10008x128xf32, #tpu.memory_space<vmem_shared>> -> memref<128x128xf32, #tpu.memory_space<vmem_shared>>
          %dma_start3A_126 = arith.constant 0 : i32
          %dma_start3A_127 = tpu.memref_slice %arg10[%mul3A_122, %dma_start3A_126] : memref<10008x128xf32, #tpu.memory_space<vmem_shared>> -> memref<128x128xf32, #tpu.memory_space<vmem_shared>>
          tpu.enqueue_dma source(%arg6 : memref<128x128xf32, #tpu.memory_space<vmem>>) target(%dma_start3A_127 : memref<128x128xf32, #tpu.memory_space<vmem_shared>>) target_semaphore(%run_scoped3A_123 : memref<!tpu.dma_semaphore, #tpu.memory_space<semaphore_mem>>)
          %dma_wait3A_128 = arith.constant 0 : i32
          %dma_wait3A_129 = tpu.memref_slice %arg10[%mul3A_122, %dma_wait3A_128] : memref<10008x128xf32, #tpu.memory_space<vmem_shared>> -> memref<128x128xf32, #tpu.memory_space<vmem_shared>>
          %dma_wait3A_130 = arith.constant 0 : i32
          %dma_wait3A_131 = tpu.memref_slice %arg10[%mul3A_122, %dma_wait3A_130] : memref<10008x128xf32, #tpu.memory_space<vmem_shared>> -> memref<128x128xf32, #tpu.memory_space<vmem_shared>>
          tpu.wait_dma2 semaphore(%run_scoped3A_123 : memref<!tpu.dma_semaphore, #tpu.memory_space<semaphore_mem>>) src(%arg6 : memref<128x128xf32, #tpu.memory_space<vmem>>) dst(%dma_wait3A_131 : memref<128x128xf32, #tpu.memory_space<vmem_shared>>)
          tpu.yield
        }) : () -> ()
      } else {
      }
    }
    %scan3A_10 = arith.constant 5 : i32
    %eq3A = arith.constant 0 : i32
    %eq3A_11 = arith.cmpi eq, %arg1, %eq3A : i32
    %convert_element_type3A = arith.extui %eq3A_11 : i1 to i32
    %cond3A = arith.constant 0 : i32
    %cond3A_12 = arith.cmpi ne, %convert_element_type3A, %cond3A : i32
    scf.if %cond3A_12 {
      "tpu.region"() ({
        %run_scoped3A_109 = tpu.sem_alloc : memref<!tpu.dma_semaphore, #tpu.memory_space<semaphore_mem>>
        %dma_start3A_110 = arith.constant 0 : i32
        %dma_start3A_111 = arith.constant 0 : i32
        %dma_start3A_112 = tpu.memref_slice %arg6[%dma_start3A_110, %dma_start3A_111] : memref<128x128xf32, #tpu.memory_space<vmem>> -> memref<24x128xf32, #tpu.memory_space<vmem>>
        %dma_start3A_113 = arith.constant 9984 : i32
        %dma_start3A_114 = arith.constant 0 : i32
        %dma_start3A_115 = tpu.memref_slice %arg10[%dma_start3A_113, %dma_start3A_114] : memref<10008x128xf32, #tpu.memory_space<vmem_shared>> -> memref<24x128xf32, #tpu.memory_space<vmem_shared>>
        %dma_start3A_116 = arith.constant 9984 : i32
        %dma_start3A_117 = arith.constant 0 : i32
        %dma_start3A_118 = tpu.memref_slice %arg10[%dma_start3A_116, %dma_start3A_117] : memref<10008x128xf32, #tpu.memory_space<vmem_shared>> -> memref<24x128xf32, #tpu.memory_space<vmem_shared>>
        %dma_start3A_119 = arith.constant 0 : i32
        %dma_start3A_120 = arith.constant 0 : i32
        %dma_start3A_121 = tpu.memref_slice %arg6[%dma_start3A_119, %dma_start3A_120] : memref<128x128xf32, #tpu.memory_space<vmem>> -> memref<24x128xf32, #tpu.memory_space<vmem>>
        tpu.enqueue_dma source(%dma_start3A_121 : memref<24x128xf32, #tpu.memory_space<vmem>>) target(%dma_start3A_118 : memref<24x128xf32, #tpu.memory_space<vmem_shared>>) target_semaphore(%run_scoped3A_109 : memref<!tpu.dma_semaphore, #tpu.memory_space<semaphore_mem>>)
        %dma_wait3A_122 = arith.constant 0 : i32
        %dma_wait3A_123 = arith.constant 0 : i32
        %dma_wait3A_124 = tpu.memref_slice %arg6[%dma_wait3A_122, %dma_wait3A_123] : memref<128x128xf32, #tpu.memory_space<vmem>> -> memref<24x128xf32, #tpu.memory_space<vmem>>
        %dma_wait3A_125 = arith.constant 9984 : i32
        %dma_wait3A_126 = arith.constant 0 : i32
        %dma_wait3A_127 = tpu.memref_slice %arg10[%dma_wait3A_125, %dma_wait3A_126] : memref<10008x128xf32, #tpu.memory_space<vmem_shared>> -> memref<24x128xf32, #tpu.memory_space<vmem_shared>>
        %dma_wait3A_128 = arith.constant 9984 : i32
        %dma_wait3A_129 = arith.constant 0 : i32
        %dma_wait3A_130 = tpu.memref_slice %arg10[%dma_wait3A_128, %dma_wait3A_129] : memref<10008x128xf32, #tpu.memory_space<vmem_shared>> -> memref<24x128xf32, #tpu.memory_space<vmem_shared>>
        %dma_wait3A_131 = arith.constant 0 : i32
        %dma_wait3A_132 = arith.constant 0 : i32
        %dma_wait3A_133 = tpu.memref_slice %arg6[%dma_wait3A_131, %dma_wait3A_132] : memref<128x128xf32, #tpu.memory_space<vmem>> -> memref<24x128xf32, #tpu.memory_space<vmem>>
        tpu.wait_dma2 semaphore(%run_scoped3A_109 : memref<!tpu.dma_semaphore, #tpu.memory_space<semaphore_mem>>) src(%dma_wait3A_133 : memref<24x128xf32, #tpu.memory_space<vmem>>) dst(%dma_wait3A_130 : memref<24x128xf32, #tpu.memory_space<vmem_shared>>)
        tpu.yield
      }) : () -> ()
    } else {
    }
    %barrier3A = arith.constant 0 : index
    tpu.barrier barrier_id(%barrier3A)
    %mul3A_13 = arith.constant 80 : i32
    %mul3A_14 = arith.muli %add3A, %mul3A_13 : i32
    %add3A_15 = arith.constant 0 : i32
    %add3A_16 = arith.addi %mul3A_14, %add3A_15 : i32
    "tpu.region"() ({
      %run_scoped3A_109 = tpu.sem_alloc : memref<!tpu.dma_semaphore, #tpu.memory_space<semaphore_mem>>
      %dma_start3A_110 = arith.constant 0 : i32
      %dma_start3A_111 = arith.constant 0 : i32
      %dma_start3A_112 = tpu.memref_slice %arg3[%dma_start3A_110, %add3A_16, %dma_start3A_111] : memref<2x2560x128xi32, #tpu.memory_space<hbm>> -> memref<2x40x128xi32, #tpu.memory_space<hbm>>
      %dma_start3A_113 = arith.constant 0 : i32
      %dma_start3A_114 = arith.constant 0 : i32
      %dma_start3A_115 = tpu.memref_slice %arg3[%dma_start3A_113, %add3A_16, %dma_start3A_114] : memref<2x2560x128xi32, #tpu.memory_space<hbm>> -> memref<2x40x128xi32, #tpu.memory_space<hbm>>
      tpu.enqueue_dma source(%dma_start3A_115 : memref<2x40x128xi32, #tpu.memory_space<hbm>>) target(%arg5 : memref<2x40x128xi32, #tpu.memory_space<vmem>>) target_semaphore(%run_scoped3A_109 : memref<!tpu.dma_semaphore, #tpu.memory_space<semaphore_mem>>)
      %dma_wait3A_116 = arith.constant 0 : i32
      %dma_wait3A_117 = arith.constant 0 : i32
      %dma_wait3A_118 = tpu.memref_slice %arg3[%dma_wait3A_116, %add3A_16, %dma_wait3A_117] : memref<2x2560x128xi32, #tpu.memory_space<hbm>> -> memref<2x40x128xi32, #tpu.memory_space<hbm>>
      %dma_wait3A_119 = arith.constant 0 : i32
      %dma_wait3A_120 = arith.constant 0 : i32
      %dma_wait3A_121 = tpu.memref_slice %arg3[%dma_wait3A_119, %add3A_16, %dma_wait3A_120] : memref<2x2560x128xi32, #tpu.memory_space<hbm>> -> memref<2x40x128xi32, #tpu.memory_space<hbm>>
      tpu.wait_dma2 semaphore(%run_scoped3A_109 : memref<!tpu.dma_semaphore, #tpu.memory_space<semaphore_mem>>) src(%dma_wait3A_121 : memref<2x40x128xi32, #tpu.memory_space<hbm>>) dst(%arg5 : memref<2x40x128xi32, #tpu.memory_space<vmem>>)
      tpu.yield
    }) : () -> ()
    %dma_start3A = arith.constant 0 : i32
    %dma_start3A_17 = arith.constant 0 : i32
    %dma_start3A_18 = arith.constant 0 : i32
    %dma_start3A_19 = tpu.memref_slice %arg5[%dma_start3A, %dma_start3A_17, %dma_start3A_18] : memref<2x40x128xi32, #tpu.memory_space<vmem>> -> memref<1x1x128xi32, #tpu.memory_space<vmem>>
    %dma_start3A_20 = tpu.memref_squeeze %dma_start3A_19 : memref<1x1x128xi32, #tpu.memory_space<vmem>> -> memref<128xi32, #tpu.memory_space<vmem>>
    %dma_start3A_21 = arith.constant 0 : i32
    %dma_start3A_22 = arith.constant 0 : i32
    %dma_start3A_23 = tpu.memref_slice %arg2[%dma_start3A_21, %dma_start3A_22] : memref<10000x128xf32, #tpu.memory_space<hbm>> -> memref<10000x128xf32, #tpu.memory_space<hbm>>
    tpu.enqueue_indirect_dma source(%dma_start3A_23 : memref<10000x128xf32, #tpu.memory_space<hbm>>) target(%arg6 : memref<128x128xf32, #tpu.memory_space<vmem>>) offsets(%dma_start3A_20 : memref<128xi32, #tpu.memory_space<vmem>>) semaphore(%arg8 : memref<!tpu.dma_semaphore, #tpu.memory_space<semaphore_mem>>)
    %dma_start3A_24 = arith.constant 0 : i32
    %dma_start3A_25 = arith.constant 1 : i32
    %dma_start3A_26 = arith.constant 0 : i32
    %dma_start3A_27 = tpu.memref_slice %arg5[%dma_start3A_24, %dma_start3A_25, %dma_start3A_26] : memref<2x40x128xi32, #tpu.memory_space<vmem>> -> memref<1x1x128xi32, #tpu.memory_space<vmem>>
    %dma_start3A_28 = tpu.memref_squeeze %dma_start3A_27 : memref<1x1x128xi32, #tpu.memory_space<vmem>> -> memref<128xi32, #tpu.memory_space<vmem>>
    %dma_start3A_29 = arith.constant 0 : i32
    %dma_start3A_30 = arith.constant 0 : i32
    %dma_start3A_31 = tpu.memref_slice %arg2[%dma_start3A_29, %dma_start3A_30] : memref<10000x128xf32, #tpu.memory_space<hbm>> -> memref<10000x128xf32, #tpu.memory_space<hbm>>
    tpu.enqueue_indirect_dma source(%dma_start3A_31 : memref<10000x128xf32, #tpu.memory_space<hbm>>) target(%arg7 : memref<128x128xf32, #tpu.memory_space<vmem>>) offsets(%dma_start3A_28 : memref<128xi32, #tpu.memory_space<vmem>>) semaphore(%arg9 : memref<!tpu.dma_semaphore, #tpu.memory_space<semaphore_mem>>)
    %scan3A_32 = arith.constant 0 : i32
    %scan3A_33 = arith.constant 19 : i32
    %scan3A_34 = arith.addi %scan3A_32, %scan3A_33 : i32
    %scan3A_35 = arith.constant 1 : i32
    scf.for %scan3A_109 = %scan3A_32 to %scan3A_34 step %scan3A_35  : i32 {
      %mul3A_110 = arith.constant 1 : i32
      %mul3A_111 = arith.muli %scan3A_109, %mul3A_110 : i32
      %add3A_112 = arith.constant 0 : i32
      %add3A_113 = arith.addi %add3A_112, %mul3A_111 : i32
      %mul3A_114 = arith.constant 2 : i32
      %mul3A_115 = arith.muli %mul3A_114, %add3A_113 : i32
      %dma_wait3A_116 = arith.constant 0 : i32
      %dma_wait3A_117 = arith.constant 0 : i32
      %dma_wait3A_118 = tpu.memref_slice %arg5[%dma_wait3A_116, %mul3A_115, %dma_wait3A_117] : memref<2x40x128xi32, #tpu.memory_space<vmem>> -> memref<1x1x128xi32, #tpu.memory_space<vmem>>
      %dma_wait3A_119 = tpu.memref_squeeze %dma_wait3A_118 : memref<1x1x128xi32, #tpu.memory_space<vmem>> -> memref<128xi32, #tpu.memory_space<vmem>>
      %dma_wait3A_120 = arith.constant 0 : i32
      %dma_wait3A_121 = arith.constant 0 : i32
      %dma_wait3A_122 = tpu.memref_slice %arg2[%dma_wait3A_120, %dma_wait3A_121] : memref<10000x128xf32, #tpu.memory_space<hbm>> -> memref<10000x128xf32, #tpu.memory_space<hbm>>
      tpu.wait_indirect_dma semaphore(%arg8 : memref<!tpu.dma_semaphore, #tpu.memory_space<semaphore_mem>>) src(%dma_wait3A_122 : memref<10000x128xf32, #tpu.memory_space<hbm>>) dst(%arg6 : memref<128x128xf32, #tpu.memory_space<vmem>>)
      %run_scoped3A_123 = arith.constant 1 : i32
      "tpu.region"() ({
        %run_scoped3A_152 = tpu.sem_alloc : memref<!tpu.dma_semaphore, #tpu.memory_space<semaphore_mem>>
        %dma_start3A_153 = arith.constant 0 : i32
        %dma_start3A_154 = tpu.memref_slice %arg5[%run_scoped3A_123, %mul3A_115, %dma_start3A_153] : memref<2x40x128xi32, #tpu.memory_space<vmem>> -> memref<1x1x128xi32, #tpu.memory_space<vmem>>
        %dma_start3A_155 = tpu.memref_squeeze %dma_start3A_154 : memref<1x1x128xi32, #tpu.memory_space<vmem>> -> memref<128xi32, #tpu.memory_space<vmem>>
        %dma_start3A_156 = arith.constant 0 : i32
        %dma_start3A_157 = arith.constant 0 : i32
        %dma_start3A_158 = tpu.memref_slice %arg10[%dma_start3A_156, %dma_start3A_157] : memref<10008x128xf32, #tpu.memory_space<vmem_shared>> -> memref<10008x128xf32, #tpu.memory_space<vmem_shared>>
        tpu.enqueue_indirect_dma source(%arg6 : memref<128x128xf32, #tpu.memory_space<vmem>>) target(%dma_start3A_158 : memref<10008x128xf32, #tpu.memory_space<vmem_shared>>) offsets(%dma_start3A_155 : memref<128xi32, #tpu.memory_space<vmem>>) semaphore(%run_scoped3A_152 : memref<!tpu.dma_semaphore, #tpu.memory_space<semaphore_mem>>) {add = true}
        %dma_wait3A_159 = arith.constant 0 : i32
        %dma_wait3A_160 = tpu.memref_slice %arg5[%run_scoped3A_123, %mul3A_115, %dma_wait3A_159] : memref<2x40x128xi32, #tpu.memory_space<vmem>> -> memref<1x1x128xi32, #tpu.memory_space<vmem>>
        %dma_wait3A_161 = tpu.memref_squeeze %dma_wait3A_160 : memref<1x1x128xi32, #tpu.memory_space<vmem>> -> memref<128xi32, #tpu.memory_space<vmem>>
        %dma_wait3A_162 = arith.constant 0 : i32
        %dma_wait3A_163 = arith.constant 0 : i32
        %dma_wait3A_164 = tpu.memref_slice %arg10[%dma_wait3A_162, %dma_wait3A_163] : memref<10008x128xf32, #tpu.memory_space<vmem_shared>> -> memref<10008x128xf32, #tpu.memory_space<vmem_shared>>
        tpu.wait_indirect_dma semaphore(%run_scoped3A_152 : memref<!tpu.dma_semaphore, #tpu.memory_space<semaphore_mem>>) src(%arg6 : memref<128x128xf32, #tpu.memory_space<vmem>>) dst(%dma_wait3A_164 : memref<10008x128xf32, #tpu.memory_space<vmem_shared>>)
        tpu.yield
      }) : () -> ()
      %add3A_124 = arith.constant 2 : i32
      %add3A_125 = arith.addi %mul3A_115, %add3A_124 : i32
      %dma_start3A_126 = arith.constant 0 : i32
      %dma_start3A_127 = arith.constant 0 : i32
      %dma_start3A_128 = tpu.memref_slice %arg5[%dma_start3A_126, %add3A_125, %dma_start3A_127] : memref<2x40x128xi32, #tpu.memory_space<vmem>> -> memref<1x1x128xi32, #tpu.memory_space<vmem>>
      %dma_start3A_129 = tpu.memref_squeeze %dma_start3A_128 : memref<1x1x128xi32, #tpu.memory_space<vmem>> -> memref<128xi32, #tpu.memory_space<vmem>>
      %dma_start3A_130 = arith.constant 0 : i32
      %dma_start3A_131 = arith.constant 0 : i32
      %dma_start3A_132 = tpu.memref_slice %arg2[%dma_start3A_130, %dma_start3A_131] : memref<10000x128xf32, #tpu.memory_space<hbm>> -> memref<10000x128xf32, #tpu.memory_space<hbm>>
      tpu.enqueue_indirect_dma source(%dma_start3A_132 : memref<10000x128xf32, #tpu.memory_space<hbm>>) target(%arg6 : memref<128x128xf32, #tpu.memory_space<vmem>>) offsets(%dma_start3A_129 : memref<128xi32, #tpu.memory_space<vmem>>) semaphore(%arg8 : memref<!tpu.dma_semaphore, #tpu.memory_space<semaphore_mem>>)
      %add3A_133 = arith.constant 1 : i32
      %add3A_134 = arith.addi %mul3A_115, %add3A_133 : i32
      %dma_wait3A_135 = arith.constant 0 : i32
      %dma_wait3A_136 = arith.constant 0 : i32
      %dma_wait3A_137 = tpu.memref_slice %arg5[%dma_wait3A_135, %add3A_134, %dma_wait3A_136] : memref<2x40x128xi32, #tpu.memory_space<vmem>> -> memref<1x1x128xi32, #tpu.memory_space<vmem>>
      %dma_wait3A_138 = tpu.memref_squeeze %dma_wait3A_137 : memref<1x1x128xi32, #tpu.memory_space<vmem>> -> memref<128xi32, #tpu.memory_space<vmem>>
      %dma_wait3A_139 = arith.constant 0 : i32
      %dma_wait3A_140 = arith.constant 0 : i32
      %dma_wait3A_141 = tpu.memref_slice %arg2[%dma_wait3A_139, %dma_wait3A_140] : memref<10000x128xf32, #tpu.memory_space<hbm>> -> memref<10000x128xf32, #tpu.memory_space<hbm>>
      tpu.wait_indirect_dma semaphore(%arg9 : memref<!tpu.dma_semaphore, #tpu.memory_space<semaphore_mem>>) src(%dma_wait3A_141 : memref<10000x128xf32, #tpu.memory_space<hbm>>) dst(%arg7 : memref<128x128xf32, #tpu.memory_space<vmem>>)
      %run_scoped3A_142 = arith.constant 1 : i32
      "tpu.region"() ({
        %run_scoped3A_152 = tpu.sem_alloc : memref<!tpu.dma_semaphore, #tpu.memory_space<semaphore_mem>>
        %dma_start3A_153 = arith.constant 0 : i32
        %dma_start3A_154 = tpu.memref_slice %arg5[%run_scoped3A_142, %add3A_134, %dma_start3A_153] : memref<2x40x128xi32, #tpu.memory_space<vmem>> -> memref<1x1x128xi32, #tpu.memory_space<vmem>>
        %dma_start3A_155 = tpu.memref_squeeze %dma_start3A_154 : memref<1x1x128xi32, #tpu.memory_space<vmem>> -> memref<128xi32, #tpu.memory_space<vmem>>
        %dma_start3A_156 = arith.constant 0 : i32
        %dma_start3A_157 = arith.constant 0 : i32
        %dma_start3A_158 = tpu.memref_slice %arg10[%dma_start3A_156, %dma_start3A_157] : memref<10008x128xf32, #tpu.memory_space<vmem_shared>> -> memref<10008x128xf32, #tpu.memory_space<vmem_shared>>
        tpu.enqueue_indirect_dma source(%arg7 : memref<128x128xf32, #tpu.memory_space<vmem>>) target(%dma_start3A_158 : memref<10008x128xf32, #tpu.memory_space<vmem_shared>>) offsets(%dma_start3A_155 : memref<128xi32, #tpu.memory_space<vmem>>) semaphore(%run_scoped3A_152 : memref<!tpu.dma_semaphore, #tpu.memory_space<semaphore_mem>>) {add = true}
        %dma_wait3A_159 = arith.constant 0 : i32
        %dma_wait3A_160 = tpu.memref_slice %arg5[%run_scoped3A_142, %add3A_134, %dma_wait3A_159] : memref<2x40x128xi32, #tpu.memory_space<vmem>> -> memref<1x1x128xi32, #tpu.memory_space<vmem>>
        %dma_wait3A_161 = tpu.memref_squeeze %dma_wait3A_160 : memref<1x1x128xi32, #tpu.memory_space<vmem>> -> memref<128xi32, #tpu.memory_space<vmem>>
        %dma_wait3A_162 = arith.constant 0 : i32
        %dma_wait3A_163 = arith.constant 0 : i32
        %dma_wait3A_164 = tpu.memref_slice %arg10[%dma_wait3A_162, %dma_wait3A_163] : memref<10008x128xf32, #tpu.memory_space<vmem_shared>> -> memref<10008x128xf32, #tpu.memory_space<vmem_shared>>
        tpu.wait_indirect_dma semaphore(%run_scoped3A_152 : memref<!tpu.dma_semaphore, #tpu.memory_space<semaphore_mem>>) src(%arg7 : memref<128x128xf32, #tpu.memory_space<vmem>>) dst(%dma_wait3A_164 : memref<10008x128xf32, #tpu.memory_space<vmem_shared>>)
        tpu.yield
      }) : () -> ()
      %add3A_143 = arith.constant 3 : i32
      %add3A_144 = arith.addi %mul3A_115, %add3A_143 : i32
      %dma_start3A_145 = arith.constant 0 : i32
      %dma_start3A_146 = arith.constant 0 : i32
      %dma_start3A_147 = tpu.memref_slice %arg5[%dma_start3A_145, %add3A_144, %dma_start3A_146] : memref<2x40x128xi32, #tpu.memory_space<vmem>> -> memref<1x1x128xi32, #tpu.memory_space<vmem>>
      %dma_start3A_148 = tpu.memref_squeeze %dma_start3A_147 : memref<1x1x128xi32, #tpu.memory_space<vmem>> -> memref<128xi32, #tpu.memory_space<vmem>>
      %dma_start3A_149 = arith.constant 0 : i32
      %dma_start3A_150 = arith.constant 0 : i32
      %dma_start3A_151 = tpu.memref_slice %arg2[%dma_start3A_149, %dma_start3A_150] : memref<10000x128xf32, #tpu.memory_space<hbm>> -> memref<10000x128xf32, #tpu.memory_space<hbm>>
      tpu.enqueue_indirect_dma source(%dma_start3A_151 : memref<10000x128xf32, #tpu.memory_space<hbm>>) target(%arg7 : memref<128x128xf32, #tpu.memory_space<vmem>>) offsets(%dma_start3A_148 : memref<128xi32, #tpu.memory_space<vmem>>) semaphore(%arg9 : memref<!tpu.dma_semaphore, #tpu.memory_space<semaphore_mem>>)
    }
    %scan3A_36 = arith.constant 19 : i32
    %dma_wait3A = arith.constant 0 : i32
    %dma_wait3A_37 = arith.constant 38 : i32
    %dma_wait3A_38 = arith.constant 0 : i32
    %dma_wait3A_39 = tpu.memref_slice %arg5[%dma_wait3A, %dma_wait3A_37, %dma_wait3A_38] : memref<2x40x128xi32, #tpu.memory_space<vmem>> -> memref<1x1x128xi32, #tpu.memory_space<vmem>>
    %dma_wait3A_40 = tpu.memref_squeeze %dma_wait3A_39 : memref<1x1x128xi32, #tpu.memory_space<vmem>> -> memref<128xi32, #tpu.memory_space<vmem>>
    %dma_wait3A_41 = arith.constant 0 : i32
    %dma_wait3A_42 = arith.constant 0 : i32
    %dma_wait3A_43 = tpu.memref_slice %arg2[%dma_wait3A_41, %dma_wait3A_42] : memref<10000x128xf32, #tpu.memory_space<hbm>> -> memref<10000x128xf32, #tpu.memory_space<hbm>>
    tpu.wait_indirect_dma semaphore(%arg8 : memref<!tpu.dma_semaphore, #tpu.memory_space<semaphore_mem>>) src(%dma_wait3A_43 : memref<10000x128xf32, #tpu.memory_space<hbm>>) dst(%arg6 : memref<128x128xf32, #tpu.memory_space<vmem>>)
    %run_scoped3A = arith.constant 1 : i32
    %run_scoped3A_44 = arith.constant 38 : i32
    "tpu.region"() ({
      %run_scoped3A_109 = tpu.sem_alloc : memref<!tpu.dma_semaphore, #tpu.memory_space<semaphore_mem>>
      %dma_start3A_110 = arith.constant 0 : i32
      %dma_start3A_111 = tpu.memref_slice %arg5[%run_scoped3A, %run_scoped3A_44, %dma_start3A_110] : memref<2x40x128xi32, #tpu.memory_space<vmem>> -> memref<1x1x128xi32, #tpu.memory_space<vmem>>
      %dma_start3A_112 = tpu.memref_squeeze %dma_start3A_111 : memref<1x1x128xi32, #tpu.memory_space<vmem>> -> memref<128xi32, #tpu.memory_space<vmem>>
      %dma_start3A_113 = arith.constant 0 : i32
      %dma_start3A_114 = arith.constant 0 : i32
      %dma_start3A_115 = tpu.memref_slice %arg10[%dma_start3A_113, %dma_start3A_114] : memref<10008x128xf32, #tpu.memory_space<vmem_shared>> -> memref<10008x128xf32, #tpu.memory_space<vmem_shared>>
      tpu.enqueue_indirect_dma source(%arg6 : memref<128x128xf32, #tpu.memory_space<vmem>>) target(%dma_start3A_115 : memref<10008x128xf32, #tpu.memory_space<vmem_shared>>) offsets(%dma_start3A_112 : memref<128xi32, #tpu.memory_space<vmem>>) semaphore(%run_scoped3A_109 : memref<!tpu.dma_semaphore, #tpu.memory_space<semaphore_mem>>) {add = true}
      %dma_wait3A_116 = arith.constant 0 : i32
      %dma_wait3A_117 = tpu.memref_slice %arg5[%run_scoped3A, %run_scoped3A_44, %dma_wait3A_116] : memref<2x40x128xi32, #tpu.memory_space<vmem>> -> memref<1x1x128xi32, #tpu.memory_space<vmem>>
      %dma_wait3A_118 = tpu.memref_squeeze %dma_wait3A_117 : memref<1x1x128xi32, #tpu.memory_space<vmem>> -> memref<128xi32, #tpu.memory_space<vmem>>
      %dma_wait3A_119 = arith.constant 0 : i32
      %dma_wait3A_120 = arith.constant 0 : i32
      %dma_wait3A_121 = tpu.memref_slice %arg10[%dma_wait3A_119, %dma_wait3A_120] : memref<10008x128xf32, #tpu.memory_space<vmem_shared>> -> memref<10008x128xf32, #tpu.memory_space<vmem_shared>>
      tpu.wait_indirect_dma semaphore(%run_scoped3A_109 : memref<!tpu.dma_semaphore, #tpu.memory_space<semaphore_mem>>) src(%arg6 : memref<128x128xf32, #tpu.memory_space<vmem>>) dst(%dma_wait3A_121 : memref<10008x128xf32, #tpu.memory_space<vmem_shared>>)
      tpu.yield
    }) : () -> ()
    %dma_wait3A_45 = arith.constant 0 : i32
    %dma_wait3A_46 = arith.constant 39 : i32
    %dma_wait3A_47 = arith.constant 0 : i32
    %dma_wait3A_48 = tpu.memref_slice %arg5[%dma_wait3A_45, %dma_wait3A_46, %dma_wait3A_47] : memref<2x40x128xi32, #tpu.memory_space<vmem>> -> memref<1x1x128xi32, #tpu.memory_space<vmem>>
    %dma_wait3A_49 = tpu.memref_squeeze %dma_wait3A_48 : memref<1x1x128xi32, #tpu.memory_space<vmem>> -> memref<128xi32, #tpu.memory_space<vmem>>
    %dma_wait3A_50 = arith.constant 0 : i32
    %dma_wait3A_51 = arith.constant 0 : i32
    %dma_wait3A_52 = tpu.memref_slice %arg2[%dma_wait3A_50, %dma_wait3A_51] : memref<10000x128xf32, #tpu.memory_space<hbm>> -> memref<10000x128xf32, #tpu.memory_space<hbm>>
    tpu.wait_indirect_dma semaphore(%arg9 : memref<!tpu.dma_semaphore, #tpu.memory_space<semaphore_mem>>) src(%dma_wait3A_52 : memref<10000x128xf32, #tpu.memory_space<hbm>>) dst(%arg7 : memref<128x128xf32, #tpu.memory_space<vmem>>)
    %run_scoped3A_53 = arith.constant 1 : i32
    %run_scoped3A_54 = arith.constant 39 : i32
    "tpu.region"() ({
      %run_scoped3A_109 = tpu.sem_alloc : memref<!tpu.dma_semaphore, #tpu.memory_space<semaphore_mem>>
      %dma_start3A_110 = arith.constant 0 : i32
      %dma_start3A_111 = tpu.memref_slice %arg5[%run_scoped3A_53, %run_scoped3A_54, %dma_start3A_110] : memref<2x40x128xi32, #tpu.memory_space<vmem>> -> memref<1x1x128xi32, #tpu.memory_space<vmem>>
      %dma_start3A_112 = tpu.memref_squeeze %dma_start3A_111 : memref<1x1x128xi32, #tpu.memory_space<vmem>> -> memref<128xi32, #tpu.memory_space<vmem>>
      %dma_start3A_113 = arith.constant 0 : i32
      %dma_start3A_114 = arith.constant 0 : i32
      %dma_start3A_115 = tpu.memref_slice %arg10[%dma_start3A_113, %dma_start3A_114] : memref<10008x128xf32, #tpu.memory_space<vmem_shared>> -> memref<10008x128xf32, #tpu.memory_space<vmem_shared>>
      tpu.enqueue_indirect_dma source(%arg7 : memref<128x128xf32, #tpu.memory_space<vmem>>) target(%dma_start3A_115 : memref<10008x128xf32, #tpu.memory_space<vmem_shared>>) offsets(%dma_start3A_112 : memref<128xi32, #tpu.memory_space<vmem>>) semaphore(%run_scoped3A_109 : memref<!tpu.dma_semaphore, #tpu.memory_space<semaphore_mem>>) {add = true}
      %dma_wait3A_116 = arith.constant 0 : i32
      %dma_wait3A_117 = tpu.memref_slice %arg5[%run_scoped3A_53, %run_scoped3A_54, %dma_wait3A_116] : memref<2x40x128xi32, #tpu.memory_space<vmem>> -> memref<1x1x128xi32, #tpu.memory_space<vmem>>
      %dma_wait3A_118 = tpu.memref_squeeze %dma_wait3A_117 : memref<1x1x128xi32, #tpu.memory_space<vmem>> -> memref<128xi32, #tpu.memory_space<vmem>>
      %dma_wait3A_119 = arith.constant 0 : i32
      %dma_wait3A_120 = arith.constant 0 : i32
      %dma_wait3A_121 = tpu.memref_slice %arg10[%dma_wait3A_119, %dma_wait3A_120] : memref<10008x128xf32, #tpu.memory_space<vmem_shared>> -> memref<10008x128xf32, #tpu.memory_space<vmem_shared>>
      tpu.wait_indirect_dma semaphore(%run_scoped3A_109 : memref<!tpu.dma_semaphore, #tpu.memory_space<semaphore_mem>>) src(%arg7 : memref<128x128xf32, #tpu.memory_space<vmem>>) dst(%dma_wait3A_121 : memref<10008x128xf32, #tpu.memory_space<vmem_shared>>)
      tpu.yield
    }) : () -> ()
    %add3A_55 = arith.constant 40 : i32
    %add3A_56 = arith.addi %mul3A_14, %add3A_55 : i32
    "tpu.region"() ({
      %run_scoped3A_109 = tpu.sem_alloc : memref<!tpu.dma_semaphore, #tpu.memory_space<semaphore_mem>>
      %dma_start3A_110 = arith.constant 0 : i32
      %dma_start3A_111 = arith.constant 0 : i32
      %dma_start3A_112 = tpu.memref_slice %arg3[%dma_start3A_110, %add3A_56, %dma_start3A_111] : memref<2x2560x128xi32, #tpu.memory_space<hbm>> -> memref<2x40x128xi32, #tpu.memory_space<hbm>>
      %dma_start3A_113 = arith.constant 0 : i32
      %dma_start3A_114 = arith.constant 0 : i32
      %dma_start3A_115 = tpu.memref_slice %arg3[%dma_start3A_113, %add3A_56, %dma_start3A_114] : memref<2x2560x128xi32, #tpu.memory_space<hbm>> -> memref<2x40x128xi32, #tpu.memory_space<hbm>>
      tpu.enqueue_dma source(%dma_start3A_115 : memref<2x40x128xi32, #tpu.memory_space<hbm>>) target(%arg5 : memref<2x40x128xi32, #tpu.memory_space<vmem>>) target_semaphore(%run_scoped3A_109 : memref<!tpu.dma_semaphore, #tpu.memory_space<semaphore_mem>>)
      %dma_wait3A_116 = arith.constant 0 : i32
      %dma_wait3A_117 = arith.constant 0 : i32
      %dma_wait3A_118 = tpu.memref_slice %arg3[%dma_wait3A_116, %add3A_56, %dma_wait3A_117] : memref<2x2560x128xi32, #tpu.memory_space<hbm>> -> memref<2x40x128xi32, #tpu.memory_space<hbm>>
      %dma_wait3A_119 = arith.constant 0 : i32
      %dma_wait3A_120 = arith.constant 0 : i32
      %dma_wait3A_121 = tpu.memref_slice %arg3[%dma_wait3A_119, %add3A_56, %dma_wait3A_120] : memref<2x2560x128xi32, #tpu.memory_space<hbm>> -> memref<2x40x128xi32, #tpu.memory_space<hbm>>
      tpu.wait_dma2 semaphore(%run_scoped3A_109 : memref<!tpu.dma_semaphore, #tpu.memory_space<semaphore_mem>>) src(%dma_wait3A_121 : memref<2x40x128xi32, #tpu.memory_space<hbm>>) dst(%arg5 : memref<2x40x128xi32, #tpu.memory_space<vmem>>)
      tpu.yield
    }) : () -> ()
    %dma_start3A_57 = arith.constant 0 : i32
    %dma_start3A_58 = arith.constant 0 : i32
    %dma_start3A_59 = arith.constant 0 : i32
    %dma_start3A_60 = tpu.memref_slice %arg5[%dma_start3A_57, %dma_start3A_58, %dma_start3A_59] : memref<2x40x128xi32, #tpu.memory_space<vmem>> -> memref<1x1x128xi32, #tpu.memory_space<vmem>>
    %dma_start3A_61 = tpu.memref_squeeze %dma_start3A_60 : memref<1x1x128xi32, #tpu.memory_space<vmem>> -> memref<128xi32, #tpu.memory_space<vmem>>
    %dma_start3A_62 = arith.constant 0 : i32
    %dma_start3A_63 = arith.constant 0 : i32
    %dma_start3A_64 = tpu.memref_slice %arg2[%dma_start3A_62, %dma_start3A_63] : memref<10000x128xf32, #tpu.memory_space<hbm>> -> memref<10000x128xf32, #tpu.memory_space<hbm>>
    tpu.enqueue_indirect_dma source(%dma_start3A_64 : memref<10000x128xf32, #tpu.memory_space<hbm>>) target(%arg6 : memref<128x128xf32, #tpu.memory_space<vmem>>) offsets(%dma_start3A_61 : memref<128xi32, #tpu.memory_space<vmem>>) semaphore(%arg8 : memref<!tpu.dma_semaphore, #tpu.memory_space<semaphore_mem>>)
    %dma_start3A_65 = arith.constant 0 : i32
    %dma_start3A_66 = arith.constant 1 : i32
    %dma_start3A_67 = arith.constant 0 : i32
    %dma_start3A_68 = tpu.memref_slice %arg5[%dma_start3A_65, %dma_start3A_66, %dma_start3A_67] : memref<2x40x128xi32, #tpu.memory_space<vmem>> -> memref<1x1x128xi32, #tpu.memory_space<vmem>>
    %dma_start3A_69 = tpu.memref_squeeze %dma_start3A_68 : memref<1x1x128xi32, #tpu.memory_space<vmem>> -> memref<128xi32, #tpu.memory_space<vmem>>
    %dma_start3A_70 = arith.constant 0 : i32
    %dma_start3A_71 = arith.constant 0 : i32
    %dma_start3A_72 = tpu.memref_slice %arg2[%dma_start3A_70, %dma_start3A_71] : memref<10000x128xf32, #tpu.memory_space<hbm>> -> memref<10000x128xf32, #tpu.memory_space<hbm>>
    tpu.enqueue_indirect_dma source(%dma_start3A_72 : memref<10000x128xf32, #tpu.memory_space<hbm>>) target(%arg7 : memref<128x128xf32, #tpu.memory_space<vmem>>) offsets(%dma_start3A_69 : memref<128xi32, #tpu.memory_space<vmem>>) semaphore(%arg9 : memref<!tpu.dma_semaphore, #tpu.memory_space<semaphore_mem>>)
    %scan3A_73 = arith.constant 0 : i32
    %scan3A_74 = arith.constant 19 : i32
    %scan3A_75 = arith.addi %scan3A_73, %scan3A_74 : i32
    %scan3A_76 = arith.constant 1 : i32
    scf.for %scan3A_109 = %scan3A_73 to %scan3A_75 step %scan3A_76  : i32 {
      %mul3A_110 = arith.constant 1 : i32
      %mul3A_111 = arith.muli %scan3A_109, %mul3A_110 : i32
      %add3A_112 = arith.constant 0 : i32
      %add3A_113 = arith.addi %add3A_112, %mul3A_111 : i32
      %mul3A_114 = arith.constant 2 : i32
      %mul3A_115 = arith.muli %mul3A_114, %add3A_113 : i32
      %dma_wait3A_116 = arith.constant 0 : i32
      %dma_wait3A_117 = arith.constant 0 : i32
      %dma_wait3A_118 = tpu.memref_slice %arg5[%dma_wait3A_116, %mul3A_115, %dma_wait3A_117] : memref<2x40x128xi32, #tpu.memory_space<vmem>> -> memref<1x1x128xi32, #tpu.memory_space<vmem>>
      %dma_wait3A_119 = tpu.memref_squeeze %dma_wait3A_118 : memref<1x1x128xi32, #tpu.memory_space<vmem>> -> memref<128xi32, #tpu.memory_space<vmem>>
      %dma_wait3A_120 = arith.constant 0 : i32
      %dma_wait3A_121 = arith.constant 0 : i32
      %dma_wait3A_122 = tpu.memref_slice %arg2[%dma_wait3A_120, %dma_wait3A_121] : memref<10000x128xf32, #tpu.memory_space<hbm>> -> memref<10000x128xf32, #tpu.memory_space<hbm>>
      tpu.wait_indirect_dma semaphore(%arg8 : memref<!tpu.dma_semaphore, #tpu.memory_space<semaphore_mem>>) src(%dma_wait3A_122 : memref<10000x128xf32, #tpu.memory_space<hbm>>) dst(%arg6 : memref<128x128xf32, #tpu.memory_space<vmem>>)
      %run_scoped3A_123 = arith.constant 1 : i32
      "tpu.region"() ({
        %run_scoped3A_152 = tpu.sem_alloc : memref<!tpu.dma_semaphore, #tpu.memory_space<semaphore_mem>>
        %dma_start3A_153 = arith.constant 0 : i32
        %dma_start3A_154 = tpu.memref_slice %arg5[%run_scoped3A_123, %mul3A_115, %dma_start3A_153] : memref<2x40x128xi32, #tpu.memory_space<vmem>> -> memref<1x1x128xi32, #tpu.memory_space<vmem>>
        %dma_start3A_155 = tpu.memref_squeeze %dma_start3A_154 : memref<1x1x128xi32, #tpu.memory_space<vmem>> -> memref<128xi32, #tpu.memory_space<vmem>>
        %dma_start3A_156 = arith.constant 0 : i32
        %dma_start3A_157 = arith.constant 0 : i32
        %dma_start3A_158 = tpu.memref_slice %arg10[%dma_start3A_156, %dma_start3A_157] : memref<10008x128xf32, #tpu.memory_space<vmem_shared>> -> memref<10008x128xf32, #tpu.memory_space<vmem_shared>>
        tpu.enqueue_indirect_dma source(%arg6 : memref<128x128xf32, #tpu.memory_space<vmem>>) target(%dma_start3A_158 : memref<10008x128xf32, #tpu.memory_space<vmem_shared>>) offsets(%dma_start3A_155 : memref<128xi32, #tpu.memory_space<vmem>>) semaphore(%run_scoped3A_152 : memref<!tpu.dma_semaphore, #tpu.memory_space<semaphore_mem>>) {add = true}
        %dma_wait3A_159 = arith.constant 0 : i32
        %dma_wait3A_160 = tpu.memref_slice %arg5[%run_scoped3A_123, %mul3A_115, %dma_wait3A_159] : memref<2x40x128xi32, #tpu.memory_space<vmem>> -> memref<1x1x128xi32, #tpu.memory_space<vmem>>
        %dma_wait3A_161 = tpu.memref_squeeze %dma_wait3A_160 : memref<1x1x128xi32, #tpu.memory_space<vmem>> -> memref<128xi32, #tpu.memory_space<vmem>>
        %dma_wait3A_162 = arith.constant 0 : i32
        %dma_wait3A_163 = arith.constant 0 : i32
        %dma_wait3A_164 = tpu.memref_slice %arg10[%dma_wait3A_162, %dma_wait3A_163] : memref<10008x128xf32, #tpu.memory_space<vmem_shared>> -> memref<10008x128xf32, #tpu.memory_space<vmem_shared>>
        tpu.wait_indirect_dma semaphore(%run_scoped3A_152 : memref<!tpu.dma_semaphore, #tpu.memory_space<semaphore_mem>>) src(%arg6 : memref<128x128xf32, #tpu.memory_space<vmem>>) dst(%dma_wait3A_164 : memref<10008x128xf32, #tpu.memory_space<vmem_shared>>)
        tpu.yield
      }) : () -> ()
      %add3A_124 = arith.constant 2 : i32
      %add3A_125 = arith.addi %mul3A_115, %add3A_124 : i32
      %dma_start3A_126 = arith.constant 0 : i32
      %dma_start3A_127 = arith.constant 0 : i32
      %dma_start3A_128 = tpu.memref_slice %arg5[%dma_start3A_126, %add3A_125, %dma_start3A_127] : memref<2x40x128xi32, #tpu.memory_space<vmem>> -> memref<1x1x128xi32, #tpu.memory_space<vmem>>
      %dma_start3A_129 = tpu.memref_squeeze %dma_start3A_128 : memref<1x1x128xi32, #tpu.memory_space<vmem>> -> memref<128xi32, #tpu.memory_space<vmem>>
      %dma_start3A_130 = arith.constant 0 : i32
      %dma_start3A_131 = arith.constant 0 : i32
      %dma_start3A_132 = tpu.memref_slice %arg2[%dma_start3A_130, %dma_start3A_131] : memref<10000x128xf32, #tpu.memory_space<hbm>> -> memref<10000x128xf32, #tpu.memory_space<hbm>>
      tpu.enqueue_indirect_dma source(%dma_start3A_132 : memref<10000x128xf32, #tpu.memory_space<hbm>>) target(%arg6 : memref<128x128xf32, #tpu.memory_space<vmem>>) offsets(%dma_start3A_129 : memref<128xi32, #tpu.memory_space<vmem>>) semaphore(%arg8 : memref<!tpu.dma_semaphore, #tpu.memory_space<semaphore_mem>>)
      %add3A_133 = arith.constant 1 : i32
      %add3A_134 = arith.addi %mul3A_115, %add3A_133 : i32
      %dma_wait3A_135 = arith.constant 0 : i32
      %dma_wait3A_136 = arith.constant 0 : i32
      %dma_wait3A_137 = tpu.memref_slice %arg5[%dma_wait3A_135, %add3A_134, %dma_wait3A_136] : memref<2x40x128xi32, #tpu.memory_space<vmem>> -> memref<1x1x128xi32, #tpu.memory_space<vmem>>
      %dma_wait3A_138 = tpu.memref_squeeze %dma_wait3A_137 : memref<1x1x128xi32, #tpu.memory_space<vmem>> -> memref<128xi32, #tpu.memory_space<vmem>>
      %dma_wait3A_139 = arith.constant 0 : i32
      %dma_wait3A_140 = arith.constant 0 : i32
      %dma_wait3A_141 = tpu.memref_slice %arg2[%dma_wait3A_139, %dma_wait3A_140] : memref<10000x128xf32, #tpu.memory_space<hbm>> -> memref<10000x128xf32, #tpu.memory_space<hbm>>
      tpu.wait_indirect_dma semaphore(%arg9 : memref<!tpu.dma_semaphore, #tpu.memory_space<semaphore_mem>>) src(%dma_wait3A_141 : memref<10000x128xf32, #tpu.memory_space<hbm>>) dst(%arg7 : memref<128x128xf32, #tpu.memory_space<vmem>>)
      %run_scoped3A_142 = arith.constant 1 : i32
      "tpu.region"() ({
        %run_scoped3A_152 = tpu.sem_alloc : memref<!tpu.dma_semaphore, #tpu.memory_space<semaphore_mem>>
        %dma_start3A_153 = arith.constant 0 : i32
        %dma_start3A_154 = tpu.memref_slice %arg5[%run_scoped3A_142, %add3A_134, %dma_start3A_153] : memref<2x40x128xi32, #tpu.memory_space<vmem>> -> memref<1x1x128xi32, #tpu.memory_space<vmem>>
        %dma_start3A_155 = tpu.memref_squeeze %dma_start3A_154 : memref<1x1x128xi32, #tpu.memory_space<vmem>> -> memref<128xi32, #tpu.memory_space<vmem>>
        %dma_start3A_156 = arith.constant 0 : i32
        %dma_start3A_157 = arith.constant 0 : i32
        %dma_start3A_158 = tpu.memref_slice %arg10[%dma_start3A_156, %dma_start3A_157] : memref<10008x128xf32, #tpu.memory_space<vmem_shared>> -> memref<10008x128xf32, #tpu.memory_space<vmem_shared>>
        tpu.enqueue_indirect_dma source(%arg7 : memref<128x128xf32, #tpu.memory_space<vmem>>) target(%dma_start3A_158 : memref<10008x128xf32, #tpu.memory_space<vmem_shared>>) offsets(%dma_start3A_155 : memref<128xi32, #tpu.memory_space<vmem>>) semaphore(%run_scoped3A_152 : memref<!tpu.dma_semaphore, #tpu.memory_space<semaphore_mem>>) {add = true}
        %dma_wait3A_159 = arith.constant 0 : i32
        %dma_wait3A_160 = tpu.memref_slice %arg5[%run_scoped3A_142, %add3A_134, %dma_wait3A_159] : memref<2x40x128xi32, #tpu.memory_space<vmem>> -> memref<1x1x128xi32, #tpu.memory_space<vmem>>
        %dma_wait3A_161 = tpu.memref_squeeze %dma_wait3A_160 : memref<1x1x128xi32, #tpu.memory_space<vmem>> -> memref<128xi32, #tpu.memory_space<vmem>>
        %dma_wait3A_162 = arith.constant 0 : i32
        %dma_wait3A_163 = arith.constant 0 : i32
        %dma_wait3A_164 = tpu.memref_slice %arg10[%dma_wait3A_162, %dma_wait3A_163] : memref<10008x128xf32, #tpu.memory_space<vmem_shared>> -> memref<10008x128xf32, #tpu.memory_space<vmem_shared>>
        tpu.wait_indirect_dma semaphore(%run_scoped3A_152 : memref<!tpu.dma_semaphore, #tpu.memory_space<semaphore_mem>>) src(%arg7 : memref<128x128xf32, #tpu.memory_space<vmem>>) dst(%dma_wait3A_164 : memref<10008x128xf32, #tpu.memory_space<vmem_shared>>)
        tpu.yield
      }) : () -> ()
      %add3A_143 = arith.constant 3 : i32
      %add3A_144 = arith.addi %mul3A_115, %add3A_143 : i32
      %dma_start3A_145 = arith.constant 0 : i32
      %dma_start3A_146 = arith.constant 0 : i32
      %dma_start3A_147 = tpu.memref_slice %arg5[%dma_start3A_145, %add3A_144, %dma_start3A_146] : memref<2x40x128xi32, #tpu.memory_space<vmem>> -> memref<1x1x128xi32, #tpu.memory_space<vmem>>
      %dma_start3A_148 = tpu.memref_squeeze %dma_start3A_147 : memref<1x1x128xi32, #tpu.memory_space<vmem>> -> memref<128xi32, #tpu.memory_space<vmem>>
      %dma_start3A_149 = arith.constant 0 : i32
      %dma_start3A_150 = arith.constant 0 : i32
      %dma_start3A_151 = tpu.memref_slice %arg2[%dma_start3A_149, %dma_start3A_150] : memref<10000x128xf32, #tpu.memory_space<hbm>> -> memref<10000x128xf32, #tpu.memory_space<hbm>>
      tpu.enqueue_indirect_dma source(%dma_start3A_151 : memref<10000x128xf32, #tpu.memory_space<hbm>>) target(%arg7 : memref<128x128xf32, #tpu.memory_space<vmem>>) offsets(%dma_start3A_148 : memref<128xi32, #tpu.memory_space<vmem>>) semaphore(%arg9 : memref<!tpu.dma_semaphore, #tpu.memory_space<semaphore_mem>>)
    }
    %scan3A_77 = arith.constant 19 : i32
    %dma_wait3A_78 = arith.constant 0 : i32
    %dma_wait3A_79 = arith.constant 38 : i32
    %dma_wait3A_80 = arith.constant 0 : i32
    %dma_wait3A_81 = tpu.memref_slice %arg5[%dma_wait3A_78, %dma_wait3A_79, %dma_wait3A_80] : memref<2x40x128xi32, #tpu.memory_space<vmem>> -> memref<1x1x128xi32, #tpu.memory_space<vmem>>
    %dma_wait3A_82 = tpu.memref_squeeze %dma_wait3A_81 : memref<1x1x128xi32, #tpu.memory_space<vmem>> -> memref<128xi32, #tpu.memory_space<vmem>>
    %dma_wait3A_83 = arith.constant 0 : i32
    %dma_wait3A_84 = arith.constant 0 : i32
    %dma_wait3A_85 = tpu.memref_slice %arg2[%dma_wait3A_83, %dma_wait3A_84] : memref<10000x128xf32, #tpu.memory_space<hbm>> -> memref<10000x128xf32, #tpu.memory_space<hbm>>
    tpu.wait_indirect_dma semaphore(%arg8 : memref<!tpu.dma_semaphore, #tpu.memory_space<semaphore_mem>>) src(%dma_wait3A_85 : memref<10000x128xf32, #tpu.memory_space<hbm>>) dst(%arg6 : memref<128x128xf32, #tpu.memory_space<vmem>>)
    %run_scoped3A_86 = arith.constant 1 : i32
    %run_scoped3A_87 = arith.constant 38 : i32
    "tpu.region"() ({
      %run_scoped3A_109 = tpu.sem_alloc : memref<!tpu.dma_semaphore, #tpu.memory_space<semaphore_mem>>
      %dma_start3A_110 = arith.constant 0 : i32
      %dma_start3A_111 = tpu.memref_slice %arg5[%run_scoped3A_86, %run_scoped3A_87, %dma_start3A_110] : memref<2x40x128xi32, #tpu.memory_space<vmem>> -> memref<1x1x128xi32, #tpu.memory_space<vmem>>
      %dma_start3A_112 = tpu.memref_squeeze %dma_start3A_111 : memref<1x1x128xi32, #tpu.memory_space<vmem>> -> memref<128xi32, #tpu.memory_space<vmem>>
      %dma_start3A_113 = arith.constant 0 : i32
      %dma_start3A_114 = arith.constant 0 : i32
      %dma_start3A_115 = tpu.memref_slice %arg10[%dma_start3A_113, %dma_start3A_114] : memref<10008x128xf32, #tpu.memory_space<vmem_shared>> -> memref<10008x128xf32, #tpu.memory_space<vmem_shared>>
      tpu.enqueue_indirect_dma source(%arg6 : memref<128x128xf32, #tpu.memory_space<vmem>>) target(%dma_start3A_115 : memref<10008x128xf32, #tpu.memory_space<vmem_shared>>) offsets(%dma_start3A_112 : memref<128xi32, #tpu.memory_space<vmem>>) semaphore(%run_scoped3A_109 : memref<!tpu.dma_semaphore, #tpu.memory_space<semaphore_mem>>) {add = true}
      %dma_wait3A_116 = arith.constant 0 : i32
      %dma_wait3A_117 = tpu.memref_slice %arg5[%run_scoped3A_86, %run_scoped3A_87, %dma_wait3A_116] : memref<2x40x128xi32, #tpu.memory_space<vmem>> -> memref<1x1x128xi32, #tpu.memory_space<vmem>>
      %dma_wait3A_118 = tpu.memref_squeeze %dma_wait3A_117 : memref<1x1x128xi32, #tpu.memory_space<vmem>> -> memref<128xi32, #tpu.memory_space<vmem>>
      %dma_wait3A_119 = arith.constant 0 : i32
      %dma_wait3A_120 = arith.constant 0 : i32
      %dma_wait3A_121 = tpu.memref_slice %arg10[%dma_wait3A_119, %dma_wait3A_120] : memref<10008x128xf32, #tpu.memory_space<vmem_shared>> -> memref<10008x128xf32, #tpu.memory_space<vmem_shared>>
      tpu.wait_indirect_dma semaphore(%run_scoped3A_109 : memref<!tpu.dma_semaphore, #tpu.memory_space<semaphore_mem>>) src(%arg6 : memref<128x128xf32, #tpu.memory_space<vmem>>) dst(%dma_wait3A_121 : memref<10008x128xf32, #tpu.memory_space<vmem_shared>>)
      tpu.yield
    }) : () -> ()
    %dma_wait3A_88 = arith.constant 0 : i32
    %dma_wait3A_89 = arith.constant 39 : i32
    %dma_wait3A_90 = arith.constant 0 : i32
    %dma_wait3A_91 = tpu.memref_slice %arg5[%dma_wait3A_88, %dma_wait3A_89, %dma_wait3A_90] : memref<2x40x128xi32, #tpu.memory_space<vmem>> -> memref<1x1x128xi32, #tpu.memory_space<vmem>>
    %dma_wait3A_92 = tpu.memref_squeeze %dma_wait3A_91 : memref<1x1x128xi32, #tpu.memory_space<vmem>> -> memref<128xi32, #tpu.memory_space<vmem>>
    %dma_wait3A_93 = arith.constant 0 : i32
    %dma_wait3A_94 = arith.constant 0 : i32
    %dma_wait3A_95 = tpu.memref_slice %arg2[%dma_wait3A_93, %dma_wait3A_94] : memref<10000x128xf32, #tpu.memory_space<hbm>> -> memref<10000x128xf32, #tpu.memory_space<hbm>>
    tpu.wait_indirect_dma semaphore(%arg9 : memref<!tpu.dma_semaphore, #tpu.memory_space<semaphore_mem>>) src(%dma_wait3A_95 : memref<10000x128xf32, #tpu.memory_space<hbm>>) dst(%arg7 : memref<128x128xf32, #tpu.memory_space<vmem>>)
    %run_scoped3A_96 = arith.constant 1 : i32
    %run_scoped3A_97 = arith.constant 39 : i32
    "tpu.region"() ({
      %run_scoped3A_109 = tpu.sem_alloc : memref<!tpu.dma_semaphore, #tpu.memory_space<semaphore_mem>>
      %dma_start3A_110 = arith.constant 0 : i32
      %dma_start3A_111 = tpu.memref_slice %arg5[%run_scoped3A_96, %run_scoped3A_97, %dma_start3A_110] : memref<2x40x128xi32, #tpu.memory_space<vmem>> -> memref<1x1x128xi32, #tpu.memory_space<vmem>>
      %dma_start3A_112 = tpu.memref_squeeze %dma_start3A_111 : memref<1x1x128xi32, #tpu.memory_space<vmem>> -> memref<128xi32, #tpu.memory_space<vmem>>
      %dma_start3A_113 = arith.constant 0 : i32
      %dma_start3A_114 = arith.constant 0 : i32
      %dma_start3A_115 = tpu.memref_slice %arg10[%dma_start3A_113, %dma_start3A_114] : memref<10008x128xf32, #tpu.memory_space<vmem_shared>> -> memref<10008x128xf32, #tpu.memory_space<vmem_shared>>
      tpu.enqueue_indirect_dma source(%arg7 : memref<128x128xf32, #tpu.memory_space<vmem>>) target(%dma_start3A_115 : memref<10008x128xf32, #tpu.memory_space<vmem_shared>>) offsets(%dma_start3A_112 : memref<128xi32, #tpu.memory_space<vmem>>) semaphore(%run_scoped3A_109 : memref<!tpu.dma_semaphore, #tpu.memory_space<semaphore_mem>>) {add = true}
      %dma_wait3A_116 = arith.constant 0 : i32
      %dma_wait3A_117 = tpu.memref_slice %arg5[%run_scoped3A_96, %run_scoped3A_97, %dma_wait3A_116] : memref<2x40x128xi32, #tpu.memory_space<vmem>> -> memref<1x1x128xi32, #tpu.memory_space<vmem>>
      %dma_wait3A_118 = tpu.memref_squeeze %dma_wait3A_117 : memref<1x1x128xi32, #tpu.memory_space<vmem>> -> memref<128xi32, #tpu.memory_space<vmem>>
      %dma_wait3A_119 = arith.constant 0 : i32
      %dma_wait3A_120 = arith.constant 0 : i32
      %dma_wait3A_121 = tpu.memref_slice %arg10[%dma_wait3A_119, %dma_wait3A_120] : memref<10008x128xf32, #tpu.memory_space<vmem_shared>> -> memref<10008x128xf32, #tpu.memory_space<vmem_shared>>
      tpu.wait_indirect_dma semaphore(%run_scoped3A_109 : memref<!tpu.dma_semaphore, #tpu.memory_space<semaphore_mem>>) src(%arg7 : memref<128x128xf32, #tpu.memory_space<vmem>>) dst(%dma_wait3A_121 : memref<10008x128xf32, #tpu.memory_space<vmem_shared>>)
      tpu.yield
    }) : () -> ()
    %barrier3A_98 = arith.constant 0 : index
    tpu.barrier barrier_id(%barrier3A_98)
    %scan3A_99 = arith.constant 0 : i32
    %scan3A_100 = arith.constant 5 : i32
    %scan3A_101 = arith.addi %scan3A_99, %scan3A_100 : i32
    %scan3A_102 = arith.constant 1 : i32
    scf.for %scan3A_109 = %scan3A_99 to %scan3A_101 step %scan3A_102  : i32 {
      %mul3A_110 = arith.constant 1 : i32
      %mul3A_111 = arith.muli %scan3A_109, %mul3A_110 : i32
      %add3A_112 = arith.constant 0 : i32
      %add3A_113 = arith.addi %add3A_112, %mul3A_111 : i32
      %mul3A_114 = arith.constant 16 : i32
      %mul3A_115 = arith.muli %mul3A_114, %add3A_113 : i32
      %add3A_116 = arith.addi %arg1, %mul3A_115 : i32
      %lt3A = arith.constant 78 : i32
      %lt3A_117 = arith.cmpi slt, %add3A_116, %lt3A : i32
      %convert_element_type3A_118 = arith.extui %lt3A_117 : i1 to i32
      %cond3A_119 = arith.constant 0 : i32
      %cond3A_120 = arith.cmpi ne, %convert_element_type3A_118, %cond3A_119 : i32
      scf.if %cond3A_120 {
        %mul3A_121 = arith.constant 128 : i32
        %mul3A_122 = arith.muli %add3A_116, %mul3A_121 : i32
        %mul3A_123 = arith.constant 128 : i32
        %mul3A_124 = arith.muli %add3A_116, %mul3A_123 : i32
        "tpu.region"() ({
          %run_scoped3A_125 = tpu.sem_alloc : memref<!tpu.dma_semaphore, #tpu.memory_space<semaphore_mem>>
          %dma_start3A_126 = arith.constant 0 : i32
          %dma_start3A_127 = tpu.memref_slice %arg4[%arg0, %mul3A_124, %dma_start3A_126] : memref<2x10000x128xf32, #tpu.memory_space<hbm>> -> memref<1x128x128xf32, #tpu.memory_space<hbm>>
          %dma_start3A_128 = tpu.memref_squeeze %dma_start3A_127 : memref<1x128x128xf32, #tpu.memory_space<hbm>> -> memref<128x128xf32, #tpu.memory_space<hbm>>
          %dma_start3A_129 = arith.constant 0 : i32
          %dma_start3A_130 = tpu.memref_slice %arg10[%mul3A_122, %dma_start3A_129] : memref<10008x128xf32, #tpu.memory_space<vmem_shared>> -> memref<128x128xf32, #tpu.memory_space<vmem_shared>>
          tpu.enqueue_dma source(%dma_start3A_130 : memref<128x128xf32, #tpu.memory_space<vmem_shared>>) target(%dma_start3A_128 : memref<128x128xf32, #tpu.memory_space<hbm>>) target_semaphore(%run_scoped3A_125 : memref<!tpu.dma_semaphore, #tpu.memory_space<semaphore_mem>>)
          %dma_wait3A_131 = arith.constant 0 : i32
          %dma_wait3A_132 = tpu.memref_slice %arg4[%arg0, %mul3A_124, %dma_wait3A_131] : memref<2x10000x128xf32, #tpu.memory_space<hbm>> -> memref<1x128x128xf32, #tpu.memory_space<hbm>>
          %dma_wait3A_133 = tpu.memref_squeeze %dma_wait3A_132 : memref<1x128x128xf32, #tpu.memory_space<hbm>> -> memref<128x128xf32, #tpu.memory_space<hbm>>
          %dma_wait3A_134 = arith.constant 0 : i32
          %dma_wait3A_135 = tpu.memref_slice %arg10[%mul3A_122, %dma_wait3A_134] : memref<10008x128xf32, #tpu.memory_space<vmem_shared>> -> memref<128x128xf32, #tpu.memory_space<vmem_shared>>
          tpu.wait_dma2 semaphore(%run_scoped3A_125 : memref<!tpu.dma_semaphore, #tpu.memory_space<semaphore_mem>>) src(%dma_wait3A_135 : memref<128x128xf32, #tpu.memory_space<vmem_shared>>) dst(%dma_wait3A_133 : memref<128x128xf32, #tpu.memory_space<hbm>>)
          tpu.yield
        }) : () -> ()
      } else {
      }
    }
    %scan3A_103 = arith.constant 5 : i32
    %eq3A_104 = arith.constant 0 : i32
    %eq3A_105 = arith.cmpi eq, %arg1, %eq3A_104 : i32
    %convert_element_type3A_106 = arith.extui %eq3A_105 : i1 to i32
    %cond3A_107 = arith.constant 0 : i32
    %cond3A_108 = arith.cmpi ne, %convert_element_type3A_106, %cond3A_107 : i32
    scf.if %cond3A_108 {
      "tpu.region"() ({
        %run_scoped3A_109 = tpu.sem_alloc : memref<!tpu.dma_semaphore, #tpu.memory_space<semaphore_mem>>
        %dma_start3A_110 = arith.constant 9984 : i32
        %dma_start3A_111 = arith.constant 0 : i32
        %dma_start3A_112 = tpu.memref_slice %arg4[%arg0, %dma_start3A_110, %dma_start3A_111] : memref<2x10000x128xf32, #tpu.memory_space<hbm>> -> memref<1x16x128xf32, #tpu.memory_space<hbm>>
        %dma_start3A_113 = tpu.memref_squeeze %dma_start3A_112 : memref<1x16x128xf32, #tpu.memory_space<hbm>> -> memref<16x128xf32, #tpu.memory_space<hbm>>
        %dma_start3A_114 = arith.constant 9984 : i32
        %dma_start3A_115 = arith.constant 0 : i32
        %dma_start3A_116 = tpu.memref_slice %arg10[%dma_start3A_114, %dma_start3A_115] : memref<10008x128xf32, #tpu.memory_space<vmem_shared>> -> memref<16x128xf32, #tpu.memory_space<vmem_shared>>
        tpu.enqueue_dma source(%dma_start3A_116 : memref<16x128xf32, #tpu.memory_space<vmem_shared>>) target(%dma_start3A_113 : memref<16x128xf32, #tpu.memory_space<hbm>>) target_semaphore(%run_scoped3A_109 : memref<!tpu.dma_semaphore, #tpu.memory_space<semaphore_mem>>)
        %dma_wait3A_117 = arith.constant 9984 : i32
        %dma_wait3A_118 = arith.constant 0 : i32
        %dma_wait3A_119 = tpu.memref_slice %arg4[%arg0, %dma_wait3A_117, %dma_wait3A_118] : memref<2x10000x128xf32, #tpu.memory_space<hbm>> -> memref<1x16x128xf32, #tpu.memory_space<hbm>>
        %dma_wait3A_120 = tpu.memref_squeeze %dma_wait3A_119 : memref<1x16x128xf32, #tpu.memory_space<hbm>> -> memref<16x128xf32, #tpu.memory_space<hbm>>
        %dma_wait3A_121 = arith.constant 9984 : i32
        %dma_wait3A_122 = arith.constant 0 : i32
        %dma_wait3A_123 = tpu.memref_slice %arg10[%dma_wait3A_121, %dma_wait3A_122] : memref<10008x128xf32, #tpu.memory_space<vmem_shared>> -> memref<16x128xf32, #tpu.memory_space<vmem_shared>>
        tpu.wait_dma2 semaphore(%run_scoped3A_109 : memref<!tpu.dma_semaphore, #tpu.memory_space<semaphore_mem>>) src(%dma_wait3A_123 : memref<16x128xf32, #tpu.memory_space<vmem_shared>>) dst(%dma_wait3A_120 : memref<16x128xf32, #tpu.memory_space<hbm>>)
        tpu.yield
      }) : () -> ()
    } else {
    }
    return
  }
}

#map = affine_map<(d0, d1) -> (0, 0)>
#map1 = affine_map<(d0, d1) -> (0, 0, 0)>
module attributes {stable_mosaic.version = 14 : i64} {
  func.func @sc_edge_agg(%arg0: i32, %arg1: i32, %arg2: memref<10000x128xf32, #tpu.memory_space<hbm>>, %arg3: memref<2x2560x128xi32, #tpu.memory_space<hbm>>, %arg4: memref<2x10000x128xf32, #tpu.memory_space<hbm>>, %arg5: memref<2x40x128xi32, #tpu.memory_space<vmem>>, %arg6: memref<128x128xf32, #tpu.memory_space<vmem>>, %arg7: memref<128x128xf32, #tpu.memory_space<vmem>>, %arg8: memref<!tpu.dma_semaphore, #tpu.memory_space<semaphore_mem>>, %arg9: memref<!tpu.dma_semaphore, #tpu.memory_space<semaphore_mem>>, %arg10: memref<10008x128xf32, #tpu.memory_space<vmem_shared>>) attributes {dimension_semantics = [#tpu.dimension_semantics<core_parallel>, #tpu.dimension_semantics<subcore_parallel>], iteration_bounds = array<i64: 2, 16>, scalar_prefetch = 0 : i64, scratch_operands = 6 : i64, tpu.core_type = #tpu.core_type<sc_vector_subcore>, window_params = [{transform_indices = #map}, {transform_indices = #map1}, {transform_indices = #map1}]} {
    %mul3A = arith.constant 2 : i32
    %mul3A_0 = arith.muli %arg1, %mul3A : i32
    %add3A = arith.addi %mul3A_0, %arg0 : i32
    %broadcast_in_dim3A = arith.constant 0.000000e+00 : f32
    %broadcast_in_dim3A_1 = vector.broadcast %broadcast_in_dim3A : f32 to vector<16xf32>
    %scan3A = arith.constant 0 : i32
    %scan3A_2 = arith.constant 128 : i32
    %scan3A_3 = arith.addi %scan3A, %scan3A_2 : i32
    %scan3A_4 = arith.constant 1 : i32
    scf.for %scan3A_109 = %scan3A to %scan3A_3 step %scan3A_4  : i32 {
      %mul3A_110 = arith.constant 1 : i32
      %mul3A_111 = arith.muli %scan3A_109, %mul3A_110 : i32
      %add3A_112 = arith.constant 0 : i32
      %add3A_113 = arith.addi %add3A_112, %mul3A_111 : i32
      %scan3A_114 = arith.constant 0 : i32
      %scan3A_115 = arith.constant 8 : i32
      %scan3A_116 = arith.addi %scan3A_114, %scan3A_115 : i32
      %scan3A_117 = arith.constant 1 : i32
      scf.for %scan3A_119 = %scan3A_114 to %scan3A_116 step %scan3A_117  : i32 {
        %mul3A_120 = arith.constant 1 : i32
        %mul3A_121 = arith.muli %scan3A_119, %mul3A_120 : i32
        %add3A_122 = arith.constant 0 : i32
        %add3A_123 = arith.addi %add3A_122, %mul3A_121 : i32
        %mul3A_124 = arith.constant 16 : i32
        %mul3A_125 = arith.muli %add3A_123, %mul3A_124 : i32
        %swap3A = arith.index_cast %add3A_113 : i32 to index
        %swap3A_126 = arith.index_cast %mul3A_125 : i32 to index
        %swap3A_127 = tpu.vector_load %arg6[%swap3A, %swap3A_126] {strides = array<i32>} : memref<128x128xf32, #tpu.memory_space<vmem>>, vector<1x16xf32>,
        %swap3A_128 = vector.shape_cast %swap3A_127 : vector<1x16xf32> to vector<16xf32>
        %swap3A_129 = vector.shape_cast %broadcast_in_dim3A_1 : vector<16xf32> to vector<1x16xf32>
        tpu.vector_store %arg6[%swap3A, %swap3A_126], %swap3A_129 {strides = array<i32>} : memref<128x128xf32, #tpu.memory_space<vmem>>, vector<1x16xf32>,
      }
      %scan3A_118 = arith.constant 8 : i32
    }
    %scan3A_5 = arith.constant 128 : i32
    %scan3A_6 = arith.constant 0 : i32
    %scan3A_7 = arith.constant 5 : i32
    %scan3A_8 = arith.addi %scan3A_6, %scan3A_7 : i32
    %scan3A_9 = arith.constant 1 : i32
    scf.for %scan3A_109 = %scan3A_6 to %scan3A_8 step %scan3A_9  : i32 {
      %mul3A_110 = arith.constant 1 : i32
      %mul3A_111 = arith.muli %scan3A_109, %mul3A_110 : i32
      %add3A_112 = arith.constant 0 : i32
      %add3A_113 = arith.addi %add3A_112, %mul3A_111 : i32
      %mul3A_114 = arith.constant 16 : i32
      %mul3A_115 = arith.muli %mul3A_114, %add3A_113 : i32
      %add3A_116 = arith.addi %arg1, %mul3A_115 : i32
      %lt3A = arith.constant 78 : i32
      %lt3A_117 = arith.cmpi slt, %add3A_116, %lt3A : i32
      %convert_element_type3A_118 = arith.extui %lt3A_117 : i1 to i32
      %cond3A_119 = arith.constant 0 : i32
      %cond3A_120 = arith.cmpi ne, %convert_element_type3A_118, %cond3A_119 : i32
      scf.if %cond3A_120 {
        %mul3A_121 = arith.constant 128 : i32
        %mul3A_122 = arith.muli %add3A_116, %mul3A_121 : i32
        "tpu.region"() ({
          %run_scoped3A_123 = tpu.sem_alloc : memref<!tpu.dma_semaphore, #tpu.memory_space<semaphore_mem>>
          %dma_start3A_124 = arith.constant 0 : i32
          %dma_start3A_125 = tpu.memref_slice %arg10[%mul3A_122, %dma_start3A_124] : memref<10008x128xf32, #tpu.memory_space<vmem_shared>> -> memref<128x128xf32, #tpu.memory_space<vmem_shared>>
          %dma_start3A_126 = arith.constant 0 : i32
          %dma_start3A_127 = tpu.memref_slice %arg10[%mul3A_122, %dma_start3A_126] : memref<10008x128xf32, #tpu.memory_space<vmem_shared>> -> memref<128x128xf32, #tpu.memory_space<vmem_shared>>
          tpu.enqueue_dma source(%arg6 : memref<128x128xf32, #tpu.memory_space<vmem>>) target(%dma_start3A_127 : memref<128x128xf32, #tpu.memory_space<vmem_shared>>) target_semaphore(%run_scoped3A_123 : memref<!tpu.dma_semaphore, #tpu.memory_space<semaphore_mem>>)
          %dma_wait3A_128 = arith.constant 0 : i32
          %dma_wait3A_129 = tpu.memref_slice %arg10[%mul3A_122, %dma_wait3A_128] : memref<10008x128xf32, #tpu.memory_space<vmem_shared>> -> memref<128x128xf32, #tpu.memory_space<vmem_shared>>
          %dma_wait3A_130 = arith.constant 0 : i32
          %dma_wait3A_131 = tpu.memref_slice %arg10[%mul3A_122, %dma_wait3A_130] : memref<10008x128xf32, #tpu.memory_space<vmem_shared>> -> memref<128x128xf32, #tpu.memory_space<vmem_shared>>
          tpu.wait_dma2 semaphore(%run_scoped3A_123 : memref<!tpu.dma_semaphore, #tpu.memory_space<semaphore_mem>>) src(%arg6 : memref<128x128xf32, #tpu.memory_space<vmem>>) dst(%dma_wait3A_131 : memref<128x128xf32, #tpu.memory_space<vmem_shared>>)
          tpu.yield
        }) : () -> ()
      } else {
      }
    }
    %scan3A_10 = arith.constant 5 : i32
    %eq3A = arith.constant 0 : i32
    %eq3A_11 = arith.cmpi eq, %arg1, %eq3A : i32
    %convert_element_type3A = arith.extui %eq3A_11 : i1 to i32
    %cond3A = arith.constant 0 : i32
    %cond3A_12 = arith.cmpi ne, %convert_element_type3A, %cond3A : i32
    scf.if %cond3A_12 {
      "tpu.region"() ({
        %run_scoped3A_109 = tpu.sem_alloc : memref<!tpu.dma_semaphore, #tpu.memory_space<semaphore_mem>>
        %dma_start3A_110 = arith.constant 0 : i32
        %dma_start3A_111 = arith.constant 0 : i32
        %dma_start3A_112 = tpu.memref_slice %arg6[%dma_start3A_110, %dma_start3A_111] : memref<128x128xf32, #tpu.memory_space<vmem>> -> memref<24x128xf32, #tpu.memory_space<vmem>>
        %dma_start3A_113 = arith.constant 9984 : i32
        %dma_start3A_114 = arith.constant 0 : i32
        %dma_start3A_115 = tpu.memref_slice %arg10[%dma_start3A_113, %dma_start3A_114] : memref<10008x128xf32, #tpu.memory_space<vmem_shared>> -> memref<24x128xf32, #tpu.memory_space<vmem_shared>>
        %dma_start3A_116 = arith.constant 9984 : i32
        %dma_start3A_117 = arith.constant 0 : i32
        %dma_start3A_118 = tpu.memref_slice %arg10[%dma_start3A_116, %dma_start3A_117] : memref<10008x128xf32, #tpu.memory_space<vmem_shared>> -> memref<24x128xf32, #tpu.memory_space<vmem_shared>>
        %dma_start3A_119 = arith.constant 0 : i32
        %dma_start3A_120 = arith.constant 0 : i32
        %dma_start3A_121 = tpu.memref_slice %arg6[%dma_start3A_119, %dma_start3A_120] : memref<128x128xf32, #tpu.memory_space<vmem>> -> memref<24x128xf32, #tpu.memory_space<vmem>>
        tpu.enqueue_dma source(%dma_start3A_121 : memref<24x128xf32, #tpu.memory_space<vmem>>) target(%dma_start3A_118 : memref<24x128xf32, #tpu.memory_space<vmem_shared>>) target_semaphore(%run_scoped3A_109 : memref<!tpu.dma_semaphore, #tpu.memory_space<semaphore_mem>>)
        %dma_wait3A_122 = arith.constant 0 : i32
        %dma_wait3A_123 = arith.constant 0 : i32
        %dma_wait3A_124 = tpu.memref_slice %arg6[%dma_wait3A_122, %dma_wait3A_123] : memref<128x128xf32, #tpu.memory_space<vmem>> -> memref<24x128xf32, #tpu.memory_space<vmem>>
        %dma_wait3A_125 = arith.constant 9984 : i32
        %dma_wait3A_126 = arith.constant 0 : i32
        %dma_wait3A_127 = tpu.memref_slice %arg10[%dma_wait3A_125, %dma_wait3A_126] : memref<10008x128xf32, #tpu.memory_space<vmem_shared>> -> memref<24x128xf32, #tpu.memory_space<vmem_shared>>
        %dma_wait3A_128 = arith.constant 9984 : i32
        %dma_wait3A_129 = arith.constant 0 : i32
        %dma_wait3A_130 = tpu.memref_slice %arg10[%dma_wait3A_128, %dma_wait3A_129] : memref<10008x128xf32, #tpu.memory_space<vmem_shared>> -> memref<24x128xf32, #tpu.memory_space<vmem_shared>>
        %dma_wait3A_131 = arith.constant 0 : i32
        %dma_wait3A_132 = arith.constant 0 : i32
        %dma_wait3A_133 = tpu.memref_slice %arg6[%dma_wait3A_131, %dma_wait3A_132] : memref<128x128xf32, #tpu.memory_space<vmem>> -> memref<24x128xf32, #tpu.memory_space<vmem>>
        tpu.wait_dma2 semaphore(%run_scoped3A_109 : memref<!tpu.dma_semaphore, #tpu.memory_space<semaphore_mem>>) src(%dma_wait3A_133 : memref<24x128xf32, #tpu.memory_space<vmem>>) dst(%dma_wait3A_130 : memref<24x128xf32, #tpu.memory_space<vmem_shared>>)
        tpu.yield
      }) : () -> ()
    } else {
    }
    %barrier3A = arith.constant 0 : index
    tpu.barrier barrier_id(%barrier3A)
    %mul3A_13 = arith.constant 80 : i32
    %mul3A_14 = arith.muli %add3A, %mul3A_13 : i32
    %add3A_15 = arith.constant 0 : i32
    %add3A_16 = arith.addi %mul3A_14, %add3A_15 : i32
    "tpu.region"() ({
      %run_scoped3A_109 = tpu.sem_alloc : memref<!tpu.dma_semaphore, #tpu.memory_space<semaphore_mem>>
      %dma_start3A_110 = arith.constant 0 : i32
      %dma_start3A_111 = arith.constant 0 : i32
      %dma_start3A_112 = tpu.memref_slice %arg3[%dma_start3A_110, %add3A_16, %dma_start3A_111] : memref<2x2560x128xi32, #tpu.memory_space<hbm>> -> memref<2x40x128xi32, #tpu.memory_space<hbm>>
      %dma_start3A_113 = arith.constant 0 : i32
      %dma_start3A_114 = arith.constant 0 : i32
      %dma_start3A_115 = tpu.memref_slice %arg3[%dma_start3A_113, %add3A_16, %dma_start3A_114] : memref<2x2560x128xi32, #tpu.memory_space<hbm>> -> memref<2x40x128xi32, #tpu.memory_space<hbm>>
      tpu.enqueue_dma source(%dma_start3A_115 : memref<2x40x128xi32, #tpu.memory_space<hbm>>) target(%arg5 : memref<2x40x128xi32, #tpu.memory_space<vmem>>) target_semaphore(%run_scoped3A_109 : memref<!tpu.dma_semaphore, #tpu.memory_space<semaphore_mem>>)
      %dma_wait3A_116 = arith.constant 0 : i32
      %dma_wait3A_117 = arith.constant 0 : i32
      %dma_wait3A_118 = tpu.memref_slice %arg3[%dma_wait3A_116, %add3A_16, %dma_wait3A_117] : memref<2x2560x128xi32, #tpu.memory_space<hbm>> -> memref<2x40x128xi32, #tpu.memory_space<hbm>>
      %dma_wait3A_119 = arith.constant 0 : i32
      %dma_wait3A_120 = arith.constant 0 : i32
      %dma_wait3A_121 = tpu.memref_slice %arg3[%dma_wait3A_119, %add3A_16, %dma_wait3A_120] : memref<2x2560x128xi32, #tpu.memory_space<hbm>> -> memref<2x40x128xi32, #tpu.memory_space<hbm>>
      tpu.wait_dma2 semaphore(%run_scoped3A_109 : memref<!tpu.dma_semaphore, #tpu.memory_space<semaphore_mem>>) src(%dma_wait3A_121 : memref<2x40x128xi32, #tpu.memory_space<hbm>>) dst(%arg5 : memref<2x40x128xi32, #tpu.memory_space<vmem>>)
      tpu.yield
    }) : () -> ()
    %dma_start3A = arith.constant 0 : i32
    %dma_start3A_17 = arith.constant 0 : i32
    %dma_start3A_18 = arith.constant 0 : i32
    %dma_start3A_19 = tpu.memref_slice %arg5[%dma_start3A, %dma_start3A_17, %dma_start3A_18] : memref<2x40x128xi32, #tpu.memory_space<vmem>> -> memref<1x1x128xi32, #tpu.memory_space<vmem>>
    %dma_start3A_20 = tpu.memref_squeeze %dma_start3A_19 : memref<1x1x128xi32, #tpu.memory_space<vmem>> -> memref<128xi32, #tpu.memory_space<vmem>>
    %dma_start3A_21 = arith.constant 0 : i32
    %dma_start3A_22 = arith.constant 0 : i32
    %dma_start3A_23 = tpu.memref_slice %arg2[%dma_start3A_21, %dma_start3A_22] : memref<10000x128xf32, #tpu.memory_space<hbm>> -> memref<10000x128xf32, #tpu.memory_space<hbm>>
    tpu.enqueue_indirect_dma source(%dma_start3A_23 : memref<10000x128xf32, #tpu.memory_space<hbm>>) target(%arg6 : memref<128x128xf32, #tpu.memory_space<vmem>>) offsets(%dma_start3A_20 : memref<128xi32, #tpu.memory_space<vmem>>) semaphore(%arg8 : memref<!tpu.dma_semaphore, #tpu.memory_space<semaphore_mem>>)
    %dma_start3A_24 = arith.constant 0 : i32
    %dma_start3A_25 = arith.constant 1 : i32
    %dma_start3A_26 = arith.constant 0 : i32
    %dma_start3A_27 = tpu.memref_slice %arg5[%dma_start3A_24, %dma_start3A_25, %dma_start3A_26] : memref<2x40x128xi32, #tpu.memory_space<vmem>> -> memref<1x1x128xi32, #tpu.memory_space<vmem>>
    %dma_start3A_28 = tpu.memref_squeeze %dma_start3A_27 : memref<1x1x128xi32, #tpu.memory_space<vmem>> -> memref<128xi32, #tpu.memory_space<vmem>>
    %dma_start3A_29 = arith.constant 0 : i32
    %dma_start3A_30 = arith.constant 0 : i32
    %dma_start3A_31 = tpu.memref_slice %arg2[%dma_start3A_29, %dma_start3A_30] : memref<10000x128xf32, #tpu.memory_space<hbm>> -> memref<10000x128xf32, #tpu.memory_space<hbm>>
    tpu.enqueue_indirect_dma source(%dma_start3A_31 : memref<10000x128xf32, #tpu.memory_space<hbm>>) target(%arg7 : memref<128x128xf32, #tpu.memory_space<vmem>>) offsets(%dma_start3A_28 : memref<128xi32, #tpu.memory_space<vmem>>) semaphore(%arg9 : memref<!tpu.dma_semaphore, #tpu.memory_space<semaphore_mem>>)
    %scan3A_32 = arith.constant 0 : i32
    %scan3A_33 = arith.constant 19 : i32
    %scan3A_34 = arith.addi %scan3A_32, %scan3A_33 : i32
    %scan3A_35 = arith.constant 1 : i32
    scf.for %scan3A_109 = %scan3A_32 to %scan3A_34 step %scan3A_35  : i32 {
      %mul3A_110 = arith.constant 1 : i32
      %mul3A_111 = arith.muli %scan3A_109, %mul3A_110 : i32
      %add3A_112 = arith.constant 0 : i32
      %add3A_113 = arith.addi %add3A_112, %mul3A_111 : i32
      %mul3A_114 = arith.constant 2 : i32
      %mul3A_115 = arith.muli %mul3A_114, %add3A_113 : i32
      %dma_wait3A_116 = arith.constant 0 : i32
      %dma_wait3A_117 = arith.constant 0 : i32
      %dma_wait3A_118 = tpu.memref_slice %arg5[%dma_wait3A_116, %mul3A_115, %dma_wait3A_117] : memref<2x40x128xi32, #tpu.memory_space<vmem>> -> memref<1x1x128xi32, #tpu.memory_space<vmem>>
      %dma_wait3A_119 = tpu.memref_squeeze %dma_wait3A_118 : memref<1x1x128xi32, #tpu.memory_space<vmem>> -> memref<128xi32, #tpu.memory_space<vmem>>
      %dma_wait3A_120 = arith.constant 0 : i32
      %dma_wait3A_121 = arith.constant 0 : i32
      %dma_wait3A_122 = tpu.memref_slice %arg2[%dma_wait3A_120, %dma_wait3A_121] : memref<10000x128xf32, #tpu.memory_space<hbm>> -> memref<10000x128xf32, #tpu.memory_space<hbm>>
      tpu.wait_indirect_dma semaphore(%arg8 : memref<!tpu.dma_semaphore, #tpu.memory_space<semaphore_mem>>) src(%dma_wait3A_122 : memref<10000x128xf32, #tpu.memory_space<hbm>>) dst(%arg6 : memref<128x128xf32, #tpu.memory_space<vmem>>)
      %run_scoped3A_123 = arith.constant 1 : i32
      "tpu.region"() ({
        %run_scoped3A_152 = tpu.sem_alloc : memref<!tpu.dma_semaphore, #tpu.memory_space<semaphore_mem>>
        %dma_start3A_153 = arith.constant 0 : i32
        %dma_start3A_154 = tpu.memref_slice %arg5[%run_scoped3A_123, %mul3A_115, %dma_start3A_153] : memref<2x40x128xi32, #tpu.memory_space<vmem>> -> memref<1x1x128xi32, #tpu.memory_space<vmem>>
        %dma_start3A_155 = tpu.memref_squeeze %dma_start3A_154 : memref<1x1x128xi32, #tpu.memory_space<vmem>> -> memref<128xi32, #tpu.memory_space<vmem>>
        %dma_start3A_156 = arith.constant 0 : i32
        %dma_start3A_157 = arith.constant 0 : i32
        %dma_start3A_158 = tpu.memref_slice %arg10[%dma_start3A_156, %dma_start3A_157] : memref<10008x128xf32, #tpu.memory_space<vmem_shared>> -> memref<10008x128xf32, #tpu.memory_space<vmem_shared>>
        tpu.enqueue_indirect_dma source(%arg6 : memref<128x128xf32, #tpu.memory_space<vmem>>) target(%dma_start3A_158 : memref<10008x128xf32, #tpu.memory_space<vmem_shared>>) offsets(%dma_start3A_155 : memref<128xi32, #tpu.memory_space<vmem>>) semaphore(%run_scoped3A_152 : memref<!tpu.dma_semaphore, #tpu.memory_space<semaphore_mem>>) {add = true}
        %dma_wait3A_159 = arith.constant 0 : i32
        %dma_wait3A_160 = tpu.memref_slice %arg5[%run_scoped3A_123, %mul3A_115, %dma_wait3A_159] : memref<2x40x128xi32, #tpu.memory_space<vmem>> -> memref<1x1x128xi32, #tpu.memory_space<vmem>>
        %dma_wait3A_161 = tpu.memref_squeeze %dma_wait3A_160 : memref<1x1x128xi32, #tpu.memory_space<vmem>> -> memref<128xi32, #tpu.memory_space<vmem>>
        %dma_wait3A_162 = arith.constant 0 : i32
        %dma_wait3A_163 = arith.constant 0 : i32
        %dma_wait3A_164 = tpu.memref_slice %arg10[%dma_wait3A_162, %dma_wait3A_163] : memref<10008x128xf32, #tpu.memory_space<vmem_shared>> -> memref<10008x128xf32, #tpu.memory_space<vmem_shared>>
        tpu.wait_indirect_dma semaphore(%run_scoped3A_152 : memref<!tpu.dma_semaphore, #tpu.memory_space<semaphore_mem>>) src(%arg6 : memref<128x128xf32, #tpu.memory_space<vmem>>) dst(%dma_wait3A_164 : memref<10008x128xf32, #tpu.memory_space<vmem_shared>>)
        tpu.yield
      }) : () -> ()
      %add3A_124 = arith.constant 2 : i32
      %add3A_125 = arith.addi %mul3A_115, %add3A_124 : i32
      %dma_start3A_126 = arith.constant 0 : i32
      %dma_start3A_127 = arith.constant 0 : i32
      %dma_start3A_128 = tpu.memref_slice %arg5[%dma_start3A_126, %add3A_125, %dma_start3A_127] : memref<2x40x128xi32, #tpu.memory_space<vmem>> -> memref<1x1x128xi32, #tpu.memory_space<vmem>>
      %dma_start3A_129 = tpu.memref_squeeze %dma_start3A_128 : memref<1x1x128xi32, #tpu.memory_space<vmem>> -> memref<128xi32, #tpu.memory_space<vmem>>
      %dma_start3A_130 = arith.constant 0 : i32
      %dma_start3A_131 = arith.constant 0 : i32
      %dma_start3A_132 = tpu.memref_slice %arg2[%dma_start3A_130, %dma_start3A_131] : memref<10000x128xf32, #tpu.memory_space<hbm>> -> memref<10000x128xf32, #tpu.memory_space<hbm>>
      tpu.enqueue_indirect_dma source(%dma_start3A_132 : memref<10000x128xf32, #tpu.memory_space<hbm>>) target(%arg6 : memref<128x128xf32, #tpu.memory_space<vmem>>) offsets(%dma_start3A_129 : memref<128xi32, #tpu.memory_space<vmem>>) semaphore(%arg8 : memref<!tpu.dma_semaphore, #tpu.memory_space<semaphore_mem>>)
      %add3A_133 = arith.constant 1 : i32
      %add3A_134 = arith.addi %mul3A_115, %add3A_133 : i32
      %dma_wait3A_135 = arith.constant 0 : i32
      %dma_wait3A_136 = arith.constant 0 : i32
      %dma_wait3A_137 = tpu.memref_slice %arg5[%dma_wait3A_135, %add3A_134, %dma_wait3A_136] : memref<2x40x128xi32, #tpu.memory_space<vmem>> -> memref<1x1x128xi32, #tpu.memory_space<vmem>>
      %dma_wait3A_138 = tpu.memref_squeeze %dma_wait3A_137 : memref<1x1x128xi32, #tpu.memory_space<vmem>> -> memref<128xi32, #tpu.memory_space<vmem>>
      %dma_wait3A_139 = arith.constant 0 : i32
      %dma_wait3A_140 = arith.constant 0 : i32
      %dma_wait3A_141 = tpu.memref_slice %arg2[%dma_wait3A_139, %dma_wait3A_140] : memref<10000x128xf32, #tpu.memory_space<hbm>> -> memref<10000x128xf32, #tpu.memory_space<hbm>>
      tpu.wait_indirect_dma semaphore(%arg9 : memref<!tpu.dma_semaphore, #tpu.memory_space<semaphore_mem>>) src(%dma_wait3A_141 : memref<10000x128xf32, #tpu.memory_space<hbm>>) dst(%arg7 : memref<128x128xf32, #tpu.memory_space<vmem>>)
      %run_scoped3A_142 = arith.constant 1 : i32
      "tpu.region"() ({
        %run_scoped3A_152 = tpu.sem_alloc : memref<!tpu.dma_semaphore, #tpu.memory_space<semaphore_mem>>
        %dma_start3A_153 = arith.constant 0 : i32
        %dma_start3A_154 = tpu.memref_slice %arg5[%run_scoped3A_142, %add3A_134, %dma_start3A_153] : memref<2x40x128xi32, #tpu.memory_space<vmem>> -> memref<1x1x128xi32, #tpu.memory_space<vmem>>
        %dma_start3A_155 = tpu.memref_squeeze %dma_start3A_154 : memref<1x1x128xi32, #tpu.memory_space<vmem>> -> memref<128xi32, #tpu.memory_space<vmem>>
        %dma_start3A_156 = arith.constant 0 : i32
        %dma_start3A_157 = arith.constant 0 : i32
        %dma_start3A_158 = tpu.memref_slice %arg10[%dma_start3A_156, %dma_start3A_157] : memref<10008x128xf32, #tpu.memory_space<vmem_shared>> -> memref<10008x128xf32, #tpu.memory_space<vmem_shared>>
        tpu.enqueue_indirect_dma source(%arg7 : memref<128x128xf32, #tpu.memory_space<vmem>>) target(%dma_start3A_158 : memref<10008x128xf32, #tpu.memory_space<vmem_shared>>) offsets(%dma_start3A_155 : memref<128xi32, #tpu.memory_space<vmem>>) semaphore(%run_scoped3A_152 : memref<!tpu.dma_semaphore, #tpu.memory_space<semaphore_mem>>) {add = true}
        %dma_wait3A_159 = arith.constant 0 : i32
        %dma_wait3A_160 = tpu.memref_slice %arg5[%run_scoped3A_142, %add3A_134, %dma_wait3A_159] : memref<2x40x128xi32, #tpu.memory_space<vmem>> -> memref<1x1x128xi32, #tpu.memory_space<vmem>>
        %dma_wait3A_161 = tpu.memref_squeeze %dma_wait3A_160 : memref<1x1x128xi32, #tpu.memory_space<vmem>> -> memref<128xi32, #tpu.memory_space<vmem>>
        %dma_wait3A_162 = arith.constant 0 : i32
        %dma_wait3A_163 = arith.constant 0 : i32
        %dma_wait3A_164 = tpu.memref_slice %arg10[%dma_wait3A_162, %dma_wait3A_163] : memref<10008x128xf32, #tpu.memory_space<vmem_shared>> -> memref<10008x128xf32, #tpu.memory_space<vmem_shared>>
        tpu.wait_indirect_dma semaphore(%run_scoped3A_152 : memref<!tpu.dma_semaphore, #tpu.memory_space<semaphore_mem>>) src(%arg7 : memref<128x128xf32, #tpu.memory_space<vmem>>) dst(%dma_wait3A_164 : memref<10008x128xf32, #tpu.memory_space<vmem_shared>>)
        tpu.yield
      }) : () -> ()
      %add3A_143 = arith.constant 3 : i32
      %add3A_144 = arith.addi %mul3A_115, %add3A_143 : i32
      %dma_start3A_145 = arith.constant 0 : i32
      %dma_start3A_146 = arith.constant 0 : i32
      %dma_start3A_147 = tpu.memref_slice %arg5[%dma_start3A_145, %add3A_144, %dma_start3A_146] : memref<2x40x128xi32, #tpu.memory_space<vmem>> -> memref<1x1x128xi32, #tpu.memory_space<vmem>>
      %dma_start3A_148 = tpu.memref_squeeze %dma_start3A_147 : memref<1x1x128xi32, #tpu.memory_space<vmem>> -> memref<128xi32, #tpu.memory_space<vmem>>
      %dma_start3A_149 = arith.constant 0 : i32
      %dma_start3A_150 = arith.constant 0 : i32
      %dma_start3A_151 = tpu.memref_slice %arg2[%dma_start3A_149, %dma_start3A_150] : memref<10000x128xf32, #tpu.memory_space<hbm>> -> memref<10000x128xf32, #tpu.memory_space<hbm>>
      tpu.enqueue_indirect_dma source(%dma_start3A_151 : memref<10000x128xf32, #tpu.memory_space<hbm>>) target(%arg7 : memref<128x128xf32, #tpu.memory_space<vmem>>) offsets(%dma_start3A_148 : memref<128xi32, #tpu.memory_space<vmem>>) semaphore(%arg9 : memref<!tpu.dma_semaphore, #tpu.memory_space<semaphore_mem>>)
    }
    %scan3A_36 = arith.constant 19 : i32
    %dma_wait3A = arith.constant 0 : i32
    %dma_wait3A_37 = arith.constant 38 : i32
    %dma_wait3A_38 = arith.constant 0 : i32
    %dma_wait3A_39 = tpu.memref_slice %arg5[%dma_wait3A, %dma_wait3A_37, %dma_wait3A_38] : memref<2x40x128xi32, #tpu.memory_space<vmem>> -> memref<1x1x128xi32, #tpu.memory_space<vmem>>
    %dma_wait3A_40 = tpu.memref_squeeze %dma_wait3A_39 : memref<1x1x128xi32, #tpu.memory_space<vmem>> -> memref<128xi32, #tpu.memory_space<vmem>>
    %dma_wait3A_41 = arith.constant 0 : i32
    %dma_wait3A_42 = arith.constant 0 : i32
    %dma_wait3A_43 = tpu.memref_slice %arg2[%dma_wait3A_41, %dma_wait3A_42] : memref<10000x128xf32, #tpu.memory_space<hbm>> -> memref<10000x128xf32, #tpu.memory_space<hbm>>
    tpu.wait_indirect_dma semaphore(%arg8 : memref<!tpu.dma_semaphore, #tpu.memory_space<semaphore_mem>>) src(%dma_wait3A_43 : memref<10000x128xf32, #tpu.memory_space<hbm>>) dst(%arg6 : memref<128x128xf32, #tpu.memory_space<vmem>>)
    %run_scoped3A = arith.constant 1 : i32
    %run_scoped3A_44 = arith.constant 38 : i32
    "tpu.region"() ({
      %run_scoped3A_109 = tpu.sem_alloc : memref<!tpu.dma_semaphore, #tpu.memory_space<semaphore_mem>>
      %dma_start3A_110 = arith.constant 0 : i32
      %dma_start3A_111 = tpu.memref_slice %arg5[%run_scoped3A, %run_scoped3A_44, %dma_start3A_110] : memref<2x40x128xi32, #tpu.memory_space<vmem>> -> memref<1x1x128xi32, #tpu.memory_space<vmem>>
      %dma_start3A_112 = tpu.memref_squeeze %dma_start3A_111 : memref<1x1x128xi32, #tpu.memory_space<vmem>> -> memref<128xi32, #tpu.memory_space<vmem>>
      %dma_start3A_113 = arith.constant 0 : i32
      %dma_start3A_114 = arith.constant 0 : i32
      %dma_start3A_115 = tpu.memref_slice %arg10[%dma_start3A_113, %dma_start3A_114] : memref<10008x128xf32, #tpu.memory_space<vmem_shared>> -> memref<10008x128xf32, #tpu.memory_space<vmem_shared>>
      tpu.enqueue_indirect_dma source(%arg6 : memref<128x128xf32, #tpu.memory_space<vmem>>) target(%dma_start3A_115 : memref<10008x128xf32, #tpu.memory_space<vmem_shared>>) offsets(%dma_start3A_112 : memref<128xi32, #tpu.memory_space<vmem>>) semaphore(%run_scoped3A_109 : memref<!tpu.dma_semaphore, #tpu.memory_space<semaphore_mem>>) {add = true}
      %dma_wait3A_116 = arith.constant 0 : i32
      %dma_wait3A_117 = tpu.memref_slice %arg5[%run_scoped3A, %run_scoped3A_44, %dma_wait3A_116] : memref<2x40x128xi32, #tpu.memory_space<vmem>> -> memref<1x1x128xi32, #tpu.memory_space<vmem>>
      %dma_wait3A_118 = tpu.memref_squeeze %dma_wait3A_117 : memref<1x1x128xi32, #tpu.memory_space<vmem>> -> memref<128xi32, #tpu.memory_space<vmem>>
      %dma_wait3A_119 = arith.constant 0 : i32
      %dma_wait3A_120 = arith.constant 0 : i32
      %dma_wait3A_121 = tpu.memref_slice %arg10[%dma_wait3A_119, %dma_wait3A_120] : memref<10008x128xf32, #tpu.memory_space<vmem_shared>> -> memref<10008x128xf32, #tpu.memory_space<vmem_shared>>
      tpu.wait_indirect_dma semaphore(%run_scoped3A_109 : memref<!tpu.dma_semaphore, #tpu.memory_space<semaphore_mem>>) src(%arg6 : memref<128x128xf32, #tpu.memory_space<vmem>>) dst(%dma_wait3A_121 : memref<10008x128xf32, #tpu.memory_space<vmem_shared>>)
      tpu.yield
    }) : () -> ()
    %dma_wait3A_45 = arith.constant 0 : i32
    %dma_wait3A_46 = arith.constant 39 : i32
    %dma_wait3A_47 = arith.constant 0 : i32
    %dma_wait3A_48 = tpu.memref_slice %arg5[%dma_wait3A_45, %dma_wait3A_46, %dma_wait3A_47] : memref<2x40x128xi32, #tpu.memory_space<vmem>> -> memref<1x1x128xi32, #tpu.memory_space<vmem>>
    %dma_wait3A_49 = tpu.memref_squeeze %dma_wait3A_48 : memref<1x1x128xi32, #tpu.memory_space<vmem>> -> memref<128xi32, #tpu.memory_space<vmem>>
    %dma_wait3A_50 = arith.constant 0 : i32
    %dma_wait3A_51 = arith.constant 0 : i32
    %dma_wait3A_52 = tpu.memref_slice %arg2[%dma_wait3A_50, %dma_wait3A_51] : memref<10000x128xf32, #tpu.memory_space<hbm>> -> memref<10000x128xf32, #tpu.memory_space<hbm>>
    tpu.wait_indirect_dma semaphore(%arg9 : memref<!tpu.dma_semaphore, #tpu.memory_space<semaphore_mem>>) src(%dma_wait3A_52 : memref<10000x128xf32, #tpu.memory_space<hbm>>) dst(%arg7 : memref<128x128xf32, #tpu.memory_space<vmem>>)
    %run_scoped3A_53 = arith.constant 1 : i32
    %run_scoped3A_54 = arith.constant 39 : i32
    "tpu.region"() ({
      %run_scoped3A_109 = tpu.sem_alloc : memref<!tpu.dma_semaphore, #tpu.memory_space<semaphore_mem>>
      %dma_start3A_110 = arith.constant 0 : i32
      %dma_start3A_111 = tpu.memref_slice %arg5[%run_scoped3A_53, %run_scoped3A_54, %dma_start3A_110] : memref<2x40x128xi32, #tpu.memory_space<vmem>> -> memref<1x1x128xi32, #tpu.memory_space<vmem>>
      %dma_start3A_112 = tpu.memref_squeeze %dma_start3A_111 : memref<1x1x128xi32, #tpu.memory_space<vmem>> -> memref<128xi32, #tpu.memory_space<vmem>>
      %dma_start3A_113 = arith.constant 0 : i32
      %dma_start3A_114 = arith.constant 0 : i32
      %dma_start3A_115 = tpu.memref_slice %arg10[%dma_start3A_113, %dma_start3A_114] : memref<10008x128xf32, #tpu.memory_space<vmem_shared>> -> memref<10008x128xf32, #tpu.memory_space<vmem_shared>>
      tpu.enqueue_indirect_dma source(%arg7 : memref<128x128xf32, #tpu.memory_space<vmem>>) target(%dma_start3A_115 : memref<10008x128xf32, #tpu.memory_space<vmem_shared>>) offsets(%dma_start3A_112 : memref<128xi32, #tpu.memory_space<vmem>>) semaphore(%run_scoped3A_109 : memref<!tpu.dma_semaphore, #tpu.memory_space<semaphore_mem>>) {add = true}
      %dma_wait3A_116 = arith.constant 0 : i32
      %dma_wait3A_117 = tpu.memref_slice %arg5[%run_scoped3A_53, %run_scoped3A_54, %dma_wait3A_116] : memref<2x40x128xi32, #tpu.memory_space<vmem>> -> memref<1x1x128xi32, #tpu.memory_space<vmem>>
      %dma_wait3A_118 = tpu.memref_squeeze %dma_wait3A_117 : memref<1x1x128xi32, #tpu.memory_space<vmem>> -> memref<128xi32, #tpu.memory_space<vmem>>
      %dma_wait3A_119 = arith.constant 0 : i32
      %dma_wait3A_120 = arith.constant 0 : i32
      %dma_wait3A_121 = tpu.memref_slice %arg10[%dma_wait3A_119, %dma_wait3A_120] : memref<10008x128xf32, #tpu.memory_space<vmem_shared>> -> memref<10008x128xf32, #tpu.memory_space<vmem_shared>>
      tpu.wait_indirect_dma semaphore(%run_scoped3A_109 : memref<!tpu.dma_semaphore, #tpu.memory_space<semaphore_mem>>) src(%arg7 : memref<128x128xf32, #tpu.memory_space<vmem>>) dst(%dma_wait3A_121 : memref<10008x128xf32, #tpu.memory_space<vmem_shared>>)
      tpu.yield
    }) : () -> ()
    %add3A_55 = arith.constant 40 : i32
    %add3A_56 = arith.addi %mul3A_14, %add3A_55 : i32
    "tpu.region"() ({
      %run_scoped3A_109 = tpu.sem_alloc : memref<!tpu.dma_semaphore, #tpu.memory_space<semaphore_mem>>
      %dma_start3A_110 = arith.constant 0 : i32
      %dma_start3A_111 = arith.constant 0 : i32
      %dma_start3A_112 = tpu.memref_slice %arg3[%dma_start3A_110, %add3A_56, %dma_start3A_111] : memref<2x2560x128xi32, #tpu.memory_space<hbm>> -> memref<2x40x128xi32, #tpu.memory_space<hbm>>
      %dma_start3A_113 = arith.constant 0 : i32
      %dma_start3A_114 = arith.constant 0 : i32
      %dma_start3A_115 = tpu.memref_slice %arg3[%dma_start3A_113, %add3A_56, %dma_start3A_114] : memref<2x2560x128xi32, #tpu.memory_space<hbm>> -> memref<2x40x128xi32, #tpu.memory_space<hbm>>
      tpu.enqueue_dma source(%dma_start3A_115 : memref<2x40x128xi32, #tpu.memory_space<hbm>>) target(%arg5 : memref<2x40x128xi32, #tpu.memory_space<vmem>>) target_semaphore(%run_scoped3A_109 : memref<!tpu.dma_semaphore, #tpu.memory_space<semaphore_mem>>)
      %dma_wait3A_116 = arith.constant 0 : i32
      %dma_wait3A_117 = arith.constant 0 : i32
      %dma_wait3A_118 = tpu.memref_slice %arg3[%dma_wait3A_116, %add3A_56, %dma_wait3A_117] : memref<2x2560x128xi32, #tpu.memory_space<hbm>> -> memref<2x40x128xi32, #tpu.memory_space<hbm>>
      %dma_wait3A_119 = arith.constant 0 : i32
      %dma_wait3A_120 = arith.constant 0 : i32
      %dma_wait3A_121 = tpu.memref_slice %arg3[%dma_wait3A_119, %add3A_56, %dma_wait3A_120] : memref<2x2560x128xi32, #tpu.memory_space<hbm>> -> memref<2x40x128xi32, #tpu.memory_space<hbm>>
      tpu.wait_dma2 semaphore(%run_scoped3A_109 : memref<!tpu.dma_semaphore, #tpu.memory_space<semaphore_mem>>) src(%dma_wait3A_121 : memref<2x40x128xi32, #tpu.memory_space<hbm>>) dst(%arg5 : memref<2x40x128xi32, #tpu.memory_space<vmem>>)
      tpu.yield
    }) : () -> ()
    %dma_start3A_57 = arith.constant 0 : i32
    %dma_start3A_58 = arith.constant 0 : i32
    %dma_start3A_59 = arith.constant 0 : i32
    %dma_start3A_60 = tpu.memref_slice %arg5[%dma_start3A_57, %dma_start3A_58, %dma_start3A_59] : memref<2x40x128xi32, #tpu.memory_space<vmem>> -> memref<1x1x128xi32, #tpu.memory_space<vmem>>
    %dma_start3A_61 = tpu.memref_squeeze %dma_start3A_60 : memref<1x1x128xi32, #tpu.memory_space<vmem>> -> memref<128xi32, #tpu.memory_space<vmem>>
    %dma_start3A_62 = arith.constant 0 : i32
    %dma_start3A_63 = arith.constant 0 : i32
    %dma_start3A_64 = tpu.memref_slice %arg2[%dma_start3A_62, %dma_start3A_63] : memref<10000x128xf32, #tpu.memory_space<hbm>> -> memref<10000x128xf32, #tpu.memory_space<hbm>>
    tpu.enqueue_indirect_dma source(%dma_start3A_64 : memref<10000x128xf32, #tpu.memory_space<hbm>>) target(%arg6 : memref<128x128xf32, #tpu.memory_space<vmem>>) offsets(%dma_start3A_61 : memref<128xi32, #tpu.memory_space<vmem>>) semaphore(%arg8 : memref<!tpu.dma_semaphore, #tpu.memory_space<semaphore_mem>>)
    %dma_start3A_65 = arith.constant 0 : i32
    %dma_start3A_66 = arith.constant 1 : i32
    %dma_start3A_67 = arith.constant 0 : i32
    %dma_start3A_68 = tpu.memref_slice %arg5[%dma_start3A_65, %dma_start3A_66, %dma_start3A_67] : memref<2x40x128xi32, #tpu.memory_space<vmem>> -> memref<1x1x128xi32, #tpu.memory_space<vmem>>
    %dma_start3A_69 = tpu.memref_squeeze %dma_start3A_68 : memref<1x1x128xi32, #tpu.memory_space<vmem>> -> memref<128xi32, #tpu.memory_space<vmem>>
    %dma_start3A_70 = arith.constant 0 : i32
    %dma_start3A_71 = arith.constant 0 : i32
    %dma_start3A_72 = tpu.memref_slice %arg2[%dma_start3A_70, %dma_start3A_71] : memref<10000x128xf32, #tpu.memory_space<hbm>> -> memref<10000x128xf32, #tpu.memory_space<hbm>>
    tpu.enqueue_indirect_dma source(%dma_start3A_72 : memref<10000x128xf32, #tpu.memory_space<hbm>>) target(%arg7 : memref<128x128xf32, #tpu.memory_space<vmem>>) offsets(%dma_start3A_69 : memref<128xi32, #tpu.memory_space<vmem>>) semaphore(%arg9 : memref<!tpu.dma_semaphore, #tpu.memory_space<semaphore_mem>>)
    %scan3A_73 = arith.constant 0 : i32
    %scan3A_74 = arith.constant 19 : i32
    %scan3A_75 = arith.addi %scan3A_73, %scan3A_74 : i32
    %scan3A_76 = arith.constant 1 : i32
    scf.for %scan3A_109 = %scan3A_73 to %scan3A_75 step %scan3A_76  : i32 {
      %mul3A_110 = arith.constant 1 : i32
      %mul3A_111 = arith.muli %scan3A_109, %mul3A_110 : i32
      %add3A_112 = arith.constant 0 : i32
      %add3A_113 = arith.addi %add3A_112, %mul3A_111 : i32
      %mul3A_114 = arith.constant 2 : i32
      %mul3A_115 = arith.muli %mul3A_114, %add3A_113 : i32
      %dma_wait3A_116 = arith.constant 0 : i32
      %dma_wait3A_117 = arith.constant 0 : i32
      %dma_wait3A_118 = tpu.memref_slice %arg5[%dma_wait3A_116, %mul3A_115, %dma_wait3A_117] : memref<2x40x128xi32, #tpu.memory_space<vmem>> -> memref<1x1x128xi32, #tpu.memory_space<vmem>>
      %dma_wait3A_119 = tpu.memref_squeeze %dma_wait3A_118 : memref<1x1x128xi32, #tpu.memory_space<vmem>> -> memref<128xi32, #tpu.memory_space<vmem>>
      %dma_wait3A_120 = arith.constant 0 : i32
      %dma_wait3A_121 = arith.constant 0 : i32
      %dma_wait3A_122 = tpu.memref_slice %arg2[%dma_wait3A_120, %dma_wait3A_121] : memref<10000x128xf32, #tpu.memory_space<hbm>> -> memref<10000x128xf32, #tpu.memory_space<hbm>>
      tpu.wait_indirect_dma semaphore(%arg8 : memref<!tpu.dma_semaphore, #tpu.memory_space<semaphore_mem>>) src(%dma_wait3A_122 : memref<10000x128xf32, #tpu.memory_space<hbm>>) dst(%arg6 : memref<128x128xf32, #tpu.memory_space<vmem>>)
      %run_scoped3A_123 = arith.constant 1 : i32
      "tpu.region"() ({
        %run_scoped3A_152 = tpu.sem_alloc : memref<!tpu.dma_semaphore, #tpu.memory_space<semaphore_mem>>
        %dma_start3A_153 = arith.constant 0 : i32
        %dma_start3A_154 = tpu.memref_slice %arg5[%run_scoped3A_123, %mul3A_115, %dma_start3A_153] : memref<2x40x128xi32, #tpu.memory_space<vmem>> -> memref<1x1x128xi32, #tpu.memory_space<vmem>>
        %dma_start3A_155 = tpu.memref_squeeze %dma_start3A_154 : memref<1x1x128xi32, #tpu.memory_space<vmem>> -> memref<128xi32, #tpu.memory_space<vmem>>
        %dma_start3A_156 = arith.constant 0 : i32
        %dma_start3A_157 = arith.constant 0 : i32
        %dma_start3A_158 = tpu.memref_slice %arg10[%dma_start3A_156, %dma_start3A_157] : memref<10008x128xf32, #tpu.memory_space<vmem_shared>> -> memref<10008x128xf32, #tpu.memory_space<vmem_shared>>
        tpu.enqueue_indirect_dma source(%arg6 : memref<128x128xf32, #tpu.memory_space<vmem>>) target(%dma_start3A_158 : memref<10008x128xf32, #tpu.memory_space<vmem_shared>>) offsets(%dma_start3A_155 : memref<128xi32, #tpu.memory_space<vmem>>) semaphore(%run_scoped3A_152 : memref<!tpu.dma_semaphore, #tpu.memory_space<semaphore_mem>>) {add = true}
        %dma_wait3A_159 = arith.constant 0 : i32
        %dma_wait3A_160 = tpu.memref_slice %arg5[%run_scoped3A_123, %mul3A_115, %dma_wait3A_159] : memref<2x40x128xi32, #tpu.memory_space<vmem>> -> memref<1x1x128xi32, #tpu.memory_space<vmem>>
        %dma_wait3A_161 = tpu.memref_squeeze %dma_wait3A_160 : memref<1x1x128xi32, #tpu.memory_space<vmem>> -> memref<128xi32, #tpu.memory_space<vmem>>
        %dma_wait3A_162 = arith.constant 0 : i32
        %dma_wait3A_163 = arith.constant 0 : i32
        %dma_wait3A_164 = tpu.memref_slice %arg10[%dma_wait3A_162, %dma_wait3A_163] : memref<10008x128xf32, #tpu.memory_space<vmem_shared>> -> memref<10008x128xf32, #tpu.memory_space<vmem_shared>>
        tpu.wait_indirect_dma semaphore(%run_scoped3A_152 : memref<!tpu.dma_semaphore, #tpu.memory_space<semaphore_mem>>) src(%arg6 : memref<128x128xf32, #tpu.memory_space<vmem>>) dst(%dma_wait3A_164 : memref<10008x128xf32, #tpu.memory_space<vmem_shared>>)
        tpu.yield
      }) : () -> ()
      %add3A_124 = arith.constant 2 : i32
      %add3A_125 = arith.addi %mul3A_115, %add3A_124 : i32
      %dma_start3A_126 = arith.constant 0 : i32
      %dma_start3A_127 = arith.constant 0 : i32
      %dma_start3A_128 = tpu.memref_slice %arg5[%dma_start3A_126, %add3A_125, %dma_start3A_127] : memref<2x40x128xi32, #tpu.memory_space<vmem>> -> memref<1x1x128xi32, #tpu.memory_space<vmem>>
      %dma_start3A_129 = tpu.memref_squeeze %dma_start3A_128 : memref<1x1x128xi32, #tpu.memory_space<vmem>> -> memref<128xi32, #tpu.memory_space<vmem>>
      %dma_start3A_130 = arith.constant 0 : i32
      %dma_start3A_131 = arith.constant 0 : i32
      %dma_start3A_132 = tpu.memref_slice %arg2[%dma_start3A_130, %dma_start3A_131] : memref<10000x128xf32, #tpu.memory_space<hbm>> -> memref<10000x128xf32, #tpu.memory_space<hbm>>
      tpu.enqueue_indirect_dma source(%dma_start3A_132 : memref<10000x128xf32, #tpu.memory_space<hbm>>) target(%arg6 : memref<128x128xf32, #tpu.memory_space<vmem>>) offsets(%dma_start3A_129 : memref<128xi32, #tpu.memory_space<vmem>>) semaphore(%arg8 : memref<!tpu.dma_semaphore, #tpu.memory_space<semaphore_mem>>)
      %add3A_133 = arith.constant 1 : i32
      %add3A_134 = arith.addi %mul3A_115, %add3A_133 : i32
      %dma_wait3A_135 = arith.constant 0 : i32
      %dma_wait3A_136 = arith.constant 0 : i32
      %dma_wait3A_137 = tpu.memref_slice %arg5[%dma_wait3A_135, %add3A_134, %dma_wait3A_136] : memref<2x40x128xi32, #tpu.memory_space<vmem>> -> memref<1x1x128xi32, #tpu.memory_space<vmem>>
      %dma_wait3A_138 = tpu.memref_squeeze %dma_wait3A_137 : memref<1x1x128xi32, #tpu.memory_space<vmem>> -> memref<128xi32, #tpu.memory_space<vmem>>
      %dma_wait3A_139 = arith.constant 0 : i32
      %dma_wait3A_140 = arith.constant 0 : i32
      %dma_wait3A_141 = tpu.memref_slice %arg2[%dma_wait3A_139, %dma_wait3A_140] : memref<10000x128xf32, #tpu.memory_space<hbm>> -> memref<10000x128xf32, #tpu.memory_space<hbm>>
      tpu.wait_indirect_dma semaphore(%arg9 : memref<!tpu.dma_semaphore, #tpu.memory_space<semaphore_mem>>) src(%dma_wait3A_141 : memref<10000x128xf32, #tpu.memory_space<hbm>>) dst(%arg7 : memref<128x128xf32, #tpu.memory_space<vmem>>)
      %run_scoped3A_142 = arith.constant 1 : i32
      "tpu.region"() ({
        %run_scoped3A_152 = tpu.sem_alloc : memref<!tpu.dma_semaphore, #tpu.memory_space<semaphore_mem>>
        %dma_start3A_153 = arith.constant 0 : i32
        %dma_start3A_154 = tpu.memref_slice %arg5[%run_scoped3A_142, %add3A_134, %dma_start3A_153] : memref<2x40x128xi32, #tpu.memory_space<vmem>> -> memref<1x1x128xi32, #tpu.memory_space<vmem>>
        %dma_start3A_155 = tpu.memref_squeeze %dma_start3A_154 : memref<1x1x128xi32, #tpu.memory_space<vmem>> -> memref<128xi32, #tpu.memory_space<vmem>>
        %dma_start3A_156 = arith.constant 0 : i32
        %dma_start3A_157 = arith.constant 0 : i32
        %dma_start3A_158 = tpu.memref_slice %arg10[%dma_start3A_156, %dma_start3A_157] : memref<10008x128xf32, #tpu.memory_space<vmem_shared>> -> memref<10008x128xf32, #tpu.memory_space<vmem_shared>>
        tpu.enqueue_indirect_dma source(%arg7 : memref<128x128xf32, #tpu.memory_space<vmem>>) target(%dma_start3A_158 : memref<10008x128xf32, #tpu.memory_space<vmem_shared>>) offsets(%dma_start3A_155 : memref<128xi32, #tpu.memory_space<vmem>>) semaphore(%run_scoped3A_152 : memref<!tpu.dma_semaphore, #tpu.memory_space<semaphore_mem>>) {add = true}
        %dma_wait3A_159 = arith.constant 0 : i32
        %dma_wait3A_160 = tpu.memref_slice %arg5[%run_scoped3A_142, %add3A_134, %dma_wait3A_159] : memref<2x40x128xi32, #tpu.memory_space<vmem>> -> memref<1x1x128xi32, #tpu.memory_space<vmem>>
        %dma_wait3A_161 = tpu.memref_squeeze %dma_wait3A_160 : memref<1x1x128xi32, #tpu.memory_space<vmem>> -> memref<128xi32, #tpu.memory_space<vmem>>
        %dma_wait3A_162 = arith.constant 0 : i32
        %dma_wait3A_163 = arith.constant 0 : i32
        %dma_wait3A_164 = tpu.memref_slice %arg10[%dma_wait3A_162, %dma_wait3A_163] : memref<10008x128xf32, #tpu.memory_space<vmem_shared>> -> memref<10008x128xf32, #tpu.memory_space<vmem_shared>>
        tpu.wait_indirect_dma semaphore(%run_scoped3A_152 : memref<!tpu.dma_semaphore, #tpu.memory_space<semaphore_mem>>) src(%arg7 : memref<128x128xf32, #tpu.memory_space<vmem>>) dst(%dma_wait3A_164 : memref<10008x128xf32, #tpu.memory_space<vmem_shared>>)
        tpu.yield
      }) : () -> ()
      %add3A_143 = arith.constant 3 : i32
      %add3A_144 = arith.addi %mul3A_115, %add3A_143 : i32
      %dma_start3A_145 = arith.constant 0 : i32
      %dma_start3A_146 = arith.constant 0 : i32
      %dma_start3A_147 = tpu.memref_slice %arg5[%dma_start3A_145, %add3A_144, %dma_start3A_146] : memref<2x40x128xi32, #tpu.memory_space<vmem>> -> memref<1x1x128xi32, #tpu.memory_space<vmem>>
      %dma_start3A_148 = tpu.memref_squeeze %dma_start3A_147 : memref<1x1x128xi32, #tpu.memory_space<vmem>> -> memref<128xi32, #tpu.memory_space<vmem>>
      %dma_start3A_149 = arith.constant 0 : i32
      %dma_start3A_150 = arith.constant 0 : i32
      %dma_start3A_151 = tpu.memref_slice %arg2[%dma_start3A_149, %dma_start3A_150] : memref<10000x128xf32, #tpu.memory_space<hbm>> -> memref<10000x128xf32, #tpu.memory_space<hbm>>
      tpu.enqueue_indirect_dma source(%dma_start3A_151 : memref<10000x128xf32, #tpu.memory_space<hbm>>) target(%arg7 : memref<128x128xf32, #tpu.memory_space<vmem>>) offsets(%dma_start3A_148 : memref<128xi32, #tpu.memory_space<vmem>>) semaphore(%arg9 : memref<!tpu.dma_semaphore, #tpu.memory_space<semaphore_mem>>)
    }
    %scan3A_77 = arith.constant 19 : i32
    %dma_wait3A_78 = arith.constant 0 : i32
    %dma_wait3A_79 = arith.constant 38 : i32
    %dma_wait3A_80 = arith.constant 0 : i32
    %dma_wait3A_81 = tpu.memref_slice %arg5[%dma_wait3A_78, %dma_wait3A_79, %dma_wait3A_80] : memref<2x40x128xi32, #tpu.memory_space<vmem>> -> memref<1x1x128xi32, #tpu.memory_space<vmem>>
    %dma_wait3A_82 = tpu.memref_squeeze %dma_wait3A_81 : memref<1x1x128xi32, #tpu.memory_space<vmem>> -> memref<128xi32, #tpu.memory_space<vmem>>
    %dma_wait3A_83 = arith.constant 0 : i32
    %dma_wait3A_84 = arith.constant 0 : i32
    %dma_wait3A_85 = tpu.memref_slice %arg2[%dma_wait3A_83, %dma_wait3A_84] : memref<10000x128xf32, #tpu.memory_space<hbm>> -> memref<10000x128xf32, #tpu.memory_space<hbm>>
    tpu.wait_indirect_dma semaphore(%arg8 : memref<!tpu.dma_semaphore, #tpu.memory_space<semaphore_mem>>) src(%dma_wait3A_85 : memref<10000x128xf32, #tpu.memory_space<hbm>>) dst(%arg6 : memref<128x128xf32, #tpu.memory_space<vmem>>)
    %run_scoped3A_86 = arith.constant 1 : i32
    %run_scoped3A_87 = arith.constant 38 : i32
    "tpu.region"() ({
      %run_scoped3A_109 = tpu.sem_alloc : memref<!tpu.dma_semaphore, #tpu.memory_space<semaphore_mem>>
      %dma_start3A_110 = arith.constant 0 : i32
      %dma_start3A_111 = tpu.memref_slice %arg5[%run_scoped3A_86, %run_scoped3A_87, %dma_start3A_110] : memref<2x40x128xi32, #tpu.memory_space<vmem>> -> memref<1x1x128xi32, #tpu.memory_space<vmem>>
      %dma_start3A_112 = tpu.memref_squeeze %dma_start3A_111 : memref<1x1x128xi32, #tpu.memory_space<vmem>> -> memref<128xi32, #tpu.memory_space<vmem>>
      %dma_start3A_113 = arith.constant 0 : i32
      %dma_start3A_114 = arith.constant 0 : i32
      %dma_start3A_115 = tpu.memref_slice %arg10[%dma_start3A_113, %dma_start3A_114] : memref<10008x128xf32, #tpu.memory_space<vmem_shared>> -> memref<10008x128xf32, #tpu.memory_space<vmem_shared>>
      tpu.enqueue_indirect_dma source(%arg6 : memref<128x128xf32, #tpu.memory_space<vmem>>) target(%dma_start3A_115 : memref<10008x128xf32, #tpu.memory_space<vmem_shared>>) offsets(%dma_start3A_112 : memref<128xi32, #tpu.memory_space<vmem>>) semaphore(%run_scoped3A_109 : memref<!tpu.dma_semaphore, #tpu.memory_space<semaphore_mem>>) {add = true}
      %dma_wait3A_116 = arith.constant 0 : i32
      %dma_wait3A_117 = tpu.memref_slice %arg5[%run_scoped3A_86, %run_scoped3A_87, %dma_wait3A_116] : memref<2x40x128xi32, #tpu.memory_space<vmem>> -> memref<1x1x128xi32, #tpu.memory_space<vmem>>
      %dma_wait3A_118 = tpu.memref_squeeze %dma_wait3A_117 : memref<1x1x128xi32, #tpu.memory_space<vmem>> -> memref<128xi32, #tpu.memory_space<vmem>>
      %dma_wait3A_119 = arith.constant 0 : i32
      %dma_wait3A_120 = arith.constant 0 : i32
      %dma_wait3A_121 = tpu.memref_slice %arg10[%dma_wait3A_119, %dma_wait3A_120] : memref<10008x128xf32, #tpu.memory_space<vmem_shared>> -> memref<10008x128xf32, #tpu.memory_space<vmem_shared>>
      tpu.wait_indirect_dma semaphore(%run_scoped3A_109 : memref<!tpu.dma_semaphore, #tpu.memory_space<semaphore_mem>>) src(%arg6 : memref<128x128xf32, #tpu.memory_space<vmem>>) dst(%dma_wait3A_121 : memref<10008x128xf32, #tpu.memory_space<vmem_shared>>)
      tpu.yield
    }) : () -> ()
    %dma_wait3A_88 = arith.constant 0 : i32
    %dma_wait3A_89 = arith.constant 39 : i32
    %dma_wait3A_90 = arith.constant 0 : i32
    %dma_wait3A_91 = tpu.memref_slice %arg5[%dma_wait3A_88, %dma_wait3A_89, %dma_wait3A_90] : memref<2x40x128xi32, #tpu.memory_space<vmem>> -> memref<1x1x128xi32, #tpu.memory_space<vmem>>
    %dma_wait3A_92 = tpu.memref_squeeze %dma_wait3A_91 : memref<1x1x128xi32, #tpu.memory_space<vmem>> -> memref<128xi32, #tpu.memory_space<vmem>>
    %dma_wait3A_93 = arith.constant 0 : i32
    %dma_wait3A_94 = arith.constant 0 : i32
    %dma_wait3A_95 = tpu.memref_slice %arg2[%dma_wait3A_93, %dma_wait3A_94] : memref<10000x128xf32, #tpu.memory_space<hbm>> -> memref<10000x128xf32, #tpu.memory_space<hbm>>
    tpu.wait_indirect_dma semaphore(%arg9 : memref<!tpu.dma_semaphore, #tpu.memory_space<semaphore_mem>>) src(%dma_wait3A_95 : memref<10000x128xf32, #tpu.memory_space<hbm>>) dst(%arg7 : memref<128x128xf32, #tpu.memory_space<vmem>>)
    %run_scoped3A_96 = arith.constant 1 : i32
    %run_scoped3A_97 = arith.constant 39 : i32
    "tpu.region"() ({
      %run_scoped3A_109 = tpu.sem_alloc : memref<!tpu.dma_semaphore, #tpu.memory_space<semaphore_mem>>
      %dma_start3A_110 = arith.constant 0 : i32
      %dma_start3A_111 = tpu.memref_slice %arg5[%run_scoped3A_96, %run_scoped3A_97, %dma_start3A_110] : memref<2x40x128xi32, #tpu.memory_space<vmem>> -> memref<1x1x128xi32, #tpu.memory_space<vmem>>
      %dma_start3A_112 = tpu.memref_squeeze %dma_start3A_111 : memref<1x1x128xi32, #tpu.memory_space<vmem>> -> memref<128xi32, #tpu.memory_space<vmem>>
      %dma_start3A_113 = arith.constant 0 : i32
      %dma_start3A_114 = arith.constant 0 : i32
      %dma_start3A_115 = tpu.memref_slice %arg10[%dma_start3A_113, %dma_start3A_114] : memref<10008x128xf32, #tpu.memory_space<vmem_shared>> -> memref<10008x128xf32, #tpu.memory_space<vmem_shared>>
      tpu.enqueue_indirect_dma source(%arg7 : memref<128x128xf32, #tpu.memory_space<vmem>>) target(%dma_start3A_115 : memref<10008x128xf32, #tpu.memory_space<vmem_shared>>) offsets(%dma_start3A_112 : memref<128xi32, #tpu.memory_space<vmem>>) semaphore(%run_scoped3A_109 : memref<!tpu.dma_semaphore, #tpu.memory_space<semaphore_mem>>) {add = true}
      %dma_wait3A_116 = arith.constant 0 : i32
      %dma_wait3A_117 = tpu.memref_slice %arg5[%run_scoped3A_96, %run_scoped3A_97, %dma_wait3A_116] : memref<2x40x128xi32, #tpu.memory_space<vmem>> -> memref<1x1x128xi32, #tpu.memory_space<vmem>>
      %dma_wait3A_118 = tpu.memref_squeeze %dma_wait3A_117 : memref<1x1x128xi32, #tpu.memory_space<vmem>> -> memref<128xi32, #tpu.memory_space<vmem>>
      %dma_wait3A_119 = arith.constant 0 : i32
      %dma_wait3A_120 = arith.constant 0 : i32
      %dma_wait3A_121 = tpu.memref_slice %arg10[%dma_wait3A_119, %dma_wait3A_120] : memref<10008x128xf32, #tpu.memory_space<vmem_shared>> -> memref<10008x128xf32, #tpu.memory_space<vmem_shared>>
      tpu.wait_indirect_dma semaphore(%run_scoped3A_109 : memref<!tpu.dma_semaphore, #tpu.memory_space<semaphore_mem>>) src(%arg7 : memref<128x128xf32, #tpu.memory_space<vmem>>) dst(%dma_wait3A_121 : memref<10008x128xf32, #tpu.memory_space<vmem_shared>>)
      tpu.yield
    }) : () -> ()
    %barrier3A_98 = arith.constant 0 : index
    tpu.barrier barrier_id(%barrier3A_98)
    %scan3A_99 = arith.constant 0 : i32
    %scan3A_100 = arith.constant 5 : i32
    %scan3A_101 = arith.addi %scan3A_99, %scan3A_100 : i32
    %scan3A_102 = arith.constant 1 : i32
    scf.for %scan3A_109 = %scan3A_99 to %scan3A_101 step %scan3A_102  : i32 {
      %mul3A_110 = arith.constant 1 : i32
      %mul3A_111 = arith.muli %scan3A_109, %mul3A_110 : i32
      %add3A_112 = arith.constant 0 : i32
      %add3A_113 = arith.addi %add3A_112, %mul3A_111 : i32
      %mul3A_114 = arith.constant 16 : i32
      %mul3A_115 = arith.muli %mul3A_114, %add3A_113 : i32
      %add3A_116 = arith.addi %arg1, %mul3A_115 : i32
      %lt3A = arith.constant 78 : i32
      %lt3A_117 = arith.cmpi slt, %add3A_116, %lt3A : i32
      %convert_element_type3A_118 = arith.extui %lt3A_117 : i1 to i32
      %cond3A_119 = arith.constant 0 : i32
      %cond3A_120 = arith.cmpi ne, %convert_element_type3A_118, %cond3A_119 : i32
      scf.if %cond3A_120 {
        %mul3A_121 = arith.constant 128 : i32
        %mul3A_122 = arith.muli %add3A_116, %mul3A_121 : i32
        %mul3A_123 = arith.constant 128 : i32
        %mul3A_124 = arith.muli %add3A_116, %mul3A_123 : i32
        "tpu.region"() ({
          %run_scoped3A_125 = tpu.sem_alloc : memref<!tpu.dma_semaphore, #tpu.memory_space<semaphore_mem>>
          %dma_start3A_126 = arith.constant 0 : i32
          %dma_start3A_127 = tpu.memref_slice %arg4[%arg0, %mul3A_124, %dma_start3A_126] : memref<2x10000x128xf32, #tpu.memory_space<hbm>> -> memref<1x128x128xf32, #tpu.memory_space<hbm>>
          %dma_start3A_128 = tpu.memref_squeeze %dma_start3A_127 : memref<1x128x128xf32, #tpu.memory_space<hbm>> -> memref<128x128xf32, #tpu.memory_space<hbm>>
          %dma_start3A_129 = arith.constant 0 : i32
          %dma_start3A_130 = tpu.memref_slice %arg10[%mul3A_122, %dma_start3A_129] : memref<10008x128xf32, #tpu.memory_space<vmem_shared>> -> memref<128x128xf32, #tpu.memory_space<vmem_shared>>
          tpu.enqueue_dma source(%dma_start3A_130 : memref<128x128xf32, #tpu.memory_space<vmem_shared>>) target(%dma_start3A_128 : memref<128x128xf32, #tpu.memory_space<hbm>>) target_semaphore(%run_scoped3A_125 : memref<!tpu.dma_semaphore, #tpu.memory_space<semaphore_mem>>)
          %dma_wait3A_131 = arith.constant 0 : i32
          %dma_wait3A_132 = tpu.memref_slice %arg4[%arg0, %mul3A_124, %dma_wait3A_131] : memref<2x10000x128xf32, #tpu.memory_space<hbm>> -> memref<1x128x128xf32, #tpu.memory_space<hbm>>
          %dma_wait3A_133 = tpu.memref_squeeze %dma_wait3A_132 : memref<1x128x128xf32, #tpu.memory_space<hbm>> -> memref<128x128xf32, #tpu.memory_space<hbm>>
          %dma_wait3A_134 = arith.constant 0 : i32
          %dma_wait3A_135 = tpu.memref_slice %arg10[%mul3A_122, %dma_wait3A_134] : memref<10008x128xf32, #tpu.memory_space<vmem_shared>> -> memref<128x128xf32, #tpu.memory_space<vmem_shared>>
          tpu.wait_dma2 semaphore(%run_scoped3A_125 : memref<!tpu.dma_semaphore, #tpu.memory_space<semaphore_mem>>) src(%dma_wait3A_135 : memref<128x128xf32, #tpu.memory_space<vmem_shared>>) dst(%dma_wait3A_133 : memref<128x128xf32, #tpu.memory_space<hbm>>)
          tpu.yield
        }) : () -> ()
      } else {
      }
    }
    %scan3A_103 = arith.constant 5 : i32
    %eq3A_104 = arith.constant 0 : i32
    %eq3A_105 = arith.cmpi eq, %arg1, %eq3A_104 : i32
    %convert_element_type3A_106 = arith.extui %eq3A_105 : i1 to i32
    %cond3A_107 = arith.constant 0 : i32
    %cond3A_108 = arith.cmpi ne, %convert_element_type3A_106, %cond3A_107 : i32
    scf.if %cond3A_108 {
      "tpu.region"() ({
        %run_scoped3A_109 = tpu.sem_alloc : memref<!tpu.dma_semaphore, #tpu.memory_space<semaphore_mem>>
        %dma_start3A_110 = arith.constant 9984 : i32
        %dma_start3A_111 = arith.constant 0 : i32
        %dma_start3A_112 = tpu.memref_slice %arg4[%arg0, %dma_start3A_110, %dma_start3A_111] : memref<2x10000x128xf32, #tpu.memory_space<hbm>> -> memref<1x16x128xf32, #tpu.memory_space<hbm>>
        %dma_start3A_113 = tpu.memref_squeeze %dma_start3A_112 : memref<1x16x128xf32, #tpu.memory_space<hbm>> -> memref<16x128xf32, #tpu.memory_space<hbm>>
        %dma_start3A_114 = arith.constant 9984 : i32
        %dma_start3A_115 = arith.constant 0 : i32
        %dma_start3A_116 = tpu.memref_slice %arg10[%dma_start3A_114, %dma_start3A_115] : memref<10008x128xf32, #tpu.memory_space<vmem_shared>> -> memref<16x128xf32, #tpu.memory_space<vmem_shared>>
        tpu.enqueue_dma source(%dma_start3A_116 : memref<16x128xf32, #tpu.memory_space<vmem_shared>>) target(%dma_start3A_113 : memref<16x128xf32, #tpu.memory_space<hbm>>) target_semaphore(%run_scoped3A_109 : memref<!tpu.dma_semaphore, #tpu.memory_space<semaphore_mem>>)
        %dma_wait3A_117 = arith.constant 9984 : i32
        %dma_wait3A_118 = arith.constant 0 : i32
        %dma_wait3A_119 = tpu.memref_slice %arg4[%arg0, %dma_wait3A_117, %dma_wait3A_118] : memref<2x10000x128xf32, #tpu.memory_space<hbm>> -> memref<1x16x128xf32, #tpu.memory_space<hbm>>
        %dma_wait3A_120 = tpu.memref_squeeze %dma_wait3A_119 : memref<1x16x128xf32, #tpu.memory_space<hbm>> -> memref<16x128xf32, #tpu.memory_space<hbm>>
        %dma_wait3A_121 = arith.constant 9984 : i32
        %dma_wait3A_122 = arith.constant 0 : i32
        %dma_wait3A_123 = tpu.memref_slice %arg10[%dma_wait3A_121, %dma_wait3A_122] : memref<10008x128xf32, #tpu.memory_space<vmem_shared>> -> memref<16x128xf32, #tpu.memory_space<vmem_shared>>
        tpu.wait_dma2 semaphore(%run_scoped3A_109 : memref<!tpu.dma_semaphore, #tpu.memory_space<semaphore_mem>>) src(%dma_wait3A_123 : memref<16x128xf32, #tpu.memory_space<vmem_shared>>) dst(%dma_wait3A_120 : memref<16x128xf32, #tpu.memory_space<hbm>>)
        tpu.yield
      }) : () -> ()
    } else {
    }
    return
  }
}

#map = affine_map<(d0, d1) -> (0, 0)>
#map1 = affine_map<(d0, d1) -> (0)>
#map2 = affine_map<(d0, d1) -> (0, 0, 0)>
module attributes {stable_mosaic.version = 14 : i64} {
  func.func @sc_pool(%arg0: i32, %arg1: i32, %arg2: memref<10000x128xf32, #tpu.memory_space<hbm>>, %arg3: memref<10000xi32, #tpu.memory_space<hbm>>, %arg4: memref<2x128x128xf32, #tpu.memory_space<hbm>>, %arg5: memref<2x128x128xf32, #tpu.memory_space<hbm>>, %arg6: memref<200xi32, #tpu.memory_space<vmem>>, %arg7: memref<200x128xf32, #tpu.memory_space<vmem>>, %arg8: memref<200x128xf32, #tpu.memory_space<vmem>>, %arg9: memref<128x128xf32, #tpu.memory_space<vmem_shared>>, %arg10: memref<128x128xf32, #tpu.memory_space<vmem_shared>>) attributes {dimension_semantics = [#tpu.dimension_semantics<core_parallel>, #tpu.dimension_semantics<subcore_parallel>], iteration_bounds = array<i64: 2, 16>, scalar_prefetch = 0 : i64, scratch_operands = 5 : i64, tpu.core_type = #tpu.core_type<sc_vector_subcore>, window_params = [{transform_indices = #map}, {transform_indices = #map1}, {transform_indices = #map2}, {transform_indices = #map2}]} {
    %mul3A = arith.constant 2 : i32
    %mul3A_0 = arith.muli %arg1, %mul3A : i32
    %add3A = arith.addi %mul3A_0, %arg0 : i32
    %broadcast_in_dim3A = arith.constant 0.000000e+00 : f32
    %broadcast_in_dim3A_1 = vector.broadcast %broadcast_in_dim3A : f32 to vector<16xf32>
    %scan3A = arith.constant 0 : i32
    %scan3A_2 = arith.constant 8 : i32
    %scan3A_3 = arith.addi %scan3A, %scan3A_2 : i32
    %scan3A_4 = arith.constant 1 : i32
    scf.for %scan3A_38 = %scan3A to %scan3A_3 step %scan3A_4  : i32 {
      %mul3A_39 = arith.constant 1 : i32
      %mul3A_40 = arith.muli %scan3A_38, %mul3A_39 : i32
      %add3A_41 = arith.constant 0 : i32
      %add3A_42 = arith.addi %add3A_41, %mul3A_40 : i32
      %scan3A_43 = arith.constant 0 : i32
      %scan3A_44 = arith.constant 8 : i32
      %scan3A_45 = arith.addi %scan3A_43, %scan3A_44 : i32
      %scan3A_46 = arith.constant 1 : i32
      scf.for %scan3A_48 = %scan3A_43 to %scan3A_45 step %scan3A_46  : i32 {
        %mul3A_49 = arith.constant 1 : i32
        %mul3A_50 = arith.muli %scan3A_48, %mul3A_49 : i32
        %add3A_51 = arith.constant 0 : i32
        %add3A_52 = arith.addi %add3A_51, %mul3A_50 : i32
        %mul3A_53 = arith.constant 16 : i32
        %mul3A_54 = arith.muli %add3A_52, %mul3A_53 : i32
        %swap3A = arith.index_cast %add3A_42 : i32 to index
        %swap3A_55 = arith.index_cast %mul3A_54 : i32 to index
        %swap3A_56 = tpu.vector_load %arg7[%swap3A, %swap3A_55] {strides = array<i32>} : memref<200x128xf32, #tpu.memory_space<vmem>>, vector<1x16xf32>,
        %swap3A_57 = vector.shape_cast %swap3A_56 : vector<1x16xf32> to vector<16xf32>
        %swap3A_58 = vector.shape_cast %broadcast_in_dim3A_1 : vector<16xf32> to vector<1x16xf32>
        tpu.vector_store %arg7[%swap3A, %swap3A_55], %swap3A_58 {strides = array<i32>} : memref<200x128xf32, #tpu.memory_space<vmem>>, vector<1x16xf32>,
      }
      %scan3A_47 = arith.constant 8 : i32
    }
    %scan3A_5 = arith.constant 8 : i32
    %broadcast_in_dim3A_6 = arith.constant 0.000000e+00 : f32
    %broadcast_in_dim3A_7 = vector.broadcast %broadcast_in_dim3A_6 : f32 to vector<16xf32>
    %scan3A_8 = arith.constant 0 : i32
    %scan3A_9 = arith.constant 8 : i32
    %scan3A_10 = arith.addi %scan3A_8, %scan3A_9 : i32
    %scan3A_11 = arith.constant 1 : i32
    scf.for %scan3A_38 = %scan3A_8 to %scan3A_10 step %scan3A_11  : i32 {
      %mul3A_39 = arith.constant 1 : i32
      %mul3A_40 = arith.muli %scan3A_38, %mul3A_39 : i32
      %add3A_41 = arith.constant 0 : i32
      %add3A_42 = arith.addi %add3A_41, %mul3A_40 : i32
      %scan3A_43 = arith.constant 0 : i32
      %scan3A_44 = arith.constant 8 : i32
      %scan3A_45 = arith.addi %scan3A_43, %scan3A_44 : i32
      %scan3A_46 = arith.constant 1 : i32
      scf.for %scan3A_48 = %scan3A_43 to %scan3A_45 step %scan3A_46  : i32 {
        %mul3A_49 = arith.constant 1 : i32
        %mul3A_50 = arith.muli %scan3A_48, %mul3A_49 : i32
        %add3A_51 = arith.constant 0 : i32
        %add3A_52 = arith.addi %add3A_51, %mul3A_50 : i32
        %mul3A_53 = arith.constant 16 : i32
        %mul3A_54 = arith.muli %add3A_52, %mul3A_53 : i32
        %swap3A = arith.index_cast %add3A_42 : i32 to index
        %swap3A_55 = arith.index_cast %mul3A_54 : i32 to index
        %swap3A_56 = tpu.vector_load %arg8[%swap3A, %swap3A_55] {strides = array<i32>} : memref<200x128xf32, #tpu.memory_space<vmem>>, vector<1x16xf32>,
        %swap3A_57 = vector.shape_cast %swap3A_56 : vector<1x16xf32> to vector<16xf32>
        %swap3A_58 = vector.shape_cast %broadcast_in_dim3A_7 : vector<16xf32> to vector<1x16xf32>
        tpu.vector_store %arg8[%swap3A, %swap3A_55], %swap3A_58 {strides = array<i32>} : memref<200x128xf32, #tpu.memory_space<vmem>>, vector<1x16xf32>,
      }
      %scan3A_47 = arith.constant 8 : i32
    }
    %scan3A_12 = arith.constant 8 : i32
    %mul3A_13 = arith.constant 8 : i32
    %mul3A_14 = arith.muli %arg1, %mul3A_13 : i32
    "tpu.region"() ({
      %run_scoped3A = tpu.sem_alloc : memref<!tpu.dma_semaphore, #tpu.memory_space<semaphore_mem>>
      %dma_start3A = arith.constant 0 : i32
      %dma_start3A_38 = arith.constant 0 : i32
      %dma_start3A_39 = tpu.memref_slice %arg7[%dma_start3A, %dma_start3A_38] : memref<200x128xf32, #tpu.memory_space<vmem>> -> memref<8x128xf32, #tpu.memory_space<vmem>>
      %dma_start3A_40 = arith.constant 0 : i32
      %dma_start3A_41 = tpu.memref_slice %arg9[%mul3A_14, %dma_start3A_40] : memref<128x128xf32, #tpu.memory_space<vmem_shared>> -> memref<8x128xf32, #tpu.memory_space<vmem_shared>>
      %dma_start3A_42 = arith.constant 0 : i32
      %dma_start3A_43 = tpu.memref_slice %arg9[%mul3A_14, %dma_start3A_42] : memref<128x128xf32, #tpu.memory_space<vmem_shared>> -> memref<8x128xf32, #tpu.memory_space<vmem_shared>>
      %dma_start3A_44 = arith.constant 0 : i32
      %dma_start3A_45 = arith.constant 0 : i32
      %dma_start3A_46 = tpu.memref_slice %arg7[%dma_start3A_44, %dma_start3A_45] : memref<200x128xf32, #tpu.memory_space<vmem>> -> memref<8x128xf32, #tpu.memory_space<vmem>>
      tpu.enqueue_dma source(%dma_start3A_46 : memref<8x128xf32, #tpu.memory_space<vmem>>) target(%dma_start3A_43 : memref<8x128xf32, #tpu.memory_space<vmem_shared>>) target_semaphore(%run_scoped3A : memref<!tpu.dma_semaphore, #tpu.memory_space<semaphore_mem>>)
      %dma_wait3A = arith.constant 0 : i32
      %dma_wait3A_47 = arith.constant 0 : i32
      %dma_wait3A_48 = tpu.memref_slice %arg7[%dma_wait3A, %dma_wait3A_47] : memref<200x128xf32, #tpu.memory_space<vmem>> -> memref<8x128xf32, #tpu.memory_space<vmem>>
      %dma_wait3A_49 = arith.constant 0 : i32
      %dma_wait3A_50 = tpu.memref_slice %arg9[%mul3A_14, %dma_wait3A_49] : memref<128x128xf32, #tpu.memory_space<vmem_shared>> -> memref<8x128xf32, #tpu.memory_space<vmem_shared>>
      %dma_wait3A_51 = arith.constant 0 : i32
      %dma_wait3A_52 = tpu.memref_slice %arg9[%mul3A_14, %dma_wait3A_51] : memref<128x128xf32, #tpu.memory_space<vmem_shared>> -> memref<8x128xf32, #tpu.memory_space<vmem_shared>>
      %dma_wait3A_53 = arith.constant 0 : i32
      %dma_wait3A_54 = arith.constant 0 : i32
      %dma_wait3A_55 = tpu.memref_slice %arg7[%dma_wait3A_53, %dma_wait3A_54] : memref<200x128xf32, #tpu.memory_space<vmem>> -> memref<8x128xf32, #tpu.memory_space<vmem>>
      tpu.wait_dma2 semaphore(%run_scoped3A : memref<!tpu.dma_semaphore, #tpu.memory_space<semaphore_mem>>) src(%dma_wait3A_55 : memref<8x128xf32, #tpu.memory_space<vmem>>) dst(%dma_wait3A_52 : memref<8x128xf32, #tpu.memory_space<vmem_shared>>)
      tpu.yield
    }) : () -> ()
    %mul3A_15 = arith.constant 8 : i32
    %mul3A_16 = arith.muli %arg1, %mul3A_15 : i32
    "tpu.region"() ({
      %run_scoped3A = tpu.sem_alloc : memref<!tpu.dma_semaphore, #tpu.memory_space<semaphore_mem>>
      %dma_start3A = arith.constant 0 : i32
      %dma_start3A_38 = arith.constant 0 : i32
      %dma_start3A_39 = tpu.memref_slice %arg8[%dma_start3A, %dma_start3A_38] : memref<200x128xf32, #tpu.memory_space<vmem>> -> memref<8x128xf32, #tpu.memory_space<vmem>>
      %dma_start3A_40 = arith.constant 0 : i32
      %dma_start3A_41 = tpu.memref_slice %arg10[%mul3A_16, %dma_start3A_40] : memref<128x128xf32, #tpu.memory_space<vmem_shared>> -> memref<8x128xf32, #tpu.memory_space<vmem_shared>>
      %dma_start3A_42 = arith.constant 0 : i32
      %dma_start3A_43 = tpu.memref_slice %arg10[%mul3A_16, %dma_start3A_42] : memref<128x128xf32, #tpu.memory_space<vmem_shared>> -> memref<8x128xf32, #tpu.memory_space<vmem_shared>>
      %dma_start3A_44 = arith.constant 0 : i32
      %dma_start3A_45 = arith.constant 0 : i32
      %dma_start3A_46 = tpu.memref_slice %arg8[%dma_start3A_44, %dma_start3A_45] : memref<200x128xf32, #tpu.memory_space<vmem>> -> memref<8x128xf32, #tpu.memory_space<vmem>>
      tpu.enqueue_dma source(%dma_start3A_46 : memref<8x128xf32, #tpu.memory_space<vmem>>) target(%dma_start3A_43 : memref<8x128xf32, #tpu.memory_space<vmem_shared>>) target_semaphore(%run_scoped3A : memref<!tpu.dma_semaphore, #tpu.memory_space<semaphore_mem>>)
      %dma_wait3A = arith.constant 0 : i32
      %dma_wait3A_47 = arith.constant 0 : i32
      %dma_wait3A_48 = tpu.memref_slice %arg8[%dma_wait3A, %dma_wait3A_47] : memref<200x128xf32, #tpu.memory_space<vmem>> -> memref<8x128xf32, #tpu.memory_space<vmem>>
      %dma_wait3A_49 = arith.constant 0 : i32
      %dma_wait3A_50 = tpu.memref_slice %arg10[%mul3A_16, %dma_wait3A_49] : memref<128x128xf32, #tpu.memory_space<vmem_shared>> -> memref<8x128xf32, #tpu.memory_space<vmem_shared>>
      %dma_wait3A_51 = arith.constant 0 : i32
      %dma_wait3A_52 = tpu.memref_slice %arg10[%mul3A_16, %dma_wait3A_51] : memref<128x128xf32, #tpu.memory_space<vmem_shared>> -> memref<8x128xf32, #tpu.memory_space<vmem_shared>>
      %dma_wait3A_53 = arith.constant 0 : i32
      %dma_wait3A_54 = arith.constant 0 : i32
      %dma_wait3A_55 = tpu.memref_slice %arg8[%dma_wait3A_53, %dma_wait3A_54] : memref<200x128xf32, #tpu.memory_space<vmem>> -> memref<8x128xf32, #tpu.memory_space<vmem>>
      tpu.wait_dma2 semaphore(%run_scoped3A : memref<!tpu.dma_semaphore, #tpu.memory_space<semaphore_mem>>) src(%dma_wait3A_55 : memref<8x128xf32, #tpu.memory_space<vmem>>) dst(%dma_wait3A_52 : memref<8x128xf32, #tpu.memory_space<vmem_shared>>)
      tpu.yield
    }) : () -> ()
    %barrier3A = arith.constant 0 : index
    tpu.barrier barrier_id(%barrier3A)
    %broadcast_in_dim3A_17 = arith.constant 1.000000e+00 : f32
    %broadcast_in_dim3A_18 = vector.broadcast %broadcast_in_dim3A_17 : f32 to vector<16xf32>
    %scan3A_19 = arith.constant 0 : i32
    %scan3A_20 = arith.constant 200 : i32
    %scan3A_21 = arith.addi %scan3A_19, %scan3A_20 : i32
    %scan3A_22 = arith.constant 1 : i32
    scf.for %scan3A_38 = %scan3A_19 to %scan3A_21 step %scan3A_22  : i32 {
      %mul3A_39 = arith.constant 1 : i32
      %mul3A_40 = arith.muli %scan3A_38, %mul3A_39 : i32
      %add3A_41 = arith.constant 0 : i32
      %add3A_42 = arith.addi %add3A_41, %mul3A_40 : i32
      %scan3A_43 = arith.constant 0 : i32
      %scan3A_44 = arith.constant 8 : i32
      %scan3A_45 = arith.addi %scan3A_43, %scan3A_44 : i32
      %scan3A_46 = arith.constant 1 : i32
      scf.for %scan3A_48 = %scan3A_43 to %scan3A_45 step %scan3A_46  : i32 {
        %mul3A_49 = arith.constant 1 : i32
        %mul3A_50 = arith.muli %scan3A_48, %mul3A_49 : i32
        %add3A_51 = arith.constant 0 : i32
        %add3A_52 = arith.addi %add3A_51, %mul3A_50 : i32
        %mul3A_53 = arith.constant 16 : i32
        %mul3A_54 = arith.muli %add3A_52, %mul3A_53 : i32
        %swap3A = arith.index_cast %add3A_42 : i32 to index
        %swap3A_55 = arith.index_cast %mul3A_54 : i32 to index
        %swap3A_56 = tpu.vector_load %arg8[%swap3A, %swap3A_55] {strides = array<i32>} : memref<200x128xf32, #tpu.memory_space<vmem>>, vector<1x16xf32>,
        %swap3A_57 = vector.shape_cast %swap3A_56 : vector<1x16xf32> to vector<16xf32>
        %swap3A_58 = vector.shape_cast %broadcast_in_dim3A_18 : vector<16xf32> to vector<1x16xf32>
        tpu.vector_store %arg8[%swap3A, %swap3A_55], %swap3A_58 {strides = array<i32>} : memref<200x128xf32, #tpu.memory_space<vmem>>, vector<1x16xf32>,
      }
      %scan3A_47 = arith.constant 8 : i32
    }
    %scan3A_23 = arith.constant 200 : i32
    %scan3A_24 = arith.constant 0 : i32
    %scan3A_25 = arith.constant 2 : i32
    %scan3A_26 = arith.addi %scan3A_24, %scan3A_25 : i32
    %scan3A_27 = arith.constant 1 : i32
    scf.for %scan3A_38 = %scan3A_24 to %scan3A_26 step %scan3A_27  : i32 {
      %mul3A_39 = arith.constant 1 : i32
      %mul3A_40 = arith.muli %scan3A_38, %mul3A_39 : i32
      %add3A_41 = arith.constant 0 : i32
      %add3A_42 = arith.addi %add3A_41, %mul3A_40 : i32
      %mul3A_43 = arith.constant 32 : i32
      %mul3A_44 = arith.muli %mul3A_43, %add3A_42 : i32
      %add3A_45 = arith.addi %add3A, %mul3A_44 : i32
      %lt3A = arith.constant 50 : i32
      %lt3A_46 = arith.cmpi slt, %add3A_45, %lt3A : i32
      %convert_element_type3A = arith.extui %lt3A_46 : i1 to i32
      %cond3A = arith.constant 0 : i32
      %cond3A_47 = arith.cmpi ne, %convert_element_type3A, %cond3A : i32
      scf.if %cond3A_47 {
        %mul3A_48 = arith.constant 200 : i32
        %mul3A_49 = arith.muli %add3A_45, %mul3A_48 : i32
        "tpu.region"() ({
          %run_scoped3A = tpu.sem_alloc : memref<!tpu.dma_semaphore, #tpu.memory_space<semaphore_mem>>
          %dma_start3A = arith.constant 0 : i32
          %dma_start3A_50 = tpu.memref_slice %arg2[%mul3A_49, %dma_start3A] : memref<10000x128xf32, #tpu.memory_space<hbm>> -> memref<200x128xf32, #tpu.memory_space<hbm>>
          %dma_start3A_51 = arith.constant 0 : i32
          %dma_start3A_52 = tpu.memref_slice %arg2[%mul3A_49, %dma_start3A_51] : memref<10000x128xf32, #tpu.memory_space<hbm>> -> memref<200x128xf32, #tpu.memory_space<hbm>>
          tpu.enqueue_dma source(%dma_start3A_52 : memref<200x128xf32, #tpu.memory_space<hbm>>) target(%arg7 : memref<200x128xf32, #tpu.memory_space<vmem>>) target_semaphore(%run_scoped3A : memref<!tpu.dma_semaphore, #tpu.memory_space<semaphore_mem>>)
          %dma_wait3A = arith.constant 0 : i32
          %dma_wait3A_53 = tpu.memref_slice %arg2[%mul3A_49, %dma_wait3A] : memref<10000x128xf32, #tpu.memory_space<hbm>> -> memref<200x128xf32, #tpu.memory_space<hbm>>
          %dma_wait3A_54 = arith.constant 0 : i32
          %dma_wait3A_55 = tpu.memref_slice %arg2[%mul3A_49, %dma_wait3A_54] : memref<10000x128xf32, #tpu.memory_space<hbm>> -> memref<200x128xf32, #tpu.memory_space<hbm>>
          tpu.wait_dma2 semaphore(%run_scoped3A : memref<!tpu.dma_semaphore, #tpu.memory_space<semaphore_mem>>) src(%dma_wait3A_55 : memref<200x128xf32, #tpu.memory_space<hbm>>) dst(%arg7 : memref<200x128xf32, #tpu.memory_space<vmem>>)
          tpu.yield
        }) : () -> ()
        "tpu.region"() ({
          %run_scoped3A = tpu.sem_alloc : memref<!tpu.dma_semaphore, #tpu.memory_space<semaphore_mem>>
          %dma_start3A = tpu.memref_slice %arg3[%mul3A_49] : memref<10000xi32, #tpu.memory_space<hbm>> -> memref<200xi32, #tpu.memory_space<hbm>>
          %dma_start3A_50 = tpu.memref_slice %arg3[%mul3A_49] : memref<10000xi32, #tpu.memory_space<hbm>> -> memref<200xi32, #tpu.memory_space<hbm>>
          tpu.enqueue_dma source(%dma_start3A_50 : memref<200xi32, #tpu.memory_space<hbm>>) target(%arg6 : memref<200xi32, #tpu.memory_space<vmem>>) target_semaphore(%run_scoped3A : memref<!tpu.dma_semaphore, #tpu.memory_space<semaphore_mem>>)
          %dma_wait3A = tpu.memref_slice %arg3[%mul3A_49] : memref<10000xi32, #tpu.memory_space<hbm>> -> memref<200xi32, #tpu.memory_space<hbm>>
          %dma_wait3A_51 = tpu.memref_slice %arg3[%mul3A_49] : memref<10000xi32, #tpu.memory_space<hbm>> -> memref<200xi32, #tpu.memory_space<hbm>>
          tpu.wait_dma2 semaphore(%run_scoped3A : memref<!tpu.dma_semaphore, #tpu.memory_space<semaphore_mem>>) src(%dma_wait3A_51 : memref<200xi32, #tpu.memory_space<hbm>>) dst(%arg6 : memref<200xi32, #tpu.memory_space<vmem>>)
          tpu.yield
        }) : () -> ()
        "tpu.region"() ({
          %run_scoped3A = tpu.sem_alloc : memref<!tpu.dma_semaphore, #tpu.memory_space<semaphore_mem>>
          %dma_start3A = arith.constant 0 : i32
          %dma_start3A_50 = arith.constant 0 : i32
          %dma_start3A_51 = tpu.memref_slice %arg9[%dma_start3A, %dma_start3A_50] : memref<128x128xf32, #tpu.memory_space<vmem_shared>> -> memref<128x128xf32, #tpu.memory_space<vmem_shared>>
          tpu.enqueue_indirect_dma source(%arg7 : memref<200x128xf32, #tpu.memory_space<vmem>>) target(%dma_start3A_51 : memref<128x128xf32, #tpu.memory_space<vmem_shared>>) offsets(%arg6 : memref<200xi32, #tpu.memory_space<vmem>>) semaphore(%run_scoped3A : memref<!tpu.dma_semaphore, #tpu.memory_space<semaphore_mem>>) {add = true}
          %dma_wait3A = arith.constant 0 : i32
          %dma_wait3A_52 = arith.constant 0 : i32
          %dma_wait3A_53 = tpu.memref_slice %arg9[%dma_wait3A, %dma_wait3A_52] : memref<128x128xf32, #tpu.memory_space<vmem_shared>> -> memref<128x128xf32, #tpu.memory_space<vmem_shared>>
          tpu.wait_indirect_dma semaphore(%run_scoped3A : memref<!tpu.dma_semaphore, #tpu.memory_space<semaphore_mem>>) src(%arg7 : memref<200x128xf32, #tpu.memory_space<vmem>>) dst(%dma_wait3A_53 : memref<128x128xf32, #tpu.memory_space<vmem_shared>>)
          tpu.yield
        }) : () -> ()
        "tpu.region"() ({
          %run_scoped3A = tpu.sem_alloc : memref<!tpu.dma_semaphore, #tpu.memory_space<semaphore_mem>>
          %dma_start3A = arith.constant 0 : i32
          %dma_start3A_50 = arith.constant 0 : i32
          %dma_start3A_51 = tpu.memref_slice %arg10[%dma_start3A, %dma_start3A_50] : memref<128x128xf32, #tpu.memory_space<vmem_shared>> -> memref<128x128xf32, #tpu.memory_space<vmem_shared>>
          tpu.enqueue_indirect_dma source(%arg8 : memref<200x128xf32, #tpu.memory_space<vmem>>) target(%dma_start3A_51 : memref<128x128xf32, #tpu.memory_space<vmem_shared>>) offsets(%arg6 : memref<200xi32, #tpu.memory_space<vmem>>) semaphore(%run_scoped3A : memref<!tpu.dma_semaphore, #tpu.memory_space<semaphore_mem>>) {add = true}
          %dma_wait3A = arith.constant 0 : i32
          %dma_wait3A_52 = arith.constant 0 : i32
          %dma_wait3A_53 = tpu.memref_slice %arg10[%dma_wait3A, %dma_wait3A_52] : memref<128x128xf32, #tpu.memory_space<vmem_shared>> -> memref<128x128xf32, #tpu.memory_space<vmem_shared>>
          tpu.wait_indirect_dma semaphore(%run_scoped3A : memref<!tpu.dma_semaphore, #tpu.memory_space<semaphore_mem>>) src(%arg8 : memref<200x128xf32, #tpu.memory_space<vmem>>) dst(%dma_wait3A_53 : memref<128x128xf32, #tpu.memory_space<vmem_shared>>)
          tpu.yield
        }) : () -> ()
      } else {
      }
    }
    %scan3A_28 = arith.constant 2 : i32
    %barrier3A_29 = arith.constant 0 : index
    tpu.barrier barrier_id(%barrier3A_29)
    %mul3A_30 = arith.constant 8 : i32
    %mul3A_31 = arith.muli %arg1, %mul3A_30 : i32
    %mul3A_32 = arith.constant 8 : i32
    %mul3A_33 = arith.muli %arg1, %mul3A_32 : i32
    "tpu.region"() ({
      %run_scoped3A = tpu.sem_alloc : memref<!tpu.dma_semaphore, #tpu.memory_space<semaphore_mem>>
      %dma_start3A = arith.constant 0 : i32
      %dma_start3A_38 = tpu.memref_slice %arg4[%arg0, %mul3A_33, %dma_start3A] : memref<2x128x128xf32, #tpu.memory_space<hbm>> -> memref<1x8x128xf32, #tpu.memory_space<hbm>>
      %dma_start3A_39 = tpu.memref_squeeze %dma_start3A_38 : memref<1x8x128xf32, #tpu.memory_space<hbm>> -> memref<8x128xf32, #tpu.memory_space<hbm>>
      %dma_start3A_40 = arith.constant 0 : i32
      %dma_start3A_41 = tpu.memref_slice %arg9[%mul3A_31, %dma_start3A_40] : memref<128x128xf32, #tpu.memory_space<vmem_shared>> -> memref<8x128xf32, #tpu.memory_space<vmem_shared>>
      tpu.enqueue_dma source(%dma_start3A_41 : memref<8x128xf32, #tpu.memory_space<vmem_shared>>) target(%dma_start3A_39 : memref<8x128xf32, #tpu.memory_space<hbm>>) target_semaphore(%run_scoped3A : memref<!tpu.dma_semaphore, #tpu.memory_space<semaphore_mem>>)
      %dma_wait3A = arith.constant 0 : i32
      %dma_wait3A_42 = tpu.memref_slice %arg4[%arg0, %mul3A_33, %dma_wait3A] : memref<2x128x128xf32, #tpu.memory_space<hbm>> -> memref<1x8x128xf32, #tpu.memory_space<hbm>>
      %dma_wait3A_43 = tpu.memref_squeeze %dma_wait3A_42 : memref<1x8x128xf32, #tpu.memory_space<hbm>> -> memref<8x128xf32, #tpu.memory_space<hbm>>
      %dma_wait3A_44 = arith.constant 0 : i32
      %dma_wait3A_45 = tpu.memref_slice %arg9[%mul3A_31, %dma_wait3A_44] : memref<128x128xf32, #tpu.memory_space<vmem_shared>> -> memref<8x128xf32, #tpu.memory_space<vmem_shared>>
      tpu.wait_dma2 semaphore(%run_scoped3A : memref<!tpu.dma_semaphore, #tpu.memory_space<semaphore_mem>>) src(%dma_wait3A_45 : memref<8x128xf32, #tpu.memory_space<vmem_shared>>) dst(%dma_wait3A_43 : memref<8x128xf32, #tpu.memory_space<hbm>>)
      tpu.yield
    }) : () -> ()
    %mul3A_34 = arith.constant 8 : i32
    %mul3A_35 = arith.muli %arg1, %mul3A_34 : i32
    %mul3A_36 = arith.constant 8 : i32
    %mul3A_37 = arith.muli %arg1, %mul3A_36 : i32
    "tpu.region"() ({
      %run_scoped3A = tpu.sem_alloc : memref<!tpu.dma_semaphore, #tpu.memory_space<semaphore_mem>>
      %dma_start3A = arith.constant 0 : i32
      %dma_start3A_38 = tpu.memref_slice %arg5[%arg0, %mul3A_37, %dma_start3A] : memref<2x128x128xf32, #tpu.memory_space<hbm>> -> memref<1x8x128xf32, #tpu.memory_space<hbm>>
      %dma_start3A_39 = tpu.memref_squeeze %dma_start3A_38 : memref<1x8x128xf32, #tpu.memory_space<hbm>> -> memref<8x128xf32, #tpu.memory_space<hbm>>
      %dma_start3A_40 = arith.constant 0 : i32
      %dma_start3A_41 = tpu.memref_slice %arg10[%mul3A_35, %dma_start3A_40] : memref<128x128xf32, #tpu.memory_space<vmem_shared>> -> memref<8x128xf32, #tpu.memory_space<vmem_shared>>
      tpu.enqueue_dma source(%dma_start3A_41 : memref<8x128xf32, #tpu.memory_space<vmem_shared>>) target(%dma_start3A_39 : memref<8x128xf32, #tpu.memory_space<hbm>>) target_semaphore(%run_scoped3A : memref<!tpu.dma_semaphore, #tpu.memory_space<semaphore_mem>>)
      %dma_wait3A = arith.constant 0 : i32
      %dma_wait3A_42 = tpu.memref_slice %arg5[%arg0, %mul3A_37, %dma_wait3A] : memref<2x128x128xf32, #tpu.memory_space<hbm>> -> memref<1x8x128xf32, #tpu.memory_space<hbm>>
      %dma_wait3A_43 = tpu.memref_squeeze %dma_wait3A_42 : memref<1x8x128xf32, #tpu.memory_space<hbm>> -> memref<8x128xf32, #tpu.memory_space<hbm>>
      %dma_wait3A_44 = arith.constant 0 : i32
      %dma_wait3A_45 = tpu.memref_slice %arg10[%mul3A_35, %dma_wait3A_44] : memref<128x128xf32, #tpu.memory_space<vmem_shared>> -> memref<8x128xf32, #tpu.memory_space<vmem_shared>>
      tpu.wait_dma2 semaphore(%run_scoped3A : memref<!tpu.dma_semaphore, #tpu.memory_space<semaphore_mem>>) src(%dma_wait3A_45 : memref<8x128xf32, #tpu.memory_space<vmem_shared>>) dst(%dma_wait3A_43 : memref<8x128xf32, #tpu.memory_space<hbm>>)
      tpu.yield
    }) : () -> ()
    return
  }
}

module attributes {stable_mosaic.version = 14 : i64} {
  func.func @_dinv_body(%arg0: i32, %arg1: memref<2x1000x128xf32, #tpu.memory_space<vmem>>, %arg2: memref<1000x1xf32, #tpu.memory_space<vmem>>) attributes {dimension_semantics = [#tpu.dimension_semantics<arbitrary>], iteration_bounds = array<i64: 10>, scalar_prefetch = 0 : i64, scratch_operands = 0 : i64, tpu.core_type = #tpu.core_type<tc>, window_params = [{transform_indices = @transform_0, window_bounds = array<i64: 2, 1000, 128>}, {transform_indices = @transform_1, window_bounds = array<i64: 1000, 1>}]} {
    %get3A = arith.constant 0 : index
    %get3A_0 = arith.constant 0 : index
    %get3A_1 = arith.constant 0 : index
    %get3A_2 = vector.load %arg1[%get3A, %get3A_0, %get3A_1] : memref<2x1000x128xf32, #tpu.memory_space<vmem>>, vector<1x1000x1xf32>
    %get3A_3 = vector.shape_cast %get3A_2 : vector<1x1000x1xf32> to vector<1000x1xf32>
    %get3A_4 = arith.constant 1 : index
    %get3A_5 = arith.constant 0 : index
    %get3A_6 = arith.constant 0 : index
    %get3A_7 = vector.load %arg1[%get3A_4, %get3A_5, %get3A_6] : memref<2x1000x128xf32, #tpu.memory_space<vmem>>, vector<1x1000x1xf32>
    %get3A_8 = vector.shape_cast %get3A_7 : vector<1x1000x1xf32> to vector<1000x1xf32>
    %add3A = arith.addf %get3A_3, %get3A_8 : vector<1000x1xf32>
    %add3A_9 = arith.constant 1.000000e+00 : f32
    %add3A_10 = vector.broadcast %add3A_9 : f32 to vector<1000x1xf32>
    %add3A_11 = arith.addf %add3A, %add3A_10 : vector<1000x1xf32>
    %rsqrt3A = math.rsqrt %add3A_11 : vector<1000x1xf32>
    %swap3A = arith.constant 0 : index
    %swap3A_12 = arith.constant 0 : index
    %swap3A_13 = vector.load %arg2[%swap3A, %swap3A_12] : memref<1000x1xf32, #tpu.memory_space<vmem>>, vector<1000x1xf32>
    tpu.vector_store %arg2[%swap3A, %swap3A_12], %rsqrt3A {strides = array<i32>} : memref<1000x1xf32, #tpu.memory_space<vmem>>, vector<1000x1xf32>,
    return
  }
  func.func @transform_0(%arg0: i32) -> (i32, i32, i32) {
    %c0_i32 = arith.constant 0 : i32
    %c0_i32_0 = arith.constant 0 : i32
    %c0_i32_1 = arith.constant 0 : i32
    return %c0_i32, %arg0, %c0_i32_0 : i32, i32, i32
  }
  func.func @transform_1(%arg0: i32) -> (i32, i32) {
    %c0_i32 = arith.constant 0 : i32
    %c0_i32_0 = arith.constant 0 : i32
    return %arg0, %c0_i32 : i32, i32
  }
}

module attributes {stable_mosaic.version = 14 : i64} {
  func.func @_projmm_body(%arg0: i32, %arg1: memref<1000x128xf32, #tpu.memory_space<vmem>>, %arg2: memref<128x128xf32, #tpu.memory_space<vmem>>, %arg3: memref<1x128xf32, #tpu.memory_space<vmem>>, %arg4: memref<128x128xf32, #tpu.memory_space<vmem>>, %arg5: memref<1000x1xf32, #tpu.memory_space<vmem>>, %arg6: memref<1000x128xf32, #tpu.memory_space<vmem>>, %arg7: memref<1000x128xf32, #tpu.memory_space<vmem>>) attributes {dimension_semantics = [#tpu.dimension_semantics<arbitrary>], iteration_bounds = array<i64: 10>, scalar_prefetch = 0 : i64, scratch_operands = 0 : i64, tpu.core_type = #tpu.core_type<tc>, window_params = [{transform_indices = @transform_0, window_bounds = array<i64: 1000, 128>}, {pipeline_mode = #tpu.pipeline_mode<synchronous>, transform_indices = @transform_1, window_bounds = array<i64: 128, 128>}, {pipeline_mode = #tpu.pipeline_mode<synchronous>, transform_indices = @transform_2, window_bounds = array<i64: 1, 128>}, {pipeline_mode = #tpu.pipeline_mode<synchronous>, transform_indices = @transform_3, window_bounds = array<i64: 128, 128>}, {transform_indices = @transform_4, window_bounds = array<i64: 1000, 1>}, {transform_indices = @transform_5, window_bounds = array<i64: 1000, 128>}, {transform_indices = @transform_6, window_bounds = array<i64: 1000, 128>}]} {
    %get3A = arith.constant 0 : index
    %get3A_0 = arith.constant 0 : index
    %get3A_1 = vector.load %arg1[%get3A, %get3A_0] : memref<1000x128xf32, #tpu.memory_space<vmem>>, vector<1000x128xf32>
    %get3A_2 = arith.constant 0 : index
    %get3A_3 = arith.constant 0 : index
    %get3A_4 = vector.load %arg2[%get3A_2, %get3A_3] : memref<128x128xf32, #tpu.memory_space<vmem>>, vector<128x128xf32>
    %dot_general3A = arith.constant dense<0.000000e+00> : vector<1000x128xf32>
    %dot_general3A_5 = tpu.matmul %get3A_1, %get3A_4, %dot_general3A {dimension_numbers = #tpu.dot_dimension_numbers<[1], [0], [0], [1], [0, 0, 1, 1], [], []>, transpose_lhs_hint = false} : vector<1000x128xf32>, vector<128x128xf32>, vector<1000x128xf32> -> vector<1000x128xf32>
    %get3A_6 = arith.constant 0 : index
    %get3A_7 = arith.constant 0 : index
    %get3A_8 = vector.load %arg3[%get3A_6, %get3A_7] : memref<1x128xf32, #tpu.memory_space<vmem>>, vector<1x128xf32>
    %add3A = vector.broadcast %get3A_8 : vector<1x128xf32> to vector<1000x128xf32>
    %add3A_9 = arith.addf %dot_general3A_5, %add3A : vector<1000x128xf32>
    %swap3A = arith.constant 0 : index
    %swap3A_10 = arith.constant 0 : index
    %swap3A_11 = vector.load %arg6[%swap3A, %swap3A_10] : memref<1000x128xf32, #tpu.memory_space<vmem>>, vector<1000x128xf32>
    tpu.vector_store %arg6[%swap3A, %swap3A_10], %add3A_9 {strides = array<i32>} : memref<1000x128xf32, #tpu.memory_space<vmem>>, vector<1000x128xf32>,
    %get3A_12 = arith.constant 0 : index
    %get3A_13 = arith.constant 0 : index
    %get3A_14 = vector.load %arg4[%get3A_12, %get3A_13] : memref<128x128xf32, #tpu.memory_space<vmem>>, vector<128x128xf32>
    %dot_general3A_15 = arith.constant dense<0.000000e+00> : vector<1000x128xf32>
    %dot_general3A_16 = tpu.matmul %add3A_9, %get3A_14, %dot_general3A_15 {dimension_numbers = #tpu.dot_dimension_numbers<[1], [0], [0], [1], [0, 0, 1, 1], [], []>, transpose_lhs_hint = false} : vector<1000x128xf32>, vector<128x128xf32>, vector<1000x128xf32> -> vector<1000x128xf32>
    %get3A_17 = arith.constant 0 : index
    %get3A_18 = arith.constant 0 : index
    %get3A_19 = vector.load %arg5[%get3A_17, %get3A_18] : memref<1000x1xf32, #tpu.memory_space<vmem>>, vector<1000x1xf32>
    %mul3A = vector.broadcast %get3A_19 : vector<1000x1xf32> to vector<1000x128xf32>
    %mul3A_20 = arith.mulf %dot_general3A_16, %mul3A : vector<1000x128xf32>
    %swap3A_21 = arith.constant 0 : index
    %swap3A_22 = arith.constant 0 : index
    %swap3A_23 = vector.load %arg7[%swap3A_21, %swap3A_22] : memref<1000x128xf32, #tpu.memory_space<vmem>>, vector<1000x128xf32>
    tpu.vector_store %arg7[%swap3A_21, %swap3A_22], %mul3A_20 {strides = array<i32>} : memref<1000x128xf32, #tpu.memory_space<vmem>>, vector<1000x128xf32>,
    return
  }
  func.func @transform_0(%arg0: i32) -> (i32, i32) {
    %c0_i32 = arith.constant 0 : i32
    %c0_i32_0 = arith.constant 0 : i32
    return %arg0, %c0_i32 : i32, i32
  }
  func.func @transform_1(%arg0: i32) -> (i32, i32) {
    %c0_i32 = arith.constant 0 : i32
    %c0_i32_0 = arith.constant 0 : i32
    %c0_i32_1 = arith.constant 0 : i32
    return %c0_i32, %c0_i32_0 : i32, i32
  }
  func.func @transform_2(%arg0: i32) -> (i32, i32) {
    %c0_i32 = arith.constant 0 : i32
    %c0_i32_0 = arith.constant 0 : i32
    %c0_i32_1 = arith.constant 0 : i32
    return %c0_i32, %c0_i32_0 : i32, i32
  }
  func.func @transform_3(%arg0: i32) -> (i32, i32) {
    %c0_i32 = arith.constant 0 : i32
    %c0_i32_0 = arith.constant 0 : i32
    %c0_i32_1 = arith.constant 0 : i32
    return %c0_i32, %c0_i32_0 : i32, i32
  }
  func.func @transform_4(%arg0: i32) -> (i32, i32) {
    %c0_i32 = arith.constant 0 : i32
    %c0_i32_0 = arith.constant 0 : i32
    return %arg0, %c0_i32 : i32, i32
  }
  func.func @transform_5(%arg0: i32) -> (i32, i32) {
    %c0_i32 = arith.constant 0 : i32
    %c0_i32_0 = arith.constant 0 : i32
    return %arg0, %c0_i32 : i32, i32
  }
  func.func @transform_6(%arg0: i32) -> (i32, i32) {
    %c0_i32 = arith.constant 0 : i32
    %c0_i32_0 = arith.constant 0 : i32
    return %arg0, %c0_i32 : i32, i32
  }
}

module attributes {stable_mosaic.version = 14 : i64} {
  func.func @_postmm_body(%arg0: i32, %arg1: memref<2x1000x128xf32, #tpu.memory_space<vmem>>, %arg2: memref<1000x128xf32, #tpu.memory_space<vmem>>, %arg3: memref<1000x1xf32, #tpu.memory_space<vmem>>, %arg4: memref<1x128xf32, #tpu.memory_space<vmem>>, %arg5: memref<1x128xf32, #tpu.memory_space<vmem>>, %arg6: memref<1x128xf32, #tpu.memory_space<vmem>>, %arg7: memref<1000x128xf32, #tpu.memory_space<vmem>>, %arg8: memref<128x128xf32, #tpu.memory_space<vmem>>, %arg9: memref<1000x128xf32, #tpu.memory_space<vmem>>, %arg10: memref<1000x128xf32, #tpu.memory_space<vmem>>) attributes {dimension_semantics = [#tpu.dimension_semantics<arbitrary>], iteration_bounds = array<i64: 10>, scalar_prefetch = 0 : i64, scratch_operands = 0 : i64, tpu.core_type = #tpu.core_type<tc>, window_params = [{transform_indices = @transform_0, window_bounds = array<i64: 2, 1000, 128>}, {transform_indices = @transform_1, window_bounds = array<i64: 1000, 128>}, {transform_indices = @transform_2, window_bounds = array<i64: 1000, 1>}, {pipeline_mode = #tpu.pipeline_mode<synchronous>, transform_indices = @transform_3, window_bounds = array<i64: 1, 128>}, {pipeline_mode = #tpu.pipeline_mode<synchronous>, transform_indices = @transform_4, window_bounds = array<i64: 1, 128>}, {pipeline_mode = #tpu.pipeline_mode<synchronous>, transform_indices = @transform_5, window_bounds = array<i64: 1, 128>}, {transform_indices = @transform_6, window_bounds = array<i64: 1000, 128>}, {pipeline_mode = #tpu.pipeline_mode<synchronous>, transform_indices = @transform_7, window_bounds = array<i64: 128, 128>}, {transform_indices = @transform_8, window_bounds = array<i64: 1000, 128>}, {transform_indices = @transform_9, window_bounds = array<i64: 1000, 128>}]} {
    %get3A = arith.constant 0 : index
    %get3A_0 = arith.constant 0 : index
    %get3A_1 = arith.constant 0 : index
    %get3A_2 = vector.load %arg1[%get3A, %get3A_0, %get3A_1] : memref<2x1000x128xf32, #tpu.memory_space<vmem>>, vector<1x1000x128xf32>
    %get3A_3 = vector.shape_cast %get3A_2 : vector<1x1000x128xf32> to vector<1000x128xf32>
    %get3A_4 = arith.constant 1 : index
    %get3A_5 = arith.constant 0 : index
    %get3A_6 = arith.constant 0 : index
    %get3A_7 = vector.load %arg1[%get3A_4, %get3A_5, %get3A_6] : memref<2x1000x128xf32, #tpu.memory_space<vmem>>, vector<1x1000x128xf32>
    %get3A_8 = vector.shape_cast %get3A_7 : vector<1x1000x128xf32> to vector<1000x128xf32>
    %add3A = arith.addf %get3A_3, %get3A_8 : vector<1000x128xf32>
    %get3A_9 = arith.constant 0 : index
    %get3A_10 = arith.constant 0 : index
    %get3A_11 = vector.load %arg2[%get3A_9, %get3A_10] : memref<1000x128xf32, #tpu.memory_space<vmem>>, vector<1000x128xf32>
    %add3A_12 = arith.addf %add3A, %get3A_11 : vector<1000x128xf32>
    %get3A_13 = arith.constant 0 : index
    %get3A_14 = arith.constant 0 : index
    %get3A_15 = vector.load %arg3[%get3A_13, %get3A_14] : memref<1000x1xf32, #tpu.memory_space<vmem>>, vector<1000x1xf32>
    %mul3A = vector.broadcast %get3A_15 : vector<1000x1xf32> to vector<1000x128xf32>
    %mul3A_16 = arith.mulf %add3A_12, %mul3A : vector<1000x128xf32>
    %get3A_17 = arith.constant 0 : index
    %get3A_18 = arith.constant 0 : index
    %get3A_19 = vector.load %arg4[%get3A_17, %get3A_18] : memref<1x128xf32, #tpu.memory_space<vmem>>, vector<1x128xf32>
    %add3A_20 = vector.broadcast %get3A_19 : vector<1x128xf32> to vector<1000x128xf32>
    %add3A_21 = arith.addf %mul3A_16, %add3A_20 : vector<1000x128xf32>
    %reduce_sum3A = arith.constant dense<0.000000e+00> : vector<1000xf32>
    %reduce_sum3A_22 = vector.multi_reduction <add>, %add3A_21, %reduce_sum3A [1] : vector<1000x128xf32> to vector<1000xf32>
    %broadcast_in_dim3A = vector.shape_cast %reduce_sum3A_22 : vector<1000xf32> to vector<1000x1xf32>
    %div3A = arith.constant 1.280000e+02 : f32
    %div3A_23 = vector.broadcast %div3A : f32 to vector<1000x1xf32>
    %div3A_24 = arith.divf %broadcast_in_dim3A, %div3A_23 : vector<1000x1xf32>
    %sub3A = vector.broadcast %div3A_24 : vector<1000x1xf32> to vector<1000x128xf32>
    %sub3A_25 = arith.subf %add3A_21, %sub3A : vector<1000x128xf32>
    %integer_pow3A = arith.mulf %sub3A_25, %sub3A_25 : vector<1000x128xf32>
    %reduce_sum3A_26 = arith.constant dense<0.000000e+00> : vector<1000xf32>
    %reduce_sum3A_27 = vector.multi_reduction <add>, %integer_pow3A, %reduce_sum3A_26 [1] : vector<1000x128xf32> to vector<1000xf32>
    %broadcast_in_dim3A_28 = vector.shape_cast %reduce_sum3A_27 : vector<1000xf32> to vector<1000x1xf32>
    %div3A_29 = arith.constant 1.280000e+02 : f32
    %div3A_30 = vector.broadcast %div3A_29 : f32 to vector<1000x1xf32>
    %div3A_31 = arith.divf %broadcast_in_dim3A_28, %div3A_30 : vector<1000x1xf32>
    %sub3A_32 = vector.broadcast %div3A_24 : vector<1000x1xf32> to vector<1000x128xf32>
    %sub3A_33 = arith.subf %add3A_21, %sub3A_32 : vector<1000x128xf32>
    %add3A_34 = arith.constant 9.99999974E-6 : f32
    %add3A_35 = vector.broadcast %add3A_34 : f32 to vector<1000x1xf32>
    %add3A_36 = arith.addf %div3A_31, %add3A_35 : vector<1000x1xf32>
    %rsqrt3A = math.rsqrt %add3A_36 : vector<1000x1xf32>
    %mul3A_37 = vector.broadcast %rsqrt3A : vector<1000x1xf32> to vector<1000x128xf32>
    %mul3A_38 = arith.mulf %sub3A_33, %mul3A_37 : vector<1000x128xf32>
    %get3A_39 = arith.constant 0 : index
    %get3A_40 = arith.constant 0 : index
    %get3A_41 = vector.load %arg5[%get3A_39, %get3A_40] : memref<1x128xf32, #tpu.memory_space<vmem>>, vector<1x128xf32>
    %mul3A_42 = vector.broadcast %get3A_41 : vector<1x128xf32> to vector<1000x128xf32>
    %mul3A_43 = arith.mulf %mul3A_38, %mul3A_42 : vector<1000x128xf32>
    %get3A_44 = arith.constant 0 : index
    %get3A_45 = arith.constant 0 : index
    %get3A_46 = vector.load %arg6[%get3A_44, %get3A_45] : memref<1x128xf32, #tpu.memory_space<vmem>>, vector<1x128xf32>
    %add3A_47 = vector.broadcast %get3A_46 : vector<1x128xf32> to vector<1000x128xf32>
    %add3A_48 = arith.addf %mul3A_43, %add3A_47 : vector<1000x128xf32>
    %max3A = arith.constant 0.000000e+00 : f32
    %max3A_49 = vector.broadcast %max3A : f32 to vector<1000x128xf32>
    %max3A_50 = arith.maximumf %add3A_48, %max3A_49 : vector<1000x128xf32>
    %get3A_51 = arith.constant 0 : index
    %get3A_52 = arith.constant 0 : index
    %get3A_53 = vector.load %arg7[%get3A_51, %get3A_52] : memref<1000x128xf32, #tpu.memory_space<vmem>>, vector<1000x128xf32>
    %add3A_54 = arith.addf %max3A_50, %get3A_53 : vector<1000x128xf32>
    %swap3A = arith.constant 0 : index
    %swap3A_55 = arith.constant 0 : index
    %swap3A_56 = vector.load %arg9[%swap3A, %swap3A_55] : memref<1000x128xf32, #tpu.memory_space<vmem>>, vector<1000x128xf32>
    tpu.vector_store %arg9[%swap3A, %swap3A_55], %add3A_54 {strides = array<i32>} : memref<1000x128xf32, #tpu.memory_space<vmem>>, vector<1000x128xf32>,
    %get3A_57 = arith.constant 0 : index
    %get3A_58 = arith.constant 0 : index
    %get3A_59 = vector.load %arg8[%get3A_57, %get3A_58] : memref<128x128xf32, #tpu.memory_space<vmem>>, vector<128x128xf32>
    %dot_general3A = arith.constant dense<0.000000e+00> : vector<1000x128xf32>
    %dot_general3A_60 = tpu.matmul %add3A_54, %get3A_59, %dot_general3A {dimension_numbers = #tpu.dot_dimension_numbers<[1], [0], [0], [1], [0, 0, 1, 1], [], []>, transpose_lhs_hint = false} : vector<1000x128xf32>, vector<128x128xf32>, vector<1000x128xf32> -> vector<1000x128xf32>
    %get3A_61 = arith.constant 0 : index
    %get3A_62 = arith.constant 0 : index
    %get3A_63 = vector.load %arg3[%get3A_61, %get3A_62] : memref<1000x1xf32, #tpu.memory_space<vmem>>, vector<1000x1xf32>
    %mul3A_64 = vector.broadcast %get3A_63 : vector<1000x1xf32> to vector<1000x128xf32>
    %mul3A_65 = arith.mulf %dot_general3A_60, %mul3A_64 : vector<1000x128xf32>
    %swap3A_66 = arith.constant 0 : index
    %swap3A_67 = arith.constant 0 : index
    %swap3A_68 = vector.load %arg10[%swap3A_66, %swap3A_67] : memref<1000x128xf32, #tpu.memory_space<vmem>>, vector<1000x128xf32>
    tpu.vector_store %arg10[%swap3A_66, %swap3A_67], %mul3A_65 {strides = array<i32>} : memref<1000x128xf32, #tpu.memory_space<vmem>>, vector<1000x128xf32>,
    return
  }
  func.func @transform_0(%arg0: i32) -> (i32, i32, i32) {
    %c0_i32 = arith.constant 0 : i32
    %c0_i32_0 = arith.constant 0 : i32
    %c0_i32_1 = arith.constant 0 : i32
    return %c0_i32, %arg0, %c0_i32_0 : i32, i32, i32
  }
  func.func @transform_1(%arg0: i32) -> (i32, i32) {
    %c0_i32 = arith.constant 0 : i32
    %c0_i32_0 = arith.constant 0 : i32
    return %arg0, %c0_i32 : i32, i32
  }
  func.func @transform_2(%arg0: i32) -> (i32, i32) {
    %c0_i32 = arith.constant 0 : i32
    %c0_i32_0 = arith.constant 0 : i32
    return %arg0, %c0_i32 : i32, i32
  }
  func.func @transform_3(%arg0: i32) -> (i32, i32) {
    %c0_i32 = arith.constant 0 : i32
    %c0_i32_0 = arith.constant 0 : i32
    %c0_i32_1 = arith.constant 0 : i32
    return %c0_i32, %c0_i32_0 : i32, i32
  }
  func.func @transform_4(%arg0: i32) -> (i32, i32) {
    %c0_i32 = arith.constant 0 : i32
    %c0_i32_0 = arith.constant 0 : i32
    %c0_i32_1 = arith.constant 0 : i32
    return %c0_i32, %c0_i32_0 : i32, i32
  }
  func.func @transform_5(%arg0: i32) -> (i32, i32) {
    %c0_i32 = arith.constant 0 : i32
    %c0_i32_0 = arith.constant 0 : i32
    %c0_i32_1 = arith.constant 0 : i32
    return %c0_i32, %c0_i32_0 : i32, i32
  }
  func.func @transform_6(%arg0: i32) -> (i32, i32) {
    %c0_i32 = arith.constant 0 : i32
    %c0_i32_0 = arith.constant 0 : i32
    return %arg0, %c0_i32 : i32, i32
  }
  func.func @transform_7(%arg0: i32) -> (i32, i32) {
    %c0_i32 = arith.constant 0 : i32
    %c0_i32_0 = arith.constant 0 : i32
    %c0_i32_1 = arith.constant 0 : i32
    return %c0_i32, %c0_i32_0 : i32, i32
  }
  func.func @transform_8(%arg0: i32) -> (i32, i32) {
    %c0_i32 = arith.constant 0 : i32
    %c0_i32_0 = arith.constant 0 : i32
    return %arg0, %c0_i32 : i32, i32
  }
  func.func @transform_9(%arg0: i32) -> (i32, i32) {
    %c0_i32 = arith.constant 0 : i32
    %c0_i32_0 = arith.constant 0 : i32
    return %arg0, %c0_i32 : i32, i32
  }
}

module attributes {stable_mosaic.version = 14 : i64} {
  func.func @_post_body(%arg0: i32, %arg1: memref<2x1000x128xf32, #tpu.memory_space<vmem>>, %arg2: memref<1000x128xf32, #tpu.memory_space<vmem>>, %arg3: memref<1000x1xf32, #tpu.memory_space<vmem>>, %arg4: memref<1x128xf32, #tpu.memory_space<vmem>>, %arg5: memref<1x128xf32, #tpu.memory_space<vmem>>, %arg6: memref<1x128xf32, #tpu.memory_space<vmem>>, %arg7: memref<1000x128xf32, #tpu.memory_space<vmem>>, %arg8: memref<1000x128xf32, #tpu.memory_space<vmem>>) attributes {dimension_semantics = [#tpu.dimension_semantics<arbitrary>], iteration_bounds = array<i64: 10>, scalar_prefetch = 0 : i64, scratch_operands = 0 : i64, tpu.core_type = #tpu.core_type<tc>, window_params = [{transform_indices = @transform_0, window_bounds = array<i64: 2, 1000, 128>}, {transform_indices = @transform_1, window_bounds = array<i64: 1000, 128>}, {transform_indices = @transform_2, window_bounds = array<i64: 1000, 1>}, {pipeline_mode = #tpu.pipeline_mode<synchronous>, transform_indices = @transform_3, window_bounds = array<i64: 1, 128>}, {pipeline_mode = #tpu.pipeline_mode<synchronous>, transform_indices = @transform_4, window_bounds = array<i64: 1, 128>}, {pipeline_mode = #tpu.pipeline_mode<synchronous>, transform_indices = @transform_5, window_bounds = array<i64: 1, 128>}, {transform_indices = @transform_6, window_bounds = array<i64: 1000, 128>}, {transform_indices = @transform_7, window_bounds = array<i64: 1000, 128>}]} {
    %get3A = arith.constant 0 : index
    %get3A_0 = arith.constant 0 : index
    %get3A_1 = arith.constant 0 : index
    %get3A_2 = vector.load %arg1[%get3A, %get3A_0, %get3A_1] : memref<2x1000x128xf32, #tpu.memory_space<vmem>>, vector<1x1000x128xf32>
    %get3A_3 = vector.shape_cast %get3A_2 : vector<1x1000x128xf32> to vector<1000x128xf32>
    %get3A_4 = arith.constant 1 : index
    %get3A_5 = arith.constant 0 : index
    %get3A_6 = arith.constant 0 : index
    %get3A_7 = vector.load %arg1[%get3A_4, %get3A_5, %get3A_6] : memref<2x1000x128xf32, #tpu.memory_space<vmem>>, vector<1x1000x128xf32>
    %get3A_8 = vector.shape_cast %get3A_7 : vector<1x1000x128xf32> to vector<1000x128xf32>
    %add3A = arith.addf %get3A_3, %get3A_8 : vector<1000x128xf32>
    %get3A_9 = arith.constant 0 : index
    %get3A_10 = arith.constant 0 : index
    %get3A_11 = vector.load %arg2[%get3A_9, %get3A_10] : memref<1000x128xf32, #tpu.memory_space<vmem>>, vector<1000x128xf32>
    %add3A_12 = arith.addf %add3A, %get3A_11 : vector<1000x128xf32>
    %get3A_13 = arith.constant 0 : index
    %get3A_14 = arith.constant 0 : index
    %get3A_15 = vector.load %arg3[%get3A_13, %get3A_14] : memref<1000x1xf32, #tpu.memory_space<vmem>>, vector<1000x1xf32>
    %mul3A = vector.broadcast %get3A_15 : vector<1000x1xf32> to vector<1000x128xf32>
    %mul3A_16 = arith.mulf %add3A_12, %mul3A : vector<1000x128xf32>
    %get3A_17 = arith.constant 0 : index
    %get3A_18 = arith.constant 0 : index
    %get3A_19 = vector.load %arg4[%get3A_17, %get3A_18] : memref<1x128xf32, #tpu.memory_space<vmem>>, vector<1x128xf32>
    %add3A_20 = vector.broadcast %get3A_19 : vector<1x128xf32> to vector<1000x128xf32>
    %add3A_21 = arith.addf %mul3A_16, %add3A_20 : vector<1000x128xf32>
    %reduce_sum3A = arith.constant dense<0.000000e+00> : vector<1000xf32>
    %reduce_sum3A_22 = vector.multi_reduction <add>, %add3A_21, %reduce_sum3A [1] : vector<1000x128xf32> to vector<1000xf32>
    %broadcast_in_dim3A = vector.shape_cast %reduce_sum3A_22 : vector<1000xf32> to vector<1000x1xf32>
    %div3A = arith.constant 1.280000e+02 : f32
    %div3A_23 = vector.broadcast %div3A : f32 to vector<1000x1xf32>
    %div3A_24 = arith.divf %broadcast_in_dim3A, %div3A_23 : vector<1000x1xf32>
    %sub3A = vector.broadcast %div3A_24 : vector<1000x1xf32> to vector<1000x128xf32>
    %sub3A_25 = arith.subf %add3A_21, %sub3A : vector<1000x128xf32>
    %integer_pow3A = arith.mulf %sub3A_25, %sub3A_25 : vector<1000x128xf32>
    %reduce_sum3A_26 = arith.constant dense<0.000000e+00> : vector<1000xf32>
    %reduce_sum3A_27 = vector.multi_reduction <add>, %integer_pow3A, %reduce_sum3A_26 [1] : vector<1000x128xf32> to vector<1000xf32>
    %broadcast_in_dim3A_28 = vector.shape_cast %reduce_sum3A_27 : vector<1000xf32> to vector<1000x1xf32>
    %div3A_29 = arith.constant 1.280000e+02 : f32
    %div3A_30 = vector.broadcast %div3A_29 : f32 to vector<1000x1xf32>
    %div3A_31 = arith.divf %broadcast_in_dim3A_28, %div3A_30 : vector<1000x1xf32>
    %sub3A_32 = vector.broadcast %div3A_24 : vector<1000x1xf32> to vector<1000x128xf32>
    %sub3A_33 = arith.subf %add3A_21, %sub3A_32 : vector<1000x128xf32>
    %add3A_34 = arith.constant 9.99999974E-6 : f32
    %add3A_35 = vector.broadcast %add3A_34 : f32 to vector<1000x1xf32>
    %add3A_36 = arith.addf %div3A_31, %add3A_35 : vector<1000x1xf32>
    %rsqrt3A = math.rsqrt %add3A_36 : vector<1000x1xf32>
    %mul3A_37 = vector.broadcast %rsqrt3A : vector<1000x1xf32> to vector<1000x128xf32>
    %mul3A_38 = arith.mulf %sub3A_33, %mul3A_37 : vector<1000x128xf32>
    %get3A_39 = arith.constant 0 : index
    %get3A_40 = arith.constant 0 : index
    %get3A_41 = vector.load %arg5[%get3A_39, %get3A_40] : memref<1x128xf32, #tpu.memory_space<vmem>>, vector<1x128xf32>
    %mul3A_42 = vector.broadcast %get3A_41 : vector<1x128xf32> to vector<1000x128xf32>
    %mul3A_43 = arith.mulf %mul3A_38, %mul3A_42 : vector<1000x128xf32>
    %get3A_44 = arith.constant 0 : index
    %get3A_45 = arith.constant 0 : index
    %get3A_46 = vector.load %arg6[%get3A_44, %get3A_45] : memref<1x128xf32, #tpu.memory_space<vmem>>, vector<1x128xf32>
    %add3A_47 = vector.broadcast %get3A_46 : vector<1x128xf32> to vector<1000x128xf32>
    %add3A_48 = arith.addf %mul3A_43, %add3A_47 : vector<1000x128xf32>
    %max3A = arith.constant 0.000000e+00 : f32
    %max3A_49 = vector.broadcast %max3A : f32 to vector<1000x128xf32>
    %max3A_50 = arith.maximumf %add3A_48, %max3A_49 : vector<1000x128xf32>
    %get3A_51 = arith.constant 0 : index
    %get3A_52 = arith.constant 0 : index
    %get3A_53 = vector.load %arg7[%get3A_51, %get3A_52] : memref<1000x128xf32, #tpu.memory_space<vmem>>, vector<1000x128xf32>
    %add3A_54 = arith.addf %max3A_50, %get3A_53 : vector<1000x128xf32>
    %swap3A = arith.constant 0 : index
    %swap3A_55 = arith.constant 0 : index
    %swap3A_56 = vector.load %arg8[%swap3A, %swap3A_55] : memref<1000x128xf32, #tpu.memory_space<vmem>>, vector<1000x128xf32>
    tpu.vector_store %arg8[%swap3A, %swap3A_55], %add3A_54 {strides = array<i32>} : memref<1000x128xf32, #tpu.memory_space<vmem>>, vector<1000x128xf32>,
    return
  }
  func.func @transform_0(%arg0: i32) -> (i32, i32, i32) {
    %c0_i32 = arith.constant 0 : i32
    %c0_i32_0 = arith.constant 0 : i32
    %c0_i32_1 = arith.constant 0 : i32
    return %c0_i32, %arg0, %c0_i32_0 : i32, i32, i32
  }
  func.func @transform_1(%arg0: i32) -> (i32, i32) {
    %c0_i32 = arith.constant 0 : i32
    %c0_i32_0 = arith.constant 0 : i32
    return %arg0, %c0_i32 : i32, i32
  }
  func.func @transform_2(%arg0: i32) -> (i32, i32) {
    %c0_i32 = arith.constant 0 : i32
    %c0_i32_0 = arith.constant 0 : i32
    return %arg0, %c0_i32 : i32, i32
  }
  func.func @transform_3(%arg0: i32) -> (i32, i32) {
    %c0_i32 = arith.constant 0 : i32
    %c0_i32_0 = arith.constant 0 : i32
    %c0_i32_1 = arith.constant 0 : i32
    return %c0_i32, %c0_i32_0 : i32, i32
  }
  func.func @transform_4(%arg0: i32) -> (i32, i32) {
    %c0_i32 = arith.constant 0 : i32
    %c0_i32_0 = arith.constant 0 : i32
    %c0_i32_1 = arith.constant 0 : i32
    return %c0_i32, %c0_i32_0 : i32, i32
  }
  func.func @transform_5(%arg0: i32) -> (i32, i32) {
    %c0_i32 = arith.constant 0 : i32
    %c0_i32_0 = arith.constant 0 : i32
    %c0_i32_1 = arith.constant 0 : i32
    return %c0_i32, %c0_i32_0 : i32, i32
  }
  func.func @transform_6(%arg0: i32) -> (i32, i32) {
    %c0_i32 = arith.constant 0 : i32
    %c0_i32_0 = arith.constant 0 : i32
    return %arg0, %c0_i32 : i32, i32
  }
  func.func @transform_7(%arg0: i32) -> (i32, i32) {
    %c0_i32 = arith.constant 0 : i32
    %c0_i32_0 = arith.constant 0 : i32
    return %arg0, %c0_i32 : i32, i32
  }
}

module attributes {stable_mosaic.version = 14 : i64} {
  func.func @_mlp_body(%arg0: i32, %arg1: memref<2x128x128xf32, #tpu.memory_space<vmem>>, %arg2: memref<2x128x128xf32, #tpu.memory_space<vmem>>, %arg3: memref<128x64xf32, #tpu.memory_space<vmem>>, %arg4: memref<1x64xf32, #tpu.memory_space<vmem>>, %arg5: memref<64x1xf32, #tpu.memory_space<vmem>>, %arg6: memref<1x1xf32, #tpu.memory_space<vmem>>, %arg7: memref<128x1xf32, #tpu.memory_space<vmem>>) attributes {dimension_semantics = [#tpu.dimension_semantics<arbitrary>], iteration_bounds = array<i64: 1>, scalar_prefetch = 0 : i64, scratch_operands = 0 : i64, tpu.core_type = #tpu.core_type<tc>, window_params = [{pipeline_mode = #tpu.pipeline_mode<synchronous>, transform_indices = @transform_0, window_bounds = array<i64: 2, 128, 128>}, {pipeline_mode = #tpu.pipeline_mode<synchronous>, transform_indices = @transform_1, window_bounds = array<i64: 2, 128, 128>}, {pipeline_mode = #tpu.pipeline_mode<synchronous>, transform_indices = @transform_2, window_bounds = array<i64: 128, 64>}, {pipeline_mode = #tpu.pipeline_mode<synchronous>, transform_indices = @transform_3, window_bounds = array<i64: 1, 64>}, {pipeline_mode = #tpu.pipeline_mode<synchronous>, transform_indices = @transform_4, window_bounds = array<i64: 64, 1>}, {pipeline_mode = #tpu.pipeline_mode<synchronous>, transform_indices = @transform_5, window_bounds = array<i64: 1, 1>}, {pipeline_mode = #tpu.pipeline_mode<synchronous>, transform_indices = @transform_6, window_bounds = array<i64: 128, 1>}]} {
    %get3A = arith.constant 0 : index
    %get3A_0 = arith.constant 0 : index
    %get3A_1 = arith.constant 0 : index
    %get3A_2 = vector.load %arg1[%get3A, %get3A_0, %get3A_1] : memref<2x128x128xf32, #tpu.memory_space<vmem>>, vector<1x128x128xf32>
    %get3A_3 = vector.shape_cast %get3A_2 : vector<1x128x128xf32> to vector<128x128xf32>
    %get3A_4 = arith.constant 1 : index
    %get3A_5 = arith.constant 0 : index
    %get3A_6 = arith.constant 0 : index
    %get3A_7 = vector.load %arg1[%get3A_4, %get3A_5, %get3A_6] : memref<2x128x128xf32, #tpu.memory_space<vmem>>, vector<1x128x128xf32>
    %get3A_8 = vector.shape_cast %get3A_7 : vector<1x128x128xf32> to vector<128x128xf32>
    %add3A = arith.addf %get3A_3, %get3A_8 : vector<128x128xf32>
    %get3A_9 = arith.constant 0 : index
    %get3A_10 = arith.constant 0 : index
    %get3A_11 = arith.constant 0 : index
    %get3A_12 = vector.load %arg2[%get3A_9, %get3A_10, %get3A_11] : memref<2x128x128xf32, #tpu.memory_space<vmem>>, vector<1x128x1xf32>
    %get3A_13 = vector.shape_cast %get3A_12 : vector<1x128x1xf32> to vector<128x1xf32>
    %get3A_14 = arith.constant 1 : index
    %get3A_15 = arith.constant 0 : index
    %get3A_16 = arith.constant 0 : index
    %get3A_17 = vector.load %arg2[%get3A_14, %get3A_15, %get3A_16] : memref<2x128x128xf32, #tpu.memory_space<vmem>>, vector<1x128x1xf32>
    %get3A_18 = vector.shape_cast %get3A_17 : vector<1x128x1xf32> to vector<128x1xf32>
    %add3A_19 = arith.addf %get3A_13, %get3A_18 : vector<128x1xf32>
    %max3A = arith.constant 1.000000e+00 : f32
    %max3A_20 = vector.broadcast %max3A : f32 to vector<128x1xf32>
    %max3A_21 = arith.maximumf %add3A_19, %max3A_20 : vector<128x1xf32>
    %div3A = vector.broadcast %max3A_21 : vector<128x1xf32> to vector<128x128xf32>
    %div3A_22 = arith.divf %add3A, %div3A : vector<128x128xf32>
    %get3A_23 = arith.constant 0 : index
    %get3A_24 = arith.constant 0 : index
    %get3A_25 = vector.load %arg3[%get3A_23, %get3A_24] : memref<128x64xf32, #tpu.memory_space<vmem>>, vector<128x64xf32>
    %dot_general3A = arith.constant dense<0.000000e+00> : vector<128x64xf32>
    %dot_general3A_26 = tpu.matmul %div3A_22, %get3A_25, %dot_general3A {dimension_numbers = #tpu.dot_dimension_numbers<[1], [0], [0], [1], [0, 0, 1, 1], [], []>, transpose_lhs_hint = false} : vector<128x128xf32>, vector<128x64xf32>, vector<128x64xf32> -> vector<128x64xf32>
    %get3A_27 = arith.constant 0 : index
    %get3A_28 = arith.constant 0 : index
    %get3A_29 = vector.load %arg4[%get3A_27, %get3A_28] : memref<1x64xf32, #tpu.memory_space<vmem>>, vector<1x64xf32>
    %add3A_30 = vector.broadcast %get3A_29 : vector<1x64xf32> to vector<128x64xf32>
    %add3A_31 = arith.addf %dot_general3A_26, %add3A_30 : vector<128x64xf32>
    %max3A_32 = arith.constant 0.000000e+00 : f32
    %max3A_33 = vector.broadcast %max3A_32 : f32 to vector<128x64xf32>
    %max3A_34 = arith.maximumf %add3A_31, %max3A_33 : vector<128x64xf32>
    %get3A_35 = arith.constant 0 : index
    %get3A_36 = arith.constant 0 : index
    %get3A_37 = vector.load %arg5[%get3A_35, %get3A_36] : memref<64x1xf32, #tpu.memory_space<vmem>>, vector<64x1xf32>
    %dot_general3A_38 = arith.constant dense<0.000000e+00> : vector<128x1xf32>
    %dot_general3A_39 = tpu.matmul %max3A_34, %get3A_37, %dot_general3A_38 {dimension_numbers = #tpu.dot_dimension_numbers<[1], [0], [0], [1], [0, 0, 1, 1], [], []>, transpose_lhs_hint = false} : vector<128x64xf32>, vector<64x1xf32>, vector<128x1xf32> -> vector<128x1xf32>
    %get3A_40 = arith.constant 0 : index
    %get3A_41 = arith.constant 0 : index
    %get3A_42 = vector.load %arg6[%get3A_40, %get3A_41] : memref<1x1xf32, #tpu.memory_space<vmem>>, vector<1x1xf32>
    %add3A_43 = vector.broadcast %get3A_42 : vector<1x1xf32> to vector<128x1xf32>
    %add3A_44 = arith.addf %dot_general3A_39, %add3A_43 : vector<128x1xf32>
    %swap3A = arith.constant 0 : index
    %swap3A_45 = arith.constant 0 : index
    %swap3A_46 = vector.load %arg7[%swap3A, %swap3A_45] : memref<128x1xf32, #tpu.memory_space<vmem>>, vector<128x1xf32>
    tpu.vector_store %arg7[%swap3A, %swap3A_45], %add3A_44 {strides = array<i32>} : memref<128x1xf32, #tpu.memory_space<vmem>>, vector<128x1xf32>,
    return
  }
  func.func @transform_0(%arg0: i32) -> (i32, i32, i32) {
    %c0_i32 = arith.constant 0 : i32
    %c0_i32_0 = arith.constant 0 : i32
    %c0_i32_1 = arith.constant 0 : i32
    %c0_i32_2 = arith.constant 0 : i32
    return %c0_i32, %c0_i32_0, %c0_i32_1 : i32, i32, i32
  }
  func.func @transform_1(%arg0: i32) -> (i32, i32, i32) {
    %c0_i32 = arith.constant 0 : i32
    %c0_i32_0 = arith.constant 0 : i32
    %c0_i32_1 = arith.constant 0 : i32
    %c0_i32_2 = arith.constant 0 : i32
    return %c0_i32, %c0_i32_0, %c0_i32_1 : i32, i32, i32
  }
  func.func @transform_2(%arg0: i32) -> (i32, i32) {
    %c0_i32 = arith.constant 0 : i32
    %c0_i32_0 = arith.constant 0 : i32
    %c0_i32_1 = arith.constant 0 : i32
    return %c0_i32, %c0_i32_0 : i32, i32
  }
  func.func @transform_3(%arg0: i32) -> (i32, i32) {
    %c0_i32 = arith.constant 0 : i32
    %c0_i32_0 = arith.constant 0 : i32
    %c0_i32_1 = arith.constant 0 : i32
    return %c0_i32, %c0_i32_0 : i32, i32
  }
  func.func @transform_4(%arg0: i32) -> (i32, i32) {
    %c0_i32 = arith.constant 0 : i32
    %c0_i32_0 = arith.constant 0 : i32
    %c0_i32_1 = arith.constant 0 : i32
    return %c0_i32, %c0_i32_0 : i32, i32
  }
  func.func @transform_5(%arg0: i32) -> (i32, i32) {
    %c0_i32 = arith.constant 0 : i32
    %c0_i32_0 = arith.constant 0 : i32
    %c0_i32_1 = arith.constant 0 : i32
    return %c0_i32, %c0_i32_0 : i32, i32
  }
  func.func @transform_6(%arg0: i32) -> (i32, i32) {
    %c0_i32 = arith.constant 0 : i32
    %c0_i32_0 = arith.constant 0 : i32
    %c0_i32_1 = arith.constant 0 : i32
    return %c0_i32, %c0_i32_0 : i32, i32
  }
}

</mosaic_0001>

<sc_bundles>
// kernel: kernel.13.cloned.1.call-start
scs
__scs_entry_jumppad:
0x0: {  	(pc) =	sbr.rel $0x88, $3  }
0x1: {  	(tag) =	ssettag $0x0;
	lr =	simm.s32 $0x1  }
0x2: {  	[smem:$0x3F94] =	sst lr;
	_ =	strace $0xD0000000  }
0x3: {  	_ = 	snop  }
0x4: {  	_ = 	snop  }
0x5: {  	_ = 	snop  }
0x6: {  	_ = 	snop  }
0x7: {  	_ = 	snop  }
__scs_overlays_trampoline_lowered:
0x8: {  	[smem:$0x3FA3] =	sst s0  }
0x9: {  	[smem:$0x3FA4] =	sst s1  }
0xa: {  	[smem:$0x3FA5] =	sst s2  }
0xb: {  	[smem:$0x3FA6] =	sst s3  }
0xc: {  	[smem:$0x3FA7] =	sst s4  }
0xd: {  	[smem:$0x3FA8] =	sst s5  }
0xe: {  	[smem:$0x3FA9] =	sst s6  }
0xf: {  	[smem:$0x3FAA] =	sst s7  }
0x10: {  	[smem:$0x3FAB] =	sst s8  }
0x11: {  	[smem:$0x3FAC] =	sst s9;
	s0 =	simm.s32 @!p0 $0x0  }
0x12: {  	s1 =	sld [smem:$0x3F92];
	s0 =	simm.s32 @p0 $0x1  }
0x13: {  	[smem:$0x3FAD] =	sst s0;
	s0 =	simm.s32 @!p1 $0x0  }
0x14: {  	s2 =	sld [smem:$0x3F91];
	s0 =	simm.s32 @p1 $0x1  }
0x15: {  	[smem:$0x3FAE] =	sst s0;
	s0 =	simm.s32 @!p2 $0x0  }
0x16: {  	s3 =	sld [smem:$0x3FDB];
	s0 =	simm.s32 @p2 $0x1  }
0x17: {  	s4 =	simm.s32 $0x1BF5;
	[smem:$0x3FB0] =	sst s0  }
0x18: {  	s0 =	sld [smem:$0x3F93];
	_ =	swait.ge [sflag:s4], $0x0  }
0x19: {  	s7 =	sld [smem:$0x3F94]  }
0x1a: {  	s8 =	sadd.s32 $0xFFFFE003, lr  }
0x1b: {  	s9 =	sadd.s32 $0xFFFFFEF7, lr;
	s5 =	simm.s32 $0xFFFFFFFF;
	p2 =	slt.u32 s8, $0xFFFFF086  }
0x1c: {  	p1 =	slt.u32 s9, $0xF7A;
	s5 =	simm.s32 @!p2 $0x0  }
0x1d: {  	s5 =	simm.s32 @p1 $0x1;
	p0 =	seq.s32 s7, s2  }
0x1e: {  	s7 =	smul.u32 @!p0 $0xF7A, s2;
	p2 =	seq.s32 @!p0 s5, $0x0  }
0x1f: {  	s9 =	smul.u32 $0xF7A, s1;
	s8 =	simm.s32 @!p0 $0x1BF5;
	p2 =	por !p2, p0  }
0x20: {  	[sflag:s8] =	ssyncset.s32 @!p0 $0xFFFFF086;
	s6 =	sadd.s32 @!p0 s3, s7;
	s7 =	simm.s32 @!p0 $0x108  }
0x21: {  	s3 =	sadd.s32 s3, s9;
	s6 =	sadd.s32 @!p0 $0x88, s6;
	s7 =	simm.s32 @p2 $0x1082  }
0x22: {  	[simem:s7], [sflag:s8] =	dma.local @!p0 [hbm:s6], $0xF7A  }
0x23: {  	s9 =	sor.u32 $0xD0000000, s2;
	s6 =	simm.s32 $0x108;
	_ =	swait.ge @!p0 [sflag:s8], $0x0  }
0x24: {  	s3 =	sadd.s32 $0x88, s3;
	s6 =	simm.s32 @!p1 $0x1082;
	[sflag:s4] =	ssyncset.s32 $0xFFFFF086  }
0x25: {  	[simem:s6], [sflag:s4] =	dma.local [hbm:s3], $0xF7A  }
0x26: {  	[smem:$0x3F94] =	sst s1;
	(tag) =	ssettag s2;
	_ =	strace s9  }
0x27: {  	s1 =	sld [smem:$0x3FA4]  }
0x28: {  	s2 =	sld [smem:$0x3FA5]  }
0x29: {  	s4 =	sld [smem:$0x3FA7]  }
0x2a: {  	p0 =	seq.s32 s5, $0x0;
	s5 =	sld [smem:$0x3FA8]  }
0x2b: {  	s6 =	sld [smem:$0x3FA9]  }
0x2c: {  	s7 =	sld [smem:$0x3FAA]  }
0x2d: {  	s3 =	simm.s32 $0x108;
	s8 =	sld [smem:$0x3FAB]  }
0x2e: {  	s3 =	simm.s32 @!p0 $0x1082;
	s9 =	sld [smem:$0x3FAC]  }
0x2f: {  	lr =	sadd.s32 s0, s3;
	s0 =	sld [smem:$0x3FA3]  }
0x30: {  	s3 =	sld [smem:$0x3FA6]  }
0x31: {  	[smem:$0x3FAF] =	sst s10  }
0x32: {  	s10 =	sld [smem:$0x3FAD];
	_ =	sdelay $0x3  }
0x33: {  	p0 =	seq.s32 s10, $0x1;
	s10 =	sld [smem:$0x3FAF];
	_ =	sdelay $0x3  }
0x34: {  	[smem:$0x3FAF] =	sst s10  }
0x35: {  	s10 =	sld [smem:$0x3FAE];
	_ =	sdelay $0x3  }
0x36: {  	p1 =	seq.s32 s10, $0x1;
	s10 =	sld [smem:$0x3FAF];
	_ =	sdelay $0x3  }
0x37: {  	[smem:$0x3FAF] =	sst s10  }
0x38: {  	s10 =	sld [smem:$0x3FB0]  }
0x39: {  	_ = 	snop;
	(pc) =	sbr.ind lr, $3  }
0x3a: {  	_ = 	snop  }
0x3b: {  	_ = 	snop  }
0x3c: {  	p2 =	seq.s32 s10, $0x1;
	s10 =	sld [smem:$0x3FAF]  }
0x3d: {  	_ =	shalt  }
0x3e: {  	_ =	shalt  }
0x3f: {  	_ =	shalt  }
0x40: {  	_ =	shalt  }
0x41: {  	_ =	shalt  }
0x42: {  	_ =	shalt  }
0x43: {  	_ =	shalt  }
0x44: {  	_ =	shalt  }
0x45: {  	_ =	shalt  }
0x46: {  	_ =	shalt  }
0x47: {  	_ =	shalt  }
0x48: {  	_ =	shalt  }
0x49: {  	_ =	shalt  }
0x4a: {  	_ =	shalt  }
0x4b: {  	_ =	shalt  }
0x4c: {  	_ =	shalt  }
0x4d: {  	_ =	shalt  }
0x4e: {  	_ =	shalt  }
0x4f: {  	_ =	shalt  }
0x50: {  	_ =	shalt  }
0x51: {  	_ =	shalt  }
0x52: {  	_ =	shalt  }
0x53: {  	_ =	shalt  }
0x54: {  	_ =	shalt  }
0x55: {  	_ =	shalt  }
0x56: {  	_ =	shalt  }
0x57: {  	_ =	shalt  }
0x58: {  	_ =	shalt  }
0x59: {  	_ =	shalt  }
0x5a: {  	_ =	shalt  }
0x5b: {  	_ =	shalt  }
0x5c: {  	_ =	shalt  }
0x5d: {  	_ =	shalt  }
0x5e: {  	_ =	shalt  }
0x5f: {  	_ =	shalt  }
0x60: {  	_ =	shalt  }
0x61: {  	_ =	shalt  }
0x62: {  	_ =	shalt  }
0x63: {  	_ =	shalt  }
0x64: {  	_ =	shalt  }
0x65: {  	_ =	shalt  }
0x66: {  	_ =	shalt  }
0x67: {  	_ =	shalt  }
0x68: {  	_ =	shalt  }
0x69: {  	_ =	shalt  }
0x6a: {  	_ =	shalt  }
0x6b: {  	_ =	shalt  }
0x6c: {  	_ =	shalt  }
0x6d: {  	_ =	shalt  }
0x6e: {  	_ =	shalt  }
0x6f: {  	_ =	shalt  }
0x70: {  	_ =	shalt  }
0x71: {  	_ =	shalt  }
0x72: {  	_ =	shalt  }
0x73: {  	_ =	shalt  }
0x74: {  	_ =	shalt  }
0x75: {  	_ =	shalt  }
0x76: {  	_ =	shalt  }
0x77: {  	_ =	shalt  }
0x78: {  	_ =	shalt  }
0x79: {  	_ =	shalt  }
0x7a: {  	_ =	shalt  }
0x7b: {  	_ =	shalt  }
0x7c: {  	_ =	shalt  }
0x7d: {  	_ =	shalt  }
0x7e: {  	_ =	shalt  }
0x7f: {  	_ =	shalt  }
0x80: {  	_ =	shalt  }
0x81: {  	_ =	shalt  }
0x82: {  	_ =	shalt  }
0x83: {  	_ =	shalt  }
0x84: {  	_ =	shalt  }
0x85: {  	_ =	shalt  }
0x86: {  	_ =	shalt  }
0x87: {  	_ =	shalt  }
.Lfunc_end0:
.L_simem_size_0:
called_computation_lowered:
.L_overlay_start_0:
0x88: {  	s2 =	sld [smem:$0x3FD9]  }
0x89: {  	s3 =	sld [smem:$0x3FFE];
	_ =	sdelay $0x1  }
0x8a: {  	s1 =	srdreg.scid  }
0x8b: {  	s0 =	sand.u32 $0x1, s1  }
0x8c: {  	s16 =	sshll.u32 s0, $0xA;
	s2 =	sadd.s32 s3, s2  }
0x8d: {  	s2 =	sadd.s32 s2, s16  }
0x8e: {  	[smem:$0x3FBB] =	sst s2  }
0x8f: {  	_ = 	snop  }
0x90: {  	(tm) =	ssettm $0x1  }
0x91: {  	s17 =	sld [smem:$0x3FFB];
	_ =	sdelay $0x3  }
0x92: {  	_ =	strace s17  }
0x93: {  	s2 =	sld [smem:$0x3FFC];
	_ =	sdelay $0x3  }
0x94: {  	_ =	strace s2  }
0x95: {  	s2 =	sld [smem:$0x3FFD];
	_ =	sdelay $0x3  }
0x96: {  	_ =	strace s2  }
0x97: {  	_ =	strace $0x8FFFFFFF  }
0x98: {  	s18 =	sld [smem:$0x3FDB];
	_ =	sdelay $0x1  }
0x99: {  	s19 =	simm.s32 $_scs_section_size  }
0x9a: {  	s4 =	simm.s32 $_size__tile_overlayer_lowered;
	s5 =	simm.s32 $_tile_overlayer_lowered  }
0x9b: {  	s22 =	simm.s32 $0x1BFF;
	s21 =	sshll.u32 s5, $0x1;
	s2 =	sadd.s32 s19, s18  }
0x9c: {  	s6 =	simm.s32 $0x0;
	s20 =	sshll.u32 s4, $0x1;
	s4 =	sadd.s32 s21, s2  }
0x9d: {  	[timem:s6], [sflag:s22] =	dma.local [hbm:s4], s20  }
0x9e: {  	_ =	swait.ge [sflag:s22], s20  }
0x9f: {  	s3 =	ssub.s32 $0x0, s20;
	[sflag:s22] =	ssyncset.done $0x0  }
0xa0: {  	[sflag:s22] =	ssyncadd.s32 s3;
	_ =	sdelay $0x1  }
0xa1: {  	s23 =	simm.s32 $0x1B8B  }
0xa2: {  	_ =	swait.ge [sflag:s23], $0x1  }
0xa3: {  	[sflag:s23] =	ssyncset.done $0x0  }
0xa4: {  	s25 =	simm.s32 $0x1B8E;
	s24 =	sld [smem:$0x3FFE];
	[sflag:s23] =	ssyncadd.s32 $0xFFFFFFFF  }
0xa5: {  	s26 =	simm.s32 $execute0_lowered;
	[smem:$0x3FD2] =	sst s25  }
0xa6: {  	s4 =	sshll.u32 s26, $0x1;
	_ =	strace $0x80000046;
	[dreg:$0x1] =	wrdreg $0xFFFFFFFF  }
0xa7: {  	s28 =	simm.s32 $_size_execute0_lowered;
	s2 =	sadd.s32 s2, s4;
	[dreg:$0x0] =	wrdreg $0x0  }
0xa8: {  	s4 =	sshll.u32 s28, $0x1;
	[dreg:$0x2] =	wrdreg s2  }
0xa9: {  	[dreg:$0x3] =	wrdreg s4  }
0xaa: {  	[dreg:$0x4] =	wrdreg $0xC0  }
0xab: {  	_ =	task [dreg:s6], $0x5FFFF  }
0xac: {  	[dreg:$0x1] =	wrdreg $0xFFFFFFFF  }
0xad: {  	[dreg:$0x0] =	wrdreg $0x60  }
0xae: {  	[dreg:$0x2] =	wrdreg s24  }
0xaf: {  	[dreg:$0x3] =	wrdreg $0x54000  }
0xb0: {  	[dreg:$0x4] =	wrdreg $0x9  }
0xb1: {  	_ =	task.clear_ibuf [dreg:s6], $0x5FFFF;
	_ =	strace $0x90000046  }
0xb2: {  	s29 =	simm.s32 $0x9;
	_ =	strace $0x80000048  }
0xb3: {  	_ =	swait.ge [sflag:s29], $0x1  }
0xb4: {  	[sflag:s29] =	ssyncadd.s32 $0xFFFFFFFF  }
0xb5: {  	_ =	strace $0x90000048  }
0xb6: {  	_ =	sfence  }
0xb7: {  	s30 =	sld [smem:$0x0];
	_ =	sdelay $0x2  }
0xb8: {  	s31 =	sshll.u32 s1, $0xD;
	s1 =	sshrl.u32 s1, $0x2  }
0xb9: {  	s3 =	sand.u32 $0x4000, s31;
	s1 =	sadd.s32 s1, s30  }
0xba: {  	s0 =	sor.u32 s3, s0;
	s1 =	sshll.u32 s1, $0x11  }
0xbb: {  	s0 =	sor.u32 s1, s0  }
0xbc: {  	s0 =	sadd.s32 $0x8F2B, s0  }
0xbd: {  	[sflag:s0] =	ssyncadd.remote.s32 $0x1  }
0xbe: {  	_ =	sfence.sel $0xFFFF  }
0xbf: {  	[dreg:$0x0] =	wrdreg $0xFFFFFFFF;
	(pc) =	sbr.abs _section_cstart, $3  }
0xc0: {  	[dreg:$0x1] =	wrdreg $0xFFFFFFFF  }
0xc1: {  	_ =	task.clear_ibuf [dreg:s6], $0x2FFFF;
	_ =	strace $0x9FFFFFFF  }
0xc2: {  	(tm) =	ssettm $0x7FFFFFFF  }
0xc3: {  	_ =	shalt  }
tec
execute0_lowered:
.L_overlay_start_1:
0x0: {  	(tag) =	ssettag $0x1  }
0x1: {  	s4 =	rddreg [dreg:$0x0];
	s1 =	srdreg.scid  }
0x2: {  	s0 =	stileid.u32;
	s2 =	rddreg [dreg:$0x1]  }
0x3: {  	s3 =	simm.s32 $0x0;
	s23 =	simm.s32 $0x2;
	s24 =	simm.s32 $0x0  }
0x4: {  	s5 =	sand.u32 $0x1, s1;
	s6 =	sshll.u32 s0, $0x1;
	s1 =	rddreg [dreg:$0x2]  }
0x5: {  	[smem:$0x7FF] =	sst s3;
	s18 =	sadd.s32 $0x19800, s4;
	s13 =	sshll.u32 s0, $0xE  }
0x6: {  	s19 =	sor.u32 $0x40, s0;
	s6 =	sor.u32 s5, s6;
	_ =	strace $0x80000047  }
0x7: {  	s7 =	ssub.s32 $0x2, s5;
	s17 =	smul.u32 $0x138800, s5;
	s14 =	sor.u32 $0x40000, s13  }
0x8: {  	s9 =	sadd.s32 s13, s2;
	s15 =	sor.u32 $0x80000, s13;
	s16 =	sor.u32 $0xC0000, s13  }
0x9: {  	s20 =	sshll.u32 s19, $0xE;
	p0 =	sgt.u32 s19, $0x4D;
	s19 =	simm.s32 $0x1400  }
0xa: {  	s6 =	smul.u32 $0x2800, s6;
	s8 =	sshrl.u32 s7, $0x1;
	s10 =	sadd.s32 s14, s2  }
0xb: {  	s11 =	sadd.s32 s15, s2;
	s12 =	sadd.s32 s16, s2;
	p1 =	sne.s32 @!p0 s0, $0x0  }
0xc: {  	s8 =	ssub.s32 s7, s8;
	s25 =	sshrl.u32 s17, $0x3;
	s21 =	sadd.s32 s17, s13  }
0xd: {  	s13 =	sadd.s32 s20, s2;
	s22 =	sadd.s32 s17, s14;
	s28 =	sadd.s32 s17, s15  }
0xe: {  	s30 =	sadd.s32 s17, s16;
	s20 =	sadd.s32 s17, s20;
	p1 =	por p1, p0  }
0xf: {  	s6 =	sshrl.u32 s6, $0x3;
	s7 =	sadd.s32 s18, s25;
	s8 =	smax.u32 s8, $0x1  }
0x10: {  	s21 =	sshrl.u32 s21, $0x3;
	s26 =	sshrl.u32 s22, $0x3;
	s29 =	sshrl.u32 s28, $0x3  }
0x11: {  	s31 =	sshrl.u32 s30, $0x3;
	s20 =	sshrl.u32 s20, $0x3;
	s22 =	simm.s32 $0x1  }
0x12: {  	s6 =	sadd.s32 s6, s4;
	s4 =	sadd.s32 $0x138000, s2;
	s7 =	sadd.s32 $0x27000, s7  }
0x13: {  	s14 =	sadd.s32 s18, s21;
	s15 =	sadd.s32 s18, s26;
	s16 =	sadd.s32 s18, s29  }
0x14: {  	s17 =	sadd.s32 s18, s31;
	s18 =	sadd.s32 s18, s20;
	s20 =	simm.s32 $0x3  }
0x15: {  	v0 =	vimm.f32 $0.0e+00;
	v1 =	vimm.f32 $1.000000000e+00;
	s21 =	simm.s32 $0x80;
	s5 =	sadd.s32 $0xF800, s6;
	s6 =	sadd.s32 $0xFA80, s6  }
.LBB2_1:
0x16: {  	s25 =	simm.s32 $0x0;
	s26 =	simm.s32 $0x200  }
.LBB2_2:
0x17: {  	p2 =	sne.s32 s26, $0xFE00;
	[tilespmem:s25+$0x1470] =	vst v0  }
0x18: {  	[tilespmem:s25+$0x1400] =	vst v0  }
0x19: {  	[tilespmem:s25+$0x1410] =	vst v0  }
.Ltmp0:
0x1a: {  	[tilespmem:s25+$0x1420] =	vst v0;
	(pc) =	sbr.rel @p2 .LBB2_2-.Ltmp0, $4  }
0x1b: {  	[tilespmem:s25+$0x1430] =	vst v0  }
0x1c: {  	[tilespmem:s25+$0x1440] =	vst v0  }
0x1d: {  	[tilespmem:s25+$0x1450] =	vst v0  }
0x1e: {  	[tilespmem:s25+$0x1460] =	vst v0;
	s25 =	sshra.s32 s26, $0x2;
	s26 =	sadd.s32 $0x200, s26  }
0x1f: {  	[tilespmem:s25+$0x1470] =	vst v0  }
0x20: {  	[tilespmem:s25+$0x1400] =	vst v0  }
0x21: {  	[tilespmem:s25+$0x1410] =	vst v0  }
0x22: {  	[tilespmem:s25+$0x1420] =	vst v0  }
0x23: {  	[tilespmem:s25+$0x1430] =	vst v0  }
0x24: {  	[tilespmem:s25+$0x1440] =	vst v0  }
0x25: {  	[tilespmem:s25+$0x1450] =	vst v0  }
0x26: {  	[tilespmem:s25+$0x1460] =	vst v0  }
0x27: {  	[spmem:s9] =	stream.linear.scatter [tilespmem:s19], [sflag:$0x3], $0x4000, $0x38;
	[tilespmem:$0x18CC0] =	vst v63  }
0x28: {  	_ =	swait.ge [sflag:s20], $0x4000  }
0x29: {  	[sflag:s20] =	ssyncset.done $0x0  }
0x2a: {  	[sflag:s20] =	ssyncadd.s32 $0xFFFFC000  }
0x2b: {  	[spmem:s10] =	stream.linear.scatter [tilespmem:s19], [sflag:$0x3], $0x4000, $0x38;
	[tilespmem:$0x18CC0] =	vst v63  }
0x2c: {  	_ =	swait.ge [sflag:s20], $0x4000  }
0x2d: {  	[sflag:s20] =	ssyncset.done $0x0  }
0x2e: {  	[sflag:s20] =	ssyncadd.s32 $0xFFFFC000  }
0x2f: {  	[spmem:s11] =	stream.linear.scatter [tilespmem:s19], [sflag:$0x3], $0x4000, $0x38;
	[tilespmem:$0x18CC0] =	vst v63  }
0x30: {  	_ =	swait.ge [sflag:s20], $0x4000  }
0x31: {  	[sflag:s20] =	ssyncset.done $0x0  }
0x32: {  	[sflag:s20] =	ssyncadd.s32 $0xFFFFC000  }
0x33: {  	[spmem:s12] =	stream.linear.scatter [tilespmem:s19], [sflag:$0x3], $0x4000, $0x38;
	[tilespmem:$0x18CC0] =	vst v63  }
0x34: {  	_ =	swait.ge [sflag:s20], $0x4000  }
0x35: {  	[sflag:s20] =	ssyncset.done $0x0  }
0x36: {  	s25 =	simm.s32 @!p0 $0x1400;
	[sflag:s20] =	ssyncadd.s32 $0xFFFFC000  }
0x37: {  	[spmem:s13] =	stream.linear.scatter @!p0 [tilespmem:s25], [sflag:$0x3], $0x4000, $0x38;
	[tilespmem:$0x18CC0] =	vst v63  }
0x38: {  	s25 =	simm.s32 @!p0 $0x3  }
0x39: {  	_ =	swait.ge @!p0 [sflag:s25], $0x4000  }
0x3a: {  	[sflag:s25] =	ssyncset.done @!p0 $0x0  }
0x3b: {  	[sflag:s25] =	ssyncadd.s32 @!p0 $0xFFFFC000;
	s25 =	simm.s32 @!p1 $0x1400  }
0x3c: {  	[spmem:s4] =	stream.linear.scatter @!p1 [tilespmem:s25], [sflag:$0x3], $0xC00, $0x38;
	[tilespmem:$0x18CC0] =	vst v63  }
0x3d: {  	s25 =	simm.s32 @!p1 $0x3  }
0x3e: {  	_ =	swait.ge @!p1 [sflag:s25], $0xC00  }
0x3f: {  	[sflag:s25] =	ssyncset.done @!p1 $0x0  }
0x40: {  	[sflag:s25] =	ssyncadd.s32 @!p1 $0xFFFFF400  }
0x41: {  	s26 =	simm.s32 $0x200;
	s25 =	simm.s32 $0x0;
	[bflag:$0x0] =	sbarrier.arrive $0xFFFF  }
.LBB2_4:
0x42: {  	p2 =	sne.s32 s26, $0xFE00;
	[tilespmem:s25+$0x1470] =	vst v1  }
0x43: {  	[tilespmem:s25+$0x1400] =	vst v1  }
0x44: {  	[tilespmem:s25+$0x1410] =	vst v1  }
.Ltmp1:
0x45: {  	[tilespmem:s25+$0x1420] =	vst v1;
	(pc) =	sbr.rel @p2 .LBB2_4-.Ltmp1, $4  }
0x46: {  	[tilespmem:s25+$0x1430] =	vst v1  }
0x47: {  	[tilespmem:s25+$0x1440] =	vst v1  }
0x48: {  	[tilespmem:s25+$0x1450] =	vst v1  }
0x49: {  	[tilespmem:s25+$0x1460] =	vst v1;
	s25 =	sshra.s32 s26, $0x2;
	s26 =	sadd.s32 $0x200, s26  }
0x4a: {  	[tilespmem:s25+$0x1470] =	vst v1  }
0x4b: {  	[tilespmem:s25+$0x1400] =	vst v1  }
0x4c: {  	[tilespmem:s25+$0x1410] =	vst v1  }
0x4d: {  	[tilespmem:s25+$0x1420] =	vst v1  }
0x4e: {  	[tilespmem:s25+$0x1430] =	vst v1  }
0x4f: {  	[tilespmem:s25+$0x1440] =	vst v1  }
0x50: {  	[tilespmem:s25+$0x1450] =	vst v1  }
0x51: {  	[tilespmem:s25+$0x1460] =	vst v1  }
0x52: {  	[tilespmem:s3], [sflag:$0x3] =	stream.linear.gather [hbm4b:s5+s3], $0x1400, $0x38;
	[tilespmem:$0x18CC0] =	vst v63  }
0x53: {  	_ =	swait.ge [sflag:s20], $0x1400  }
0x54: {  	[sflag:s20] =	ssyncset.done $0x0  }
0x55: {  	[sflag:s20] =	ssyncadd.s32 $0xFFFFEC00  }
0x56: {  	[spmem:s2] =	stream.indirect.scatter.add.f32 [tilespmem:s19], [sflag:$0x1], $0x80, s3, s21, $0xb8;
	[tilespmem:$0x18CC0] =	vst v63  }
0x57: {  	_ = 	snop  }
0x58: {  	[spmem:s2] =	stream.indirect.scatter.add.f32 [tilespmem:s19], [sflag:$0x2], $0x80, s21, s21, $0xb8;
	[tilespmem:$0x18CC0] =	vst v63  }
0x59: {  	_ =	swait.ge [sflag:s22], $0x4000  }
0x5a: {  	[sflag:s22] =	ssyncset.done $0x0  }
0x5b: {  	s31 =	simm.s32 $0x100;
	[sflag:s22] =	ssyncadd.s32 $0xFFFFC000  }
0x5c: {  	[spmem:s2] =	stream.indirect.scatter.add.f32 [tilespmem:s19], [sflag:$0x1], $0x80, s31, s21, $0xb8;
	[tilespmem:$0x18CC0] =	vst v63  }
0x5d: {  	_ =	swait.ge [sflag:s23], $0x4000  }
0x5e: {  	[sflag:s23] =	ssyncset.done $0x0  }
0x5f: {  	s25 =	simm.s32 $0xFFFFB800;
	s26 =	simm.s32 $0x180;
	[sflag:s23] =	ssyncadd.s32 $0xFFFFC000  }
.LBB2_6:
0x60: {  	[spmem:s2] =	stream.indirect.scatter.add.f32 [tilespmem:s19], [sflag:$0x2], $0x80, s26, s21, $0xb8;
	[tilespmem:$0x18CC0] =	vst v63  }
0x61: {  	s26 =	smov.u32 s25  }
0x62: {  	p2 =	sne.s32 s25, $0xFFFFFC00;
	s25 =	sadd.s32 $0x400, s25;
	_ =	swait.ge [sflag:s22], $0x4000  }
0x63: {  	s26 =	sshra.s32 s26, $0x2;
	[sflag:s22] =	ssyncset.done $0x0  }
.Ltmp2:
0x64: {  	s28 =	sadd.s32 $0x1400, s26;
	[sflag:s22] =	ssyncadd.s32 $0xFFFFC000;
	(pc) =	sbr.rel @p2 .LBB2_6-.Ltmp2, $4  }
0x65: {  	[spmem:s2] =	stream.indirect.scatter.add.f32 [tilespmem:s19], [sflag:$0x1], $0x80, s28, s21, $0xb8;
	[tilespmem:$0x18CC0] =	vst v63  }
0x66: {  	_ =	swait.ge [sflag:s23], $0x4000  }
0x67: {  	[sflag:s23] =	ssyncset.done $0x0  }
0x68: {  	s26 =	sadd.s32 $0x1480, s26;
	[sflag:s23] =	ssyncadd.s32 $0xFFFFC000  }
0x69: {  	[spmem:s2] =	stream.indirect.scatter.add.f32 [tilespmem:s19], [sflag:$0x2], $0x80, s26, s21, $0xb8;
	[tilespmem:$0x18CC0] =	vst v63  }
0x6a: {  	_ =	swait.ge [sflag:s22], $0x4000  }
0x6b: {  	[sflag:s22] =	ssyncset.done $0x0  }
0x6c: {  	[sflag:s22] =	ssyncadd.s32 $0xFFFFC000  }
0x6d: {  	_ =	swait.ge [sflag:s23], $0x4000  }
0x6e: {  	[sflag:s23] =	ssyncset.done $0x0  }
0x6f: {  	[sflag:s23] =	ssyncadd.s32 $0xFFFFC000  }
0x70: {  	[tilespmem:s3], [sflag:$0x3] =	stream.linear.gather [hbm4b:s6+s3], $0x1400, $0x38;
	[tilespmem:$0x18CC0] =	vst v63  }
0x71: {  	_ =	swait.ge [sflag:s20], $0x1400  }
0x72: {  	[sflag:s20] =	ssyncset.done $0x0  }
0x73: {  	[sflag:s20] =	ssyncadd.s32 $0xFFFFEC00  }
0x74: {  	[spmem:s2] =	stream.indirect.scatter.add.f32 [tilespmem:s19], [sflag:$0x1], $0x80, s3, s21, $0xb8;
	[tilespmem:$0x18CC0] =	vst v63  }
0x75: {  	_ = 	snop  }
0x76: {  	[spmem:s2] =	stream.indirect.scatter.add.f32 [tilespmem:s19], [sflag:$0x2], $0x80, s21, s21, $0xb8;
	[tilespmem:$0x18CC0] =	vst v63  }
0x77: {  	_ =	swait.ge [sflag:s22], $0x4000  }
0x78: {  	[sflag:s22] =	ssyncset.done $0x0  }
0x79: {  	s25 =	simm.s32 $0x100;
	[sflag:s22] =	ssyncadd.s32 $0xFFFFC000  }
0x7a: {  	[spmem:s2] =	stream.indirect.scatter.add.f32 [tilespmem:s19], [sflag:$0x1], $0x80, s25, s21, $0xb8;
	[tilespmem:$0x18CC0] =	vst v63  }
0x7b: {  	_ =	swait.ge [sflag:s23], $0x4000  }
0x7c: {  	[sflag:s23] =	ssyncset.done $0x0  }
0x7d: {  	s26 =	simm.s32 $0x180;
	s25 =	simm.s32 $0xFFFFB800;
	[sflag:s23] =	ssyncadd.s32 $0xFFFFC000  }
.LBB2_8:
0x7e: {  	[spmem:s2] =	stream.indirect.scatter.add.f32 [tilespmem:s19], [sflag:$0x2], $0x80, s26, s21, $0xb8;
	[tilespmem:$0x18CC0] =	vst v63  }
0x7f: {  	s26 =	smov.u32 s25  }
0x80: {  	p2 =	sne.s32 s25, $0xFFFFFC00;
	s25 =	sadd.s32 $0x400, s25;
	_ =	swait.ge [sflag:s22], $0x4000  }
0x81: {  	s26 =	sshra.s32 s26, $0x2;
	[sflag:s22] =	ssyncset.done $0x0  }
.Ltmp3:
0x82: {  	s28 =	sadd.s32 $0x1400, s26;
	[sflag:s22] =	ssyncadd.s32 $0xFFFFC000;
	(pc) =	sbr.rel @p2 .LBB2_8-.Ltmp3, $4  }
0x83: {  	[spmem:s2] =	stream.indirect.scatter.add.f32 [tilespmem:s19], [sflag:$0x1], $0x80, s28, s21, $0xb8;
	[tilespmem:$0x18CC0] =	vst v63  }
0x84: {  	_ =	swait.ge [sflag:s23], $0x4000  }
0x85: {  	[sflag:s23] =	ssyncset.done $0x0  }
0x86: {  	s26 =	sadd.s32 $0x1480, s26;
	[sflag:s23] =	ssyncadd.s32 $0xFFFFC000  }
0x87: {  	[spmem:s2] =	stream.indirect.scatter.add.f32 [tilespmem:s19], [sflag:$0x2], $0x80, s26, s21, $0xb8;
	[tilespmem:$0x18CC0] =	vst v63  }
0x88: {  	_ =	swait.ge [sflag:s22], $0x4000  }
0x89: {  	[sflag:s22] =	ssyncset.done $0x0  }
0x8a: {  	[sflag:s22] =	ssyncadd.s32 $0xFFFFC000  }
0x8b: {  	_ =	swait.ge [sflag:s23], $0x4000  }
0x8c: {  	[sflag:s23] =	ssyncset.done $0x0  }
0x8d: {  	s25 =	sshll.u32 s0, $0x6;
	[sflag:s23] =	ssyncadd.s32 $0xFFFFC000  }
0x8e: {  	s28 =	sshrl.u32 s9, $0x3;
	s25 =	sor.u32 $0x1C03, s25;
	[bflag:$0x0] =	sbarrier.arrive $0xFFFF  }
0x8f: {  	[hbm:s14], [sflag:s25] =	dma.local [spmem:s28], $0x800  }
0x90: {  	_ =	swait.ge [sflag:s20], $0x800  }
0x91: {  	[sflag:s20] =	ssyncset.done $0x0  }
0x92: {  	s29 =	sshrl.u32 s10, $0x3;
	[sflag:s20] =	ssyncadd.s32 $0xFFFFF800  }
0x93: {  	[hbm:s15], [sflag:s25] =	dma.local [spmem:s29], $0x800  }
0x94: {  	_ =	swait.ge [sflag:s20], $0x800  }
0x95: {  	[sflag:s20] =	ssyncset.done $0x0  }
0x96: {  	s30 =	sshrl.u32 s11, $0x3;
	[sflag:s20] =	ssyncadd.s32 $0xFFFFF800  }
0x97: {  	[hbm:s16], [sflag:s25] =	dma.local [spmem:s30], $0x800  }
0x98: {  	_ =	swait.ge [sflag:s20], $0x800  }
0x99: {  	[sflag:s20] =	ssyncset.done $0x0  }
0x9a: {  	s31 =	sshrl.u32 s12, $0x3;
	[sflag:s20] =	ssyncadd.s32 $0xFFFFF800  }
0x9b: {  	[hbm:s17], [sflag:s25] =	dma.local [spmem:s31], $0x800  }
0x9c: {  	_ =	swait.ge [sflag:s20], $0x800  }
0x9d: {  	[sflag:s20] =	ssyncset.done $0x0  }
0x9e: {  	s26 =	sshrl.u32 @!p0 s13, $0x3;
	[sflag:s20] =	ssyncadd.s32 $0xFFFFF800  }
0x9f: {  	[hbm:s18], [sflag:s25] =	dma.local @!p0 [spmem:s26], $0x800  }
0xa0: {  	s25 =	simm.s32 @!p0 $0x3  }
0xa1: {  	s24 =	sadd.s32 $0x1, s24;
	_ =	swait.ge @!p0 [sflag:s25], $0x800  }
0xa2: {  	p2 =	sne.s32 s24, s8;
	[sflag:s25] =	ssyncset.done @!p0 $0x0  }
0xa3: {  	s26 =	simm.s32 @!p1 $0x1C03;
	[sflag:s25] =	ssyncadd.s32 @!p0 $0xFFFFF800;
	s25 =	sshrl.u32 @!p1 s4, $0x3  }
0xa4: {  	[hbm:s7], [sflag:s26] =	dma.local @!p1 [spmem:s25], $0x100  }
.Ltmp4:
0xa5: {  	_ = 	snop;
	(pc) =	sbr.rel @p2 .LBB2_1-.Ltmp4, $4  }
0xa6: {  	s25 =	simm.s32 @!p1 $0x3  }
0xa7: {  	_ =	swait.ge @!p1 [sflag:s25], $0x100  }
0xa8: {  	[sflag:s25] =	ssyncset.done @!p1 $0x0  }
0xa9: {  	[sflag:s25] =	ssyncadd.s32 @!p1 $0xFFFFFF00  }
0xaa: {  	_ =	sfence.sel $0x180000  }
0xab: {  	[bflag:$0x0] =	sbarrier.arrive $0xFFFF  }
0xac: {  	p0 =	sne.s32 s0, $0x0;
	_ =	strace $0x90000047  }
0xad: {  	s0 =	sadd.s32 @!p0 $0x100000, s1;
	[bflag:$0x2] =	sbarrier.arrive $0xFFFF  }
0xae: {  	[sflag:s0] =	ssyncadd.tile.s32 @!p0 $0x1;
	_ =	shalt  }
.Lfunc_end2:
_tile_overlayer_lowered:
.L_overlay_start_2:
0xaf: {  	(tag) =	ssettag $0x2  }
0xb0: {  	s0 =	rddreg [dreg:$0x0];
	s2 =	stileid.u32  }
0xb1: {  	s1 =	rddreg [dreg:$0x1];
	p0 =	sne.s32 s2, $0x0  }
0xb2: {  	s3 =	rddreg [dreg:$0x2];
	[bflag:$0x3] =	sbarrier.arrive $0xFFFF;
	s2 =	simm.s32 @!p0 $0x1C03  }
0xb3: {  	[timem:s3], [sflag:s2] =	dma.local @!p0 [hbm:s0], s1  }
0xb4: {  	s0 =	simm.s32 @!p0 $0x3  }
0xb5: {  	_ =	swait.ge @!p0 [sflag:s0], s1  }
0xb6: {  	s1 =	ssub.s32 @!p0 $0x0, s1;
	[sflag:s0] =	ssyncset.done @!p0 $0x0  }
0xb7: {  	[sflag:s0] =	ssyncadd.s32 @!p0 s1  }
0xb8: {  	[bflag:$0x3] =	sbarrier.arrive $0xFFFF  }
0xb9: {  	_ =	shalt  }

// kernel: kernel.16.cloned.1.call-start
scs
__scs_entry_jumppad:
0x0: {  	(pc) =	sbr.rel $0x88, $3  }
0x1: {  	(tag) =	ssettag $0x0;
	lr =	simm.s32 $0x1  }
0x2: {  	[smem:$0x3F94] =	sst lr;
	_ =	strace $0xD0000000  }
0x3: {  	_ = 	snop  }
0x4: {  	_ = 	snop  }
0x5: {  	_ = 	snop  }
0x6: {  	_ = 	snop  }
0x7: {  	_ = 	snop  }
__scs_overlays_trampoline_lowered:
0x8: {  	[smem:$0x3FA3] =	sst s0  }
0x9: {  	[smem:$0x3FA4] =	sst s1  }
0xa: {  	[smem:$0x3FA5] =	sst s2  }
0xb: {  	[smem:$0x3FA6] =	sst s3  }
0xc: {  	[smem:$0x3FA7] =	sst s4  }
0xd: {  	[smem:$0x3FA8] =	sst s5  }
0xe: {  	[smem:$0x3FA9] =	sst s6  }
0xf: {  	[smem:$0x3FAA] =	sst s7  }
0x10: {  	[smem:$0x3FAB] =	sst s8  }
0x11: {  	[smem:$0x3FAC] =	sst s9;
	s0 =	simm.s32 @!p0 $0x0  }
0x12: {  	s1 =	sld [smem:$0x3F92];
	s0 =	simm.s32 @p0 $0x1  }
0x13: {  	[smem:$0x3FAD] =	sst s0;
	s0 =	simm.s32 @!p1 $0x0  }
0x14: {  	s2 =	sld [smem:$0x3F91];
	s0 =	simm.s32 @p1 $0x1  }
0x15: {  	[smem:$0x3FAE] =	sst s0;
	s0 =	simm.s32 @!p2 $0x0  }
0x16: {  	s3 =	sld [smem:$0x3FDB];
	s0 =	simm.s32 @p2 $0x1  }
0x17: {  	s4 =	simm.s32 $0x1BF5;
	[smem:$0x3FB0] =	sst s0  }
0x18: {  	s0 =	sld [smem:$0x3F93];
	_ =	swait.ge [sflag:s4], $0x0  }
0x19: {  	s7 =	sld [smem:$0x3F94]  }
0x1a: {  	s8 =	sadd.s32 $0xFFFFE003, lr  }
0x1b: {  	s9 =	sadd.s32 $0xFFFFFEF7, lr;
	s5 =	simm.s32 $0xFFFFFFFF;
	p2 =	slt.u32 s8, $0xFFFFF086  }
0x1c: {  	p1 =	slt.u32 s9, $0xF7A;
	s5 =	simm.s32 @!p2 $0x0  }
0x1d: {  	s5 =	simm.s32 @p1 $0x1;
	p0 =	seq.s32 s7, s2  }
0x1e: {  	s7 =	smul.u32 @!p0 $0xF7A, s2;
	p2 =	seq.s32 @!p0 s5, $0x0  }
0x1f: {  	s9 =	smul.u32 $0xF7A, s1;
	s8 =	simm.s32 @!p0 $0x1BF5;
	p2 =	por !p2, p0  }
0x20: {  	[sflag:s8] =	ssyncset.s32 @!p0 $0xFFFFF086;
	s6 =	sadd.s32 @!p0 s3, s7;
	s7 =	simm.s32 @!p0 $0x108  }
0x21: {  	s3 =	sadd.s32 s3, s9;
	s6 =	sadd.s32 @!p0 $0x88, s6;
	s7 =	simm.s32 @p2 $0x1082  }
0x22: {  	[simem:s7], [sflag:s8] =	dma.local @!p0 [hbm:s6], $0xF7A  }
0x23: {  	s9 =	sor.u32 $0xD0000000, s2;
	s6 =	simm.s32 $0x108;
	_ =	swait.ge @!p0 [sflag:s8], $0x0  }
0x24: {  	s3 =	sadd.s32 $0x88, s3;
	s6 =	simm.s32 @!p1 $0x1082;
	[sflag:s4] =	ssyncset.s32 $0xFFFFF086  }
0x25: {  	[simem:s6], [sflag:s4] =	dma.local [hbm:s3], $0xF7A  }
0x26: {  	[smem:$0x3F94] =	sst s1;
	(tag) =	ssettag s2;
	_ =	strace s9  }
0x27: {  	s1 =	sld [smem:$0x3FA4]  }
0x28: {  	s2 =	sld [smem:$0x3FA5]  }
0x29: {  	s4 =	sld [smem:$0x3FA7]  }
0x2a: {  	p0 =	seq.s32 s5, $0x0;
	s5 =	sld [smem:$0x3FA8]  }
0x2b: {  	s6 =	sld [smem:$0x3FA9]  }
0x2c: {  	s7 =	sld [smem:$0x3FAA]  }
0x2d: {  	s3 =	simm.s32 $0x108;
	s8 =	sld [smem:$0x3FAB]  }
0x2e: {  	s3 =	simm.s32 @!p0 $0x1082;
	s9 =	sld [smem:$0x3FAC]  }
0x2f: {  	lr =	sadd.s32 s0, s3;
	s0 =	sld [smem:$0x3FA3]  }
0x30: {  	s3 =	sld [smem:$0x3FA6]  }
0x31: {  	[smem:$0x3FAF] =	sst s10  }
0x32: {  	s10 =	sld [smem:$0x3FAD];
	_ =	sdelay $0x3  }
0x33: {  	p0 =	seq.s32 s10, $0x1;
	s10 =	sld [smem:$0x3FAF];
	_ =	sdelay $0x3  }
0x34: {  	[smem:$0x3FAF] =	sst s10  }
0x35: {  	s10 =	sld [smem:$0x3FAE];
	_ =	sdelay $0x3  }
0x36: {  	p1 =	seq.s32 s10, $0x1;
	s10 =	sld [smem:$0x3FAF];
	_ =	sdelay $0x3  }
0x37: {  	[smem:$0x3FAF] =	sst s10  }
0x38: {  	s10 =	sld [smem:$0x3FB0]  }
0x39: {  	_ = 	snop;
	(pc) =	sbr.ind lr, $3  }
0x3a: {  	_ = 	snop  }
0x3b: {  	_ = 	snop  }
0x3c: {  	p2 =	seq.s32 s10, $0x1;
	s10 =	sld [smem:$0x3FAF]  }
0x3d: {  	_ =	shalt  }
0x3e: {  	_ =	shalt  }
0x3f: {  	_ =	shalt  }
0x40: {  	_ =	shalt  }
0x41: {  	_ =	shalt  }
0x42: {  	_ =	shalt  }
0x43: {  	_ =	shalt  }
0x44: {  	_ =	shalt  }
0x45: {  	_ =	shalt  }
0x46: {  	_ =	shalt  }
0x47: {  	_ =	shalt  }
0x48: {  	_ =	shalt  }
0x49: {  	_ =	shalt  }
0x4a: {  	_ =	shalt  }
0x4b: {  	_ =	shalt  }
0x4c: {  	_ =	shalt  }
0x4d: {  	_ =	shalt  }
0x4e: {  	_ =	shalt  }
0x4f: {  	_ =	shalt  }
0x50: {  	_ =	shalt  }
0x51: {  	_ =	shalt  }
0x52: {  	_ =	shalt  }
0x53: {  	_ =	shalt  }
0x54: {  	_ =	shalt  }
0x55: {  	_ =	shalt  }
0x56: {  	_ =	shalt  }
0x57: {  	_ =	shalt  }
0x58: {  	_ =	shalt  }
0x59: {  	_ =	shalt  }
0x5a: {  	_ =	shalt  }
0x5b: {  	_ =	shalt  }
0x5c: {  	_ =	shalt  }
0x5d: {  	_ =	shalt  }
0x5e: {  	_ =	shalt  }
0x5f: {  	_ =	shalt  }
0x60: {  	_ =	shalt  }
0x61: {  	_ =	shalt  }
0x62: {  	_ =	shalt  }
0x63: {  	_ =	shalt  }
0x64: {  	_ =	shalt  }
0x65: {  	_ =	shalt  }
0x66: {  	_ =	shalt  }
0x67: {  	_ =	shalt  }
0x68: {  	_ =	shalt  }
0x69: {  	_ =	shalt  }
0x6a: {  	_ =	shalt  }
0x6b: {  	_ =	shalt  }
0x6c: {  	_ =	shalt  }
0x6d: {  	_ =	shalt  }
0x6e: {  	_ =	shalt  }
0x6f: {  	_ =	shalt  }
0x70: {  	_ =	shalt  }
0x71: {  	_ =	shalt  }
0x72: {  	_ =	shalt  }
0x73: {  	_ =	shalt  }
0x74: {  	_ =	shalt  }
0x75: {  	_ =	shalt  }
0x76: {  	_ =	shalt  }
0x77: {  	_ =	shalt  }
0x78: {  	_ =	shalt  }
0x79: {  	_ =	shalt  }
0x7a: {  	_ =	shalt  }
0x7b: {  	_ =	shalt  }
0x7c: {  	_ =	shalt  }
0x7d: {  	_ =	shalt  }
0x7e: {  	_ =	shalt  }
0x7f: {  	_ =	shalt  }
0x80: {  	_ =	shalt  }
0x81: {  	_ =	shalt  }
0x82: {  	_ =	shalt  }
0x83: {  	_ =	shalt  }
0x84: {  	_ =	shalt  }
0x85: {  	_ =	shalt  }
0x86: {  	_ =	shalt  }
0x87: {  	_ =	shalt  }
.Lfunc_end0:
.L_simem_size_0:
called_computation.1_lowered:
.L_overlay_start_0:
0x88: {  	s2 =	sld [smem:$0x3FD9]  }
0x89: {  	s3 =	sld [smem:$0x3FFE];
	_ =	sdelay $0x1  }
0x8a: {  	s1 =	srdreg.scid  }
0x8b: {  	s0 =	sand.u32 $0x1, s1  }
0x8c: {  	s16 =	sshll.u32 s0, $0xA;
	s2 =	sadd.s32 s3, s2  }
0x8d: {  	s2 =	sadd.s32 s2, s16  }
0x8e: {  	[smem:$0x3FBB] =	sst s2  }
0x8f: {  	_ = 	snop  }
0x90: {  	(tm) =	ssettm $0x1  }
0x91: {  	s17 =	sld [smem:$0x3FFB];
	_ =	sdelay $0x3  }
0x92: {  	_ =	strace s17  }
0x93: {  	s2 =	sld [smem:$0x3FFC];
	_ =	sdelay $0x3  }
0x94: {  	_ =	strace s2  }
0x95: {  	s2 =	sld [smem:$0x3FFD];
	_ =	sdelay $0x3  }
0x96: {  	_ =	strace s2  }
0x97: {  	_ =	strace $0x8FFFFFFF  }
0x98: {  	s18 =	sld [smem:$0x3FDB];
	_ =	sdelay $0x1  }
0x99: {  	s19 =	simm.s32 $_scs_section_size  }
0x9a: {  	s4 =	simm.s32 $_size__tile_overlayer_lowered;
	s5 =	simm.s32 $_tile_overlayer_lowered  }
0x9b: {  	s22 =	simm.s32 $0x1BFF;
	s21 =	sshll.u32 s5, $0x1;
	s2 =	sadd.s32 s19, s18  }
0x9c: {  	s6 =	simm.s32 $0x0;
	s20 =	sshll.u32 s4, $0x1;
	s4 =	sadd.s32 s21, s2  }
0x9d: {  	[timem:s6], [sflag:s22] =	dma.local [hbm:s4], s20  }
0x9e: {  	_ =	swait.ge [sflag:s22], s20  }
0x9f: {  	s3 =	ssub.s32 $0x0, s20;
	[sflag:s22] =	ssyncset.done $0x0  }
0xa0: {  	[sflag:s22] =	ssyncadd.s32 s3;
	_ =	sdelay $0x1  }
0xa1: {  	s23 =	simm.s32 $0x1B8B  }
0xa2: {  	_ =	swait.ge [sflag:s23], $0x1  }
0xa3: {  	[sflag:s23] =	ssyncset.done $0x0  }
0xa4: {  	s25 =	simm.s32 $0x1B8E;
	s24 =	sld [smem:$0x3FFE];
	[sflag:s23] =	ssyncadd.s32 $0xFFFFFFFF  }
0xa5: {  	s26 =	simm.s32 $execute0_lowered;
	[smem:$0x3FD2] =	sst s25  }
0xa6: {  	s4 =	sshll.u32 s26, $0x1;
	_ =	strace $0x80000049;
	[dreg:$0x1] =	wrdreg $0xFFFFFFFF  }
0xa7: {  	s28 =	simm.s32 $_size_execute0_lowered;
	s2 =	sadd.s32 s2, s4;
	[dreg:$0x0] =	wrdreg $0x0  }
0xa8: {  	s4 =	sshll.u32 s28, $0x1;
	[dreg:$0x2] =	wrdreg s2  }
0xa9: {  	[dreg:$0x3] =	wrdreg s4  }
0xaa: {  	[dreg:$0x4] =	wrdreg $0xC0  }
0xab: {  	_ =	task [dreg:s6], $0x5FFFF  }
0xac: {  	[dreg:$0x1] =	wrdreg $0xFFFFFFFF  }
0xad: {  	[dreg:$0x0] =	wrdreg $0x60  }
0xae: {  	[dreg:$0x2] =	wrdreg s24  }
0xaf: {  	[dreg:$0x3] =	wrdreg $0xA8000  }
0xb0: {  	[dreg:$0x4] =	wrdreg $0x9  }
0xb1: {  	_ =	task.clear_ibuf [dreg:s6], $0x5FFFF;
	_ =	strace $0x90000049  }
0xb2: {  	s29 =	simm.s32 $0x9;
	_ =	strace $0x8000004B  }
0xb3: {  	_ =	swait.ge [sflag:s29], $0x1  }
0xb4: {  	[sflag:s29] =	ssyncadd.s32 $0xFFFFFFFF  }
0xb5: {  	_ =	strace $0x9000004B  }
0xb6: {  	_ =	sfence  }
0xb7: {  	s30 =	sld [smem:$0x0];
	_ =	sdelay $0x2  }
0xb8: {  	s31 =	sshll.u32 s1, $0xD;
	s1 =	sshrl.u32 s1, $0x2  }
0xb9: {  	s3 =	sand.u32 $0x4000, s31;
	s1 =	sadd.s32 s1, s30  }
0xba: {  	s0 =	sor.u32 s3, s0;
	s1 =	sshll.u32 s1, $0x11  }
0xbb: {  	s0 =	sor.u32 s1, s0  }
0xbc: {  	s0 =	sadd.s32 $0x8F2B, s0  }
0xbd: {  	[sflag:s0] =	ssyncadd.remote.s32 $0x1  }
0xbe: {  	_ =	sfence.sel $0xFFFF  }
0xbf: {  	[dreg:$0x0] =	wrdreg $0xFFFFFFFF;
	(pc) =	sbr.abs _section_cstart, $3  }
0xc0: {  	[dreg:$0x1] =	wrdreg $0xFFFFFFFF  }
0xc1: {  	_ =	task.clear_ibuf [dreg:s6], $0x2FFFF;
	_ =	strace $0x9FFFFFFF  }
0xc2: {  	(tm) =	ssettm $0x7FFFFFFF  }
0xc3: {  	_ =	shalt  }
tec
execute0_lowered:
.L_overlay_start_1:
0x0: {  	(tag) =	ssettag $0x1  }
0x1: {  	s0 =	rddreg [dreg:$0x0]  }
0x2: {  	s2 =	rddreg [dreg:$0x1];
	s1 =	srdreg.scid  }
0x3: {  	s21 =	stileid.u32;
	s3 =	simm.s32 $0x0;
	s22 =	simm.s32 $0x1400  }
0x4: {  	s23 =	simm.s32 $0x50000;
	s28 =	simm.s32 $0x2;
	s29 =	simm.s32 $0x2700  }
0x5: {  	s30 =	simm.s32 $0x2780;
	s31 =	simm.s32 $0x0;
	s1 =	sand.u32 $0x1, s1  }
0x6: {  	s4 =	sshll.u32 s21, $0x1;
	[smem:$0x7FF] =	sst s3;
	s9 =	sadd.s32 $0x5800, s0  }
0x7: {  	s15 =	sshll.u32 s21, $0xE;
	s19 =	sor.u32 $0x40, s21;
	s5 =	sor.u32 s1, s4  }
0x8: {  	_ =	strace $0x8000004A;
	s4 =	sadd.s32 $0x19800, s0;
	s7 =	ssub.s32 $0x2, s1  }
0x9: {  	s1 =	smul.u32 $0x138800, s1;
	s0 =	sadd.s32 $0x67C00, s0;
	s16 =	sor.u32 $0x40000, s15  }
0xa: {  	s17 =	sor.u32 $0x80000, s15;
	s18 =	sor.u32 $0xC0000, s15;
	s6 =	smul.u32 $0x500, s5  }
0xb: {  	s20 =	sshll.u32 s19, $0xE;
	p0 =	sgt.u32 s19, $0x4D;
	s8 =	smul.u32 $0x2800, s5  }
0xc: {  	s24 =	sshrl.u32 s7, $0x1;
	s5 =	sadd.s32 $0x138000, s2;
	s11 =	sadd.s32 s16, s2  }
0xd: {  	s12 =	sadd.s32 s17, s2;
	s13 =	sadd.s32 s18, s2;
	s14 =	sadd.s32 s20, s2  }
0xe: {  	p1 =	sne.s32 @!p0 s21, $0x0;
	s21 =	simm.s32 $0x3;
	s10 =	ssub.s32 s7, s24  }
0xf: {  	s26 =	sshrl.u32 s1, $0x3;
	s16 =	sadd.s32 s1, s16;
	s17 =	sadd.s32 s1, s17  }
0x10: {  	s18 =	sadd.s32 s1, s18;
	p1 =	por p1, p0;
	s24 =	simm.s32 $0x80  }
0x11: {  	s6 =	sadd.s32 s9, s6;
	s25 =	sshrl.u32 s8, $0x3;
	s8 =	sadd.s32 s0, s26  }
0x12: {  	s16 =	sshrl.u32 s16, $0x3;
	s17 =	sshrl.u32 s17, $0x3;
	s18 =	sshrl.u32 s18, $0x3  }
0x13: {  	s26 =	simm.s32 $0x1;
	[dreg:$0x3] =	wrdreg s6;
	s7 =	sadd.s32 s9, s25  }
0x14: {  	s8 =	sadd.s32 $0x27000, s8;
	s9 =	smax.u32 s10, $0x1;
	s10 =	sadd.s32 s15, s2  }
0x15: {  	s15 =	sadd.s32 s1, s15;
	s16 =	sadd.s32 s0, s16;
	s17 =	sadd.s32 s0, s17  }
0x16: {  	s1 =	sadd.s32 s1, s20;
	s18 =	sadd.s32 s0, s18;
	s20 =	simm.s32 $0x2800  }
0x17: {  	s25 =	simm.s32 $0x6800;
	s15 =	sshrl.u32 s15, $0x3;
	s1 =	sshrl.u32 s1, $0x3  }
0x18: {  	v0 =	vimm.f32 $0.0e+00;
	s7 =	sadd.s32 $0x280, s7;
	s15 =	sadd.s32 s0, s15;
	s19 =	sadd.s32 s0, s1  }
.LBB2_1:
0x19: {  	s0 =	simm.s32 $0x0;
	s1 =	simm.s32 $0x200  }
.LBB2_2:
0x1a: {  	p2 =	sne.s32 s1, $0xFE00;
	[tilespmem:s0+$0x2870] =	vst v0  }
0x1b: {  	[tilespmem:s0+$0x2800] =	vst v0  }
0x1c: {  	[tilespmem:s0+$0x2810] =	vst v0  }
.Ltmp0:
0x1d: {  	[tilespmem:s0+$0x2820] =	vst v0;
	(pc) =	sbr.rel @p2 .LBB2_2-.Ltmp0, $4  }
0x1e: {  	[tilespmem:s0+$0x2830] =	vst v0  }
0x1f: {  	[tilespmem:s0+$0x2840] =	vst v0  }
0x20: {  	[tilespmem:s0+$0x2850] =	vst v0  }
0x21: {  	[tilespmem:s0+$0x2860] =	vst v0;
	s0 =	sshra.s32 s1, $0x2;
	s1 =	sadd.s32 $0x200, s1  }
0x22: {  	[tilespmem:s0+$0x2870] =	vst v0  }
0x23: {  	[tilespmem:s0+$0x2800] =	vst v0  }
0x24: {  	[tilespmem:s0+$0x2810] =	vst v0  }
0x25: {  	[tilespmem:s0+$0x2820] =	vst v0  }
0x26: {  	[tilespmem:s0+$0x2830] =	vst v0  }
0x27: {  	[tilespmem:s0+$0x2840] =	vst v0  }
0x28: {  	[tilespmem:s0+$0x2850] =	vst v0  }
0x29: {  	[tilespmem:s0+$0x2860] =	vst v0  }
0x2a: {  	[spmem:s10] =	stream.linear.scatter [tilespmem:s20], [sflag:$0x3], $0x4000, $0x38;
	[tilespmem:$0x1E0C0] =	vst v63  }
0x2b: {  	_ =	swait.ge [sflag:s21], $0x4000  }
0x2c: {  	[sflag:s21] =	ssyncset.done $0x0  }
0x2d: {  	[sflag:s21] =	ssyncadd.s32 $0xFFFFC000  }
0x2e: {  	[spmem:s11] =	stream.linear.scatter [tilespmem:s20], [sflag:$0x3], $0x4000, $0x38;
	[tilespmem:$0x1E0C0] =	vst v63  }
0x2f: {  	_ =	swait.ge [sflag:s21], $0x4000  }
0x30: {  	[sflag:s21] =	ssyncset.done $0x0  }
0x31: {  	[sflag:s21] =	ssyncadd.s32 $0xFFFFC000  }
0x32: {  	[spmem:s12] =	stream.linear.scatter [tilespmem:s20], [sflag:$0x3], $0x4000, $0x38;
	[tilespmem:$0x1E0C0] =	vst v63  }
0x33: {  	_ =	swait.ge [sflag:s21], $0x4000  }
0x34: {  	[sflag:s21] =	ssyncset.done $0x0  }
0x35: {  	[sflag:s21] =	ssyncadd.s32 $0xFFFFC000  }
0x36: {  	[spmem:s13] =	stream.linear.scatter [tilespmem:s20], [sflag:$0x3], $0x4000, $0x38;
	[tilespmem:$0x1E0C0] =	vst v63  }
0x37: {  	_ =	swait.ge [sflag:s21], $0x4000  }
0x38: {  	[sflag:s21] =	ssyncset.done $0x0  }
0x39: {  	s0 =	simm.s32 @!p0 $0x2800;
	[sflag:s21] =	ssyncadd.s32 $0xFFFFC000  }
0x3a: {  	[spmem:s14] =	stream.linear.scatter @!p0 [tilespmem:s0], [sflag:$0x3], $0x4000, $0x38;
	[tilespmem:$0x1E0C0] =	vst v63  }
0x3b: {  	s0 =	simm.s32 @!p0 $0x3  }
0x3c: {  	_ =	swait.ge @!p0 [sflag:s0], $0x4000  }
0x3d: {  	[sflag:s0] =	ssyncset.done @!p0 $0x0  }
0x3e: {  	[sflag:s0] =	ssyncadd.s32 @!p0 $0xFFFFC000;
	s0 =	simm.s32 @!p1 $0x2800  }
0x3f: {  	[spmem:s5] =	stream.linear.scatter @!p1 [tilespmem:s0], [sflag:$0x3], $0xC00, $0x38;
	[tilespmem:$0x1E0C0] =	vst v63  }
0x40: {  	s0 =	simm.s32 @!p1 $0x3  }
0x41: {  	_ =	swait.ge @!p1 [sflag:s0], $0xC00  }
0x42: {  	[sflag:s0] =	ssyncset.done @!p1 $0x0  }
0x43: {  	[sflag:s0] =	ssyncadd.s32 @!p1 $0xFFFFF400  }
0x44: {  	[bflag:$0x0] =	sbarrier.arrive $0xFFFF  }
0x45: {  	s1 =	rddreg [dreg:$0x3]  }
0x46: {  	[tilespmem:s3], [sflag:$0x3] =	stream.strided.gather [hbm4b:s1+s22], $0x2800, s23, s22, $0x38;
	[tilespmem:$0x1E0C0] =	vst v63  }
0x47: {  	_ =	swait.ge [sflag:s21], $0x2800  }
0x48: {  	[sflag:s21] =	ssyncset.done $0x0  }
0x49: {  	[sflag:s21] =	ssyncadd.s32 $0xFFFFD800  }
0x4a: {  	[tilespmem:s20], [sflag:$0x1] =	stream.indirect.gather [hbm4b:s4+s24], $0x80, s3, s24, $0xb8;
	[tilespmem:$0x1E0C0] =	vst v63  }
0x4b: {  	_ = 	snop  }
0x4c: {  	[tilespmem:s25], [sflag:$0x2] =	stream.indirect.gather [hbm4b:s4+s24], $0x80, s24, s24, $0xb8;
	[tilespmem:$0x1E0C0] =	vst v63  }
0x4d: {  	_ =	swait.ge [sflag:s26], $0x4000  }
0x4e: {  	[sflag:s26] =	ssyncset.done $0x0  }
0x4f: {  	s6 =	simm.s32 $0x1400;
	[sflag:s26] =	ssyncadd.s32 $0xFFFFC000  }
0x50: {  	[spmem:s2] =	stream.indirect.scatter.add.f32 [tilespmem:s20], [sflag:$0x3], $0x80, s6, s24, $0xb8;
	[tilespmem:$0x1E0C0] =	vst v63  }
0x51: {  	_ =	swait.ge [sflag:s21], $0x4000  }
0x52: {  	[sflag:s21] =	ssyncset.done $0x0  }
0x53: {  	s1 =	simm.s32 $0x100;
	[sflag:s21] =	ssyncadd.s32 $0xFFFFC000  }
0x54: {  	[tilespmem:s20], [sflag:$0x1] =	stream.indirect.gather [hbm4b:s4+s24], $0x80, s1, s24, $0xb8;
	[tilespmem:$0x1E0C0] =	vst v63  }
0x55: {  	_ =	swait.ge [sflag:s28], $0x4000  }
0x56: {  	[sflag:s28] =	ssyncset.done $0x0  }
0x57: {  	s6 =	simm.s32 $0x1480;
	[sflag:s28] =	ssyncadd.s32 $0xFFFFC000  }
0x58: {  	[spmem:s2] =	stream.indirect.scatter.add.f32 [tilespmem:s25], [sflag:$0x3], $0x80, s6, s24, $0xb8;
	[tilespmem:$0x1E0C0] =	vst v63  }
0x59: {  	_ =	swait.ge [sflag:s21], $0x4000  }
0x5a: {  	[sflag:s21] =	ssyncset.done $0x0  }
0x5b: {  	s0 =	simm.s32 $0x800;
	s1 =	simm.s32 $0x180;
	[sflag:s21] =	ssyncadd.s32 $0xFFFFC000  }
.LBB2_4:
0x5c: {  	[tilespmem:s25], [sflag:$0x2] =	stream.indirect.gather [hbm4b:s4+s24], $0x80, s1, s24, $0xb8;
	[tilespmem:$0x1E0C0] =	vst v63  }
0x5d: {  	s1 =	smov.u32 s0  }
0x5e: {  	p2 =	sne.s32 s0, $0x4C00;
	s0 =	sadd.s32 $0x400, s0;
	_ =	swait.ge [sflag:s26], $0x4000  }
0x5f: {  	s1 =	sshra.s32 s1, $0x2;
	[sflag:s26] =	ssyncset.done $0x0  }
0x60: {  	s6 =	sadd.s32 $0x1300, s1;
	[sflag:s26] =	ssyncadd.s32 $0xFFFFC000  }
0x61: {  	[spmem:s2] =	stream.indirect.scatter.add.f32 [tilespmem:s20], [sflag:$0x3], $0x80, s6, s24, $0xb8;
	[tilespmem:$0x1E0C0] =	vst v63  }
0x62: {  	_ =	swait.ge [sflag:s21], $0x4000  }
0x63: {  	[sflag:s21] =	ssyncset.done $0x0  }
0x64: {  	[sflag:s21] =	ssyncadd.s32 $0xFFFFC000  }
0x65: {  	[tilespmem:s20], [sflag:$0x1] =	stream.indirect.gather [hbm4b:s4+s24], $0x80, s1, s24, $0xb8;
	[tilespmem:$0x1E0C0] =	vst v63  }
0x66: {  	_ =	swait.ge [sflag:s28], $0x4000  }
0x67: {  	[sflag:s28] =	ssyncset.done $0x0  }
.Ltmp1:
0x68: {  	s6 =	sadd.s32 $0x1380, s1;
	[sflag:s28] =	ssyncadd.s32 $0xFFFFC000;
	(pc) =	sbr.rel @p2 .LBB2_4-.Ltmp1, $4  }
0x69: {  	[spmem:s2] =	stream.indirect.scatter.add.f32 [tilespmem:s25], [sflag:$0x3], $0x80, s6, s24, $0xb8;
	[tilespmem:$0x1E0C0] =	vst v63  }
0x6a: {  	_ =	swait.ge [sflag:s21], $0x4000  }
0x6b: {  	[sflag:s21] =	ssyncset.done $0x0  }
0x6c: {  	s1 =	sadd.s32 $0x80, s1;
	[sflag:s21] =	ssyncadd.s32 $0xFFFFC000  }
0x6d: {  	[tilespmem:s25], [sflag:$0x2] =	stream.indirect.gather [hbm4b:s4+s24], $0x80, s1, s24, $0xb8;
	[tilespmem:$0x1E0C0] =	vst v63  }
0x6e: {  	_ =	swait.ge [sflag:s26], $0x4000  }
0x6f: {  	[sflag:s26] =	ssyncset.done $0x0  }
0x70: {  	[sflag:s26] =	ssyncadd.s32 $0xFFFFC000  }
0x71: {  	[spmem:s2] =	stream.indirect.scatter.add.f32 [tilespmem:s20], [sflag:$0x3], $0x80, s29, s24, $0xb8;
	[tilespmem:$0x1E0C0] =	vst v63  }
0x72: {  	_ =	swait.ge [sflag:s21], $0x4000  }
0x73: {  	[sflag:s21] =	ssyncset.done $0x0  }
0x74: {  	[sflag:s21] =	ssyncadd.s32 $0xFFFFC000  }
0x75: {  	_ =	swait.ge [sflag:s28], $0x4000  }
0x76: {  	[sflag:s28] =	ssyncset.done $0x0  }
0x77: {  	[sflag:s28] =	ssyncadd.s32 $0xFFFFC000  }
0x78: {  	[spmem:s2] =	stream.indirect.scatter.add.f32 [tilespmem:s25], [sflag:$0x3], $0x80, s30, s24, $0xb8;
	[tilespmem:$0x1E0C0] =	vst v63  }
0x79: {  	_ =	swait.ge [sflag:s21], $0x4000  }
0x7a: {  	[sflag:s21] =	ssyncset.done $0x0  }
0x7b: {  	[sflag:s21] =	ssyncadd.s32 $0xFFFFC000  }
0x7c: {  	[tilespmem:s3], [sflag:$0x3] =	stream.strided.gather [hbm4b:s7+s22], $0x2800, s23, s22, $0x38;
	[tilespmem:$0x1E0C0] =	vst v63  }
0x7d: {  	_ =	swait.ge [sflag:s21], $0x2800  }
0x7e: {  	[sflag:s21] =	ssyncset.done $0x0  }
0x7f: {  	[sflag:s21] =	ssyncadd.s32 $0xFFFFD800  }
0x80: {  	[tilespmem:s20], [sflag:$0x1] =	stream.indirect.gather [hbm4b:s4+s24], $0x80, s3, s24, $0xb8;
	[tilespmem:$0x1E0C0] =	vst v63  }
0x81: {  	_ = 	snop  }
0x82: {  	[tilespmem:s25], [sflag:$0x2] =	stream.indirect.gather [hbm4b:s4+s24], $0x80, s24, s24, $0xb8;
	[tilespmem:$0x1E0C0] =	vst v63  }
0x83: {  	_ =	swait.ge [sflag:s26], $0x4000  }
0x84: {  	[sflag:s26] =	ssyncset.done $0x0  }
0x85: {  	s0 =	simm.s32 $0x1400;
	[sflag:s26] =	ssyncadd.s32 $0xFFFFC000  }
0x86: {  	[spmem:s2] =	stream.indirect.scatter.add.f32 [tilespmem:s20], [sflag:$0x3], $0x80, s0, s24, $0xb8;
	[tilespmem:$0x1E0C0] =	vst v63  }
0x87: {  	_ =	swait.ge [sflag:s21], $0x4000  }
0x88: {  	[sflag:s21] =	ssyncset.done $0x0  }
0x89: {  	s1 =	simm.s32 $0x100;
	[sflag:s21] =	ssyncadd.s32 $0xFFFFC000  }
0x8a: {  	[tilespmem:s20], [sflag:$0x1] =	stream.indirect.gather [hbm4b:s4+s24], $0x80, s1, s24, $0xb8;
	[tilespmem:$0x1E0C0] =	vst v63  }
0x8b: {  	_ =	swait.ge [sflag:s28], $0x4000  }
0x8c: {  	[sflag:s28] =	ssyncset.done $0x0  }
0x8d: {  	s6 =	simm.s32 $0x1480;
	[sflag:s28] =	ssyncadd.s32 $0xFFFFC000  }
0x8e: {  	[spmem:s2] =	stream.indirect.scatter.add.f32 [tilespmem:s25], [sflag:$0x3], $0x80, s6, s24, $0xb8;
	[tilespmem:$0x1E0C0] =	vst v63  }
0x8f: {  	_ =	swait.ge [sflag:s21], $0x4000  }
0x90: {  	[sflag:s21] =	ssyncset.done $0x0  }
0x91: {  	s0 =	simm.s32 $0x800;
	s1 =	simm.s32 $0x180;
	[sflag:s21] =	ssyncadd.s32 $0xFFFFC000  }
.LBB2_6:
0x92: {  	[tilespmem:s25], [sflag:$0x2] =	stream.indirect.gather [hbm4b:s4+s24], $0x80, s1, s24, $0xb8;
	[tilespmem:$0x1E0C0] =	vst v63  }
0x93: {  	s1 =	smov.u32 s0  }
0x94: {  	p2 =	sne.s32 s0, $0x4C00;
	s0 =	sadd.s32 $0x400, s0;
	_ =	swait.ge [sflag:s26], $0x4000  }
0x95: {  	s1 =	sshra.s32 s1, $0x2;
	[sflag:s26] =	ssyncset.done $0x0  }
0x96: {  	s6 =	sadd.s32 $0x1300, s1;
	[sflag:s26] =	ssyncadd.s32 $0xFFFFC000  }
0x97: {  	[spmem:s2] =	stream.indirect.scatter.add.f32 [tilespmem:s20], [sflag:$0x3], $0x80, s6, s24, $0xb8;
	[tilespmem:$0x1E0C0] =	vst v63  }
0x98: {  	_ =	swait.ge [sflag:s21], $0x4000  }
0x99: {  	[sflag:s21] =	ssyncset.done $0x0  }
0x9a: {  	[sflag:s21] =	ssyncadd.s32 $0xFFFFC000  }
0x9b: {  	[tilespmem:s20], [sflag:$0x1] =	stream.indirect.gather [hbm4b:s4+s24], $0x80, s1, s24, $0xb8;
	[tilespmem:$0x1E0C0] =	vst v63  }
0x9c: {  	_ =	swait.ge [sflag:s28], $0x4000  }
0x9d: {  	[sflag:s28] =	ssyncset.done $0x0  }
.Ltmp2:
0x9e: {  	s6 =	sadd.s32 $0x1380, s1;
	[sflag:s28] =	ssyncadd.s32 $0xFFFFC000;
	(pc) =	sbr.rel @p2 .LBB2_6-.Ltmp2, $4  }
0x9f: {  	[spmem:s2] =	stream.indirect.scatter.add.f32 [tilespmem:s25], [sflag:$0x3], $0x80, s6, s24, $0xb8;
	[tilespmem:$0x1E0C0] =	vst v63  }
0xa0: {  	_ =	swait.ge [sflag:s21], $0x4000  }
0xa1: {  	[sflag:s21] =	ssyncset.done $0x0  }
0xa2: {  	s1 =	sadd.s32 $0x80, s1;
	[sflag:s21] =	ssyncadd.s32 $0xFFFFC000  }
0xa3: {  	[tilespmem:s25], [sflag:$0x2] =	stream.indirect.gather [hbm4b:s4+s24], $0x80, s1, s24, $0xb8;
	[tilespmem:$0x1E0C0] =	vst v63  }
0xa4: {  	_ =	swait.ge [sflag:s26], $0x4000  }
0xa5: {  	[sflag:s26] =	ssyncset.done $0x0  }
0xa6: {  	[sflag:s26] =	ssyncadd.s32 $0xFFFFC000  }
0xa7: {  	[spmem:s2] =	stream.indirect.scatter.add.f32 [tilespmem:s20], [sflag:$0x3], $0x80, s29, s24, $0xb8;
	[tilespmem:$0x1E0C0] =	vst v63  }
0xa8: {  	_ =	swait.ge [sflag:s21], $0x4000  }
0xa9: {  	[sflag:s21] =	ssyncset.done $0x0  }
0xaa: {  	[sflag:s21] =	ssyncadd.s32 $0xFFFFC000  }
0xab: {  	_ =	swait.ge [sflag:s28], $0x4000  }
0xac: {  	[sflag:s28] =	ssyncset.done $0x0  }
0xad: {  	[sflag:s28] =	ssyncadd.s32 $0xFFFFC000  }
0xae: {  	[spmem:s2] =	stream.indirect.scatter.add.f32 [tilespmem:s25], [sflag:$0x3], $0x80, s30, s24, $0xb8;
	[tilespmem:$0x1E0C0] =	vst v63  }
0xaf: {  	_ =	swait.ge [sflag:s21], $0x4000  }
0xb0: {  	s0 =	stileid.u32;
	[sflag:s21] =	ssyncset.done $0x0  }
0xb1: {  	s0 =	sshll.u32 s0, $0x6;
	[sflag:s21] =	ssyncadd.s32 $0xFFFFC000  }
0xb2: {  	s6 =	sshrl.u32 s10, $0x3;
	s0 =	sor.u32 $0x1C03, s0;
	[bflag:$0x0] =	sbarrier.arrive $0xFFFF  }
0xb3: {  	[hbm:s15], [sflag:s0] =	dma.local [spmem:s6], $0x800  }
0xb4: {  	_ =	swait.ge [sflag:s21], $0x800  }
0xb5: {  	[sflag:s21] =	ssyncset.done $0x0  }
0xb6: {  	s6 =	sshrl.u32 s11, $0x3;
	[sflag:s21] =	ssyncadd.s32 $0xFFFFF800  }
0xb7: {  	[hbm:s16], [sflag:s0] =	dma.local [spmem:s6], $0x800  }
0xb8: {  	_ =	swait.ge [sflag:s21], $0x800  }
0xb9: {  	[sflag:s21] =	ssyncset.done $0x0  }
0xba: {  	s6 =	sshrl.u32 s12, $0x3;
	[sflag:s21] =	ssyncadd.s32 $0xFFFFF800  }
0xbb: {  	[hbm:s17], [sflag:s0] =	dma.local [spmem:s6], $0x800  }
0xbc: {  	_ =	swait.ge [sflag:s21], $0x800  }
0xbd: {  	[sflag:s21] =	ssyncset.done $0x0  }
0xbe: {  	s6 =	sshrl.u32 s13, $0x3;
	[sflag:s21] =	ssyncadd.s32 $0xFFFFF800  }
0xbf: {  	[hbm:s18], [sflag:s0] =	dma.local [spmem:s6], $0x800  }
0xc0: {  	_ =	swait.ge [sflag:s21], $0x800  }
0xc1: {  	[sflag:s21] =	ssyncset.done $0x0  }
0xc2: {  	s1 =	sshrl.u32 @!p0 s14, $0x3;
	[sflag:s21] =	ssyncadd.s32 $0xFFFFF800  }
0xc3: {  	[hbm:s19], [sflag:s0] =	dma.local @!p0 [spmem:s1], $0x800  }
0xc4: {  	s0 =	simm.s32 @!p0 $0x3  }
0xc5: {  	s31 =	sadd.s32 $0x1, s31;
	_ =	swait.ge @!p0 [sflag:s0], $0x800  }
0xc6: {  	p2 =	sne.s32 s31, s9;
	[sflag:s0] =	ssyncset.done @!p0 $0x0  }
0xc7: {  	s1 =	simm.s32 @!p1 $0x1C03;
	[sflag:s0] =	ssyncadd.s32 @!p0 $0xFFFFF800;
	s0 =	sshrl.u32 @!p1 s5, $0x3  }
0xc8: {  	[hbm:s8], [sflag:s1] =	dma.local @!p1 [spmem:s0], $0x100  }
.Ltmp3:
0xc9: {  	_ = 	snop;
	(pc) =	sbr.rel @p2 .LBB2_1-.Ltmp3, $4  }
0xca: {  	s0 =	simm.s32 @!p1 $0x3  }
0xcb: {  	_ =	swait.ge @!p1 [sflag:s0], $0x100  }
0xcc: {  	[sflag:s0] =	ssyncset.done @!p1 $0x0  }
0xcd: {  	[sflag:s0] =	ssyncadd.s32 @!p1 $0xFFFFFF00  }
0xce: {  	_ =	sfence.sel $0x180000  }
0xcf: {  	[bflag:$0x0] =	sbarrier.arrive $0xFFFF  }
0xd0: {  	_ =	strace $0x9000004A  }
0xd1: {  	s0 =	stileid.u32;
	[bflag:$0x2] =	sbarrier.arrive $0xFFFF  }
0xd2: {  	p0 =	sne.s32 s0, $0x0;
	s0 =	rddreg [dreg:$0x2]  }
0xd3: {  	s0 =	sadd.s32 @!p0 $0x100000, s0  }
0xd4: {  	[sflag:s0] =	ssyncadd.tile.s32 @!p0 $0x1;
	_ =	shalt  }
.Lfunc_end2:
_tile_overlayer_lowered:
.L_overlay_start_2:
0xd5: {  	(tag) =	ssettag $0x2  }
0xd6: {  	s0 =	rddreg [dreg:$0x0];
	s2 =	stileid.u32  }
0xd7: {  	s1 =	rddreg [dreg:$0x1];
	p0 =	sne.s32 s2, $0x0  }
0xd8: {  	s3 =	rddreg [dreg:$0x2];
	[bflag:$0x3] =	sbarrier.arrive $0xFFFF;
	s2 =	simm.s32 @!p0 $0x1C03  }
0xd9: {  	[timem:s3], [sflag:s2] =	dma.local @!p0 [hbm:s0], s1  }
0xda: {  	s0 =	simm.s32 @!p0 $0x3  }
0xdb: {  	_ =	swait.ge @!p0 [sflag:s0], s1  }
0xdc: {  	s1 =	ssub.s32 @!p0 $0x0, s1;
	[sflag:s0] =	ssyncset.done @!p0 $0x0  }
0xdd: {  	[sflag:s0] =	ssyncadd.s32 @!p0 s1  }
0xde: {  	[bflag:$0x3] =	sbarrier.arrive $0xFFFF  }
0xdf: {  	_ =	shalt  }

// kernel: kernel.19.cloned.1.call-start
scs
__scs_entry_jumppad:
0x0: {  	(pc) =	sbr.rel $0x88, $3  }
0x1: {  	(tag) =	ssettag $0x0;
	lr =	simm.s32 $0x1  }
0x2: {  	[smem:$0x3F94] =	sst lr;
	_ =	strace $0xD0000000  }
0x3: {  	_ = 	snop  }
0x4: {  	_ = 	snop  }
0x5: {  	_ = 	snop  }
0x6: {  	_ = 	snop  }
0x7: {  	_ = 	snop  }
__scs_overlays_trampoline_lowered:
0x8: {  	[smem:$0x3FA3] =	sst s0  }
0x9: {  	[smem:$0x3FA4] =	sst s1  }
0xa: {  	[smem:$0x3FA5] =	sst s2  }
0xb: {  	[smem:$0x3FA6] =	sst s3  }
0xc: {  	[smem:$0x3FA7] =	sst s4  }
0xd: {  	[smem:$0x3FA8] =	sst s5  }
0xe: {  	[smem:$0x3FA9] =	sst s6  }
0xf: {  	[smem:$0x3FAA] =	sst s7  }
0x10: {  	[smem:$0x3FAB] =	sst s8  }
0x11: {  	[smem:$0x3FAC] =	sst s9;
	s0 =	simm.s32 @!p0 $0x0  }
0x12: {  	s1 =	sld [smem:$0x3F92];
	s0 =	simm.s32 @p0 $0x1  }
0x13: {  	[smem:$0x3FAD] =	sst s0;
	s0 =	simm.s32 @!p1 $0x0  }
0x14: {  	s2 =	sld [smem:$0x3F91];
	s0 =	simm.s32 @p1 $0x1  }
0x15: {  	[smem:$0x3FAE] =	sst s0;
	s0 =	simm.s32 @!p2 $0x0  }
0x16: {  	s3 =	sld [smem:$0x3FDB];
	s0 =	simm.s32 @p2 $0x1  }
0x17: {  	s4 =	simm.s32 $0x1BF5;
	[smem:$0x3FB0] =	sst s0  }
0x18: {  	s0 =	sld [smem:$0x3F93];
	_ =	swait.ge [sflag:s4], $0x0  }
0x19: {  	s7 =	sld [smem:$0x3F94]  }
0x1a: {  	s8 =	sadd.s32 $0xFFFFE003, lr  }
0x1b: {  	s9 =	sadd.s32 $0xFFFFFEF7, lr;
	s5 =	simm.s32 $0xFFFFFFFF;
	p2 =	slt.u32 s8, $0xFFFFF086  }
0x1c: {  	p1 =	slt.u32 s9, $0xF7A;
	s5 =	simm.s32 @!p2 $0x0  }
0x1d: {  	s5 =	simm.s32 @p1 $0x1;
	p0 =	seq.s32 s7, s2  }
0x1e: {  	s7 =	smul.u32 @!p0 $0xF7A, s2;
	p2 =	seq.s32 @!p0 s5, $0x0  }
0x1f: {  	s9 =	smul.u32 $0xF7A, s1;
	s8 =	simm.s32 @!p0 $0x1BF5;
	p2 =	por !p2, p0  }
0x20: {  	[sflag:s8] =	ssyncset.s32 @!p0 $0xFFFFF086;
	s6 =	sadd.s32 @!p0 s3, s7;
	s7 =	simm.s32 @!p0 $0x108  }
0x21: {  	s3 =	sadd.s32 s3, s9;
	s6 =	sadd.s32 @!p0 $0x88, s6;
	s7 =	simm.s32 @p2 $0x1082  }
0x22: {  	[simem:s7], [sflag:s8] =	dma.local @!p0 [hbm:s6], $0xF7A  }
0x23: {  	s9 =	sor.u32 $0xD0000000, s2;
	s6 =	simm.s32 $0x108;
	_ =	swait.ge @!p0 [sflag:s8], $0x0  }
0x24: {  	s3 =	sadd.s32 $0x88, s3;
	s6 =	simm.s32 @!p1 $0x1082;
	[sflag:s4] =	ssyncset.s32 $0xFFFFF086  }
0x25: {  	[simem:s6], [sflag:s4] =	dma.local [hbm:s3], $0xF7A  }
0x26: {  	[smem:$0x3F94] =	sst s1;
	(tag) =	ssettag s2;
	_ =	strace s9  }
0x27: {  	s1 =	sld [smem:$0x3FA4]  }
0x28: {  	s2 =	sld [smem:$0x3FA5]  }
0x29: {  	s4 =	sld [smem:$0x3FA7]  }
0x2a: {  	p0 =	seq.s32 s5, $0x0;
	s5 =	sld [smem:$0x3FA8]  }
0x2b: {  	s6 =	sld [smem:$0x3FA9]  }
0x2c: {  	s7 =	sld [smem:$0x3FAA]  }
0x2d: {  	s3 =	simm.s32 $0x108;
	s8 =	sld [smem:$0x3FAB]  }
0x2e: {  	s3 =	simm.s32 @!p0 $0x1082;
	s9 =	sld [smem:$0x3FAC]  }
0x2f: {  	lr =	sadd.s32 s0, s3;
	s0 =	sld [smem:$0x3FA3]  }
0x30: {  	s3 =	sld [smem:$0x3FA6]  }
0x31: {  	[smem:$0x3FAF] =	sst s10  }
0x32: {  	s10 =	sld [smem:$0x3FAD];
	_ =	sdelay $0x3  }
0x33: {  	p0 =	seq.s32 s10, $0x1;
	s10 =	sld [smem:$0x3FAF];
	_ =	sdelay $0x3  }
0x34: {  	[smem:$0x3FAF] =	sst s10  }
0x35: {  	s10 =	sld [smem:$0x3FAE];
	_ =	sdelay $0x3  }
0x36: {  	p1 =	seq.s32 s10, $0x1;
	s10 =	sld [smem:$0x3FAF];
	_ =	sdelay $0x3  }
0x37: {  	[smem:$0x3FAF] =	sst s10  }
0x38: {  	s10 =	sld [smem:$0x3FB0]  }
0x39: {  	_ = 	snop;
	(pc) =	sbr.ind lr, $3  }
0x3a: {  	_ = 	snop  }
0x3b: {  	_ = 	snop  }
0x3c: {  	p2 =	seq.s32 s10, $0x1;
	s10 =	sld [smem:$0x3FAF]  }
0x3d: {  	_ =	shalt  }
0x3e: {  	_ =	shalt  }
0x3f: {  	_ =	shalt  }
0x40: {  	_ =	shalt  }
0x41: {  	_ =	shalt  }
0x42: {  	_ =	shalt  }
0x43: {  	_ =	shalt  }
0x44: {  	_ =	shalt  }
0x45: {  	_ =	shalt  }
0x46: {  	_ =	shalt  }
0x47: {  	_ =	shalt  }
0x48: {  	_ =	shalt  }
0x49: {  	_ =	shalt  }
0x4a: {  	_ =	shalt  }
0x4b: {  	_ =	shalt  }
0x4c: {  	_ =	shalt  }
0x4d: {  	_ =	shalt  }
0x4e: {  	_ =	shalt  }
0x4f: {  	_ =	shalt  }
0x50: {  	_ =	shalt  }
0x51: {  	_ =	shalt  }
0x52: {  	_ =	shalt  }
0x53: {  	_ =	shalt  }
0x54: {  	_ =	shalt  }
0x55: {  	_ =	shalt  }
0x56: {  	_ =	shalt  }
0x57: {  	_ =	shalt  }
0x58: {  	_ =	shalt  }
0x59: {  	_ =	shalt  }
0x5a: {  	_ =	shalt  }
0x5b: {  	_ =	shalt  }
0x5c: {  	_ =	shalt  }
0x5d: {  	_ =	shalt  }
0x5e: {  	_ =	shalt  }
0x5f: {  	_ =	shalt  }
0x60: {  	_ =	shalt  }
0x61: {  	_ =	shalt  }
0x62: {  	_ =	shalt  }
0x63: {  	_ =	shalt  }
0x64: {  	_ =	shalt  }
0x65: {  	_ =	shalt  }
0x66: {  	_ =	shalt  }
0x67: {  	_ =	shalt  }
0x68: {  	_ =	shalt  }
0x69: {  	_ =	shalt  }
0x6a: {  	_ =	shalt  }
0x6b: {  	_ =	shalt  }
0x6c: {  	_ =	shalt  }
0x6d: {  	_ =	shalt  }
0x6e: {  	_ =	shalt  }
0x6f: {  	_ =	shalt  }
0x70: {  	_ =	shalt  }
0x71: {  	_ =	shalt  }
0x72: {  	_ =	shalt  }
0x73: {  	_ =	shalt  }
0x74: {  	_ =	shalt  }
0x75: {  	_ =	shalt  }
0x76: {  	_ =	shalt  }
0x77: {  	_ =	shalt  }
0x78: {  	_ =	shalt  }
0x79: {  	_ =	shalt  }
0x7a: {  	_ =	shalt  }
0x7b: {  	_ =	shalt  }
0x7c: {  	_ =	shalt  }
0x7d: {  	_ =	shalt  }
0x7e: {  	_ =	shalt  }
0x7f: {  	_ =	shalt  }
0x80: {  	_ =	shalt  }
0x81: {  	_ =	shalt  }
0x82: {  	_ =	shalt  }
0x83: {  	_ =	shalt  }
0x84: {  	_ =	shalt  }
0x85: {  	_ =	shalt  }
0x86: {  	_ =	shalt  }
0x87: {  	_ =	shalt  }
.Lfunc_end0:
.L_simem_size_0:
called_computation.2_lowered:
.L_overlay_start_0:
0x88: {  	s2 =	sld [smem:$0x3FD9]  }
0x89: {  	s3 =	sld [smem:$0x3FFE];
	_ =	sdelay $0x1  }
0x8a: {  	s1 =	srdreg.scid  }
0x8b: {  	s0 =	sand.u32 $0x1, s1  }
0x8c: {  	s16 =	sshll.u32 s0, $0xA;
	s2 =	sadd.s32 s3, s2  }
0x8d: {  	s2 =	sadd.s32 s2, s16  }
0x8e: {  	[smem:$0x3FBB] =	sst s2  }
0x8f: {  	_ = 	snop  }
0x90: {  	(tm) =	ssettm $0x1  }
0x91: {  	s17 =	sld [smem:$0x3FFB];
	_ =	sdelay $0x3  }
0x92: {  	_ =	strace s17  }
0x93: {  	s2 =	sld [smem:$0x3FFC];
	_ =	sdelay $0x3  }
0x94: {  	_ =	strace s2  }
0x95: {  	s2 =	sld [smem:$0x3FFD];
	_ =	sdelay $0x3  }
0x96: {  	_ =	strace s2  }
0x97: {  	_ =	strace $0x8FFFFFFF  }
0x98: {  	s18 =	sld [smem:$0x3FDB];
	_ =	sdelay $0x1  }
0x99: {  	s19 =	simm.s32 $_scs_section_size  }
0x9a: {  	s4 =	simm.s32 $_size__tile_overlayer_lowered;
	s5 =	simm.s32 $_tile_overlayer_lowered  }
0x9b: {  	s22 =	simm.s32 $0x1BFF;
	s21 =	sshll.u32 s5, $0x1;
	s2 =	sadd.s32 s19, s18  }
0x9c: {  	s6 =	simm.s32 $0x0;
	s20 =	sshll.u32 s4, $0x1;
	s4 =	sadd.s32 s21, s2  }
0x9d: {  	[timem:s6], [sflag:s22] =	dma.local [hbm:s4], s20  }
0x9e: {  	_ =	swait.ge [sflag:s22], s20  }
0x9f: {  	s3 =	ssub.s32 $0x0, s20;
	[sflag:s22] =	ssyncset.done $0x0  }
0xa0: {  	[sflag:s22] =	ssyncadd.s32 s3;
	_ =	sdelay $0x1  }
0xa1: {  	s23 =	simm.s32 $0x1B8B  }
0xa2: {  	_ =	swait.ge [sflag:s23], $0x1  }
0xa3: {  	[sflag:s23] =	ssyncset.done $0x0  }
0xa4: {  	s25 =	simm.s32 $0x1B8E;
	s24 =	sld [smem:$0x3FFE];
	[sflag:s23] =	ssyncadd.s32 $0xFFFFFFFF  }
0xa5: {  	s26 =	simm.s32 $execute0_lowered;
	[smem:$0x3FD2] =	sst s25  }
0xa6: {  	s4 =	sshll.u32 s26, $0x1;
	_ =	strace $0x8000004C;
	[dreg:$0x1] =	wrdreg $0xFFFFFFFF  }
0xa7: {  	s28 =	simm.s32 $_size_execute0_lowered;
	s2 =	sadd.s32 s2, s4;
	[dreg:$0x0] =	wrdreg $0x0  }
0xa8: {  	s4 =	sshll.u32 s28, $0x1;
	[dreg:$0x2] =	wrdreg s2  }
0xa9: {  	[dreg:$0x3] =	wrdreg s4  }
0xaa: {  	[dreg:$0x4] =	wrdreg $0xC0  }
0xab: {  	_ =	task [dreg:s6], $0x5FFFF  }
0xac: {  	[dreg:$0x1] =	wrdreg $0xFFFFFFFF  }
0xad: {  	[dreg:$0x0] =	wrdreg $0x60  }
0xae: {  	[dreg:$0x2] =	wrdreg s24  }
0xaf: {  	[dreg:$0x3] =	wrdreg $0xA8000  }
0xb0: {  	[dreg:$0x4] =	wrdreg $0x9  }
0xb1: {  	_ =	task.clear_ibuf [dreg:s6], $0x5FFFF;
	_ =	strace $0x9000004C  }
0xb2: {  	s29 =	simm.s32 $0x9;
	_ =	strace $0x8000004E  }
0xb3: {  	_ =	swait.ge [sflag:s29], $0x1  }
0xb4: {  	[sflag:s29] =	ssyncadd.s32 $0xFFFFFFFF  }
0xb5: {  	_ =	strace $0x9000004E  }
0xb6: {  	_ =	sfence  }
0xb7: {  	s30 =	sld [smem:$0x0];
	_ =	sdelay $0x2  }
0xb8: {  	s31 =	sshll.u32 s1, $0xD;
	s1 =	sshrl.u32 s1, $0x2  }
0xb9: {  	s3 =	sand.u32 $0x4000, s31;
	s1 =	sadd.s32 s1, s30  }
0xba: {  	s0 =	sor.u32 s3, s0;
	s1 =	sshll.u32 s1, $0x11  }
0xbb: {  	s0 =	sor.u32 s1, s0  }
0xbc: {  	s0 =	sadd.s32 $0x8F2B, s0  }
0xbd: {  	[sflag:s0] =	ssyncadd.remote.s32 $0x1  }
0xbe: {  	_ =	sfence.sel $0xFFFF  }
0xbf: {  	[dreg:$0x0] =	wrdreg $0xFFFFFFFF;
	(pc) =	sbr.abs _section_cstart, $3  }
0xc0: {  	[dreg:$0x1] =	wrdreg $0xFFFFFFFF  }
0xc1: {  	_ =	task.clear_ibuf [dreg:s6], $0x2FFFF;
	_ =	strace $0x9FFFFFFF  }
0xc2: {  	(tm) =	ssettm $0x7FFFFFFF  }
0xc3: {  	_ =	shalt  }
tec
execute0_lowered:
.L_overlay_start_1:
0x0: {  	(tag) =	ssettag $0x1  }
0x1: {  	s0 =	rddreg [dreg:$0x0]  }
0x2: {  	s2 =	rddreg [dreg:$0x1];
	s1 =	srdreg.scid  }
0x3: {  	s21 =	stileid.u32;
	s3 =	simm.s32 $0x0;
	s22 =	simm.s32 $0x1400  }
0x4: {  	s23 =	simm.s32 $0x50000;
	s28 =	simm.s32 $0x2;
	s29 =	simm.s32 $0x2700  }
0x5: {  	s30 =	simm.s32 $0x2780;
	s31 =	simm.s32 $0x0;
	s1 =	sand.u32 $0x1, s1  }
0x6: {  	s4 =	sshll.u32 s21, $0x1;
	[smem:$0x7FF] =	sst s3;
	s9 =	sadd.s32 $0x5800, s0  }
0x7: {  	s15 =	sshll.u32 s21, $0xE;
	s19 =	sor.u32 $0x40, s21;
	s5 =	sor.u32 s1, s4  }
0x8: {  	_ =	strace $0x8000004D;
	s4 =	sadd.s32 $0x19800, s0;
	s7 =	ssub.s32 $0x2, s1  }
0x9: {  	s1 =	smul.u32 $0x138800, s1;
	s0 =	sadd.s32 $0x67C00, s0;
	s16 =	sor.u32 $0x40000, s15  }
0xa: {  	s17 =	sor.u32 $0x80000, s15;
	s18 =	sor.u32 $0xC0000, s15;
	s6 =	smul.u32 $0x500, s5  }
0xb: {  	s20 =	sshll.u32 s19, $0xE;
	p0 =	sgt.u32 s19, $0x4D;
	s8 =	smul.u32 $0x2800, s5  }
0xc: {  	s24 =	sshrl.u32 s7, $0x1;
	s5 =	sadd.s32 $0x138000, s2;
	s11 =	sadd.s32 s16, s2  }
0xd: {  	s12 =	sadd.s32 s17, s2;
	s13 =	sadd.s32 s18, s2;
	s14 =	sadd.s32 s20, s2  }
0xe: {  	p1 =	sne.s32 @!p0 s21, $0x0;
	s21 =	simm.s32 $0x3;
	s10 =	ssub.s32 s7, s24  }
0xf: {  	s26 =	sshrl.u32 s1, $0x3;
	s16 =	sadd.s32 s1, s16;
	s17 =	sadd.s32 s1, s17  }
0x10: {  	s18 =	sadd.s32 s1, s18;
	p1 =	por p1, p0;
	s24 =	simm.s32 $0x80  }
0x11: {  	s6 =	sadd.s32 s9, s6;
	s25 =	sshrl.u32 s8, $0x3;
	s8 =	sadd.s32 s0, s26  }
0x12: {  	s16 =	sshrl.u32 s16, $0x3;
	s17 =	sshrl.u32 s17, $0x3;
	s18 =	sshrl.u32 s18, $0x3  }
0x13: {  	s26 =	simm.s32 $0x1;
	[dreg:$0x3] =	wrdreg s6;
	s7 =	sadd.s32 s9, s25  }
0x14: {  	s8 =	sadd.s32 $0x27000, s8;
	s9 =	smax.u32 s10, $0x1;
	s10 =	sadd.s32 s15, s2  }
0x15: {  	s15 =	sadd.s32 s1, s15;
	s16 =	sadd.s32 s0, s16;
	s17 =	sadd.s32 s0, s17  }
0x16: {  	s1 =	sadd.s32 s1, s20;
	s18 =	sadd.s32 s0, s18;
	s20 =	simm.s32 $0x2800  }
0x17: {  	s25 =	simm.s32 $0x6800;
	s15 =	sshrl.u32 s15, $0x3;
	s1 =	sshrl.u32 s1, $0x3  }
0x18: {  	v0 =	vimm.f32 $0.0e+00;
	s7 =	sadd.s32 $0x280, s7;
	s15 =	sadd.s32 s0, s15;
	s19 =	sadd.s32 s0, s1  }
.LBB2_1:
0x19: {  	s0 =	simm.s32 $0x0;
	s1 =	simm.s32 $0x200  }
.LBB2_2:
0x1a: {  	p2 =	sne.s32 s1, $0xFE00;
	[tilespmem:s0+$0x2870] =	vst v0  }
0x1b: {  	[tilespmem:s0+$0x2800] =	vst v0  }
0x1c: {  	[tilespmem:s0+$0x2810] =	vst v0  }
.Ltmp0:
0x1d: {  	[tilespmem:s0+$0x2820] =	vst v0;
	(pc) =	sbr.rel @p2 .LBB2_2-.Ltmp0, $4  }
0x1e: {  	[tilespmem:s0+$0x2830] =	vst v0  }
0x1f: {  	[tilespmem:s0+$0x2840] =	vst v0  }
0x20: {  	[tilespmem:s0+$0x2850] =	vst v0  }
0x21: {  	[tilespmem:s0+$0x2860] =	vst v0;
	s0 =	sshra.s32 s1, $0x2;
	s1 =	sadd.s32 $0x200, s1  }
0x22: {  	[tilespmem:s0+$0x2870] =	vst v0  }
0x23: {  	[tilespmem:s0+$0x2800] =	vst v0  }
0x24: {  	[tilespmem:s0+$0x2810] =	vst v0  }
0x25: {  	[tilespmem:s0+$0x2820] =	vst v0  }
0x26: {  	[tilespmem:s0+$0x2830] =	vst v0  }
0x27: {  	[tilespmem:s0+$0x2840] =	vst v0  }
0x28: {  	[tilespmem:s0+$0x2850] =	vst v0  }
0x29: {  	[tilespmem:s0+$0x2860] =	vst v0  }
0x2a: {  	[spmem:s10] =	stream.linear.scatter [tilespmem:s20], [sflag:$0x3], $0x4000, $0x38;
	[tilespmem:$0x1E0C0] =	vst v63  }
0x2b: {  	_ =	swait.ge [sflag:s21], $0x4000  }
0x2c: {  	[sflag:s21] =	ssyncset.done $0x0  }
0x2d: {  	[sflag:s21] =	ssyncadd.s32 $0xFFFFC000  }
0x2e: {  	[spmem:s11] =	stream.linear.scatter [tilespmem:s20], [sflag:$0x3], $0x4000, $0x38;
	[tilespmem:$0x1E0C0] =	vst v63  }
0x2f: {  	_ =	swait.ge [sflag:s21], $0x4000  }
0x30: {  	[sflag:s21] =	ssyncset.done $0x0  }
0x31: {  	[sflag:s21] =	ssyncadd.s32 $0xFFFFC000  }
0x32: {  	[spmem:s12] =	stream.linear.scatter [tilespmem:s20], [sflag:$0x3], $0x4000, $0x38;
	[tilespmem:$0x1E0C0] =	vst v63  }
0x33: {  	_ =	swait.ge [sflag:s21], $0x4000  }
0x34: {  	[sflag:s21] =	ssyncset.done $0x0  }
0x35: {  	[sflag:s21] =	ssyncadd.s32 $0xFFFFC000  }
0x36: {  	[spmem:s13] =	stream.linear.scatter [tilespmem:s20], [sflag:$0x3], $0x4000, $0x38;
	[tilespmem:$0x1E0C0] =	vst v63  }
0x37: {  	_ =	swait.ge [sflag:s21], $0x4000  }
0x38: {  	[sflag:s21] =	ssyncset.done $0x0  }
0x39: {  	s0 =	simm.s32 @!p0 $0x2800;
	[sflag:s21] =	ssyncadd.s32 $0xFFFFC000  }
0x3a: {  	[spmem:s14] =	stream.linear.scatter @!p0 [tilespmem:s0], [sflag:$0x3], $0x4000, $0x38;
	[tilespmem:$0x1E0C0] =	vst v63  }
0x3b: {  	s0 =	simm.s32 @!p0 $0x3  }
0x3c: {  	_ =	swait.ge @!p0 [sflag:s0], $0x4000  }
0x3d: {  	[sflag:s0] =	ssyncset.done @!p0 $0x0  }
0x3e: {  	[sflag:s0] =	ssyncadd.s32 @!p0 $0xFFFFC000;
	s0 =	simm.s32 @!p1 $0x2800  }
0x3f: {  	[spmem:s5] =	stream.linear.scatter @!p1 [tilespmem:s0], [sflag:$0x3], $0xC00, $0x38;
	[tilespmem:$0x1E0C0] =	vst v63  }
0x40: {  	s0 =	simm.s32 @!p1 $0x3  }
0x41: {  	_ =	swait.ge @!p1 [sflag:s0], $0xC00  }
0x42: {  	[sflag:s0] =	ssyncset.done @!p1 $0x0  }
0x43: {  	[sflag:s0] =	ssyncadd.s32 @!p1 $0xFFFFF400  }
0x44: {  	[bflag:$0x0] =	sbarrier.arrive $0xFFFF  }
0x45: {  	s1 =	rddreg [dreg:$0x3]  }
0x46: {  	[tilespmem:s3], [sflag:$0x3] =	stream.strided.gather [hbm4b:s1+s22], $0x2800, s23, s22, $0x38;
	[tilespmem:$0x1E0C0] =	vst v63  }
0x47: {  	_ =	swait.ge [sflag:s21], $0x2800  }
0x48: {  	[sflag:s21] =	ssyncset.done $0x0  }
0x49: {  	[sflag:s21] =	ssyncadd.s32 $0xFFFFD800  }
0x4a: {  	[tilespmem:s20], [sflag:$0x1] =	stream.indirect.gather [hbm4b:s4+s24], $0x80, s3, s24, $0xb8;
	[tilespmem:$0x1E0C0] =	vst v63  }
0x4b: {  	_ = 	snop  }
0x4c: {  	[tilespmem:s25], [sflag:$0x2] =	stream.indirect.gather [hbm4b:s4+s24], $0x80, s24, s24, $0xb8;
	[tilespmem:$0x1E0C0] =	vst v63  }
0x4d: {  	_ =	swait.ge [sflag:s26], $0x4000  }
0x4e: {  	[sflag:s26] =	ssyncset.done $0x0  }
0x4f: {  	s6 =	simm.s32 $0x1400;
	[sflag:s26] =	ssyncadd.s32 $0xFFFFC000  }
0x50: {  	[spmem:s2] =	stream.indirect.scatter.add.f32 [tilespmem:s20], [sflag:$0x3], $0x80, s6, s24, $0xb8;
	[tilespmem:$0x1E0C0] =	vst v63  }
0x51: {  	_ =	swait.ge [sflag:s21], $0x4000  }
0x52: {  	[sflag:s21] =	ssyncset.done $0x0  }
0x53: {  	s1 =	simm.s32 $0x100;
	[sflag:s21] =	ssyncadd.s32 $0xFFFFC000  }
0x54: {  	[tilespmem:s20], [sflag:$0x1] =	stream.indirect.gather [hbm4b:s4+s24], $0x80, s1, s24, $0xb8;
	[tilespmem:$0x1E0C0] =	vst v63  }
0x55: {  	_ =	swait.ge [sflag:s28], $0x4000  }
0x56: {  	[sflag:s28] =	ssyncset.done $0x0  }
0x57: {  	s6 =	simm.s32 $0x1480;
	[sflag:s28] =	ssyncadd.s32 $0xFFFFC000  }
0x58: {  	[spmem:s2] =	stream.indirect.scatter.add.f32 [tilespmem:s25], [sflag:$0x3], $0x80, s6, s24, $0xb8;
	[tilespmem:$0x1E0C0] =	vst v63  }
0x59: {  	_ =	swait.ge [sflag:s21], $0x4000  }
0x5a: {  	[sflag:s21] =	ssyncset.done $0x0  }
0x5b: {  	s0 =	simm.s32 $0x800;
	s1 =	simm.s32 $0x180;
	[sflag:s21] =	ssyncadd.s32 $0xFFFFC000  }
.LBB2_4:
0x5c: {  	[tilespmem:s25], [sflag:$0x2] =	stream.indirect.gather [hbm4b:s4+s24], $0x80, s1, s24, $0xb8;
	[tilespmem:$0x1E0C0] =	vst v63  }
0x5d: {  	s1 =	smov.u32 s0  }
0x5e: {  	p2 =	sne.s32 s0, $0x4C00;
	s0 =	sadd.s32 $0x400, s0;
	_ =	swait.ge [sflag:s26], $0x4000  }
0x5f: {  	s1 =	sshra.s32 s1, $0x2;
	[sflag:s26] =	ssyncset.done $0x0  }
0x60: {  	s6 =	sadd.s32 $0x1300, s1;
	[sflag:s26] =	ssyncadd.s32 $0xFFFFC000  }
0x61: {  	[spmem:s2] =	stream.indirect.scatter.add.f32 [tilespmem:s20], [sflag:$0x3], $0x80, s6, s24, $0xb8;
	[tilespmem:$0x1E0C0] =	vst v63  }
0x62: {  	_ =	swait.ge [sflag:s21], $0x4000  }
0x63: {  	[sflag:s21] =	ssyncset.done $0x0  }
0x64: {  	[sflag:s21] =	ssyncadd.s32 $0xFFFFC000  }
0x65: {  	[tilespmem:s20], [sflag:$0x1] =	stream.indirect.gather [hbm4b:s4+s24], $0x80, s1, s24, $0xb8;
	[tilespmem:$0x1E0C0] =	vst v63  }
0x66: {  	_ =	swait.ge [sflag:s28], $0x4000  }
0x67: {  	[sflag:s28] =	ssyncset.done $0x0  }
.Ltmp1:
0x68: {  	s6 =	sadd.s32 $0x1380, s1;
	[sflag:s28] =	ssyncadd.s32 $0xFFFFC000;
	(pc) =	sbr.rel @p2 .LBB2_4-.Ltmp1, $4  }
0x69: {  	[spmem:s2] =	stream.indirect.scatter.add.f32 [tilespmem:s25], [sflag:$0x3], $0x80, s6, s24, $0xb8;
	[tilespmem:$0x1E0C0] =	vst v63  }
0x6a: {  	_ =	swait.ge [sflag:s21], $0x4000  }
0x6b: {  	[sflag:s21] =	ssyncset.done $0x0  }
0x6c: {  	s1 =	sadd.s32 $0x80, s1;
	[sflag:s21] =	ssyncadd.s32 $0xFFFFC000  }
0x6d: {  	[tilespmem:s25], [sflag:$0x2] =	stream.indirect.gather [hbm4b:s4+s24], $0x80, s1, s24, $0xb8;
	[tilespmem:$0x1E0C0] =	vst v63  }
0x6e: {  	_ =	swait.ge [sflag:s26], $0x4000  }
0x6f: {  	[sflag:s26] =	ssyncset.done $0x0  }
0x70: {  	[sflag:s26] =	ssyncadd.s32 $0xFFFFC000  }
0x71: {  	[spmem:s2] =	stream.indirect.scatter.add.f32 [tilespmem:s20], [sflag:$0x3], $0x80, s29, s24, $0xb8;
	[tilespmem:$0x1E0C0] =	vst v63  }
0x72: {  	_ =	swait.ge [sflag:s21], $0x4000  }
0x73: {  	[sflag:s21] =	ssyncset.done $0x0  }
0x74: {  	[sflag:s21] =	ssyncadd.s32 $0xFFFFC000  }
0x75: {  	_ =	swait.ge [sflag:s28], $0x4000  }
0x76: {  	[sflag:s28] =	ssyncset.done $0x0  }
0x77: {  	[sflag:s28] =	ssyncadd.s32 $0xFFFFC000  }
0x78: {  	[spmem:s2] =	stream.indirect.scatter.add.f32 [tilespmem:s25], [sflag:$0x3], $0x80, s30, s24, $0xb8;
	[tilespmem:$0x1E0C0] =	vst v63  }
0x79: {  	_ =	swait.ge [sflag:s21], $0x4000  }
0x7a: {  	[sflag:s21] =	ssyncset.done $0x0  }
0x7b: {  	[sflag:s21] =	ssyncadd.s32 $0xFFFFC000  }
0x7c: {  	[tilespmem:s3], [sflag:$0x3] =	stream.strided.gather [hbm4b:s7+s22], $0x2800, s23, s22, $0x38;
	[tilespmem:$0x1E0C0] =	vst v63  }
0x7d: {  	_ =	swait.ge [sflag:s21], $0x2800  }
0x7e: {  	[sflag:s21] =	ssyncset.done $0x0  }
0x7f: {  	[sflag:s21] =	ssyncadd.s32 $0xFFFFD800  }
0x80: {  	[tilespmem:s20], [sflag:$0x1] =	stream.indirect.gather [hbm4b:s4+s24], $0x80, s3, s24, $0xb8;
	[tilespmem:$0x1E0C0] =	vst v63  }
0x81: {  	_ = 	snop  }
0x82: {  	[tilespmem:s25], [sflag:$0x2] =	stream.indirect.gather [hbm4b:s4+s24], $0x80, s24, s24, $0xb8;
	[tilespmem:$0x1E0C0] =	vst v63  }
0x83: {  	_ =	swait.ge [sflag:s26], $0x4000  }
0x84: {  	[sflag:s26] =	ssyncset.done $0x0  }
0x85: {  	s0 =	simm.s32 $0x1400;
	[sflag:s26] =	ssyncadd.s32 $0xFFFFC000  }
0x86: {  	[spmem:s2] =	stream.indirect.scatter.add.f32 [tilespmem:s20], [sflag:$0x3], $0x80, s0, s24, $0xb8;
	[tilespmem:$0x1E0C0] =	vst v63  }
0x87: {  	_ =	swait.ge [sflag:s21], $0x4000  }
0x88: {  	[sflag:s21] =	ssyncset.done $0x0  }
0x89: {  	s1 =	simm.s32 $0x100;
	[sflag:s21] =	ssyncadd.s32 $0xFFFFC000  }
0x8a: {  	[tilespmem:s20], [sflag:$0x1] =	stream.indirect.gather [hbm4b:s4+s24], $0x80, s1, s24, $0xb8;
	[tilespmem:$0x1E0C0] =	vst v63  }
0x8b: {  	_ =	swait.ge [sflag:s28], $0x4000  }
0x8c: {  	[sflag:s28] =	ssyncset.done $0x0  }
0x8d: {  	s6 =	simm.s32 $0x1480;
	[sflag:s28] =	ssyncadd.s32 $0xFFFFC000  }
0x8e: {  	[spmem:s2] =	stream.indirect.scatter.add.f32 [tilespmem:s25], [sflag:$0x3], $0x80, s6, s24, $0xb8;
	[tilespmem:$0x1E0C0] =	vst v63  }
0x8f: {  	_ =	swait.ge [sflag:s21], $0x4000  }
0x90: {  	[sflag:s21] =	ssyncset.done $0x0  }
0x91: {  	s0 =	simm.s32 $0x800;
	s1 =	simm.s32 $0x180;
	[sflag:s21] =	ssyncadd.s32 $0xFFFFC000  }
.LBB2_6:
0x92: {  	[tilespmem:s25], [sflag:$0x2] =	stream.indirect.gather [hbm4b:s4+s24], $0x80, s1, s24, $0xb8;
	[tilespmem:$0x1E0C0] =	vst v63  }
0x93: {  	s1 =	smov.u32 s0  }
0x94: {  	p2 =	sne.s32 s0, $0x4C00;
	s0 =	sadd.s32 $0x400, s0;
	_ =	swait.ge [sflag:s26], $0x4000  }
0x95: {  	s1 =	sshra.s32 s1, $0x2;
	[sflag:s26] =	ssyncset.done $0x0  }
0x96: {  	s6 =	sadd.s32 $0x1300, s1;
	[sflag:s26] =	ssyncadd.s32 $0xFFFFC000  }
0x97: {  	[spmem:s2] =	stream.indirect.scatter.add.f32 [tilespmem:s20], [sflag:$0x3], $0x80, s6, s24, $0xb8;
	[tilespmem:$0x1E0C0] =	vst v63  }
0x98: {  	_ =	swait.ge [sflag:s21], $0x4000  }
0x99: {  	[sflag:s21] =	ssyncset.done $0x0  }
0x9a: {  	[sflag:s21] =	ssyncadd.s32 $0xFFFFC000  }
0x9b: {  	[tilespmem:s20], [sflag:$0x1] =	stream.indirect.gather [hbm4b:s4+s24], $0x80, s1, s24, $0xb8;
	[tilespmem:$0x1E0C0] =	vst v63  }
0x9c: {  	_ =	swait.ge [sflag:s28], $0x4000  }
0x9d: {  	[sflag:s28] =	ssyncset.done $0x0  }
.Ltmp2:
0x9e: {  	s6 =	sadd.s32 $0x1380, s1;
	[sflag:s28] =	ssyncadd.s32 $0xFFFFC000;
	(pc) =	sbr.rel @p2 .LBB2_6-.Ltmp2, $4  }
0x9f: {  	[spmem:s2] =	stream.indirect.scatter.add.f32 [tilespmem:s25], [sflag:$0x3], $0x80, s6, s24, $0xb8;
	[tilespmem:$0x1E0C0] =	vst v63  }
0xa0: {  	_ =	swait.ge [sflag:s21], $0x4000  }
0xa1: {  	[sflag:s21] =	ssyncset.done $0x0  }
0xa2: {  	s1 =	sadd.s32 $0x80, s1;
	[sflag:s21] =	ssyncadd.s32 $0xFFFFC000  }
0xa3: {  	[tilespmem:s25], [sflag:$0x2] =	stream.indirect.gather [hbm4b:s4+s24], $0x80, s1, s24, $0xb8;
	[tilespmem:$0x1E0C0] =	vst v63  }
0xa4: {  	_ =	swait.ge [sflag:s26], $0x4000  }
0xa5: {  	[sflag:s26] =	ssyncset.done $0x0  }
0xa6: {  	[sflag:s26] =	ssyncadd.s32 $0xFFFFC000  }
0xa7: {  	[spmem:s2] =	stream.indirect.scatter.add.f32 [tilespmem:s20], [sflag:$0x3], $0x80, s29, s24, $0xb8;
	[tilespmem:$0x1E0C0] =	vst v63  }
0xa8: {  	_ =	swait.ge [sflag:s21], $0x4000  }
0xa9: {  	[sflag:s21] =	ssyncset.done $0x0  }
0xaa: {  	[sflag:s21] =	ssyncadd.s32 $0xFFFFC000  }
0xab: {  	_ =	swait.ge [sflag:s28], $0x4000  }
0xac: {  	[sflag:s28] =	ssyncset.done $0x0  }
0xad: {  	[sflag:s28] =	ssyncadd.s32 $0xFFFFC000  }
0xae: {  	[spmem:s2] =	stream.indirect.scatter.add.f32 [tilespmem:s25], [sflag:$0x3], $0x80, s30, s24, $0xb8;
	[tilespmem:$0x1E0C0] =	vst v63  }
0xaf: {  	_ =	swait.ge [sflag:s21], $0x4000  }
0xb0: {  	s0 =	stileid.u32;
	[sflag:s21] =	ssyncset.done $0x0  }
0xb1: {  	s0 =	sshll.u32 s0, $0x6;
	[sflag:s21] =	ssyncadd.s32 $0xFFFFC000  }
0xb2: {  	s6 =	sshrl.u32 s10, $0x3;
	s0 =	sor.u32 $0x1C03, s0;
	[bflag:$0x0] =	sbarrier.arrive $0xFFFF  }
0xb3: {  	[hbm:s15], [sflag:s0] =	dma.local [spmem:s6], $0x800  }
0xb4: {  	_ =	swait.ge [sflag:s21], $0x800  }
0xb5: {  	[sflag:s21] =	ssyncset.done $0x0  }
0xb6: {  	s6 =	sshrl.u32 s11, $0x3;
	[sflag:s21] =	ssyncadd.s32 $0xFFFFF800  }
0xb7: {  	[hbm:s16], [sflag:s0] =	dma.local [spmem:s6], $0x800  }
0xb8: {  	_ =	swait.ge [sflag:s21], $0x800  }
0xb9: {  	[sflag:s21] =	ssyncset.done $0x0  }
0xba: {  	s6 =	sshrl.u32 s12, $0x3;
	[sflag:s21] =	ssyncadd.s32 $0xFFFFF800  }
0xbb: {  	[hbm:s17], [sflag:s0] =	dma.local [spmem:s6], $0x800  }
0xbc: {  	_ =	swait.ge [sflag:s21], $0x800  }
0xbd: {  	[sflag:s21] =	ssyncset.done $0x0  }
0xbe: {  	s6 =	sshrl.u32 s13, $0x3;
	[sflag:s21] =	ssyncadd.s32 $0xFFFFF800  }
0xbf: {  	[hbm:s18], [sflag:s0] =	dma.local [spmem:s6], $0x800  }
0xc0: {  	_ =	swait.ge [sflag:s21], $0x800  }
0xc1: {  	[sflag:s21] =	ssyncset.done $0x0  }
0xc2: {  	s1 =	sshrl.u32 @!p0 s14, $0x3;
	[sflag:s21] =	ssyncadd.s32 $0xFFFFF800  }
0xc3: {  	[hbm:s19], [sflag:s0] =	dma.local @!p0 [spmem:s1], $0x800  }
0xc4: {  	s0 =	simm.s32 @!p0 $0x3  }
0xc5: {  	s31 =	sadd.s32 $0x1, s31;
	_ =	swait.ge @!p0 [sflag:s0], $0x800  }
0xc6: {  	p2 =	sne.s32 s31, s9;
	[sflag:s0] =	ssyncset.done @!p0 $0x0  }
0xc7: {  	s1 =	simm.s32 @!p1 $0x1C03;
	[sflag:s0] =	ssyncadd.s32 @!p0 $0xFFFFF800;
	s0 =	sshrl.u32 @!p1 s5, $0x3  }
0xc8: {  	[hbm:s8], [sflag:s1] =	dma.local @!p1 [spmem:s0], $0x100  }
.Ltmp3:
0xc9: {  	_ = 	snop;
	(pc) =	sbr.rel @p2 .LBB2_1-.Ltmp3, $4  }
0xca: {  	s0 =	simm.s32 @!p1 $0x3  }
0xcb: {  	_ =	swait.ge @!p1 [sflag:s0], $0x100  }
0xcc: {  	[sflag:s0] =	ssyncset.done @!p1 $0x0  }
0xcd: {  	[sflag:s0] =	ssyncadd.s32 @!p1 $0xFFFFFF00  }
0xce: {  	_ =	sfence.sel $0x180000  }
0xcf: {  	[bflag:$0x0] =	sbarrier.arrive $0xFFFF  }
0xd0: {  	_ =	strace $0x9000004D  }
0xd1: {  	s0 =	stileid.u32;
	[bflag:$0x2] =	sbarrier.arrive $0xFFFF  }
0xd2: {  	p0 =	sne.s32 s0, $0x0;
	s0 =	rddreg [dreg:$0x2]  }
0xd3: {  	s0 =	sadd.s32 @!p0 $0x100000, s0  }
0xd4: {  	[sflag:s0] =	ssyncadd.tile.s32 @!p0 $0x1;
	_ =	shalt  }
.Lfunc_end2:
_tile_overlayer_lowered:
.L_overlay_start_2:
0xd5: {  	(tag) =	ssettag $0x2  }
0xd6: {  	s0 =	rddreg [dreg:$0x0];
	s2 =	stileid.u32  }
0xd7: {  	s1 =	rddreg [dreg:$0x1];
	p0 =	sne.s32 s2, $0x0  }
0xd8: {  	s3 =	rddreg [dreg:$0x2];
	[bflag:$0x3] =	sbarrier.arrive $0xFFFF;
	s2 =	simm.s32 @!p0 $0x1C03  }
0xd9: {  	[timem:s3], [sflag:s2] =	dma.local @!p0 [hbm:s0], s1  }
0xda: {  	s0 =	simm.s32 @!p0 $0x3  }
0xdb: {  	_ =	swait.ge @!p0 [sflag:s0], s1  }
0xdc: {  	s1 =	ssub.s32 @!p0 $0x0, s1;
	[sflag:s0] =	ssyncset.done @!p0 $0x0  }
0xdd: {  	[sflag:s0] =	ssyncadd.s32 @!p0 s1  }
0xde: {  	[bflag:$0x3] =	sbarrier.arrive $0xFFFF  }
0xdf: {  	_ =	shalt  }

// kernel: kernel.22.cloned.1.call-start
scs
__scs_entry_jumppad:
0x0: {  	(pc) =	sbr.rel $0x88, $3  }
0x1: {  	(tag) =	ssettag $0x0;
	lr =	simm.s32 $0x1  }
0x2: {  	[smem:$0x3F94] =	sst lr;
	_ =	strace $0xD0000000  }
0x3: {  	_ = 	snop  }
0x4: {  	_ = 	snop  }
0x5: {  	_ = 	snop  }
0x6: {  	_ = 	snop  }
0x7: {  	_ = 	snop  }
__scs_overlays_trampoline_lowered:
0x8: {  	[smem:$0x3FA3] =	sst s0  }
0x9: {  	[smem:$0x3FA4] =	sst s1  }
0xa: {  	[smem:$0x3FA5] =	sst s2  }
0xb: {  	[smem:$0x3FA6] =	sst s3  }
0xc: {  	[smem:$0x3FA7] =	sst s4  }
0xd: {  	[smem:$0x3FA8] =	sst s5  }
0xe: {  	[smem:$0x3FA9] =	sst s6  }
0xf: {  	[smem:$0x3FAA] =	sst s7  }
0x10: {  	[smem:$0x3FAB] =	sst s8  }
0x11: {  	[smem:$0x3FAC] =	sst s9;
	s0 =	simm.s32 @!p0 $0x0  }
0x12: {  	s1 =	sld [smem:$0x3F92];
	s0 =	simm.s32 @p0 $0x1  }
0x13: {  	[smem:$0x3FAD] =	sst s0;
	s0 =	simm.s32 @!p1 $0x0  }
0x14: {  	s2 =	sld [smem:$0x3F91];
	s0 =	simm.s32 @p1 $0x1  }
0x15: {  	[smem:$0x3FAE] =	sst s0;
	s0 =	simm.s32 @!p2 $0x0  }
0x16: {  	s3 =	sld [smem:$0x3FDB];
	s0 =	simm.s32 @p2 $0x1  }
0x17: {  	s4 =	simm.s32 $0x1BF5;
	[smem:$0x3FB0] =	sst s0  }
0x18: {  	s0 =	sld [smem:$0x3F93];
	_ =	swait.ge [sflag:s4], $0x0  }
0x19: {  	s7 =	sld [smem:$0x3F94]  }
0x1a: {  	s8 =	sadd.s32 $0xFFFFE003, lr  }
0x1b: {  	s9 =	sadd.s32 $0xFFFFFEF7, lr;
	s5 =	simm.s32 $0xFFFFFFFF;
	p2 =	slt.u32 s8, $0xFFFFF086  }
0x1c: {  	p1 =	slt.u32 s9, $0xF7A;
	s5 =	simm.s32 @!p2 $0x0  }
0x1d: {  	s5 =	simm.s32 @p1 $0x1;
	p0 =	seq.s32 s7, s2  }
0x1e: {  	s7 =	smul.u32 @!p0 $0xF7A, s2;
	p2 =	seq.s32 @!p0 s5, $0x0  }
0x1f: {  	s9 =	smul.u32 $0xF7A, s1;
	s8 =	simm.s32 @!p0 $0x1BF5;
	p2 =	por !p2, p0  }
0x20: {  	[sflag:s8] =	ssyncset.s32 @!p0 $0xFFFFF086;
	s6 =	sadd.s32 @!p0 s3, s7;
	s7 =	simm.s32 @!p0 $0x108  }
0x21: {  	s3 =	sadd.s32 s3, s9;
	s6 =	sadd.s32 @!p0 $0x88, s6;
	s7 =	simm.s32 @p2 $0x1082  }
0x22: {  	[simem:s7], [sflag:s8] =	dma.local @!p0 [hbm:s6], $0xF7A  }
0x23: {  	s9 =	sor.u32 $0xD0000000, s2;
	s6 =	simm.s32 $0x108;
	_ =	swait.ge @!p0 [sflag:s8], $0x0  }
0x24: {  	s3 =	sadd.s32 $0x88, s3;
	s6 =	simm.s32 @!p1 $0x1082;
	[sflag:s4] =	ssyncset.s32 $0xFFFFF086  }
0x25: {  	[simem:s6], [sflag:s4] =	dma.local [hbm:s3], $0xF7A  }
0x26: {  	[smem:$0x3F94] =	sst s1;
	(tag) =	ssettag s2;
	_ =	strace s9  }
0x27: {  	s1 =	sld [smem:$0x3FA4]  }
0x28: {  	s2 =	sld [smem:$0x3FA5]  }
0x29: {  	s4 =	sld [smem:$0x3FA7]  }
0x2a: {  	p0 =	seq.s32 s5, $0x0;
	s5 =	sld [smem:$0x3FA8]  }
0x2b: {  	s6 =	sld [smem:$0x3FA9]  }
0x2c: {  	s7 =	sld [smem:$0x3FAA]  }
0x2d: {  	s3 =	simm.s32 $0x108;
	s8 =	sld [smem:$0x3FAB]  }
0x2e: {  	s3 =	simm.s32 @!p0 $0x1082;
	s9 =	sld [smem:$0x3FAC]  }
0x2f: {  	lr =	sadd.s32 s0, s3;
	s0 =	sld [smem:$0x3FA3]  }
0x30: {  	s3 =	sld [smem:$0x3FA6]  }
0x31: {  	[smem:$0x3FAF] =	sst s10  }
0x32: {  	s10 =	sld [smem:$0x3FAD];
	_ =	sdelay $0x3  }
0x33: {  	p0 =	seq.s32 s10, $0x1;
	s10 =	sld [smem:$0x3FAF];
	_ =	sdelay $0x3  }
0x34: {  	[smem:$0x3FAF] =	sst s10  }
0x35: {  	s10 =	sld [smem:$0x3FAE];
	_ =	sdelay $0x3  }
0x36: {  	p1 =	seq.s32 s10, $0x1;
	s10 =	sld [smem:$0x3FAF];
	_ =	sdelay $0x3  }
0x37: {  	[smem:$0x3FAF] =	sst s10  }
0x38: {  	s10 =	sld [smem:$0x3FB0]  }
0x39: {  	_ = 	snop;
	(pc) =	sbr.ind lr, $3  }
0x3a: {  	_ = 	snop  }
0x3b: {  	_ = 	snop  }
0x3c: {  	p2 =	seq.s32 s10, $0x1;
	s10 =	sld [smem:$0x3FAF]  }
0x3d: {  	_ =	shalt  }
0x3e: {  	_ =	shalt  }
0x3f: {  	_ =	shalt  }
0x40: {  	_ =	shalt  }
0x41: {  	_ =	shalt  }
0x42: {  	_ =	shalt  }
0x43: {  	_ =	shalt  }
0x44: {  	_ =	shalt  }
0x45: {  	_ =	shalt  }
0x46: {  	_ =	shalt  }
0x47: {  	_ =	shalt  }
0x48: {  	_ =	shalt  }
0x49: {  	_ =	shalt  }
0x4a: {  	_ =	shalt  }
0x4b: {  	_ =	shalt  }
0x4c: {  	_ =	shalt  }
0x4d: {  	_ =	shalt  }
0x4e: {  	_ =	shalt  }
0x4f: {  	_ =	shalt  }
0x50: {  	_ =	shalt  }
0x51: {  	_ =	shalt  }
0x52: {  	_ =	shalt  }
0x53: {  	_ =	shalt  }
0x54: {  	_ =	shalt  }
0x55: {  	_ =	shalt  }
0x56: {  	_ =	shalt  }
0x57: {  	_ =	shalt  }
0x58: {  	_ =	shalt  }
0x59: {  	_ =	shalt  }
0x5a: {  	_ =	shalt  }
0x5b: {  	_ =	shalt  }
0x5c: {  	_ =	shalt  }
0x5d: {  	_ =	shalt  }
0x5e: {  	_ =	shalt  }
0x5f: {  	_ =	shalt  }
0x60: {  	_ =	shalt  }
0x61: {  	_ =	shalt  }
0x62: {  	_ =	shalt  }
0x63: {  	_ =	shalt  }
0x64: {  	_ =	shalt  }
0x65: {  	_ =	shalt  }
0x66: {  	_ =	shalt  }
0x67: {  	_ =	shalt  }
0x68: {  	_ =	shalt  }
0x69: {  	_ =	shalt  }
0x6a: {  	_ =	shalt  }
0x6b: {  	_ =	shalt  }
0x6c: {  	_ =	shalt  }
0x6d: {  	_ =	shalt  }
0x6e: {  	_ =	shalt  }
0x6f: {  	_ =	shalt  }
0x70: {  	_ =	shalt  }
0x71: {  	_ =	shalt  }
0x72: {  	_ =	shalt  }
0x73: {  	_ =	shalt  }
0x74: {  	_ =	shalt  }
0x75: {  	_ =	shalt  }
0x76: {  	_ =	shalt  }
0x77: {  	_ =	shalt  }
0x78: {  	_ =	shalt  }
0x79: {  	_ =	shalt  }
0x7a: {  	_ =	shalt  }
0x7b: {  	_ =	shalt  }
0x7c: {  	_ =	shalt  }
0x7d: {  	_ =	shalt  }
0x7e: {  	_ =	shalt  }
0x7f: {  	_ =	shalt  }
0x80: {  	_ =	shalt  }
0x81: {  	_ =	shalt  }
0x82: {  	_ =	shalt  }
0x83: {  	_ =	shalt  }
0x84: {  	_ =	shalt  }
0x85: {  	_ =	shalt  }
0x86: {  	_ =	shalt  }
0x87: {  	_ =	shalt  }
.Lfunc_end0:
.L_simem_size_0:
called_computation.3_lowered:
.L_overlay_start_0:
0x88: {  	s2 =	sld [smem:$0x3FD9]  }
0x89: {  	s3 =	sld [smem:$0x3FFE];
	_ =	sdelay $0x1  }
0x8a: {  	s1 =	srdreg.scid  }
0x8b: {  	s0 =	sand.u32 $0x1, s1  }
0x8c: {  	s16 =	sshll.u32 s0, $0xA;
	s2 =	sadd.s32 s3, s2  }
0x8d: {  	s2 =	sadd.s32 s2, s16  }
0x8e: {  	[smem:$0x3FBB] =	sst s2  }
0x8f: {  	_ = 	snop  }
0x90: {  	(tm) =	ssettm $0x1  }
0x91: {  	s17 =	sld [smem:$0x3FFB];
	_ =	sdelay $0x3  }
0x92: {  	_ =	strace s17  }
0x93: {  	s2 =	sld [smem:$0x3FFC];
	_ =	sdelay $0x3  }
0x94: {  	_ =	strace s2  }
0x95: {  	s2 =	sld [smem:$0x3FFD];
	_ =	sdelay $0x3  }
0x96: {  	_ =	strace s2  }
0x97: {  	_ =	strace $0x8FFFFFFF  }
0x98: {  	s18 =	sld [smem:$0x3FDB];
	_ =	sdelay $0x1  }
0x99: {  	s19 =	simm.s32 $_scs_section_size  }
0x9a: {  	s4 =	simm.s32 $_size__tile_overlayer_lowered;
	s5 =	simm.s32 $_tile_overlayer_lowered  }
0x9b: {  	s22 =	simm.s32 $0x1BFF;
	s21 =	sshll.u32 s5, $0x1;
	s2 =	sadd.s32 s19, s18  }
0x9c: {  	s6 =	simm.s32 $0x0;
	s20 =	sshll.u32 s4, $0x1;
	s4 =	sadd.s32 s21, s2  }
0x9d: {  	[timem:s6], [sflag:s22] =	dma.local [hbm:s4], s20  }
0x9e: {  	_ =	swait.ge [sflag:s22], s20  }
0x9f: {  	s3 =	ssub.s32 $0x0, s20;
	[sflag:s22] =	ssyncset.done $0x0  }
0xa0: {  	[sflag:s22] =	ssyncadd.s32 s3;
	_ =	sdelay $0x1  }
0xa1: {  	s23 =	simm.s32 $0x1B8B  }
0xa2: {  	_ =	swait.ge [sflag:s23], $0x1  }
0xa3: {  	[sflag:s23] =	ssyncset.done $0x0  }
0xa4: {  	s25 =	simm.s32 $0x1B8E;
	s24 =	sld [smem:$0x3FFE];
	[sflag:s23] =	ssyncadd.s32 $0xFFFFFFFF  }
0xa5: {  	s26 =	simm.s32 $execute0_lowered;
	[smem:$0x3FD2] =	sst s25  }
0xa6: {  	s4 =	sshll.u32 s26, $0x1;
	_ =	strace $0x8000004F;
	[dreg:$0x1] =	wrdreg $0xFFFFFFFF  }
0xa7: {  	s28 =	simm.s32 $_size_execute0_lowered;
	s2 =	sadd.s32 s2, s4;
	[dreg:$0x0] =	wrdreg $0x0  }
0xa8: {  	s4 =	sshll.u32 s28, $0x1;
	[dreg:$0x2] =	wrdreg s2  }
0xa9: {  	[dreg:$0x3] =	wrdreg s4  }
0xaa: {  	[dreg:$0x4] =	wrdreg $0xC0  }
0xab: {  	_ =	task [dreg:s6], $0x5FFFF  }
0xac: {  	[dreg:$0x1] =	wrdreg $0xFFFFFFFF  }
0xad: {  	[dreg:$0x0] =	wrdreg $0x60  }
0xae: {  	[dreg:$0x2] =	wrdreg s24  }
0xaf: {  	[dreg:$0x3] =	wrdreg $0xA8000  }
0xb0: {  	[dreg:$0x4] =	wrdreg $0x9  }
0xb1: {  	_ =	task.clear_ibuf [dreg:s6], $0x5FFFF;
	_ =	strace $0x9000004F  }
0xb2: {  	s29 =	simm.s32 $0x9;
	_ =	strace $0x80000051  }
0xb3: {  	_ =	swait.ge [sflag:s29], $0x1  }
0xb4: {  	[sflag:s29] =	ssyncadd.s32 $0xFFFFFFFF  }
0xb5: {  	_ =	strace $0x90000051  }
0xb6: {  	_ =	sfence  }
0xb7: {  	s30 =	sld [smem:$0x0];
	_ =	sdelay $0x2  }
0xb8: {  	s31 =	sshll.u32 s1, $0xD;
	s1 =	sshrl.u32 s1, $0x2  }
0xb9: {  	s3 =	sand.u32 $0x4000, s31;
	s1 =	sadd.s32 s1, s30  }
0xba: {  	s0 =	sor.u32 s3, s0;
	s1 =	sshll.u32 s1, $0x11  }
0xbb: {  	s0 =	sor.u32 s1, s0  }
0xbc: {  	s0 =	sadd.s32 $0x8F2B, s0  }
0xbd: {  	[sflag:s0] =	ssyncadd.remote.s32 $0x1  }
0xbe: {  	_ =	sfence.sel $0xFFFF  }
0xbf: {  	[dreg:$0x0] =	wrdreg $0xFFFFFFFF;
	(pc) =	sbr.abs _section_cstart, $3  }
0xc0: {  	[dreg:$0x1] =	wrdreg $0xFFFFFFFF  }
0xc1: {  	_ =	task.clear_ibuf [dreg:s6], $0x2FFFF;
	_ =	strace $0x9FFFFFFF  }
0xc2: {  	(tm) =	ssettm $0x7FFFFFFF  }
0xc3: {  	_ =	shalt  }
tec
execute0_lowered:
.L_overlay_start_1:
0x0: {  	(tag) =	ssettag $0x1  }
0x1: {  	s0 =	rddreg [dreg:$0x0]  }
0x2: {  	s2 =	rddreg [dreg:$0x1];
	s1 =	srdreg.scid  }
0x3: {  	s21 =	stileid.u32;
	s3 =	simm.s32 $0x0;
	s22 =	simm.s32 $0x1400  }
0x4: {  	s23 =	simm.s32 $0x50000;
	s28 =	simm.s32 $0x2;
	s29 =	simm.s32 $0x2700  }
0x5: {  	s30 =	simm.s32 $0x2780;
	s31 =	simm.s32 $0x0;
	s1 =	sand.u32 $0x1, s1  }
0x6: {  	s4 =	sshll.u32 s21, $0x1;
	[smem:$0x7FF] =	sst s3;
	s9 =	sadd.s32 $0x5800, s0  }
0x7: {  	s15 =	sshll.u32 s21, $0xE;
	s19 =	sor.u32 $0x40, s21;
	s5 =	sor.u32 s1, s4  }
0x8: {  	_ =	strace $0x80000050;
	s4 =	sadd.s32 $0x19800, s0;
	s7 =	ssub.s32 $0x2, s1  }
0x9: {  	s1 =	smul.u32 $0x138800, s1;
	s0 =	sadd.s32 $0x40A00, s0;
	s16 =	sor.u32 $0x40000, s15  }
0xa: {  	s17 =	sor.u32 $0x80000, s15;
	s18 =	sor.u32 $0xC0000, s15;
	s6 =	smul.u32 $0x500, s5  }
0xb: {  	s20 =	sshll.u32 s19, $0xE;
	p0 =	sgt.u32 s19, $0x4D;
	s8 =	smul.u32 $0x2800, s5  }
0xc: {  	s24 =	sshrl.u32 s7, $0x1;
	s5 =	sadd.s32 $0x138000, s2;
	s11 =	sadd.s32 s16, s2  }
0xd: {  	s12 =	sadd.s32 s17, s2;
	s13 =	sadd.s32 s18, s2;
	s14 =	sadd.s32 s20, s2  }
0xe: {  	p1 =	sne.s32 @!p0 s21, $0x0;
	s21 =	simm.s32 $0x3;
	s10 =	ssub.s32 s7, s24  }
0xf: {  	s26 =	sshrl.u32 s1, $0x3;
	s16 =	sadd.s32 s1, s16;
	s17 =	sadd.s32 s1, s17  }
0x10: {  	s18 =	sadd.s32 s1, s18;
	p1 =	por p1, p0;
	s24 =	simm.s32 $0x80  }
0x11: {  	s6 =	sadd.s32 s9, s6;
	s25 =	sshrl.u32 s8, $0x3;
	s8 =	sadd.s32 s0, s26  }
0x12: {  	s16 =	sshrl.u32 s16, $0x3;
	s17 =	sshrl.u32 s17, $0x3;
	s18 =	sshrl.u32 s18, $0x3  }
0x13: {  	s26 =	simm.s32 $0x1;
	[dreg:$0x3] =	wrdreg s6;
	s7 =	sadd.s32 s9, s25  }
0x14: {  	s8 =	sadd.s32 $0x27000, s8;
	s9 =	smax.u32 s10, $0x1;
	s10 =	sadd.s32 s15, s2  }
0x15: {  	s15 =	sadd.s32 s1, s15;
	s16 =	sadd.s32 s0, s16;
	s17 =	sadd.s32 s0, s17  }
0x16: {  	s1 =	sadd.s32 s1, s20;
	s18 =	sadd.s32 s0, s18;
	s20 =	simm.s32 $0x2800  }
0x17: {  	s25 =	simm.s32 $0x6800;
	s15 =	sshrl.u32 s15, $0x3;
	s1 =	sshrl.u32 s1, $0x3  }
0x18: {  	v0 =	vimm.f32 $0.0e+00;
	s7 =	sadd.s32 $0x280, s7;
	s15 =	sadd.s32 s0, s15;
	s19 =	sadd.s32 s0, s1  }
.LBB2_1:
0x19: {  	s0 =	simm.s32 $0x0;
	s1 =	simm.s32 $0x200  }
.LBB2_2:
0x1a: {  	p2 =	sne.s32 s1, $0xFE00;
	[tilespmem:s0+$0x2870] =	vst v0  }
0x1b: {  	[tilespmem:s0+$0x2800] =	vst v0  }
0x1c: {  	[tilespmem:s0+$0x2810] =	vst v0  }
.Ltmp0:
0x1d: {  	[tilespmem:s0+$0x2820] =	vst v0;
	(pc) =	sbr.rel @p2 .LBB2_2-.Ltmp0, $4  }
0x1e: {  	[tilespmem:s0+$0x2830] =	vst v0  }
0x1f: {  	[tilespmem:s0+$0x2840] =	vst v0  }
0x20: {  	[tilespmem:s0+$0x2850] =	vst v0  }
0x21: {  	[tilespmem:s0+$0x2860] =	vst v0;
	s0 =	sshra.s32 s1, $0x2;
	s1 =	sadd.s32 $0x200, s1  }
0x22: {  	[tilespmem:s0+$0x2870] =	vst v0  }
0x23: {  	[tilespmem:s0+$0x2800] =	vst v0  }
0x24: {  	[tilespmem:s0+$0x2810] =	vst v0  }
0x25: {  	[tilespmem:s0+$0x2820] =	vst v0  }
0x26: {  	[tilespmem:s0+$0x2830] =	vst v0  }
0x27: {  	[tilespmem:s0+$0x2840] =	vst v0  }
0x28: {  	[tilespmem:s0+$0x2850] =	vst v0  }
0x29: {  	[tilespmem:s0+$0x2860] =	vst v0  }
0x2a: {  	[spmem:s10] =	stream.linear.scatter [tilespmem:s20], [sflag:$0x3], $0x4000, $0x38;
	[tilespmem:$0x1E0C0] =	vst v63  }
0x2b: {  	_ =	swait.ge [sflag:s21], $0x4000  }
0x2c: {  	[sflag:s21] =	ssyncset.done $0x0  }
0x2d: {  	[sflag:s21] =	ssyncadd.s32 $0xFFFFC000  }
0x2e: {  	[spmem:s11] =	stream.linear.scatter [tilespmem:s20], [sflag:$0x3], $0x4000, $0x38;
	[tilespmem:$0x1E0C0] =	vst v63  }
0x2f: {  	_ =	swait.ge [sflag:s21], $0x4000  }
0x30: {  	[sflag:s21] =	ssyncset.done $0x0  }
0x31: {  	[sflag:s21] =	ssyncadd.s32 $0xFFFFC000  }
0x32: {  	[spmem:s12] =	stream.linear.scatter [tilespmem:s20], [sflag:$0x3], $0x4000, $0x38;
	[tilespmem:$0x1E0C0] =	vst v63  }
0x33: {  	_ =	swait.ge [sflag:s21], $0x4000  }
0x34: {  	[sflag:s21] =	ssyncset.done $0x0  }
0x35: {  	[sflag:s21] =	ssyncadd.s32 $0xFFFFC000  }
0x36: {  	[spmem:s13] =	stream.linear.scatter [tilespmem:s20], [sflag:$0x3], $0x4000, $0x38;
	[tilespmem:$0x1E0C0] =	vst v63  }
0x37: {  	_ =	swait.ge [sflag:s21], $0x4000  }
0x38: {  	[sflag:s21] =	ssyncset.done $0x0  }
0x39: {  	s0 =	simm.s32 @!p0 $0x2800;
	[sflag:s21] =	ssyncadd.s32 $0xFFFFC000  }
0x3a: {  	[spmem:s14] =	stream.linear.scatter @!p0 [tilespmem:s0], [sflag:$0x3], $0x4000, $0x38;
	[tilespmem:$0x1E0C0] =	vst v63  }
0x3b: {  	s0 =	simm.s32 @!p0 $0x3  }
0x3c: {  	_ =	swait.ge @!p0 [sflag:s0], $0x4000  }
0x3d: {  	[sflag:s0] =	ssyncset.done @!p0 $0x0  }
0x3e: {  	[sflag:s0] =	ssyncadd.s32 @!p0 $0xFFFFC000;
	s0 =	simm.s32 @!p1 $0x2800  }
0x3f: {  	[spmem:s5] =	stream.linear.scatter @!p1 [tilespmem:s0], [sflag:$0x3], $0xC00, $0x38;
	[tilespmem:$0x1E0C0] =	vst v63  }
0x40: {  	s0 =	simm.s32 @!p1 $0x3  }
0x41: {  	_ =	swait.ge @!p1 [sflag:s0], $0xC00  }
0x42: {  	[sflag:s0] =	ssyncset.done @!p1 $0x0  }
0x43: {  	[sflag:s0] =	ssyncadd.s32 @!p1 $0xFFFFF400  }
0x44: {  	[bflag:$0x0] =	sbarrier.arrive $0xFFFF  }
0x45: {  	s1 =	rddreg [dreg:$0x3]  }
0x46: {  	[tilespmem:s3], [sflag:$0x3] =	stream.strided.gather [hbm4b:s1+s22], $0x2800, s23, s22, $0x38;
	[tilespmem:$0x1E0C0] =	vst v63  }
0x47: {  	_ =	swait.ge [sflag:s21], $0x2800  }
0x48: {  	[sflag:s21] =	ssyncset.done $0x0  }
0x49: {  	[sflag:s21] =	ssyncadd.s32 $0xFFFFD800  }
0x4a: {  	[tilespmem:s20], [sflag:$0x1] =	stream.indirect.gather [hbm4b:s4+s24], $0x80, s3, s24, $0xb8;
	[tilespmem:$0x1E0C0] =	vst v63  }
0x4b: {  	_ = 	snop  }
0x4c: {  	[tilespmem:s25], [sflag:$0x2] =	stream.indirect.gather [hbm4b:s4+s24], $0x80, s24, s24, $0xb8;
	[tilespmem:$0x1E0C0] =	vst v63  }
0x4d: {  	_ =	swait.ge [sflag:s26], $0x4000  }
0x4e: {  	[sflag:s26] =	ssyncset.done $0x0  }
0x4f: {  	s6 =	simm.s32 $0x1400;
	[sflag:s26] =	ssyncadd.s32 $0xFFFFC000  }
0x50: {  	[spmem:s2] =	stream.indirect.scatter.add.f32 [tilespmem:s20], [sflag:$0x3], $0x80, s6, s24, $0xb8;
	[tilespmem:$0x1E0C0] =	vst v63  }
0x51: {  	_ =	swait.ge [sflag:s21], $0x4000  }
0x52: {  	[sflag:s21] =	ssyncset.done $0x0  }
0x53: {  	s1 =	simm.s32 $0x100;
	[sflag:s21] =	ssyncadd.s32 $0xFFFFC000  }
0x54: {  	[tilespmem:s20], [sflag:$0x1] =	stream.indirect.gather [hbm4b:s4+s24], $0x80, s1, s24, $0xb8;
	[tilespmem:$0x1E0C0] =	vst v63  }
0x55: {  	_ =	swait.ge [sflag:s28], $0x4000  }
0x56: {  	[sflag:s28] =	ssyncset.done $0x0  }
0x57: {  	s6 =	simm.s32 $0x1480;
	[sflag:s28] =	ssyncadd.s32 $0xFFFFC000  }
0x58: {  	[spmem:s2] =	stream.indirect.scatter.add.f32 [tilespmem:s25], [sflag:$0x3], $0x80, s6, s24, $0xb8;
	[tilespmem:$0x1E0C0] =	vst v63  }
0x59: {  	_ =	swait.ge [sflag:s21], $0x4000  }
0x5a: {  	[sflag:s21] =	ssyncset.done $0x0  }
0x5b: {  	s0 =	simm.s32 $0x800;
	s1 =	simm.s32 $0x180;
	[sflag:s21] =	ssyncadd.s32 $0xFFFFC000  }
.LBB2_4:
0x5c: {  	[tilespmem:s25], [sflag:$0x2] =	stream.indirect.gather [hbm4b:s4+s24], $0x80, s1, s24, $0xb8;
	[tilespmem:$0x1E0C0] =	vst v63  }
0x5d: {  	s1 =	smov.u32 s0  }
0x5e: {  	p2 =	sne.s32 s0, $0x4C00;
	s0 =	sadd.s32 $0x400, s0;
	_ =	swait.ge [sflag:s26], $0x4000  }
0x5f: {  	s1 =	sshra.s32 s1, $0x2;
	[sflag:s26] =	ssyncset.done $0x0  }
0x60: {  	s6 =	sadd.s32 $0x1300, s1;
	[sflag:s26] =	ssyncadd.s32 $0xFFFFC000  }
0x61: {  	[spmem:s2] =	stream.indirect.scatter.add.f32 [tilespmem:s20], [sflag:$0x3], $0x80, s6, s24, $0xb8;
	[tilespmem:$0x1E0C0] =	vst v63  }
0x62: {  	_ =	swait.ge [sflag:s21], $0x4000  }
0x63: {  	[sflag:s21] =	ssyncset.done $0x0  }
0x64: {  	[sflag:s21] =	ssyncadd.s32 $0xFFFFC000  }
0x65: {  	[tilespmem:s20], [sflag:$0x1] =	stream.indirect.gather [hbm4b:s4+s24], $0x80, s1, s24, $0xb8;
	[tilespmem:$0x1E0C0] =	vst v63  }
0x66: {  	_ =	swait.ge [sflag:s28], $0x4000  }
0x67: {  	[sflag:s28] =	ssyncset.done $0x0  }
.Ltmp1:
0x68: {  	s6 =	sadd.s32 $0x1380, s1;
	[sflag:s28] =	ssyncadd.s32 $0xFFFFC000;
	(pc) =	sbr.rel @p2 .LBB2_4-.Ltmp1, $4  }
0x69: {  	[spmem:s2] =	stream.indirect.scatter.add.f32 [tilespmem:s25], [sflag:$0x3], $0x80, s6, s24, $0xb8;
	[tilespmem:$0x1E0C0] =	vst v63  }
0x6a: {  	_ =	swait.ge [sflag:s21], $0x4000  }
0x6b: {  	[sflag:s21] =	ssyncset.done $0x0  }
0x6c: {  	s1 =	sadd.s32 $0x80, s1;
	[sflag:s21] =	ssyncadd.s32 $0xFFFFC000  }
0x6d: {  	[tilespmem:s25], [sflag:$0x2] =	stream.indirect.gather [hbm4b:s4+s24], $0x80, s1, s24, $0xb8;
	[tilespmem:$0x1E0C0] =	vst v63  }
0x6e: {  	_ =	swait.ge [sflag:s26], $0x4000  }
0x6f: {  	[sflag:s26] =	ssyncset.done $0x0  }
0x70: {  	[sflag:s26] =	ssyncadd.s32 $0xFFFFC000  }
0x71: {  	[spmem:s2] =	stream.indirect.scatter.add.f32 [tilespmem:s20], [sflag:$0x3], $0x80, s29, s24, $0xb8;
	[tilespmem:$0x1E0C0] =	vst v63  }
0x72: {  	_ =	swait.ge [sflag:s21], $0x4000  }
0x73: {  	[sflag:s21] =	ssyncset.done $0x0  }
0x74: {  	[sflag:s21] =	ssyncadd.s32 $0xFFFFC000  }
0x75: {  	_ =	swait.ge [sflag:s28], $0x4000  }
0x76: {  	[sflag:s28] =	ssyncset.done $0x0  }
0x77: {  	[sflag:s28] =	ssyncadd.s32 $0xFFFFC000  }
0x78: {  	[spmem:s2] =	stream.indirect.scatter.add.f32 [tilespmem:s25], [sflag:$0x3], $0x80, s30, s24, $0xb8;
	[tilespmem:$0x1E0C0] =	vst v63  }
0x79: {  	_ =	swait.ge [sflag:s21], $0x4000  }
0x7a: {  	[sflag:s21] =	ssyncset.done $0x0  }
0x7b: {  	[sflag:s21] =	ssyncadd.s32 $0xFFFFC000  }
0x7c: {  	[tilespmem:s3], [sflag:$0x3] =	stream.strided.gather [hbm4b:s7+s22], $0x2800, s23, s22, $0x38;
	[tilespmem:$0x1E0C0] =	vst v63  }
0x7d: {  	_ =	swait.ge [sflag:s21], $0x2800  }
0x7e: {  	[sflag:s21] =	ssyncset.done $0x0  }
0x7f: {  	[sflag:s21] =	ssyncadd.s32 $0xFFFFD800  }
0x80: {  	[tilespmem:s20], [sflag:$0x1] =	stream.indirect.gather [hbm4b:s4+s24], $0x80, s3, s24, $0xb8;
	[tilespmem:$0x1E0C0] =	vst v63  }
0x81: {  	_ = 	snop  }
0x82: {  	[tilespmem:s25], [sflag:$0x2] =	stream.indirect.gather [hbm4b:s4+s24], $0x80, s24, s24, $0xb8;
	[tilespmem:$0x1E0C0] =	vst v63  }
0x83: {  	_ =	swait.ge [sflag:s26], $0x4000  }
0x84: {  	[sflag:s26] =	ssyncset.done $0x0  }
0x85: {  	s0 =	simm.s32 $0x1400;
	[sflag:s26] =	ssyncadd.s32 $0xFFFFC000  }
0x86: {  	[spmem:s2] =	stream.indirect.scatter.add.f32 [tilespmem:s20], [sflag:$0x3], $0x80, s0, s24, $0xb8;
	[tilespmem:$0x1E0C0] =	vst v63  }
0x87: {  	_ =	swait.ge [sflag:s21], $0x4000  }
0x88: {  	[sflag:s21] =	ssyncset.done $0x0  }
0x89: {  	s1 =	simm.s32 $0x100;
	[sflag:s21] =	ssyncadd.s32 $0xFFFFC000  }
0x8a: {  	[tilespmem:s20], [sflag:$0x1] =	stream.indirect.gather [hbm4b:s4+s24], $0x80, s1, s24, $0xb8;
	[tilespmem:$0x1E0C0] =	vst v63  }
0x8b: {  	_ =	swait.ge [sflag:s28], $0x4000  }
0x8c: {  	[sflag:s28] =	ssyncset.done $0x0  }
0x8d: {  	s6 =	simm.s32 $0x1480;
	[sflag:s28] =	ssyncadd.s32 $0xFFFFC000  }
0x8e: {  	[spmem:s2] =	stream.indirect.scatter.add.f32 [tilespmem:s25], [sflag:$0x3], $0x80, s6, s24, $0xb8;
	[tilespmem:$0x1E0C0] =	vst v63  }
0x8f: {  	_ =	swait.ge [sflag:s21], $0x4000  }
0x90: {  	[sflag:s21] =	ssyncset.done $0x0  }
0x91: {  	s0 =	simm.s32 $0x800;
	s1 =	simm.s32 $0x180;
	[sflag:s21] =	ssyncadd.s32 $0xFFFFC000  }
.LBB2_6:
0x92: {  	[tilespmem:s25], [sflag:$0x2] =	stream.indirect.gather [hbm4b:s4+s24], $0x80, s1, s24, $0xb8;
	[tilespmem:$0x1E0C0] =	vst v63  }
0x93: {  	s1 =	smov.u32 s0  }
0x94: {  	p2 =	sne.s32 s0, $0x4C00;
	s0 =	sadd.s32 $0x400, s0;
	_ =	swait.ge [sflag:s26], $0x4000  }
0x95: {  	s1 =	sshra.s32 s1, $0x2;
	[sflag:s26] =	ssyncset.done $0x0  }
0x96: {  	s6 =	sadd.s32 $0x1300, s1;
	[sflag:s26] =	ssyncadd.s32 $0xFFFFC000  }
0x97: {  	[spmem:s2] =	stream.indirect.scatter.add.f32 [tilespmem:s20], [sflag:$0x3], $0x80, s6, s24, $0xb8;
	[tilespmem:$0x1E0C0] =	vst v63  }
0x98: {  	_ =	swait.ge [sflag:s21], $0x4000  }
0x99: {  	[sflag:s21] =	ssyncset.done $0x0  }
0x9a: {  	[sflag:s21] =	ssyncadd.s32 $0xFFFFC000  }
0x9b: {  	[tilespmem:s20], [sflag:$0x1] =	stream.indirect.gather [hbm4b:s4+s24], $0x80, s1, s24, $0xb8;
	[tilespmem:$0x1E0C0] =	vst v63  }
0x9c: {  	_ =	swait.ge [sflag:s28], $0x4000  }
0x9d: {  	[sflag:s28] =	ssyncset.done $0x0  }
.Ltmp2:
0x9e: {  	s6 =	sadd.s32 $0x1380, s1;
	[sflag:s28] =	ssyncadd.s32 $0xFFFFC000;
	(pc) =	sbr.rel @p2 .LBB2_6-.Ltmp2, $4  }
0x9f: {  	[spmem:s2] =	stream.indirect.scatter.add.f32 [tilespmem:s25], [sflag:$0x3], $0x80, s6, s24, $0xb8;
	[tilespmem:$0x1E0C0] =	vst v63  }
0xa0: {  	_ =	swait.ge [sflag:s21], $0x4000  }
0xa1: {  	[sflag:s21] =	ssyncset.done $0x0  }
0xa2: {  	s1 =	sadd.s32 $0x80, s1;
	[sflag:s21] =	ssyncadd.s32 $0xFFFFC000  }
0xa3: {  	[tilespmem:s25], [sflag:$0x2] =	stream.indirect.gather [hbm4b:s4+s24], $0x80, s1, s24, $0xb8;
	[tilespmem:$0x1E0C0] =	vst v63  }
0xa4: {  	_ =	swait.ge [sflag:s26], $0x4000  }
0xa5: {  	[sflag:s26] =	ssyncset.done $0x0  }
0xa6: {  	[sflag:s26] =	ssyncadd.s32 $0xFFFFC000  }
0xa7: {  	[spmem:s2] =	stream.indirect.scatter.add.f32 [tilespmem:s20], [sflag:$0x3], $0x80, s29, s24, $0xb8;
	[tilespmem:$0x1E0C0] =	vst v63  }
0xa8: {  	_ =	swait.ge [sflag:s21], $0x4000  }
0xa9: {  	[sflag:s21] =	ssyncset.done $0x0  }
0xaa: {  	[sflag:s21] =	ssyncadd.s32 $0xFFFFC000  }
0xab: {  	_ =	swait.ge [sflag:s28], $0x4000  }
0xac: {  	[sflag:s28] =	ssyncset.done $0x0  }
0xad: {  	[sflag:s28] =	ssyncadd.s32 $0xFFFFC000  }
0xae: {  	[spmem:s2] =	stream.indirect.scatter.add.f32 [tilespmem:s25], [sflag:$0x3], $0x80, s30, s24, $0xb8;
	[tilespmem:$0x1E0C0] =	vst v63  }
0xaf: {  	_ =	swait.ge [sflag:s21], $0x4000  }
0xb0: {  	s0 =	stileid.u32;
	[sflag:s21] =	ssyncset.done $0x0  }
0xb1: {  	s0 =	sshll.u32 s0, $0x6;
	[sflag:s21] =	ssyncadd.s32 $0xFFFFC000  }
0xb2: {  	s6 =	sshrl.u32 s10, $0x3;
	s0 =	sor.u32 $0x1C03, s0;
	[bflag:$0x0] =	sbarrier.arrive $0xFFFF  }
0xb3: {  	[hbm:s15], [sflag:s0] =	dma.local [spmem:s6], $0x800  }
0xb4: {  	_ =	swait.ge [sflag:s21], $0x800  }
0xb5: {  	[sflag:s21] =	ssyncset.done $0x0  }
0xb6: {  	s6 =	sshrl.u32 s11, $0x3;
	[sflag:s21] =	ssyncadd.s32 $0xFFFFF800  }
0xb7: {  	[hbm:s16], [sflag:s0] =	dma.local [spmem:s6], $0x800  }
0xb8: {  	_ =	swait.ge [sflag:s21], $0x800  }
0xb9: {  	[sflag:s21] =	ssyncset.done $0x0  }
0xba: {  	s6 =	sshrl.u32 s12, $0x3;
	[sflag:s21] =	ssyncadd.s32 $0xFFFFF800  }
0xbb: {  	[hbm:s17], [sflag:s0] =	dma.local [spmem:s6], $0x800  }
0xbc: {  	_ =	swait.ge [sflag:s21], $0x800  }
0xbd: {  	[sflag:s21] =	ssyncset.done $0x0  }
0xbe: {  	s6 =	sshrl.u32 s13, $0x3;
	[sflag:s21] =	ssyncadd.s32 $0xFFFFF800  }
0xbf: {  	[hbm:s18], [sflag:s0] =	dma.local [spmem:s6], $0x800  }
0xc0: {  	_ =	swait.ge [sflag:s21], $0x800  }
0xc1: {  	[sflag:s21] =	ssyncset.done $0x0  }
0xc2: {  	s1 =	sshrl.u32 @!p0 s14, $0x3;
	[sflag:s21] =	ssyncadd.s32 $0xFFFFF800  }
0xc3: {  	[hbm:s19], [sflag:s0] =	dma.local @!p0 [spmem:s1], $0x800  }
0xc4: {  	s0 =	simm.s32 @!p0 $0x3  }
0xc5: {  	s31 =	sadd.s32 $0x1, s31;
	_ =	swait.ge @!p0 [sflag:s0], $0x800  }
0xc6: {  	p2 =	sne.s32 s31, s9;
	[sflag:s0] =	ssyncset.done @!p0 $0x0  }
0xc7: {  	s1 =	simm.s32 @!p1 $0x1C03;
	[sflag:s0] =	ssyncadd.s32 @!p0 $0xFFFFF800;
	s0 =	sshrl.u32 @!p1 s5, $0x3  }
0xc8: {  	[hbm:s8], [sflag:s1] =	dma.local @!p1 [spmem:s0], $0x100  }
.Ltmp3:
0xc9: {  	_ = 	snop;
	(pc) =	sbr.rel @p2 .LBB2_1-.Ltmp3, $4  }
0xca: {  	s0 =	simm.s32 @!p1 $0x3  }
0xcb: {  	_ =	swait.ge @!p1 [sflag:s0], $0x100  }
0xcc: {  	[sflag:s0] =	ssyncset.done @!p1 $0x0  }
0xcd: {  	[sflag:s0] =	ssyncadd.s32 @!p1 $0xFFFFFF00  }
0xce: {  	_ =	sfence.sel $0x180000  }
0xcf: {  	[bflag:$0x0] =	sbarrier.arrive $0xFFFF  }
0xd0: {  	_ =	strace $0x90000050  }
0xd1: {  	s0 =	stileid.u32;
	[bflag:$0x2] =	sbarrier.arrive $0xFFFF  }
0xd2: {  	p0 =	sne.s32 s0, $0x0;
	s0 =	rddreg [dreg:$0x2]  }
0xd3: {  	s0 =	sadd.s32 @!p0 $0x100000, s0  }
0xd4: {  	[sflag:s0] =	ssyncadd.tile.s32 @!p0 $0x1;
	_ =	shalt  }
.Lfunc_end2:
_tile_overlayer_lowered:
.L_overlay_start_2:
0xd5: {  	(tag) =	ssettag $0x2  }
0xd6: {  	s0 =	rddreg [dreg:$0x0];
	s2 =	stileid.u32  }
0xd7: {  	s1 =	rddreg [dreg:$0x1];
	p0 =	sne.s32 s2, $0x0  }
0xd8: {  	s3 =	rddreg [dreg:$0x2];
	[bflag:$0x3] =	sbarrier.arrive $0xFFFF;
	s2 =	simm.s32 @!p0 $0x1C03  }
0xd9: {  	[timem:s3], [sflag:s2] =	dma.local @!p0 [hbm:s0], s1  }
0xda: {  	s0 =	simm.s32 @!p0 $0x3  }
0xdb: {  	_ =	swait.ge @!p0 [sflag:s0], s1  }
0xdc: {  	s1 =	ssub.s32 @!p0 $0x0, s1;
	[sflag:s0] =	ssyncset.done @!p0 $0x0  }
0xdd: {  	[sflag:s0] =	ssyncadd.s32 @!p0 s1  }
0xde: {  	[bflag:$0x3] =	sbarrier.arrive $0xFFFF  }
0xdf: {  	_ =	shalt  }

// kernel: kernel.25.cloned.1.call-start
scs
__scs_entry_jumppad:
0x0: {  	(pc) =	sbr.rel $0x88, $3  }
0x1: {  	(tag) =	ssettag $0x0;
	lr =	simm.s32 $0x1  }
0x2: {  	[smem:$0x3F94] =	sst lr;
	_ =	strace $0xD0000000  }
0x3: {  	_ = 	snop  }
0x4: {  	_ = 	snop  }
0x5: {  	_ = 	snop  }
0x6: {  	_ = 	snop  }
0x7: {  	_ = 	snop  }
__scs_overlays_trampoline_lowered:
0x8: {  	[smem:$0x3FA3] =	sst s0  }
0x9: {  	[smem:$0x3FA4] =	sst s1  }
0xa: {  	[smem:$0x3FA5] =	sst s2  }
0xb: {  	[smem:$0x3FA6] =	sst s3  }
0xc: {  	[smem:$0x3FA7] =	sst s4  }
0xd: {  	[smem:$0x3FA8] =	sst s5  }
0xe: {  	[smem:$0x3FA9] =	sst s6  }
0xf: {  	[smem:$0x3FAA] =	sst s7  }
0x10: {  	[smem:$0x3FAB] =	sst s8  }
0x11: {  	[smem:$0x3FAC] =	sst s9;
	s0 =	simm.s32 @!p0 $0x0  }
0x12: {  	s1 =	sld [smem:$0x3F92];
	s0 =	simm.s32 @p0 $0x1  }
0x13: {  	[smem:$0x3FAD] =	sst s0;
	s0 =	simm.s32 @!p1 $0x0  }
0x14: {  	s2 =	sld [smem:$0x3F91];
	s0 =	simm.s32 @p1 $0x1  }
0x15: {  	[smem:$0x3FAE] =	sst s0;
	s0 =	simm.s32 @!p2 $0x0  }
0x16: {  	s3 =	sld [smem:$0x3FDB];
	s0 =	simm.s32 @p2 $0x1  }
0x17: {  	s4 =	simm.s32 $0x1BF5;
	[smem:$0x3FB0] =	sst s0  }
0x18: {  	s0 =	sld [smem:$0x3F93];
	_ =	swait.ge [sflag:s4], $0x0  }
0x19: {  	s7 =	sld [smem:$0x3F94]  }
0x1a: {  	s8 =	sadd.s32 $0xFFFFE003, lr  }
0x1b: {  	s9 =	sadd.s32 $0xFFFFFEF7, lr;
	s5 =	simm.s32 $0xFFFFFFFF;
	p2 =	slt.u32 s8, $0xFFFFF086  }
0x1c: {  	p1 =	slt.u32 s9, $0xF7A;
	s5 =	simm.s32 @!p2 $0x0  }
0x1d: {  	s5 =	simm.s32 @p1 $0x1;
	p0 =	seq.s32 s7, s2  }
0x1e: {  	s7 =	smul.u32 @!p0 $0xF7A, s2;
	p2 =	seq.s32 @!p0 s5, $0x0  }
0x1f: {  	s9 =	smul.u32 $0xF7A, s1;
	s8 =	simm.s32 @!p0 $0x1BF5;
	p2 =	por !p2, p0  }
0x20: {  	[sflag:s8] =	ssyncset.s32 @!p0 $0xFFFFF086;
	s6 =	sadd.s32 @!p0 s3, s7;
	s7 =	simm.s32 @!p0 $0x108  }
0x21: {  	s3 =	sadd.s32 s3, s9;
	s6 =	sadd.s32 @!p0 $0x88, s6;
	s7 =	simm.s32 @p2 $0x1082  }
0x22: {  	[simem:s7], [sflag:s8] =	dma.local @!p0 [hbm:s6], $0xF7A  }
0x23: {  	s9 =	sor.u32 $0xD0000000, s2;
	s6 =	simm.s32 $0x108;
	_ =	swait.ge @!p0 [sflag:s8], $0x0  }
0x24: {  	s3 =	sadd.s32 $0x88, s3;
	s6 =	simm.s32 @!p1 $0x1082;
	[sflag:s4] =	ssyncset.s32 $0xFFFFF086  }
0x25: {  	[simem:s6], [sflag:s4] =	dma.local [hbm:s3], $0xF7A  }
0x26: {  	[smem:$0x3F94] =	sst s1;
	(tag) =	ssettag s2;
	_ =	strace s9  }
0x27: {  	s1 =	sld [smem:$0x3FA4]  }
0x28: {  	s2 =	sld [smem:$0x3FA5]  }
0x29: {  	s4 =	sld [smem:$0x3FA7]  }
0x2a: {  	p0 =	seq.s32 s5, $0x0;
	s5 =	sld [smem:$0x3FA8]  }
0x2b: {  	s6 =	sld [smem:$0x3FA9]  }
0x2c: {  	s7 =	sld [smem:$0x3FAA]  }
0x2d: {  	s3 =	simm.s32 $0x108;
	s8 =	sld [smem:$0x3FAB]  }
0x2e: {  	s3 =	simm.s32 @!p0 $0x1082;
	s9 =	sld [smem:$0x3FAC]  }
0x2f: {  	lr =	sadd.s32 s0, s3;
	s0 =	sld [smem:$0x3FA3]  }
0x30: {  	s3 =	sld [smem:$0x3FA6]  }
0x31: {  	[smem:$0x3FAF] =	sst s10  }
0x32: {  	s10 =	sld [smem:$0x3FAD];
	_ =	sdelay $0x3  }
0x33: {  	p0 =	seq.s32 s10, $0x1;
	s10 =	sld [smem:$0x3FAF];
	_ =	sdelay $0x3  }
0x34: {  	[smem:$0x3FAF] =	sst s10  }
0x35: {  	s10 =	sld [smem:$0x3FAE];
	_ =	sdelay $0x3  }
0x36: {  	p1 =	seq.s32 s10, $0x1;
	s10 =	sld [smem:$0x3FAF];
	_ =	sdelay $0x3  }
0x37: {  	[smem:$0x3FAF] =	sst s10  }
0x38: {  	s10 =	sld [smem:$0x3FB0]  }
0x39: {  	_ = 	snop;
	(pc) =	sbr.ind lr, $3  }
0x3a: {  	_ = 	snop  }
0x3b: {  	_ = 	snop  }
0x3c: {  	p2 =	seq.s32 s10, $0x1;
	s10 =	sld [smem:$0x3FAF]  }
0x3d: {  	_ =	shalt  }
0x3e: {  	_ =	shalt  }
0x3f: {  	_ =	shalt  }
0x40: {  	_ =	shalt  }
0x41: {  	_ =	shalt  }
0x42: {  	_ =	shalt  }
0x43: {  	_ =	shalt  }
0x44: {  	_ =	shalt  }
0x45: {  	_ =	shalt  }
0x46: {  	_ =	shalt  }
0x47: {  	_ =	shalt  }
0x48: {  	_ =	shalt  }
0x49: {  	_ =	shalt  }
0x4a: {  	_ =	shalt  }
0x4b: {  	_ =	shalt  }
0x4c: {  	_ =	shalt  }
0x4d: {  	_ =	shalt  }
0x4e: {  	_ =	shalt  }
0x4f: {  	_ =	shalt  }
0x50: {  	_ =	shalt  }
0x51: {  	_ =	shalt  }
0x52: {  	_ =	shalt  }
0x53: {  	_ =	shalt  }
0x54: {  	_ =	shalt  }
0x55: {  	_ =	shalt  }
0x56: {  	_ =	shalt  }
0x57: {  	_ =	shalt  }
0x58: {  	_ =	shalt  }
0x59: {  	_ =	shalt  }
0x5a: {  	_ =	shalt  }
0x5b: {  	_ =	shalt  }
0x5c: {  	_ =	shalt  }
0x5d: {  	_ =	shalt  }
0x5e: {  	_ =	shalt  }
0x5f: {  	_ =	shalt  }
0x60: {  	_ =	shalt  }
0x61: {  	_ =	shalt  }
0x62: {  	_ =	shalt  }
0x63: {  	_ =	shalt  }
0x64: {  	_ =	shalt  }
0x65: {  	_ =	shalt  }
0x66: {  	_ =	shalt  }
0x67: {  	_ =	shalt  }
0x68: {  	_ =	shalt  }
0x69: {  	_ =	shalt  }
0x6a: {  	_ =	shalt  }
0x6b: {  	_ =	shalt  }
0x6c: {  	_ =	shalt  }
0x6d: {  	_ =	shalt  }
0x6e: {  	_ =	shalt  }
0x6f: {  	_ =	shalt  }
0x70: {  	_ =	shalt  }
0x71: {  	_ =	shalt  }
0x72: {  	_ =	shalt  }
0x73: {  	_ =	shalt  }
0x74: {  	_ =	shalt  }
0x75: {  	_ =	shalt  }
0x76: {  	_ =	shalt  }
0x77: {  	_ =	shalt  }
0x78: {  	_ =	shalt  }
0x79: {  	_ =	shalt  }
0x7a: {  	_ =	shalt  }
0x7b: {  	_ =	shalt  }
0x7c: {  	_ =	shalt  }
0x7d: {  	_ =	shalt  }
0x7e: {  	_ =	shalt  }
0x7f: {  	_ =	shalt  }
0x80: {  	_ =	shalt  }
0x81: {  	_ =	shalt  }
0x82: {  	_ =	shalt  }
0x83: {  	_ =	shalt  }
0x84: {  	_ =	shalt  }
0x85: {  	_ =	shalt  }
0x86: {  	_ =	shalt  }
0x87: {  	_ =	shalt  }
.Lfunc_end0:
.L_simem_size_0:
called_computation.4_lowered:
.L_overlay_start_0:
0x88: {  	s2 =	sld [smem:$0x3FD9]  }
0x89: {  	s3 =	sld [smem:$0x3FFE];
	_ =	sdelay $0x1  }
0x8a: {  	s1 =	srdreg.scid  }
0x8b: {  	s0 =	sand.u32 $0x1, s1  }
0x8c: {  	s17 =	sshll.u32 s0, $0xA;
	s2 =	sadd.s32 s3, s2  }
0x8d: {  	s2 =	sadd.s32 s2, s17  }
0x8e: {  	[smem:$0x3FBB] =	sst s2  }
0x8f: {  	_ = 	snop  }
0x90: {  	s2 =	sld [smem:$0x3FC7];
	(tm) =	ssettm $0x1  }
0x91: {  	s18 =	sld [smem:$0x3FFB];
	_ =	sdelay $0x3  }
0x92: {  	_ =	strace s18  }
0x93: {  	s3 =	sld [smem:$0x3FFC];
	_ =	sdelay $0x3  }
0x94: {  	_ =	strace s3  }
0x95: {  	s3 =	sld [smem:$0x3FFD];
	_ =	sdelay $0x3  }
0x96: {  	_ =	strace s3  }
0x97: {  	_ =	strace $0x8FFFFFFF  }
0x98: {  	s19 =	sld [smem:$0x3FDB];
	_ =	sdelay $0x1  }
0x99: {  	s4 =	simm.s32 $_scs_section_size  }
0x9a: {  	s5 =	simm.s32 $_size__tile_overlayer_lowered;
	s6 =	simm.s32 $_tile_overlayer_lowered  }
0x9b: {  	s22 =	simm.s32 $0x1BFF;
	s21 =	sshll.u32 s6, $0x1;
	s3 =	sadd.s32 s4, s19  }
0x9c: {  	s7 =	simm.s32 $0x0;
	s20 =	sshll.u32 s5, $0x1;
	s5 =	sadd.s32 s21, s3  }
0x9d: {  	[timem:s7], [sflag:s22] =	dma.local [hbm:s5], s20  }
0x9e: {  	_ =	swait.ge [sflag:s22], s20  }
0x9f: {  	s4 =	ssub.s32 $0x0, s20;
	[sflag:s22] =	ssyncset.done $0x0  }
0xa0: {  	[sflag:s22] =	ssyncadd.s32 s4;
	_ =	sdelay $0x1  }
0xa1: {  	s23 =	simm.s32 $0x1B8B  }
0xa2: {  	_ =	swait.ge [sflag:s23], $0x1  }
0xa3: {  	[sflag:s23] =	ssyncset.done $0x0  }
0xa4: {  	s25 =	simm.s32 $0x1B8E;
	s24 =	sld [smem:$0x3FFE];
	[sflag:s23] =	ssyncadd.s32 $0xFFFFFFFF  }
0xa5: {  	s26 =	simm.s32 $execute0_lowered;
	[smem:$0x3FD2] =	sst s25  }
0xa6: {  	s5 =	sshll.u32 s26, $0x1;
	_ =	strace $0x80000052;
	[dreg:$0x1] =	wrdreg $0xFFFFFFFF  }
0xa7: {  	s28 =	simm.s32 $_size_execute0_lowered;
	s3 =	sadd.s32 s3, s5;
	[dreg:$0x0] =	wrdreg $0x0  }
0xa8: {  	s5 =	sshll.u32 s28, $0x1;
	[dreg:$0x2] =	wrdreg s3  }
0xa9: {  	[dreg:$0x3] =	wrdreg s5  }
0xaa: {  	[dreg:$0x4] =	wrdreg $0xC0  }
0xab: {  	_ =	task [dreg:s7], $0x5FFFF  }
0xac: {  	[dreg:$0x1] =	wrdreg $0xFFFFFFFF  }
0xad: {  	[dreg:$0x0] =	wrdreg $0x60  }
0xae: {  	[dreg:$0x2] =	wrdreg s24  }
0xaf: {  	[dreg:$0x3] =	wrdreg s2  }
0xb0: {  	[dreg:$0x4] =	wrdreg $0xC9000  }
0xb1: {  	[dreg:$0x5] =	wrdreg $0xCD000  }
0xb2: {  	[dreg:$0x6] =	wrdreg $0x9  }
0xb3: {  	_ =	task.clear_ibuf [dreg:s7], $0x7FFFF;
	_ =	strace $0x90000052  }
0xb4: {  	s29 =	simm.s32 $0x9;
	_ =	strace $0x80000054  }
0xb5: {  	_ =	swait.ge [sflag:s29], $0x1  }
0xb6: {  	[sflag:s29] =	ssyncadd.s32 $0xFFFFFFFF  }
0xb7: {  	_ =	strace $0x90000054  }
0xb8: {  	_ =	sfence  }
0xb9: {  	s30 =	sld [smem:$0x0];
	_ =	sdelay $0x2  }
0xba: {  	s31 =	sshll.u32 s1, $0xD;
	s1 =	sshrl.u32 s1, $0x2  }
0xbb: {  	s3 =	sand.u32 $0x4000, s31;
	s1 =	sadd.s32 s1, s30  }
0xbc: {  	s0 =	sor.u32 s3, s0;
	s1 =	sshll.u32 s1, $0x11  }
0xbd: {  	s0 =	sor.u32 s1, s0  }
0xbe: {  	s0 =	sadd.s32 $0x8F2B, s0  }
0xbf: {  	[sflag:s0] =	ssyncadd.remote.s32 $0x1  }
0xc0: {  	_ =	sfence.sel $0xFFFF  }
0xc1: {  	[dreg:$0x0] =	wrdreg $0xFFFFFFFF;
	(pc) =	sbr.abs _section_cstart, $3  }
0xc2: {  	[dreg:$0x1] =	wrdreg $0xFFFFFFFF  }
0xc3: {  	_ =	task.clear_ibuf [dreg:s7], $0x2FFFF;
	_ =	strace $0x9FFFFFFF  }
0xc4: {  	(tm) =	ssettm $0x7FFFFFFF  }
0xc5: {  	_ =	shalt  }
tec
execute0_lowered:
.L_overlay_start_1:
0x0: {  	(tag) =	ssettag $0x1  }
0x1: {  	s5 =	rddreg [dreg:$0x0]  }
0x2: {  	s13 =	rddreg [dreg:$0x1]  }
0x3: {  	s1 =	rddreg [dreg:$0x2]  }
0x4: {  	s2 =	rddreg [dreg:$0x3]  }
0x5: {  	s0 =	rddreg [dreg:$0x4]  }
0x6: {  	s3 =	srdreg.scid;
	s4 =	simm.s32 $0x0;
	s18 =	simm.s32 $0xC8  }
0x7: {  	s19 =	simm.s32 $0x0;
	s6 =	sand.u32 $0x1, s3;
	s3 =	stileid.u32  }
0x8: {  	[smem:$0x7FF] =	sst s4;
	s12 =	sadd.s32 $0x5800, s5;
	s7 =	sshll.u32 s3, $0xA  }
0x9: {  	s8 =	sshll.u32 s6, $0xE;
	_ =	strace $0x80000053;
	s9 =	sshll.u32 s3, $0x1  }
0xa: {  	s28 =	ssub.s32 $0x2, s6;
	s8 =	sor.u32 s7, s8;
	s10 =	sor.u32 s6, s9  }
0xb: {  	s11 =	sshrl.u32 s28, $0x1;
	s17 =	sor.u32 $0x20, s9;
	s14 =	smul.u32 $0xC80, s10  }
0xc: {  	s8 =	sshrl.u32 s8, $0x3;
	s29 =	ssub.s32 s28, s11;
	s30 =	smul.u32 $0x19, s10  }
0xd: {  	s31 =	sor.u32 s6, s17;
	s6 =	sadd.s32 s7, s2;
	p0 =	sgt.u32 s17, $0x31  }
0xe: {  	s17 =	simm.s32 $0x2;
	s8 =	sadd.s32 s8, s5;
	s15 =	smul.u32 $0xC80, s31  }
0xf: {  	s5 =	sadd.s32 s7, s1;
	s16 =	smul.u32 $0x19, s31;
	s9 =	smax.u32 s29, $0x1  }
0x10: {  	s7 =	sadd.s32 $0x2CA00, s8;
	s8 =	sadd.s32 $0x2DA00, s8;
	s10 =	sadd.s32 s12, s14  }
0x11: {  	s11 =	sadd.s32 s13, s30;
	s14 =	simm.s32 $0x100;
	s12 =	sadd.s32 s12, s15  }
0x12: {  	v0 =	vimm.f32 $0.0e+00;
	v1 =	vimm.f32 $1.000000000e+00;
	s13 =	sadd.s32 s13, s16;
	s15 =	simm.s32 $0x1;
	s16 =	simm.s32 $0x6500  }
.LBB2_1:
0x13: {  	[tilespmem:$0x100] =	vst v0  }
0x14: {  	[tilespmem:$0x110] =	vst v0  }
0x15: {  	[tilespmem:$0x120] =	vst v0  }
0x16: {  	[tilespmem:$0x130] =	vst v0  }
0x17: {  	[tilespmem:$0x140] =	vst v0  }
0x18: {  	[tilespmem:$0x150] =	vst v0  }
0x19: {  	[tilespmem:$0x160] =	vst v0  }
0x1a: {  	[tilespmem:$0x170] =	vst v0  }
0x1b: {  	[tilespmem:$0x180] =	vst v0  }
0x1c: {  	[tilespmem:$0x190] =	vst v0  }
0x1d: {  	[tilespmem:$0x1A0] =	vst v0  }
0x1e: {  	[tilespmem:$0x1B0] =	vst v0  }
0x1f: {  	[tilespmem:$0x1C0] =	vst v0  }
0x20: {  	[tilespmem:$0x1D0] =	vst v0  }
0x21: {  	[tilespmem:$0x1E0] =	vst v0  }
0x22: {  	[tilespmem:$0x1F0] =	vst v0  }
0x23: {  	[tilespmem:$0x200] =	vst v0  }
0x24: {  	[tilespmem:$0x210] =	vst v0  }
0x25: {  	[tilespmem:$0x220] =	vst v0  }
0x26: {  	[tilespmem:$0x230] =	vst v0  }
0x27: {  	[tilespmem:$0x240] =	vst v0  }
0x28: {  	[tilespmem:$0x250] =	vst v0  }
0x29: {  	[tilespmem:$0x260] =	vst v0  }
0x2a: {  	[tilespmem:$0x270] =	vst v0  }
0x2b: {  	[tilespmem:$0x280] =	vst v0  }
0x2c: {  	[tilespmem:$0x290] =	vst v0  }
0x2d: {  	[tilespmem:$0x2A0] =	vst v0  }
0x2e: {  	[tilespmem:$0x2B0] =	vst v0  }
0x2f: {  	[tilespmem:$0x2C0] =	vst v0  }
0x30: {  	[tilespmem:$0x2D0] =	vst v0  }
0x31: {  	[tilespmem:$0x2E0] =	vst v0  }
0x32: {  	[tilespmem:$0x2F0] =	vst v0  }
0x33: {  	[tilespmem:$0x300] =	vst v0  }
0x34: {  	[tilespmem:$0x310] =	vst v0  }
0x35: {  	[tilespmem:$0x320] =	vst v0  }
0x36: {  	[tilespmem:$0x330] =	vst v0  }
0x37: {  	[tilespmem:$0x340] =	vst v0  }
0x38: {  	[tilespmem:$0x350] =	vst v0  }
0x39: {  	[tilespmem:$0x360] =	vst v0  }
0x3a: {  	[tilespmem:$0x370] =	vst v0  }
0x3b: {  	[tilespmem:$0x380] =	vst v0  }
0x3c: {  	[tilespmem:$0x390] =	vst v0  }
0x3d: {  	[tilespmem:$0x3A0] =	vst v0  }
0x3e: {  	[tilespmem:$0x3B0] =	vst v0  }
0x3f: {  	[tilespmem:$0x3C0] =	vst v0  }
0x40: {  	[tilespmem:$0x3D0] =	vst v0  }
0x41: {  	[tilespmem:$0x3E0] =	vst v0  }
0x42: {  	[tilespmem:$0x3F0] =	vst v0  }
0x43: {  	[tilespmem:$0x400] =	vst v0  }
0x44: {  	[tilespmem:$0x410] =	vst v0  }
0x45: {  	[tilespmem:$0x420] =	vst v0  }
0x46: {  	[tilespmem:$0x430] =	vst v0  }
0x47: {  	[tilespmem:$0x440] =	vst v0  }
0x48: {  	[tilespmem:$0x450] =	vst v0  }
0x49: {  	[tilespmem:$0x460] =	vst v0  }
0x4a: {  	[tilespmem:$0x470] =	vst v0  }
0x4b: {  	[tilespmem:$0x480] =	vst v0  }
0x4c: {  	[tilespmem:$0x490] =	vst v0  }
0x4d: {  	[tilespmem:$0x4A0] =	vst v0  }
0x4e: {  	[tilespmem:$0x4B0] =	vst v0  }
0x4f: {  	[tilespmem:$0x4C0] =	vst v0  }
0x50: {  	[tilespmem:$0x4D0] =	vst v0  }
0x51: {  	[tilespmem:$0x4E0] =	vst v0  }
0x52: {  	[tilespmem:$0x4F0] =	vst v0  }
0x53: {  	[tilespmem:$0x6500] =	vst v0  }
0x54: {  	[tilespmem:$0x6510] =	vst v0  }
0x55: {  	[tilespmem:$0x6520] =	vst v0  }
0x56: {  	[tilespmem:$0x6530] =	vst v0  }
0x57: {  	[tilespmem:$0x6540] =	vst v0  }
0x58: {  	[tilespmem:$0x6550] =	vst v0  }
0x59: {  	[tilespmem:$0x6560] =	vst v0  }
0x5a: {  	[tilespmem:$0x6570] =	vst v0  }
0x5b: {  	[tilespmem:$0x6580] =	vst v0  }
0x5c: {  	[tilespmem:$0x6590] =	vst v0  }
0x5d: {  	[tilespmem:$0x65A0] =	vst v0  }
0x5e: {  	[tilespmem:$0x65B0] =	vst v0  }
0x5f: {  	[tilespmem:$0x65C0] =	vst v0  }
0x60: {  	[tilespmem:$0x65D0] =	vst v0  }
0x61: {  	[tilespmem:$0x65E0] =	vst v0  }
0x62: {  	[tilespmem:$0x65F0] =	vst v0  }
0x63: {  	[tilespmem:$0x6600] =	vst v0  }
0x64: {  	[tilespmem:$0x6610] =	vst v0  }
0x65: {  	[tilespmem:$0x6620] =	vst v0  }
0x66: {  	[tilespmem:$0x6630] =	vst v0  }
0x67: {  	[tilespmem:$0x6640] =	vst v0  }
0x68: {  	[tilespmem:$0x6650] =	vst v0  }
0x69: {  	[tilespmem:$0x6660] =	vst v0  }
0x6a: {  	[tilespmem:$0x6670] =	vst v0  }
0x6b: {  	[tilespmem:$0x6680] =	vst v0  }
0x6c: {  	[tilespmem:$0x6690] =	vst v0  }
0x6d: {  	[tilespmem:$0x66A0] =	vst v0  }
0x6e: {  	[tilespmem:$0x66B0] =	vst v0  }
0x6f: {  	[tilespmem:$0x66C0] =	vst v0  }
0x70: {  	[tilespmem:$0x66D0] =	vst v0  }
0x71: {  	[tilespmem:$0x66E0] =	vst v0  }
0x72: {  	[tilespmem:$0x66F0] =	vst v0  }
0x73: {  	[tilespmem:$0x6700] =	vst v0  }
0x74: {  	[tilespmem:$0x6710] =	vst v0  }
0x75: {  	[tilespmem:$0x6720] =	vst v0  }
0x76: {  	[tilespmem:$0x6730] =	vst v0  }
0x77: {  	[tilespmem:$0x6740] =	vst v0  }
0x78: {  	[tilespmem:$0x6750] =	vst v0  }
0x79: {  	[tilespmem:$0x6760] =	vst v0  }
0x7a: {  	[tilespmem:$0x6770] =	vst v0  }
0x7b: {  	[tilespmem:$0x6780] =	vst v0  }
0x7c: {  	[tilespmem:$0x6790] =	vst v0  }
0x7d: {  	[tilespmem:$0x67A0] =	vst v0  }
0x7e: {  	[tilespmem:$0x67B0] =	vst v0  }
0x7f: {  	[tilespmem:$0x67C0] =	vst v0  }
0x80: {  	[tilespmem:$0x67D0] =	vst v0  }
0x81: {  	[tilespmem:$0x67E0] =	vst v0  }
0x82: {  	[tilespmem:$0x67F0] =	vst v0  }
0x83: {  	[tilespmem:$0x6800] =	vst v0  }
0x84: {  	[tilespmem:$0x6810] =	vst v0  }
0x85: {  	[tilespmem:$0x6820] =	vst v0  }
0x86: {  	[tilespmem:$0x6830] =	vst v0  }
0x87: {  	[tilespmem:$0x6840] =	vst v0  }
0x88: {  	[tilespmem:$0x6850] =	vst v0  }
0x89: {  	[tilespmem:$0x6860] =	vst v0  }
0x8a: {  	[tilespmem:$0x6870] =	vst v0  }
0x8b: {  	[tilespmem:$0x6880] =	vst v0  }
0x8c: {  	[tilespmem:$0x6890] =	vst v0  }
0x8d: {  	[tilespmem:$0x68A0] =	vst v0  }
0x8e: {  	[tilespmem:$0x68B0] =	vst v0  }
0x8f: {  	[tilespmem:$0x68C0] =	vst v0  }
0x90: {  	[tilespmem:$0x68D0] =	vst v0  }
0x91: {  	[tilespmem:$0x68E0] =	vst v0  }
0x92: {  	[tilespmem:$0x68F0] =	vst v0  }
0x93: {  	[spmem:s5] =	stream.linear.scatter [tilespmem:s14], [sflag:$0x1], $0x400, $0x38;
	[tilespmem:$0xD100] =	vst v63  }
0x94: {  	_ =	swait.ge [sflag:s15], $0x400  }
0x95: {  	[sflag:s15] =	ssyncset.done $0x0  }
0x96: {  	[sflag:s15] =	ssyncadd.s32 $0xFFFFFC00  }
0x97: {  	[spmem:s6] =	stream.linear.scatter [tilespmem:s16], [sflag:$0x1], $0x400, $0x38;
	[tilespmem:$0xD100] =	vst v63  }
0x98: {  	_ =	swait.ge [sflag:s15], $0x400  }
0x99: {  	[sflag:s15] =	ssyncset.done $0x0  }
0x9a: {  	[sflag:s15] =	ssyncadd.s32 $0xFFFFFC00  }
0x9b: {  	s20 =	simm.s32 $0x70;
	s21 =	simm.s32 $0x3C0;
	[bflag:$0x0] =	sbarrier.arrive $0xFFFF  }
.LBB2_2:
0x9c: {  	p1 =	sne.s32 s21, $0x18FC0;
	[tilespmem:s20+$0x6500] =	vst v1  }
0x9d: {  	[tilespmem:s20+$0x6490] =	vst v1  }
0x9e: {  	[tilespmem:s20+$0x64A0] =	vst v1  }
.Ltmp0:
0x9f: {  	[tilespmem:s20+$0x64B0] =	vst v1;
	(pc) =	sbr.rel @p1 .LBB2_2-.Ltmp0, $4  }
0xa0: {  	[tilespmem:s20+$0x64C0] =	vst v1  }
0xa1: {  	[tilespmem:s20+$0x64D0] =	vst v1  }
0xa2: {  	[tilespmem:s20+$0x64E0] =	vst v1  }
0xa3: {  	[tilespmem:s20+$0x64F0] =	vst v1;
	s20 =	sshra.s32 s21, $0x2;
	s21 =	sadd.s32 $0x200, s21  }
0xa4: {  	[tilespmem:s20+$0x6500] =	vst v1  }
0xa5: {  	[tilespmem:s20+$0x6490] =	vst v1  }
0xa6: {  	[tilespmem:s20+$0x64A0] =	vst v1  }
0xa7: {  	[tilespmem:s20+$0x64B0] =	vst v1  }
0xa8: {  	[tilespmem:s20+$0x64C0] =	vst v1  }
0xa9: {  	[tilespmem:s20+$0x64D0] =	vst v1  }
0xaa: {  	[tilespmem:s20+$0x64E0] =	vst v1  }
0xab: {  	[tilespmem:s20+$0x64F0] =	vst v1  }
0xac: {  	[tilespmem:s14], [sflag:$0x2] =	stream.linear.gather [hbm4b:s10+s4], $0x6400, $0x38;
	[tilespmem:$0xD100] =	vst v63  }
0xad: {  	_ =	swait.ge [sflag:s17], $0x6400  }
0xae: {  	[sflag:s17] =	ssyncset.done $0x0  }
0xaf: {  	[sflag:s17] =	ssyncadd.s32 $0xFFFF9C00  }
0xb0: {  	[tilespmem:s4], [sflag:$0x2] =	stream.linear.gather [hbm4b:s11+s4], $0xC8, $0x38;
	[tilespmem:$0xD100] =	vst v63  }
0xb1: {  	_ =	swait.ge [sflag:s17], $0xC8  }
0xb2: {  	[sflag:s17] =	ssyncset.done $0x0  }
0xb3: {  	[sflag:s17] =	ssyncadd.s32 $0xFFFFFF38  }
0xb4: {  	[spmem:s1] =	stream.indirect.scatter.add.f32 [tilespmem:s14], [sflag:$0x2], $0x80, s4, s18, $0xb8;
	[tilespmem:$0xD100] =	vst v63  }
0xb5: {  	_ =	swait.ge [sflag:s17], $0x6400  }
0xb6: {  	[sflag:s17] =	ssyncset.done $0x0  }
0xb7: {  	[sflag:s17] =	ssyncadd.s32 $0xFFFF9C00  }
0xb8: {  	[spmem:s2] =	stream.indirect.scatter.add.f32 [tilespmem:s16], [sflag:$0x1], $0x80, s4, s18, $0xb8;
	[tilespmem:$0xD100] =	vst v63  }
0xb9: {  	_ =	swait.ge [sflag:s15], $0x6400  }
0xba: {  	s20 =	simm.s32 @!p0 $0x0;
	[sflag:s15] =	ssyncset.done $0x0  }
0xbb: {  	s21 =	simm.s32 @!p0 $0x100;
	s22 =	simm.s32 @!p0 $0x2;
	[sflag:s15] =	ssyncadd.s32 $0xFFFF9C00  }
0xbc: {  	[tilespmem:s21], [sflag:$0x2] =	stream.linear.gather @!p0 [hbm4b:s12+s20], $0x6400, $0x38;
	[tilespmem:$0xD100] =	vst v63  }
0xbd: {  	_ =	swait.ge @!p0 [sflag:s22], $0x6400  }
0xbe: {  	[sflag:s22] =	ssyncset.done @!p0 $0x0  }
0xbf: {  	[sflag:s22] =	ssyncadd.s32 @!p0 $0xFFFF9C00  }
0xc0: {  	[tilespmem:s20], [sflag:$0x2] =	stream.linear.gather @!p0 [hbm4b:s13+s20], $0xC8, $0x38;
	[tilespmem:$0xD100] =	vst v63  }
0xc1: {  	_ =	swait.ge @!p0 [sflag:s22], $0xC8  }
0xc2: {  	[sflag:s22] =	ssyncset.done @!p0 $0x0  }
0xc3: {  	s23 =	simm.s32 @!p0 $0xC8;
	[sflag:s22] =	ssyncadd.s32 @!p0 $0xFFFFFF38  }
0xc4: {  	[spmem:s1] =	stream.indirect.scatter.add.f32 @!p0 [tilespmem:s21], [sflag:$0x2], $0x80, s20, s23, $0xb8;
	[tilespmem:$0xD100] =	vst v63  }
0xc5: {  	_ =	swait.ge @!p0 [sflag:s22], $0x6400  }
0xc6: {  	[sflag:s22] =	ssyncset.done @!p0 $0x0  }
0xc7: {  	s21 =	simm.s32 @!p0 $0x6500;
	[sflag:s22] =	ssyncadd.s32 @!p0 $0xFFFF9C00  }
0xc8: {  	[spmem:s2] =	stream.indirect.scatter.add.f32 @!p0 [tilespmem:s21], [sflag:$0x1], $0x80, s20, s23, $0xb8;
	[tilespmem:$0xD100] =	vst v63  }
0xc9: {  	s20 =	simm.s32 @!p0 $0x1  }
0xca: {  	_ =	swait.ge @!p0 [sflag:s20], $0x6400  }
0xcb: {  	[sflag:s20] =	ssyncset.done @!p0 $0x0  }
0xcc: {  	s29 =	sshll.u32 s3, $0x6;
	[sflag:s20] =	ssyncadd.s32 @!p0 $0xFFFF9C00  }
0xcd: {  	s30 =	sshrl.u32 s5, $0x3;
	s20 =	sor.u32 $0x1C01, s29;
	[bflag:$0x0] =	sbarrier.arrive $0xFFFF  }
0xce: {  	[hbm:s7], [sflag:s20] =	dma.local [spmem:s30], $0x80  }
0xcf: {  	s19 =	sadd.s32 $0x1, s19;
	_ =	swait.ge [sflag:s15], $0x80  }
0xd0: {  	p1 =	sne.s32 s19, s9;
	[sflag:s15] =	ssyncset.done $0x0  }
.Ltmp1:
0xd1: {  	s31 =	sshrl.u32 s6, $0x3;
	[sflag:s15] =	ssyncadd.s32 $0xFFFFFF80;
	(pc) =	sbr.rel @p1 .LBB2_1-.Ltmp1, $4  }
0xd2: {  	[hbm:s8], [sflag:s20] =	dma.local [spmem:s31], $0x80  }
0xd3: {  	_ =	swait.ge [sflag:s15], $0x80  }
0xd4: {  	[sflag:s15] =	ssyncset.done $0x0  }
0xd5: {  	[sflag:s15] =	ssyncadd.s32 $0xFFFFFF80  }
0xd6: {  	_ =	sfence.sel $0x180000  }
0xd7: {  	[bflag:$0x0] =	sbarrier.arrive $0xFFFF  }
0xd8: {  	p0 =	sne.s32 s3, $0x0;
	_ =	strace $0x90000053  }
0xd9: {  	s0 =	sadd.s32 @!p0 $0x100000, s0;
	[bflag:$0x2] =	sbarrier.arrive $0xFFFF  }
0xda: {  	[sflag:s0] =	ssyncadd.tile.s32 @!p0 $0x1;
	_ =	shalt  }
.Lfunc_end2:
_tile_overlayer_lowered:
.L_overlay_start_2:
0xdb: {  	(tag) =	ssettag $0x2  }
0xdc: {  	s0 =	rddreg [dreg:$0x0];
	s2 =	stileid.u32  }
0xdd: {  	s1 =	rddreg [dreg:$0x1];
	p0 =	sne.s32 s2, $0x0  }
0xde: {  	s3 =	rddreg [dreg:$0x2];
	[bflag:$0x3] =	sbarrier.arrive $0xFFFF;
	s2 =	simm.s32 @!p0 $0x1C01  }
0xdf: {  	[timem:s3], [sflag:s2] =	dma.local @!p0 [hbm:s0], s1  }
0xe0: {  	s0 =	simm.s32 @!p0 $0x1  }
0xe1: {  	_ =	swait.ge @!p0 [sflag:s0], s1  }
0xe2: {  	s1 =	ssub.s32 @!p0 $0x0, s1;
	[sflag:s0] =	ssyncset.done @!p0 $0x0  }
0xe3: {  	[sflag:s0] =	ssyncadd.s32 @!p0 s1  }
0xe4: {  	[bflag:$0x3] =	sbarrier.arrive $0xFFFF  }
0xe5: {  	_ =	shalt  }

</sc_bundles>
